<compile_context>
chip_gen: v7x
topology: tpu7x:2x2x1
jax: 0.10.2.dev20260603
libtpu: 0.0.44.dev20260713+nightly
codegen_flags: <defaults>
</compile_context>

<pallas_src>
import functools

import jax
import jax.numpy as jnp
import numpy as np
from jax import lax
from jax.experimental import pallas as pl
from jax.experimental.pallas import tpu as pltpu
from jax.experimental.pallas import tpu_sc as plsc

N = 10000
E = 160000
D = 128
H = 8
QK = 32
HD = 256

NC = 2
NS = 16
NW = NC * NS
NPAD = 10240
NP8 = 1280
NP2 = 5120

_f32 = jnp.float32
_i32 = jnp.int32


@functools.cache
def _mesh():
    return plsc.VectorSubcoreMesh(
        core_axis_name="c", subcore_axis_name="s",
        num_cores=NC, num_subcores=NS)


def _edge_body(e_ref, eqw, eqb, ekw, ekb, evw, evb,
               p1w, p1b, o1w, o1b, p2w, p2b, o2w, o2b, rz,
               eq_o, ek_o, ev_o, e2_o):
    e = e_ref[...]
    eq_o[...] = jnp.dot(e, eqw[...], preferred_element_type=_f32) + eqb[...]
    ek_o[...] = jnp.dot(e, ekw[...], preferred_element_type=_f32) + ekb[...]
    ev_o[...] = jnp.dot(e, evw[...], preferred_element_type=_f32) + evb[...]
    r = rz[0, 0]
    h1 = jnp.dot(e, p1w[...], preferred_element_type=_f32) + p1b[...]
    a1 = h1[:, :HD] * jax.nn.relu(h1[:, HD:])
    f1 = jnp.dot(a1, o1w[...], preferred_element_type=_f32) + o1b[...]
    e1 = e + r * f1
    h2 = jnp.dot(e1, p2w[...], preferred_element_type=_f32) + p2b[...]
    a2 = h2[:, :HD] * jax.nn.relu(h2[:, HD:])
    f2 = jnp.dot(a2, o2w[...], preferred_element_type=_f32) + o2b[...]
    e2_o[...] = e1 + r * f2


def _edge_tc(e, eqw, eqb, ekw, ekb, evw, evb,
             p1w, p1b, o1w, o1b, p2w, p2b, o2w, o2b, rz):
    R = 640
    row = pl.BlockSpec((R, D), lambda i: (i, 0))
    row_hd = pl.BlockSpec((R, HD), lambda i: (i, 0))

    def const(shape):
        return pl.BlockSpec(shape, lambda i: tuple(0 for _ in shape))

    return pl.pallas_call(
        _edge_body,
        grid=(E // R,),
        in_specs=[row,
                  const((D, HD)), const((1, HD)),
                  const((D, HD)), const((1, HD)),
                  const((D, HD)), const((1, HD)),
                  const((D, 4 * D)), const((1, 4 * D)),
                  const((HD, D)), const((1, D)),
                  const((D, 4 * D)), const((1, 4 * D)),
                  const((HD, D)), const((1, D)),
                  const((1, 1))],
        out_specs=[row_hd, row_hd, row_hd, row],
        out_shape=[jax.ShapeDtypeStruct((E, HD), _f32)] * 3
        + [jax.ShapeDtypeStruct((E, D), _f32)],
    )(e, eqw, eqb, ekw, ekb, evw, evb,
      p1w, p1b, o1w, o1b, p2w, p2b, o2w, o2b, rz)


def _nodeproj_body(n_ref, qw, qb, kw, kb, vw, vb, q_o, k_o, v_o):
    n = n_ref[...]
    q_o[...] = jnp.dot(n, qw[...], preferred_element_type=_f32) + qb[...]
    k_o[...] = jnp.dot(n, kw[...], preferred_element_type=_f32) + kb[...]
    v_o[...] = jnp.dot(n, vw[...], preferred_element_type=_f32) + vb[...]


def _nodeproj_tc(n, qw, qb, kw, kb, vw, vb):
    return pl.pallas_call(
        _nodeproj_body,
        out_shape=[jax.ShapeDtypeStruct((N, HD), _f32)] * 3,
    )(n, qw, qb, kw, kb, vw, vb)


def _sc_gather_body(q_hbm, k_hbm, v_hbm, src1d, dst1d,
                    qd_o, ks_o, vs_o, sidx, didx, rows, sem):
    c = lax.axis_index("c")
    s = lax.axis_index("s")
    wid = s * NC + c
    ngr = E // 128

    def group(j, _):
        g = wid + NW * j

        @pl.when(g < ngr)
        def _():
            pltpu.sync_copy(dst1d.at[pl.ds(g * 128, 128)], didx)
            pltpu.sync_copy(src1d.at[pl.ds(g * 128, 128)], sidx)
            for k in range(4):
                di = didx.at[pl.ds(k * 32, 32)]
                si = sidx.at[pl.ds(k * 32, 32)]
                base = g * 128 + k * 32
                pltpu.async_copy(q_hbm.at[di], rows, sem).wait()
                pltpu.sync_copy(rows, qd_o.at[pl.ds(base, 32)])
                pltpu.async_copy(k_hbm.at[si], rows, sem).wait()
                pltpu.sync_copy(rows, ks_o.at[pl.ds(base, 32)])
                pltpu.async_copy(v_hbm.at[si], rows, sem).wait()
                pltpu.sync_copy(rows, vs_o.at[pl.ds(base, 32)])
        return 0

    lax.fori_loop(0, (ngr + NW - 1) // NW, group, 0)


def _sc_gather(q, k, v, src1d, dst1d):
    return pl.kernel(
        _sc_gather_body,
        out_type=[jax.ShapeDtypeStruct((E, HD), _f32)] * 3,
        mesh=_mesh(),
        scratch_types=[
            pltpu.VMEM((128,), _i32),
            pltpu.VMEM((128,), _i32),
            pltpu.VMEM((32, HD), _f32),
            pltpu.SemaphoreType.DMA,
        ],
    )(q, k, v, src1d, dst1d)


def _score_body(qd, eq, ks, ek, m8, rA_o, rB_o, s8_o):
    z = (qd[...] + eq[...]) * (ks[...] + ek[...])
    R = z.shape[0]
    sel = (lax.broadcasted_iota(_i32, (HD, H), 0) // QK
           == lax.broadcasted_iota(_i32, (HD, H), 1)).astype(_f32)
    s = jnp.dot(z, sel, preferred_element_type=_f32) * np.float32(
        1.0 / np.sqrt(QK))
    s8_o[...] = s
    pad7 = jnp.zeros((R, 7), _f32)
    pad8 = jnp.zeros((R, 8), _f32)
    slotA = jnp.concatenate([s, jnp.ones((R, 1), _f32), pad7], axis=1)
    slotB = jnp.concatenate([s * s, pad8], axis=1)
    mask = (lax.broadcasted_iota(_i32, (R, 128), 1) // 16 == m8[...])
    tA = jnp.concatenate([slotA] * 8, axis=1)
    tB = jnp.concatenate([slotB] * 8, axis=1)
    rA_o[...] = jnp.where(mask, tA, 0.0)
    rB_o[...] = jnp.where(mask, tB, 0.0)


def _score_tc(qd, eq, ks, ek, m8):
    R = 640
    row_hd = pl.BlockSpec((R, HD), lambda i: (i, 0))
    return pl.pallas_call(
        _score_body,
        grid=(E // R,),
        in_specs=[row_hd] * 4 + [pl.BlockSpec((R, 1), lambda i: (i, 0))],
        out_specs=[pl.BlockSpec((R, 128), lambda i: (i, 0)),
                   pl.BlockSpec((R, 128), lambda i: (i, 0)),
                   pl.BlockSpec((R, H), lambda i: (i, 0))],
        out_shape=[jax.ShapeDtypeStruct((E, 128), _f32),
                   jax.ShapeDtypeStruct((E, 128), _f32),
                   jax.ShapeDtypeStruct((E, H), _f32)],
    )(qd, eq, ks, ek, m8)


def _sc_stats_body(rA_hbm, rB_hbm, dq8, outA, outB, acc, zbuf, rowsb, idxb):
    c = lax.axis_index("c")
    s = lax.axis_index("s")
    nps = NP8 // NS

    def zrow(i, _):
        for jj in range(8):
            zbuf[i, jj * 16:(jj + 1) * 16] = jnp.zeros((16,), _f32)
        return 0

    lax.fori_loop(0, 8, zrow, 0)
    nch = (E // 32) // NC

    for rows_hbm, out_hbm in ((rA_hbm, outA), (rB_hbm, outB)):
        def zcp(kk, _):
            pltpu.sync_copy(zbuf, acc.at[pl.ds(s * nps + kk * 8, 8)])
            return 0

        lax.fori_loop(0, nps // 8, zcp, 0)
        plsc.subcore_barrier()

        def chunk(j, _):
            t = s + NS * j

            @pl.when(t < nch)
            def _():
                r = c * nch + t
                pltpu.sync_copy(dq8.at[pl.ds(r * 32, 32)], idxb)
                pltpu.sync_copy(rows_hbm.at[pl.ds(r * 32, 32)], rowsb)
                pltpu.sync_copy(rowsb, acc.at[idxb], add=True)
            return 0

        lax.fori_loop(0, (nch + NS - 1) // NS, chunk, 0)
        plsc.subcore_barrier()
        pltpu.sync_copy(acc.at[pl.ds(s * nps, nps)],
                        out_hbm.at[c, pl.ds(s * nps, nps)])
        plsc.subcore_barrier()


def _sc_stats(rA, rB, dq8):
    return pl.kernel(
        _sc_stats_body,
        out_type=[jax.ShapeDtypeStruct((NC, NP8, 128), _f32)] * 2,
        mesh=_mesh(),
        scratch_types=[
            pltpu.VMEM_SHARED((NP8, 128), _f32),
            pltpu.VMEM((8, 128), _f32),
            pltpu.VMEM((32, 128), _f32),
            pltpu.VMEM((32,), _i32),
        ],
    )(rA, rB, dq8)


def _statsn_body(a_ref, b_ref, out):
    a = a_ref[0] + a_ref[1]
    b = b_ref[0] + b_ref[1]
    cnt = jnp.clip(a[:, 8:9], 1.0, None)
    mean = a[:, 0:8] / cnt
    msq = b[:, 0:8] / cnt
    var = jnp.clip(msq - mean * mean, 0.0, None)
    invstd = 1.0 / jnp.clip(jnp.sqrt(var), 1e-5, None)
    m16 = jnp.concatenate([mean, invstd], axis=1)
    place = (lax.broadcasted_iota(_i32, (16, D), 1)
             == lax.broadcasted_iota(_i32, (16, D), 0)).astype(_f32)
    out[...] = jnp.dot(m16, place, preferred_element_type=_f32)


def _statsn_tc(a2, b2):
    Rn = 2048
    return pl.pallas_call(
        _statsn_body,
        grid=(NPAD // Rn,),
        in_specs=[pl.BlockSpec((2, Rn, 16), lambda i: (0, i, 0)),
                  pl.BlockSpec((2, Rn, 16), lambda i: (0, i, 0))],
        out_specs=pl.BlockSpec((Rn, D), lambda i: (i, 0)),
        out_shape=jax.ShapeDtypeStruct((NPAD, D), _f32),
    )(a2, b2)


def _sc_sgather_body(sn_hbm, dst1d, sg_o, didx, rows, sem):
    c = lax.axis_index("c")
    s = lax.axis_index("s")
    wid = s * NC + c
    ngr = E // 128

    def group(j, _):
        g = wid + NW * j

        @pl.when(g < ngr)
        def _():
            pltpu.sync_copy(dst1d.at[pl.ds(g * 128, 128)], didx)
            for k in range(4):
                di = didx.at[pl.ds(k * 32, 32)]
                base = g * 128 + k * 32
                pltpu.async_copy(sn_hbm.at[di], rows, sem).wait()
                pltpu.sync_copy(rows, sg_o.at[pl.ds(base, 32)])
        return 0

    lax.fori_loop(0, (ngr + NW - 1) // NW, group, 0)


def _sc_sgather(sn, dst1d):
    return pl.kernel(
        _sc_sgather_body,
        out_type=jax.ShapeDtypeStruct((E, D), _f32),
        mesh=_mesh(),
        scratch_types=[
            pltpu.VMEM((128,), _i32),
            pltpu.VMEM((32, D), _f32),
            pltpu.SemaphoreType.DMA,
        ],
    )(sn, dst1d)


def _attnw_body(s8, sg, vs, ev, ga, bi, m2, out):
    s = s8[...]
    mean = sg[:, 0:8]
    invstd = sg[:, 8:16]
    attn = ga[...] * (s - mean) * invstd + bi[...]
    rep = (lax.broadcasted_iota(_i32, (H, HD), 1) // QK
           == lax.broadcasted_iota(_i32, (H, HD), 0)).astype(_f32)
    w = jnp.dot(attn, rep, preferred_element_type=_f32) * (vs[...] + ev[...])
    mask = (lax.broadcasted_iota(_i32, (w.shape[0], 128), 1) // 64 == m2[...])
    for q in range(4):
        sl = w[:, q * 64:(q + 1) * 64]
        t2 = jnp.concatenate([sl, sl], axis=1)
        out[q] = jnp.where(mask, t2, 0.0)


def _attnw_tc(s8, sg, vs, ev, ga, bi, m2):
    R = 640
    return pl.pallas_call(
        _attnw_body,
        grid=(E // R,),
        in_specs=[pl.BlockSpec((R, H), lambda i: (i, 0)),
                  pl.BlockSpec((R, D), lambda i: (i, 0)),
                  pl.BlockSpec((R, HD), lambda i: (i, 0)),
                  pl.BlockSpec((R, HD), lambda i: (i, 0)),
                  pl.BlockSpec((1, H), lambda i: (0, 0)),
                  pl.BlockSpec((1, H), lambda i: (0, 0)),
                  pl.BlockSpec((R, 1), lambda i: (i, 0))],
        out_specs=pl.BlockSpec((4, R, 128), lambda i: (0, i, 0)),
        out_shape=jax.ShapeDtypeStruct((4, E, 128), _f32),
    )(s8, sg, vs, ev, ga, bi, m2)


def _sc_agg_body(w4_hbm, dq2, out_hbm, acc, zbuf, rowsb, idxb):
    c = lax.axis_index("c")
    s = lax.axis_index("s")
    nps = NP2 // NS

    def zrow(i, _):
        for jj in range(8):
            zbuf[i, jj * 16:(jj + 1) * 16] = jnp.zeros((16,), _f32)
        return 0

    lax.fori_loop(0, 8, zrow, 0)
    nch = E // 64

    for p in range(2):
        q = c + 2 * p

        def zcp(kk, _):
            pltpu.sync_copy(zbuf, acc.at[pl.ds(s * nps + kk * 8, 8)])
            return 0

        lax.fori_loop(0, nps // 8, zcp, 0)
        plsc.subcore_barrier()

        def chunk(j, _):
            r = s + NS * j

            @pl.when(r < nch)
            def _():
                pltpu.sync_copy(dq2.at[pl.ds(r * 64, 64)], idxb)
                pltpu.sync_copy(w4_hbm.at[q, pl.ds(r * 64, 64)], rowsb)
                pltpu.sync_copy(rowsb, acc.at[idxb], add=True)
            return 0

        lax.fori_loop(0, (nch + NS - 1) // NS, chunk, 0)
        plsc.subcore_barrier()
        pltpu.sync_copy(acc.at[pl.ds(s * nps, nps)],
                        out_hbm.at[q, pl.ds(s * nps, nps)])
        plsc.subcore_barrier()


def _sc_agg(w4, dq2):
    return pl.kernel(
        _sc_agg_body,
        out_type=jax.ShapeDtypeStruct((4, NP2, 128), _f32),
        mesh=_mesh(),
        scratch_types=[
            pltpu.VMEM_SHARED((NP2, 128), _f32),
            pltpu.VMEM((8, 128), _f32),
            pltpu.VMEM((64, 128), _f32),
            pltpu.VMEM((64,), _i32),
        ],
    )(w4, dq2)


def _aggstat_body(agg_ref, out):
    i = pl.program_id(0)
    a = agg_ref[...]
    s1 = jnp.sum(a, axis=0, keepdims=True)
    s2 = jnp.sum(a * a, axis=0, keepdims=True)
    upd = jnp.concatenate([s1, s2], axis=0)

    @pl.when(i == 0)
    def _():
        out[...] = jnp.zeros_like(out)

    out[...] += upd


def _aggstat_tc(agg2):
    Rn = 1000
    return pl.pallas_call(
        _aggstat_body,
        grid=(N // Rn,),
        in_specs=[pl.BlockSpec((Rn, HD), lambda i: (i, 0))],
        out_specs=pl.BlockSpec((2, HD), lambda i: (0, 0)),
        out_shape=jax.ShapeDtypeStruct((2, HD), _f32),
    )(agg2)


def _node_body(n_ref, agg_ref, stat, gnw, gnb, mixw, mixb,
               p1w, p1b, o1w, o1b, p2w, p2b, o2w, o2b, rz, out):
    agg = agg_ref[...]
    mean = stat[0:1] * np.float32(1.0 / N)
    msq = stat[1:2] * np.float32(1.0 / N)
    var = jnp.clip(msq - mean * mean, 0.0, None)
    std = jnp.sqrt(var + 1e-6)
    gn = gnw[...] * (agg - mean) / std + gnb[...]
    mixed = jnp.dot(jax.nn.relu(gn), mixw[...],
                    preferred_element_type=_f32) + mixb[...]
    r = rz[0, 0]
    n1 = n_ref[...] + r * mixed
    h1 = jnp.dot(n1, p1w[...], preferred_element_type=_f32) + p1b[...]
    a1 = h1[:, :HD] * jax.nn.relu(h1[:, HD:])
    f1 = jnp.dot(a1, o1w[...], preferred_element_type=_f32) + o1b[...]
    n2 = n1 + r * f1
    h2 = jnp.dot(n2, p2w[...], preferred_element_type=_f32) + p2b[...]
    a2 = h2[:, :HD] * jax.nn.relu(h2[:, HD:])
    f2 = jnp.dot(a2, o2w[...], preferred_element_type=_f32) + o2b[...]
    out[...] = n2 + r * f2


def _node_tc(n, agg2, stat, gnw, gnb, mixw, mixb,
             p1w, p1b, o1w, o1b, p2w, p2b, o2w, o2b, rz):
    Rn = 1000

    def const(shape):
        return pl.BlockSpec(shape, lambda i: tuple(0 for _ in shape))

    return pl.pallas_call(
        _node_body,
        grid=(N // Rn,),
        in_specs=[pl.BlockSpec((Rn, D), lambda i: (i, 0)),
                  pl.BlockSpec((Rn, HD), lambda i: (i, 0)),
                  const((2, HD)),
                  const((1, HD)), const((1, HD)),
                  const((HD, D)), const((1, D)),
                  const((D, 4 * D)), const((1, 4 * D)),
                  const((HD, D)), const((1, D)),
                  const((D, 4 * D)), const((1, 4 * D)),
                  const((HD, D)), const((1, D)),
                  const((1, 1))],
        out_specs=pl.BlockSpec((Rn, D), lambda i: (i, 0)),
        out_shape=jax.ShapeDtypeStruct((N, D), _f32),
    )(n, agg2, stat, gnw, gnb, mixw, mixb,
      p1w, p1b, o1w, o1b, p2w, p2b, o2w, o2b, rz)


def kernel(n, e, edge_index, q_w, q_b, k_w, k_b, v_w, v_b,
           eq_w, eq_b, ek_w, ek_b, ev_w, ev_b, gain, bias,
           node_ff_proj_w, node_ff_proj_b, node_ff_out_w, node_ff_out_b,
           edge_ff_proj_w, edge_ff_proj_b, edge_ff_out_w, edge_ff_out_b,
           node_ff2_proj_w, node_ff2_proj_b, node_ff2_out_w, node_ff2_out_b,
           edge_ff2_proj_w, edge_ff2_proj_b, edge_ff2_out_w, edge_ff2_out_b,
           gnw, gnb, mix_w, mix_b, rz_node, rz_edge):
    src1d = edge_index[0]
    dst1d = edge_index[1]
    m8 = (dst1d % 8).reshape(E, 1)
    m2 = (dst1d % 2).reshape(E, 1)
    dq8 = dst1d // 8
    dq2 = dst1d // 2
    row2 = lambda b: b.reshape(1, -1)
    rzn = rz_node.reshape(1, 1)
    rze = rz_edge.reshape(1, 1)

    eq, ek, ev, e2 = _edge_tc(
        e, eq_w.T, row2(eq_b), ek_w.T, row2(ek_b), ev_w.T, row2(ev_b),
        edge_ff_proj_w.T, row2(edge_ff_proj_b),
        edge_ff_out_w.T, row2(edge_ff_out_b),
        edge_ff2_proj_w.T, row2(edge_ff2_proj_b),
        edge_ff2_out_w.T, row2(edge_ff2_out_b), rze)

    q, k, v = _nodeproj_tc(n, q_w.T, row2(q_b), k_w.T, row2(k_b),
                           v_w.T, row2(v_b))

    qd, ks, vs = _sc_gather(q, k, v, src1d, dst1d)

    rA, rB, s8 = _score_tc(qd, eq, ks, ek, m8)

    outA, outB = _sc_stats(rA, rB, dq8)
    a2 = outA.reshape(NC, NPAD, 16)
    b2 = outB.reshape(NC, NPAD, 16)

    sn = _statsn_tc(a2, b2)

    sg = _sc_sgather(sn, dst1d)

    w4 = _attnw_tc(s8, sg, vs, ev, gain.reshape(1, H), bias.reshape(1, H), m2)

    out4 = _sc_agg(w4, dq2)
    agg2 = (out4.reshape(4, NP2, 2, 64)
            .transpose(1, 2, 0, 3).reshape(NPAD, HD))

    stat = _aggstat_tc(agg2)

    n3 = _node_tc(n, agg2, stat, row2(gnw), row2(gnb), mix_w.T, row2(mix_b),
                  node_ff_proj_w.T, row2(node_ff_proj_b),
                  node_ff_out_w.T, row2(node_ff_out_b),
                  node_ff2_proj_w.T, row2(node_ff2_proj_b),
                  node_ff2_out_w.T, row2(node_ff2_out_b), rzn)

    return n3, e2

# --- scband reference (transcript-rebuilt; emitter-appended) ---
"""Pipeline reference for scband-graph-net-block-55301998903445 (READ-ONLY COPY).

The authoritative reference and input builder live on the scoring server;
editing this copy changes nothing except your own understanding.
"""

import jax, jax.numpy as jnp
import numpy as np

N = 10000
E = 160000
D = 128
H = 8
QK = 32
V = 32


def _linear(x, w, b):
    return x @ w.T + b


def _pwff(x, p, pre):
    # ActGLU(d_in=D, d_out=2D, act=ReLU) -> Dropout(eval: identity) -> Linear(2D, D)
    h = _linear(x, p[pre + '_proj_w'], p[pre + '_proj_b'])
    a, gate = jnp.split(h, 2, axis=-1)
    h = a * jax.nn.relu(gate)
    return _linear(h, p[pre + '_out_w'], p[pre + '_out_b'])


def _forward(p, edge_index):
    n = p['n']
    e = p['e']
    src = edge_index[0]
    dst = edge_index[1]
    # node/edge multi-head projections
    q = _linear(n, p['q_w'], p['q_b']).reshape(N, H, QK)
    k = _linear(n, p['k_w'], p['k_b']).reshape(N, H, QK)
    v = _linear(n, p['v_w'], p['v_b']).reshape(N, H, V)
    eq = _linear(e, p['eq_w'], p['eq_b']).reshape(E, H, QK)
    ek = _linear(e, p['ek_w'], p['ek_b']).reshape(E, H, QK)
    ev = _linear(e, p['ev_w'], p['ev_b']).reshape(E, H, V)
    # per-edge attention logits (edge features modulate q and k)
    q_tot = q[dst] + eq
    k_tot = k[src] + ek
    score = jnp.sum(q_tot * k_tot, axis=-1, keepdims=True) / np.sqrt(QK)  # [E,H,1]
    # EdgeNorm: standardize scores over incoming edges per dst node, per head
    ones = jnp.ones_like(score)
    counts = jax.ops.segment_sum(ones, dst, num_segments=N)
    counts_c = jnp.clip(counts, 1.0, None)
    sums = jax.ops.segment_sum(score, dst, num_segments=N)
    means = sums / counts_c
    residual = score - means[dst]
    var_sum = jax.ops.segment_sum(residual ** 2, dst, num_segments=N)
    stdev = jnp.sqrt(var_sum / counts_c)
    inv_stdev = 1.0 / jnp.clip(stdev, 1e-5, None)
    normalized = residual * inv_stdev[dst]
    attn = p['gain'] * normalized + p['bias']  # EdgeNormWithGainAndBias, [E,H,1]
    # attn_dropout: identity in eval
    v_tot = v[src] + ev
    agg = jax.ops.segment_sum(attn * v_tot, dst, num_segments=N).reshape(N, H * V)
    # mix_nodes = GraphNormAndProj: GraphNorm('gn', single-graph batch) -> ReLU -> Linear
    mean = jnp.mean(agg, axis=0, keepdims=True)
    sub = agg - mean
    std = jnp.sqrt(jnp.mean(sub ** 2, axis=0, keepdims=True) + 1e-6)
    gn = p['gnw'] * sub / std + p['gnb']
    mixed = _linear(jax.nn.relu(gn), p['mix_w'], p['mix_b'])
    # ReZero residual updates
    n1 = n + p['rz_node'] * mixed
    n2 = n1 + p['rz_node'] * _pwff(n1, p, 'node_ff')
    n3 = n2 + p['rz_node'] * _pwff(n2, p, 'node_ff2')
    e1 = e + p['rz_edge'] * _pwff(e, p, 'edge_ff')
    e2 = e1 + p['rz_edge'] * _pwff(e1, p, 'edge_ff2')
    return n3, e2


def setup_inputs(seed=0) -> dict:
    key = jax.random.key(seed)
    ki = iter(jax.random.split(key, 64))

    def w(o, i):
        return jax.random.normal(next(ki), (o, i), jnp.float32) / np.sqrt(i)

    inp = {}
    inp['n'] = jax.random.normal(next(ki), (N, D), jnp.float32)
    inp['e'] = jax.random.normal(next(ki), (E, D), jnp.float32)
    src = jax.random.randint(next(ki), (E,), 0, N)
    dst = jax.random.randint(next(ki), (E,), 0, N)
    inp['edge_index'] = jnp.stack([src, dst]).astype(jnp.int32)
    for name in ['q', 'k', 'v', 'eq', 'ek', 'ev']:
        inp[name + '_w'] = w(H * QK, D)
        inp[name + '_b'] = jnp.zeros((H * QK,), jnp.float32)
    inp['gain'] = jnp.ones((H, 1), jnp.float32)
    inp['bias'] = jnp.zeros((H, 1), jnp.float32)
    for pre in ['node_ff', 'edge_ff', 'node_ff2', 'edge_ff2']:
        inp[pre + '_proj_w'] = w(4 * D, D)
        inp[pre + '_proj_b'] = jnp.zeros((4 * D,), jnp.float32)
        inp[pre + '_out_w'] = w(D, 2 * D)
        inp[pre + '_out_b'] = jnp.zeros((D,), jnp.float32)
    inp['gnw'] = jnp.ones((H * V,), jnp.float32)
    inp['gnb'] = jnp.zeros((H * V,), jnp.float32)
    inp['mix_w'] = w(D, H * V)
    inp['mix_b'] = jnp.zeros((D,), jnp.float32)
    # ReZero gains: set to 0.1 (torch init is 0.0, which would zero out all branches)
    inp['rz_node'] = jnp.full((1,), 0.1, jnp.float32)
    inp['rz_edge'] = jnp.full((1,), 0.1, jnp.float32)
    return inp


def reference(n, e, edge_index, q_w, q_b, k_w, k_b, v_w, v_b,
              eq_w, eq_b, ek_w, ek_b, ev_w, ev_b, gain, bias,
              node_ff_proj_w, node_ff_proj_b, node_ff_out_w, node_ff_out_b,
              edge_ff_proj_w, edge_ff_proj_b, edge_ff_out_w, edge_ff_out_b,
              node_ff2_proj_w, node_ff2_proj_b, node_ff2_out_w, node_ff2_out_b,
              edge_ff2_proj_w, edge_ff2_proj_b, edge_ff2_out_w, edge_ff2_out_b,
              gnw, gnb, mix_w, mix_b, rz_node, rz_edge):
    inp = dict(locals())
    edge_index = inp.pop('edge_index')
    return _forward(inp, edge_index)

if __name__ == "__main__":
    import jax
    _d = setup_inputs()
    print(jax.jit(kernel)(*tuple(_d.values())))

</pallas_src>

<mosaic_0001>
#map = affine_map<(d0, d1) -> (0, 0)>
#map1 = affine_map<(d0, d1) -> (0)>
module attributes {stable_mosaic.version = 14 : i64} {
  func.func @_sc_sgather_body(%arg0: i32, %arg1: i32, %arg2: memref<10240x128xf32, #tpu.memory_space<hbm>>, %arg3: memref<160000xi32, #tpu.memory_space<hbm>>, %arg4: memref<160000x128xf32, #tpu.memory_space<hbm>>, %arg5: memref<128xi32, #tpu.memory_space<vmem>>, %arg6: memref<32x128xf32, #tpu.memory_space<vmem>>, %arg7: memref<!tpu.dma_semaphore, #tpu.memory_space<semaphore_mem>>) attributes {dimension_semantics = [#tpu.dimension_semantics<core_parallel>, #tpu.dimension_semantics<subcore_parallel>], iteration_bounds = array<i64: 2, 16>, scalar_prefetch = 0 : i64, scratch_operands = 3 : i64, tpu.core_type = #tpu.core_type<sc_vector_subcore>, window_params = [{transform_indices = #map}, {transform_indices = #map1}, {transform_indices = #map}]} {
    %mul3A = arith.constant 2 : i32
    %mul3A_0 = arith.muli %arg1, %mul3A : i32
    %add3A = arith.addi %mul3A_0, %arg0 : i32
    %scan3A = arith.constant 0 : i32
    %scan3A_1 = arith.constant 0 : i32
    %scan3A_2 = arith.constant 40 : i32
    %scan3A_3 = arith.addi %scan3A_1, %scan3A_2 : i32
    %scan3A_4 = arith.constant 1 : i32
    %scan3A_5 = scf.for %scan3A_7 = %scan3A_1 to %scan3A_3 step %scan3A_4 iter_args(%scan3A_8 = %scan3A) -> (i32)  : i32 {
      %mul3A_9 = arith.constant 32 : i32
      %mul3A_10 = arith.muli %mul3A_9, %scan3A_7 : i32
      %add3A_11 = arith.addi %add3A, %mul3A_10 : i32
      %lt3A = arith.constant 1250 : i32
      %lt3A_12 = arith.cmpi slt, %add3A_11, %lt3A : i32
      %convert_element_type3A = arith.extui %lt3A_12 : i1 to i32
      %cond3A = arith.constant 0 : i32
      %cond3A_13 = arith.cmpi ne, %convert_element_type3A, %cond3A : i32
      scf.if %cond3A_13 {
        %mul3A_15 = arith.constant 128 : i32
        %mul3A_16 = arith.muli %add3A_11, %mul3A_15 : i32
        "tpu.region"() ({
          %run_scoped3A = tpu.sem_alloc : memref<!tpu.dma_semaphore, #tpu.memory_space<semaphore_mem>>
          %dma_start3A_71 = tpu.memref_slice %arg3[%mul3A_16] : memref<160000xi32, #tpu.memory_space<hbm>> -> memref<128xi32, #tpu.memory_space<hbm>>
          %dma_start3A_72 = tpu.memref_slice %arg3[%mul3A_16] : memref<160000xi32, #tpu.memory_space<hbm>> -> memref<128xi32, #tpu.memory_space<hbm>>
          tpu.enqueue_dma source(%dma_start3A_72 : memref<128xi32, #tpu.memory_space<hbm>>) target(%arg5 : memref<128xi32, #tpu.memory_space<vmem>>) target_semaphore(%run_scoped3A : memref<!tpu.dma_semaphore, #tpu.memory_space<semaphore_mem>>)
          %dma_wait3A_73 = tpu.memref_slice %arg3[%mul3A_16] : memref<160000xi32, #tpu.memory_space<hbm>> -> memref<128xi32, #tpu.memory_space<hbm>>
          %dma_wait3A_74 = tpu.memref_slice %arg3[%mul3A_16] : memref<160000xi32, #tpu.memory_space<hbm>> -> memref<128xi32, #tpu.memory_space<hbm>>
          tpu.wait_dma2 semaphore(%run_scoped3A : memref<!tpu.dma_semaphore, #tpu.memory_space<semaphore_mem>>) src(%dma_wait3A_74 : memref<128xi32, #tpu.memory_space<hbm>>) dst(%arg5 : memref<128xi32, #tpu.memory_space<vmem>>)
          tpu.yield
        }) : () -> ()
        %mul3A_17 = arith.constant 128 : i32
        %mul3A_18 = arith.muli %add3A_11, %mul3A_17 : i32
        %add3A_19 = arith.constant 0 : i32
        %add3A_20 = arith.addi %mul3A_18, %add3A_19 : i32
        %dma_start3A = arith.constant 0 : i32
        %dma_start3A_21 = tpu.memref_slice %arg5[%dma_start3A] : memref<128xi32, #tpu.memory_space<vmem>> -> memref<32xi32, #tpu.memory_space<vmem>>
        %dma_start3A_22 = arith.constant 0 : i32
        %dma_start3A_23 = arith.constant 0 : i32
        %dma_start3A_24 = tpu.memref_slice %arg2[%dma_start3A_22, %dma_start3A_23] : memref<10240x128xf32, #tpu.memory_space<hbm>> -> memref<10240x128xf32, #tpu.memory_space<hbm>>
        tpu.enqueue_indirect_dma source(%dma_start3A_24 : memref<10240x128xf32, #tpu.memory_space<hbm>>) target(%arg6 : memref<32x128xf32, #tpu.memory_space<vmem>>) offsets(%dma_start3A_21 : memref<32xi32, #tpu.memory_space<vmem>>) semaphore(%arg7 : memref<!tpu.dma_semaphore, #tpu.memory_space<semaphore_mem>>)
        %dma_wait3A = arith.constant 0 : i32
        %dma_wait3A_25 = tpu.memref_slice %arg5[%dma_wait3A] : memref<128xi32, #tpu.memory_space<vmem>> -> memref<32xi32, #tpu.memory_space<vmem>>
        %dma_wait3A_26 = arith.constant 0 : i32
        %dma_wait3A_27 = arith.constant 0 : i32
        %dma_wait3A_28 = tpu.memref_slice %arg2[%dma_wait3A_26, %dma_wait3A_27] : memref<10240x128xf32, #tpu.memory_space<hbm>> -> memref<10240x128xf32, #tpu.memory_space<hbm>>
        tpu.wait_indirect_dma semaphore(%arg7 : memref<!tpu.dma_semaphore, #tpu.memory_space<semaphore_mem>>) src(%dma_wait3A_28 : memref<10240x128xf32, #tpu.memory_space<hbm>>) dst(%arg6 : memref<32x128xf32, #tpu.memory_space<vmem>>)
        "tpu.region"() ({
          %run_scoped3A = tpu.sem_alloc : memref<!tpu.dma_semaphore, #tpu.memory_space<semaphore_mem>>
          %dma_start3A_71 = arith.constant 0 : i32
          %dma_start3A_72 = tpu.memref_slice %arg4[%add3A_20, %dma_start3A_71] : memref<160000x128xf32, #tpu.memory_space<hbm>> -> memref<32x128xf32, #tpu.memory_space<hbm>>
          %dma_start3A_73 = arith.constant 0 : i32
          %dma_start3A_74 = tpu.memref_slice %arg4[%add3A_20, %dma_start3A_73] : memref<160000x128xf32, #tpu.memory_space<hbm>> -> memref<32x128xf32, #tpu.memory_space<hbm>>
          tpu.enqueue_dma source(%arg6 : memref<32x128xf32, #tpu.memory_space<vmem>>) target(%dma_start3A_74 : memref<32x128xf32, #tpu.memory_space<hbm>>) target_semaphore(%run_scoped3A : memref<!tpu.dma_semaphore, #tpu.memory_space<semaphore_mem>>)
          %dma_wait3A_75 = arith.constant 0 : i32
          %dma_wait3A_76 = tpu.memref_slice %arg4[%add3A_20, %dma_wait3A_75] : memref<160000x128xf32, #tpu.memory_space<hbm>> -> memref<32x128xf32, #tpu.memory_space<hbm>>
          %dma_wait3A_77 = arith.constant 0 : i32
          %dma_wait3A_78 = tpu.memref_slice %arg4[%add3A_20, %dma_wait3A_77] : memref<160000x128xf32, #tpu.memory_space<hbm>> -> memref<32x128xf32, #tpu.memory_space<hbm>>
          tpu.wait_dma2 semaphore(%run_scoped3A : memref<!tpu.dma_semaphore, #tpu.memory_space<semaphore_mem>>) src(%arg6 : memref<32x128xf32, #tpu.memory_space<vmem>>) dst(%dma_wait3A_78 : memref<32x128xf32, #tpu.memory_space<hbm>>)
          tpu.yield
        }) : () -> ()
        %mul3A_29 = arith.constant 128 : i32
        %mul3A_30 = arith.muli %add3A_11, %mul3A_29 : i32
        %add3A_31 = arith.constant 32 : i32
        %add3A_32 = arith.addi %mul3A_30, %add3A_31 : i32
        %dma_start3A_33 = arith.constant 32 : i32
        %dma_start3A_34 = tpu.memref_slice %arg5[%dma_start3A_33] : memref<128xi32, #tpu.memory_space<vmem>> -> memref<32xi32, #tpu.memory_space<vmem>>
        %dma_start3A_35 = arith.constant 0 : i32
        %dma_start3A_36 = arith.constant 0 : i32
        %dma_start3A_37 = tpu.memref_slice %arg2[%dma_start3A_35, %dma_start3A_36] : memref<10240x128xf32, #tpu.memory_space<hbm>> -> memref<10240x128xf32, #tpu.memory_space<hbm>>
        tpu.enqueue_indirect_dma source(%dma_start3A_37 : memref<10240x128xf32, #tpu.memory_space<hbm>>) target(%arg6 : memref<32x128xf32, #tpu.memory_space<vmem>>) offsets(%dma_start3A_34 : memref<32xi32, #tpu.memory_space<vmem>>) semaphore(%arg7 : memref<!tpu.dma_semaphore, #tpu.memory_space<semaphore_mem>>)
        %dma_wait3A_38 = arith.constant 32 : i32
        %dma_wait3A_39 = tpu.memref_slice %arg5[%dma_wait3A_38] : memref<128xi32, #tpu.memory_space<vmem>> -> memref<32xi32, #tpu.memory_space<vmem>>
        %dma_wait3A_40 = arith.constant 0 : i32
        %dma_wait3A_41 = arith.constant 0 : i32
        %dma_wait3A_42 = tpu.memref_slice %arg2[%dma_wait3A_40, %dma_wait3A_41] : memref<10240x128xf32, #tpu.memory_space<hbm>> -> memref<10240x128xf32, #tpu.memory_space<hbm>>
        tpu.wait_indirect_dma semaphore(%arg7 : memref<!tpu.dma_semaphore, #tpu.memory_space<semaphore_mem>>) src(%dma_wait3A_42 : memref<10240x128xf32, #tpu.memory_space<hbm>>) dst(%arg6 : memref<32x128xf32, #tpu.memory_space<vmem>>)
        "tpu.region"() ({
          %run_scoped3A = tpu.sem_alloc : memref<!tpu.dma_semaphore, #tpu.memory_space<semaphore_mem>>
          %dma_start3A_71 = arith.constant 0 : i32
          %dma_start3A_72 = tpu.memref_slice %arg4[%add3A_32, %dma_start3A_71] : memref<160000x128xf32, #tpu.memory_space<hbm>> -> memref<32x128xf32, #tpu.memory_space<hbm>>
          %dma_start3A_73 = arith.constant 0 : i32
          %dma_start3A_74 = tpu.memref_slice %arg4[%add3A_32, %dma_start3A_73] : memref<160000x128xf32, #tpu.memory_space<hbm>> -> memref<32x128xf32, #tpu.memory_space<hbm>>
          tpu.enqueue_dma source(%arg6 : memref<32x128xf32, #tpu.memory_space<vmem>>) target(%dma_start3A_74 : memref<32x128xf32, #tpu.memory_space<hbm>>) target_semaphore(%run_scoped3A : memref<!tpu.dma_semaphore, #tpu.memory_space<semaphore_mem>>)
          %dma_wait3A_75 = arith.constant 0 : i32
          %dma_wait3A_76 = tpu.memref_slice %arg4[%add3A_32, %dma_wait3A_75] : memref<160000x128xf32, #tpu.memory_space<hbm>> -> memref<32x128xf32, #tpu.memory_space<hbm>>
          %dma_wait3A_77 = arith.constant 0 : i32
          %dma_wait3A_78 = tpu.memref_slice %arg4[%add3A_32, %dma_wait3A_77] : memref<160000x128xf32, #tpu.memory_space<hbm>> -> memref<32x128xf32, #tpu.memory_space<hbm>>
          tpu.wait_dma2 semaphore(%run_scoped3A : memref<!tpu.dma_semaphore, #tpu.memory_space<semaphore_mem>>) src(%arg6 : memref<32x128xf32, #tpu.memory_space<vmem>>) dst(%dma_wait3A_78 : memref<32x128xf32, #tpu.memory_space<hbm>>)
          tpu.yield
        }) : () -> ()
        %mul3A_43 = arith.constant 128 : i32
        %mul3A_44 = arith.muli %add3A_11, %mul3A_43 : i32
        %add3A_45 = arith.constant 64 : i32
        %add3A_46 = arith.addi %mul3A_44, %add3A_45 : i32
        %dma_start3A_47 = arith.constant 64 : i32
        %dma_start3A_48 = tpu.memref_slice %arg5[%dma_start3A_47] : memref<128xi32, #tpu.memory_space<vmem>> -> memref<32xi32, #tpu.memory_space<vmem>>
        %dma_start3A_49 = arith.constant 0 : i32
        %dma_start3A_50 = arith.constant 0 : i32
        %dma_start3A_51 = tpu.memref_slice %arg2[%dma_start3A_49, %dma_start3A_50] : memref<10240x128xf32, #tpu.memory_space<hbm>> -> memref<10240x128xf32, #tpu.memory_space<hbm>>
        tpu.enqueue_indirect_dma source(%dma_start3A_51 : memref<10240x128xf32, #tpu.memory_space<hbm>>) target(%arg6 : memref<32x128xf32, #tpu.memory_space<vmem>>) offsets(%dma_start3A_48 : memref<32xi32, #tpu.memory_space<vmem>>) semaphore(%arg7 : memref<!tpu.dma_semaphore, #tpu.memory_space<semaphore_mem>>)
        %dma_wait3A_52 = arith.constant 64 : i32
        %dma_wait3A_53 = tpu.memref_slice %arg5[%dma_wait3A_52] : memref<128xi32, #tpu.memory_space<vmem>> -> memref<32xi32, #tpu.memory_space<vmem>>
        %dma_wait3A_54 = arith.constant 0 : i32
        %dma_wait3A_55 = arith.constant 0 : i32
        %dma_wait3A_56 = tpu.memref_slice %arg2[%dma_wait3A_54, %dma_wait3A_55] : memref<10240x128xf32, #tpu.memory_space<hbm>> -> memref<10240x128xf32, #tpu.memory_space<hbm>>
        tpu.wait_indirect_dma semaphore(%arg7 : memref<!tpu.dma_semaphore, #tpu.memory_space<semaphore_mem>>) src(%dma_wait3A_56 : memref<10240x128xf32, #tpu.memory_space<hbm>>) dst(%arg6 : memref<32x128xf32, #tpu.memory_space<vmem>>)
        "tpu.region"() ({
          %run_scoped3A = tpu.sem_alloc : memref<!tpu.dma_semaphore, #tpu.memory_space<semaphore_mem>>
          %dma_start3A_71 = arith.constant 0 : i32
          %dma_start3A_72 = tpu.memref_slice %arg4[%add3A_46, %dma_start3A_71] : memref<160000x128xf32, #tpu.memory_space<hbm>> -> memref<32x128xf32, #tpu.memory_space<hbm>>
          %dma_start3A_73 = arith.constant 0 : i32
          %dma_start3A_74 = tpu.memref_slice %arg4[%add3A_46, %dma_start3A_73] : memref<160000x128xf32, #tpu.memory_space<hbm>> -> memref<32x128xf32, #tpu.memory_space<hbm>>
          tpu.enqueue_dma source(%arg6 : memref<32x128xf32, #tpu.memory_space<vmem>>) target(%dma_start3A_74 : memref<32x128xf32, #tpu.memory_space<hbm>>) target_semaphore(%run_scoped3A : memref<!tpu.dma_semaphore, #tpu.memory_space<semaphore_mem>>)
          %dma_wait3A_75 = arith.constant 0 : i32
          %dma_wait3A_76 = tpu.memref_slice %arg4[%add3A_46, %dma_wait3A_75] : memref<160000x128xf32, #tpu.memory_space<hbm>> -> memref<32x128xf32, #tpu.memory_space<hbm>>
          %dma_wait3A_77 = arith.constant 0 : i32
          %dma_wait3A_78 = tpu.memref_slice %arg4[%add3A_46, %dma_wait3A_77] : memref<160000x128xf32, #tpu.memory_space<hbm>> -> memref<32x128xf32, #tpu.memory_space<hbm>>
          tpu.wait_dma2 semaphore(%run_scoped3A : memref<!tpu.dma_semaphore, #tpu.memory_space<semaphore_mem>>) src(%arg6 : memref<32x128xf32, #tpu.memory_space<vmem>>) dst(%dma_wait3A_78 : memref<32x128xf32, #tpu.memory_space<hbm>>)
          tpu.yield
        }) : () -> ()
        %mul3A_57 = arith.constant 128 : i32
        %mul3A_58 = arith.muli %add3A_11, %mul3A_57 : i32
        %add3A_59 = arith.constant 96 : i32
        %add3A_60 = arith.addi %mul3A_58, %add3A_59 : i32
        %dma_start3A_61 = arith.constant 96 : i32
        %dma_start3A_62 = tpu.memref_slice %arg5[%dma_start3A_61] : memref<128xi32, #tpu.memory_space<vmem>> -> memref<32xi32, #tpu.memory_space<vmem>>
        %dma_start3A_63 = arith.constant 0 : i32
        %dma_start3A_64 = arith.constant 0 : i32
        %dma_start3A_65 = tpu.memref_slice %arg2[%dma_start3A_63, %dma_start3A_64] : memref<10240x128xf32, #tpu.memory_space<hbm>> -> memref<10240x128xf32, #tpu.memory_space<hbm>>
        tpu.enqueue_indirect_dma source(%dma_start3A_65 : memref<10240x128xf32, #tpu.memory_space<hbm>>) target(%arg6 : memref<32x128xf32, #tpu.memory_space<vmem>>) offsets(%dma_start3A_62 : memref<32xi32, #tpu.memory_space<vmem>>) semaphore(%arg7 : memref<!tpu.dma_semaphore, #tpu.memory_space<semaphore_mem>>)
        %dma_wait3A_66 = arith.constant 96 : i32
        %dma_wait3A_67 = tpu.memref_slice %arg5[%dma_wait3A_66] : memref<128xi32, #tpu.memory_space<vmem>> -> memref<32xi32, #tpu.memory_space<vmem>>
        %dma_wait3A_68 = arith.constant 0 : i32
        %dma_wait3A_69 = arith.constant 0 : i32
        %dma_wait3A_70 = tpu.memref_slice %arg2[%dma_wait3A_68, %dma_wait3A_69] : memref<10240x128xf32, #tpu.memory_space<hbm>> -> memref<10240x128xf32, #tpu.memory_space<hbm>>
        tpu.wait_indirect_dma semaphore(%arg7 : memref<!tpu.dma_semaphore, #tpu.memory_space<semaphore_mem>>) src(%dma_wait3A_70 : memref<10240x128xf32, #tpu.memory_space<hbm>>) dst(%arg6 : memref<32x128xf32, #tpu.memory_space<vmem>>)
        "tpu.region"() ({
          %run_scoped3A = tpu.sem_alloc : memref<!tpu.dma_semaphore, #tpu.memory_space<semaphore_mem>>
          %dma_start3A_71 = arith.constant 0 : i32
          %dma_start3A_72 = tpu.memref_slice %arg4[%add3A_60, %dma_start3A_71] : memref<160000x128xf32, #tpu.memory_space<hbm>> -> memref<32x128xf32, #tpu.memory_space<hbm>>
          %dma_start3A_73 = arith.constant 0 : i32
          %dma_start3A_74 = tpu.memref_slice %arg4[%add3A_60, %dma_start3A_73] : memref<160000x128xf32, #tpu.memory_space<hbm>> -> memref<32x128xf32, #tpu.memory_space<hbm>>
          tpu.enqueue_dma source(%arg6 : memref<32x128xf32, #tpu.memory_space<vmem>>) target(%dma_start3A_74 : memref<32x128xf32, #tpu.memory_space<hbm>>) target_semaphore(%run_scoped3A : memref<!tpu.dma_semaphore, #tpu.memory_space<semaphore_mem>>)
          %dma_wait3A_75 = arith.constant 0 : i32
          %dma_wait3A_76 = tpu.memref_slice %arg4[%add3A_60, %dma_wait3A_75] : memref<160000x128xf32, #tpu.memory_space<hbm>> -> memref<32x128xf32, #tpu.memory_space<hbm>>
          %dma_wait3A_77 = arith.constant 0 : i32
          %dma_wait3A_78 = tpu.memref_slice %arg4[%add3A_60, %dma_wait3A_77] : memref<160000x128xf32, #tpu.memory_space<hbm>> -> memref<32x128xf32, #tpu.memory_space<hbm>>
          tpu.wait_dma2 semaphore(%run_scoped3A : memref<!tpu.dma_semaphore, #tpu.memory_space<semaphore_mem>>) src(%arg6 : memref<32x128xf32, #tpu.memory_space<vmem>>) dst(%dma_wait3A_78 : memref<32x128xf32, #tpu.memory_space<hbm>>)
          tpu.yield
        }) : () -> ()
      } else {
      }
      %scan3A_14 = arith.constant 0 : i32
      scf.yield %scan3A_14 : i32
    }
    %scan3A_6 = arith.constant 40 : i32
    return
  }
}

#map = affine_map<(d0, d1) -> (0, 0)>
#map1 = affine_map<(d0, d1) -> (0)>
#map2 = affine_map<(d0, d1) -> (0, 0, 0)>
module attributes {stable_mosaic.version = 14 : i64} {
  func.func @_sc_stats_body(%arg0: i32, %arg1: i32, %arg2: memref<160000x128xf32, #tpu.memory_space<hbm>>, %arg3: memref<160000x128xf32, #tpu.memory_space<hbm>>, %arg4: memref<160000xi32, #tpu.memory_space<hbm>>, %arg5: memref<2x1280x128xf32, #tpu.memory_space<hbm>>, %arg6: memref<2x1280x128xf32, #tpu.memory_space<hbm>>, %arg7: memref<1280x128xf32, #tpu.memory_space<vmem_shared>>, %arg8: memref<8x128xf32, #tpu.memory_space<vmem>>, %arg9: memref<32x128xf32, #tpu.memory_space<vmem>>, %arg10: memref<32xi32, #tpu.memory_space<vmem>>) attributes {dimension_semantics = [#tpu.dimension_semantics<core_parallel>, #tpu.dimension_semantics<subcore_parallel>], iteration_bounds = array<i64: 2, 16>, scalar_prefetch = 0 : i64, scratch_operands = 4 : i64, tpu.core_type = #tpu.core_type<sc_vector_subcore>, window_params = [{transform_indices = #map}, {transform_indices = #map}, {transform_indices = #map1}, {transform_indices = #map2}, {transform_indices = #map2}]} {
    %scan3A = arith.constant 0 : i32
    %scan3A_0 = arith.constant 0 : i32
    %scan3A_1 = arith.constant 8 : i32
    %scan3A_2 = arith.addi %scan3A_0, %scan3A_1 : i32
    %scan3A_3 = arith.constant 1 : i32
    %scan3A_4 = scf.for %scan3A_46 = %scan3A_0 to %scan3A_2 step %scan3A_3 iter_args(%scan3A_47 = %scan3A) -> (i32)  : i32 {
      %broadcast_in_dim3A = arith.constant 0.000000e+00 : f32
      %broadcast_in_dim3A_48 = vector.broadcast %broadcast_in_dim3A : f32 to vector<16xf32>
      %swap3A = arith.index_cast %scan3A_46 : i32 to index
      %swap3A_49 = arith.constant 0 : index
      %swap3A_50 = tpu.vector_load %arg8[%swap3A, %swap3A_49] {strides = array<i32>} : memref<8x128xf32, #tpu.memory_space<vmem>>, vector<1x16xf32>,
      %swap3A_51 = vector.shape_cast %swap3A_50 : vector<1x16xf32> to vector<16xf32>
      %swap3A_52 = vector.shape_cast %broadcast_in_dim3A_48 : vector<16xf32> to vector<1x16xf32>
      tpu.vector_store %arg8[%swap3A, %swap3A_49], %swap3A_52 {strides = array<i32>} : memref<8x128xf32, #tpu.memory_space<vmem>>, vector<1x16xf32>,
      %broadcast_in_dim3A_53 = arith.constant 0.000000e+00 : f32
      %broadcast_in_dim3A_54 = vector.broadcast %broadcast_in_dim3A_53 : f32 to vector<16xf32>
      %swap3A_55 = arith.index_cast %scan3A_46 : i32 to index
      %swap3A_56 = arith.constant 16 : index
      %swap3A_57 = tpu.vector_load %arg8[%swap3A_55, %swap3A_56] {strides = array<i32>} : memref<8x128xf32, #tpu.memory_space<vmem>>, vector<1x16xf32>,
      %swap3A_58 = vector.shape_cast %swap3A_57 : vector<1x16xf32> to vector<16xf32>
      %swap3A_59 = vector.shape_cast %broadcast_in_dim3A_54 : vector<16xf32> to vector<1x16xf32>
      tpu.vector_store %arg8[%swap3A_55, %swap3A_56], %swap3A_59 {strides = array<i32>} : memref<8x128xf32, #tpu.memory_space<vmem>>, vector<1x16xf32>,
      %broadcast_in_dim3A_60 = arith.constant 0.000000e+00 : f32
      %broadcast_in_dim3A_61 = vector.broadcast %broadcast_in_dim3A_60 : f32 to vector<16xf32>
      %swap3A_62 = arith.index_cast %scan3A_46 : i32 to index
      %swap3A_63 = arith.constant 32 : index
      %swap3A_64 = tpu.vector_load %arg8[%swap3A_62, %swap3A_63] {strides = array<i32>} : memref<8x128xf32, #tpu.memory_space<vmem>>, vector<1x16xf32>,
      %swap3A_65 = vector.shape_cast %swap3A_64 : vector<1x16xf32> to vector<16xf32>
      %swap3A_66 = vector.shape_cast %broadcast_in_dim3A_61 : vector<16xf32> to vector<1x16xf32>
      tpu.vector_store %arg8[%swap3A_62, %swap3A_63], %swap3A_66 {strides = array<i32>} : memref<8x128xf32, #tpu.memory_space<vmem>>, vector<1x16xf32>,
      %broadcast_in_dim3A_67 = arith.constant 0.000000e+00 : f32
      %broadcast_in_dim3A_68 = vector.broadcast %broadcast_in_dim3A_67 : f32 to vector<16xf32>
      %swap3A_69 = arith.index_cast %scan3A_46 : i32 to index
      %swap3A_70 = arith.constant 48 : index
      %swap3A_71 = tpu.vector_load %arg8[%swap3A_69, %swap3A_70] {strides = array<i32>} : memref<8x128xf32, #tpu.memory_space<vmem>>, vector<1x16xf32>,
      %swap3A_72 = vector.shape_cast %swap3A_71 : vector<1x16xf32> to vector<16xf32>
      %swap3A_73 = vector.shape_cast %broadcast_in_dim3A_68 : vector<16xf32> to vector<1x16xf32>
      tpu.vector_store %arg8[%swap3A_69, %swap3A_70], %swap3A_73 {strides = array<i32>} : memref<8x128xf32, #tpu.memory_space<vmem>>, vector<1x16xf32>,
      %broadcast_in_dim3A_74 = arith.constant 0.000000e+00 : f32
      %broadcast_in_dim3A_75 = vector.broadcast %broadcast_in_dim3A_74 : f32 to vector<16xf32>
      %swap3A_76 = arith.index_cast %scan3A_46 : i32 to index
      %swap3A_77 = arith.constant 64 : index
      %swap3A_78 = tpu.vector_load %arg8[%swap3A_76, %swap3A_77] {strides = array<i32>} : memref<8x128xf32, #tpu.memory_space<vmem>>, vector<1x16xf32>,
      %swap3A_79 = vector.shape_cast %swap3A_78 : vector<1x16xf32> to vector<16xf32>
      %swap3A_80 = vector.shape_cast %broadcast_in_dim3A_75 : vector<16xf32> to vector<1x16xf32>
      tpu.vector_store %arg8[%swap3A_76, %swap3A_77], %swap3A_80 {strides = array<i32>} : memref<8x128xf32, #tpu.memory_space<vmem>>, vector<1x16xf32>,
      %broadcast_in_dim3A_81 = arith.constant 0.000000e+00 : f32
      %broadcast_in_dim3A_82 = vector.broadcast %broadcast_in_dim3A_81 : f32 to vector<16xf32>
      %swap3A_83 = arith.index_cast %scan3A_46 : i32 to index
      %swap3A_84 = arith.constant 80 : index
      %swap3A_85 = tpu.vector_load %arg8[%swap3A_83, %swap3A_84] {strides = array<i32>} : memref<8x128xf32, #tpu.memory_space<vmem>>, vector<1x16xf32>,
      %swap3A_86 = vector.shape_cast %swap3A_85 : vector<1x16xf32> to vector<16xf32>
      %swap3A_87 = vector.shape_cast %broadcast_in_dim3A_82 : vector<16xf32> to vector<1x16xf32>
      tpu.vector_store %arg8[%swap3A_83, %swap3A_84], %swap3A_87 {strides = array<i32>} : memref<8x128xf32, #tpu.memory_space<vmem>>, vector<1x16xf32>,
      %broadcast_in_dim3A_88 = arith.constant 0.000000e+00 : f32
      %broadcast_in_dim3A_89 = vector.broadcast %broadcast_in_dim3A_88 : f32 to vector<16xf32>
      %swap3A_90 = arith.index_cast %scan3A_46 : i32 to index
      %swap3A_91 = arith.constant 96 : index
      %swap3A_92 = tpu.vector_load %arg8[%swap3A_90, %swap3A_91] {strides = array<i32>} : memref<8x128xf32, #tpu.memory_space<vmem>>, vector<1x16xf32>,
      %swap3A_93 = vector.shape_cast %swap3A_92 : vector<1x16xf32> to vector<16xf32>
      %swap3A_94 = vector.shape_cast %broadcast_in_dim3A_89 : vector<16xf32> to vector<1x16xf32>
      tpu.vector_store %arg8[%swap3A_90, %swap3A_91], %swap3A_94 {strides = array<i32>} : memref<8x128xf32, #tpu.memory_space<vmem>>, vector<1x16xf32>,
      %broadcast_in_dim3A_95 = arith.constant 0.000000e+00 : f32
      %broadcast_in_dim3A_96 = vector.broadcast %broadcast_in_dim3A_95 : f32 to vector<16xf32>
      %swap3A_97 = arith.index_cast %scan3A_46 : i32 to index
      %swap3A_98 = arith.constant 112 : index
      %swap3A_99 = tpu.vector_load %arg8[%swap3A_97, %swap3A_98] {strides = array<i32>} : memref<8x128xf32, #tpu.memory_space<vmem>>, vector<1x16xf32>,
      %swap3A_100 = vector.shape_cast %swap3A_99 : vector<1x16xf32> to vector<16xf32>
      %swap3A_101 = vector.shape_cast %broadcast_in_dim3A_96 : vector<16xf32> to vector<1x16xf32>
      tpu.vector_store %arg8[%swap3A_97, %swap3A_98], %swap3A_101 {strides = array<i32>} : memref<8x128xf32, #tpu.memory_space<vmem>>, vector<1x16xf32>,
      %scan3A_102 = arith.constant 0 : i32
      scf.yield %scan3A_102 : i32
    }
    %scan3A_5 = arith.constant 8 : i32
    %scan3A_6 = arith.constant 0 : i32
    %scan3A_7 = arith.constant 0 : i32
    %scan3A_8 = arith.constant 10 : i32
    %scan3A_9 = arith.addi %scan3A_7, %scan3A_8 : i32
    %scan3A_10 = arith.constant 1 : i32
    %scan3A_11 = scf.for %scan3A_46 = %scan3A_7 to %scan3A_9 step %scan3A_10 iter_args(%scan3A_47 = %scan3A_6) -> (i32)  : i32 {
      %mul3A_48 = arith.constant 80 : i32
      %mul3A_49 = arith.muli %arg1, %mul3A_48 : i32
      %mul3A_50 = arith.constant 8 : i32
      %mul3A_51 = arith.muli %scan3A_46, %mul3A_50 : i32
      %add3A = arith.addi %mul3A_49, %mul3A_51 : i32
      "tpu.region"() ({
        %run_scoped3A = tpu.sem_alloc : memref<!tpu.dma_semaphore, #tpu.memory_space<semaphore_mem>>
        %dma_start3A = arith.constant 0 : i32
        %dma_start3A_53 = tpu.memref_slice %arg7[%add3A, %dma_start3A] : memref<1280x128xf32, #tpu.memory_space<vmem_shared>> -> memref<8x128xf32, #tpu.memory_space<vmem_shared>>
        %dma_start3A_54 = arith.constant 0 : i32
        %dma_start3A_55 = tpu.memref_slice %arg7[%add3A, %dma_start3A_54] : memref<1280x128xf32, #tpu.memory_space<vmem_shared>> -> memref<8x128xf32, #tpu.memory_space<vmem_shared>>
        tpu.enqueue_dma source(%arg8 : memref<8x128xf32, #tpu.memory_space<vmem>>) target(%dma_start3A_55 : memref<8x128xf32, #tpu.memory_space<vmem_shared>>) target_semaphore(%run_scoped3A : memref<!tpu.dma_semaphore, #tpu.memory_space<semaphore_mem>>)
        %dma_wait3A = arith.constant 0 : i32
        %dma_wait3A_56 = tpu.memref_slice %arg7[%add3A, %dma_wait3A] : memref<1280x128xf32, #tpu.memory_space<vmem_shared>> -> memref<8x128xf32, #tpu.memory_space<vmem_shared>>
        %dma_wait3A_57 = arith.constant 0 : i32
        %dma_wait3A_58 = tpu.memref_slice %arg7[%add3A, %dma_wait3A_57] : memref<1280x128xf32, #tpu.memory_space<vmem_shared>> -> memref<8x128xf32, #tpu.memory_space<vmem_shared>>
        tpu.wait_dma2 semaphore(%run_scoped3A : memref<!tpu.dma_semaphore, #tpu.memory_space<semaphore_mem>>) src(%arg8 : memref<8x128xf32, #tpu.memory_space<vmem>>) dst(%dma_wait3A_58 : memref<8x128xf32, #tpu.memory_space<vmem_shared>>)
        tpu.yield
      }) : () -> ()
      %scan3A_52 = arith.constant 0 : i32
      scf.yield %scan3A_52 : i32
    }
    %scan3A_12 = arith.constant 10 : i32
    %barrier3A = arith.constant 0 : index
    tpu.barrier barrier_id(%barrier3A)
    %scan3A_13 = arith.constant 0 : i32
    %scan3A_14 = arith.constant 0 : i32
    %scan3A_15 = arith.constant 157 : i32
    %scan3A_16 = arith.addi %scan3A_14, %scan3A_15 : i32
    %scan3A_17 = arith.constant 1 : i32
    %scan3A_18 = scf.for %scan3A_46 = %scan3A_14 to %scan3A_16 step %scan3A_17 iter_args(%scan3A_47 = %scan3A_13) -> (i32)  : i32 {
      %mul3A_48 = arith.constant 16 : i32
      %mul3A_49 = arith.muli %mul3A_48, %scan3A_46 : i32
      %add3A = arith.addi %arg1, %mul3A_49 : i32
      %lt3A = arith.constant 2500 : i32
      %lt3A_50 = arith.cmpi slt, %add3A, %lt3A : i32
      %convert_element_type3A = arith.extui %lt3A_50 : i1 to i32
      %cond3A = arith.constant 0 : i32
      %cond3A_51 = arith.cmpi ne, %convert_element_type3A, %cond3A : i32
      scf.if %cond3A_51 {
        %mul3A_53 = arith.constant 2500 : i32
        %mul3A_54 = arith.muli %arg0, %mul3A_53 : i32
        %add3A_55 = arith.addi %mul3A_54, %add3A : i32
        %mul3A_56 = arith.constant 32 : i32
        %mul3A_57 = arith.muli %add3A_55, %mul3A_56 : i32
        "tpu.region"() ({
          %run_scoped3A = tpu.sem_alloc : memref<!tpu.dma_semaphore, #tpu.memory_space<semaphore_mem>>
          %dma_start3A = tpu.memref_slice %arg4[%mul3A_57] : memref<160000xi32, #tpu.memory_space<hbm>> -> memref<32xi32, #tpu.memory_space<hbm>>
          %dma_start3A_60 = tpu.memref_slice %arg4[%mul3A_57] : memref<160000xi32, #tpu.memory_space<hbm>> -> memref<32xi32, #tpu.memory_space<hbm>>
          tpu.enqueue_dma source(%dma_start3A_60 : memref<32xi32, #tpu.memory_space<hbm>>) target(%arg10 : memref<32xi32, #tpu.memory_space<vmem>>) target_semaphore(%run_scoped3A : memref<!tpu.dma_semaphore, #tpu.memory_space<semaphore_mem>>)
          %dma_wait3A = tpu.memref_slice %arg4[%mul3A_57] : memref<160000xi32, #tpu.memory_space<hbm>> -> memref<32xi32, #tpu.memory_space<hbm>>
          %dma_wait3A_61 = tpu.memref_slice %arg4[%mul3A_57] : memref<160000xi32, #tpu.memory_space<hbm>> -> memref<32xi32, #tpu.memory_space<hbm>>
          tpu.wait_dma2 semaphore(%run_scoped3A : memref<!tpu.dma_semaphore, #tpu.memory_space<semaphore_mem>>) src(%dma_wait3A_61 : memref<32xi32, #tpu.memory_space<hbm>>) dst(%arg10 : memref<32xi32, #tpu.memory_space<vmem>>)
          tpu.yield
        }) : () -> ()
        %mul3A_58 = arith.constant 32 : i32
        %mul3A_59 = arith.muli %add3A_55, %mul3A_58 : i32
        "tpu.region"() ({
          %run_scoped3A = tpu.sem_alloc : memref<!tpu.dma_semaphore, #tpu.memory_space<semaphore_mem>>
          %dma_start3A = arith.constant 0 : i32
          %dma_start3A_60 = tpu.memref_slice %arg2[%mul3A_59, %dma_start3A] : memref<160000x128xf32, #tpu.memory_space<hbm>> -> memref<32x128xf32, #tpu.memory_space<hbm>>
          %dma_start3A_61 = arith.constant 0 : i32
          %dma_start3A_62 = tpu.memref_slice %arg2[%mul3A_59, %dma_start3A_61] : memref<160000x128xf32, #tpu.memory_space<hbm>> -> memref<32x128xf32, #tpu.memory_space<hbm>>
          tpu.enqueue_dma source(%dma_start3A_62 : memref<32x128xf32, #tpu.memory_space<hbm>>) target(%arg9 : memref<32x128xf32, #tpu.memory_space<vmem>>) target_semaphore(%run_scoped3A : memref<!tpu.dma_semaphore, #tpu.memory_space<semaphore_mem>>)
          %dma_wait3A = arith.constant 0 : i32
          %dma_wait3A_63 = tpu.memref_slice %arg2[%mul3A_59, %dma_wait3A] : memref<160000x128xf32, #tpu.memory_space<hbm>> -> memref<32x128xf32, #tpu.memory_space<hbm>>
          %dma_wait3A_64 = arith.constant 0 : i32
          %dma_wait3A_65 = tpu.memref_slice %arg2[%mul3A_59, %dma_wait3A_64] : memref<160000x128xf32, #tpu.memory_space<hbm>> -> memref<32x128xf32, #tpu.memory_space<hbm>>
          tpu.wait_dma2 semaphore(%run_scoped3A : memref<!tpu.dma_semaphore, #tpu.memory_space<semaphore_mem>>) src(%dma_wait3A_65 : memref<32x128xf32, #tpu.memory_space<hbm>>) dst(%arg9 : memref<32x128xf32, #tpu.memory_space<vmem>>)
          tpu.yield
        }) : () -> ()
        "tpu.region"() ({
          %run_scoped3A = tpu.sem_alloc : memref<!tpu.dma_semaphore, #tpu.memory_space<semaphore_mem>>
          %dma_start3A = arith.constant 0 : i32
          %dma_start3A_60 = arith.constant 0 : i32
          %dma_start3A_61 = tpu.memref_slice %arg7[%dma_start3A, %dma_start3A_60] : memref<1280x128xf32, #tpu.memory_space<vmem_shared>> -> memref<1280x128xf32, #tpu.memory_space<vmem_shared>>
          tpu.enqueue_indirect_dma source(%arg9 : memref<32x128xf32, #tpu.memory_space<vmem>>) target(%dma_start3A_61 : memref<1280x128xf32, #tpu.memory_space<vmem_shared>>) offsets(%arg10 : memref<32xi32, #tpu.memory_space<vmem>>) semaphore(%run_scoped3A : memref<!tpu.dma_semaphore, #tpu.memory_space<semaphore_mem>>) {add = true}
          %dma_wait3A = arith.constant 0 : i32
          %dma_wait3A_62 = arith.constant 0 : i32
          %dma_wait3A_63 = tpu.memref_slice %arg7[%dma_wait3A, %dma_wait3A_62] : memref<1280x128xf32, #tpu.memory_space<vmem_shared>> -> memref<1280x128xf32, #tpu.memory_space<vmem_shared>>
          tpu.wait_indirect_dma semaphore(%run_scoped3A : memref<!tpu.dma_semaphore, #tpu.memory_space<semaphore_mem>>) src(%arg9 : memref<32x128xf32, #tpu.memory_space<vmem>>) dst(%dma_wait3A_63 : memref<1280x128xf32, #tpu.memory_space<vmem_shared>>)
          tpu.yield
        }) : () -> ()
      } else {
      }
      %scan3A_52 = arith.constant 0 : i32
      scf.yield %scan3A_52 : i32
    }
    %scan3A_19 = arith.constant 157 : i32
    %barrier3A_20 = arith.constant 0 : index
    tpu.barrier barrier_id(%barrier3A_20)
    %mul3A = arith.constant 80 : i32
    %mul3A_21 = arith.muli %arg1, %mul3A : i32
    %mul3A_22 = arith.constant 80 : i32
    %mul3A_23 = arith.muli %arg1, %mul3A_22 : i32
    "tpu.region"() ({
      %run_scoped3A = tpu.sem_alloc : memref<!tpu.dma_semaphore, #tpu.memory_space<semaphore_mem>>
      %dma_start3A = arith.constant 0 : i32
      %dma_start3A_46 = tpu.memref_slice %arg5[%arg0, %mul3A_23, %dma_start3A] : memref<2x1280x128xf32, #tpu.memory_space<hbm>> -> memref<1x80x128xf32, #tpu.memory_space<hbm>>
      %dma_start3A_47 = tpu.memref_squeeze %dma_start3A_46 : memref<1x80x128xf32, #tpu.memory_space<hbm>> -> memref<80x128xf32, #tpu.memory_space<hbm>>
      %dma_start3A_48 = arith.constant 0 : i32
      %dma_start3A_49 = tpu.memref_slice %arg7[%mul3A_21, %dma_start3A_48] : memref<1280x128xf32, #tpu.memory_space<vmem_shared>> -> memref<80x128xf32, #tpu.memory_space<vmem_shared>>
      tpu.enqueue_dma source(%dma_start3A_49 : memref<80x128xf32, #tpu.memory_space<vmem_shared>>) target(%dma_start3A_47 : memref<80x128xf32, #tpu.memory_space<hbm>>) target_semaphore(%run_scoped3A : memref<!tpu.dma_semaphore, #tpu.memory_space<semaphore_mem>>)
      %dma_wait3A = arith.constant 0 : i32
      %dma_wait3A_50 = tpu.memref_slice %arg5[%arg0, %mul3A_23, %dma_wait3A] : memref<2x1280x128xf32, #tpu.memory_space<hbm>> -> memref<1x80x128xf32, #tpu.memory_space<hbm>>
      %dma_wait3A_51 = tpu.memref_squeeze %dma_wait3A_50 : memref<1x80x128xf32, #tpu.memory_space<hbm>> -> memref<80x128xf32, #tpu.memory_space<hbm>>
      %dma_wait3A_52 = arith.constant 0 : i32
      %dma_wait3A_53 = tpu.memref_slice %arg7[%mul3A_21, %dma_wait3A_52] : memref<1280x128xf32, #tpu.memory_space<vmem_shared>> -> memref<80x128xf32, #tpu.memory_space<vmem_shared>>
      tpu.wait_dma2 semaphore(%run_scoped3A : memref<!tpu.dma_semaphore, #tpu.memory_space<semaphore_mem>>) src(%dma_wait3A_53 : memref<80x128xf32, #tpu.memory_space<vmem_shared>>) dst(%dma_wait3A_51 : memref<80x128xf32, #tpu.memory_space<hbm>>)
      tpu.yield
    }) : () -> ()
    %barrier3A_24 = arith.constant 0 : index
    tpu.barrier barrier_id(%barrier3A_24)
    %scan3A_25 = arith.constant 0 : i32
    %scan3A_26 = arith.constant 0 : i32
    %scan3A_27 = arith.constant 10 : i32
    %scan3A_28 = arith.addi %scan3A_26, %scan3A_27 : i32
    %scan3A_29 = arith.constant 1 : i32
    %scan3A_30 = scf.for %scan3A_46 = %scan3A_26 to %scan3A_28 step %scan3A_29 iter_args(%scan3A_47 = %scan3A_25) -> (i32)  : i32 {
      %mul3A_48 = arith.constant 80 : i32
      %mul3A_49 = arith.muli %arg1, %mul3A_48 : i32
      %mul3A_50 = arith.constant 8 : i32
      %mul3A_51 = arith.muli %scan3A_46, %mul3A_50 : i32
      %add3A = arith.addi %mul3A_49, %mul3A_51 : i32
      "tpu.region"() ({
        %run_scoped3A = tpu.sem_alloc : memref<!tpu.dma_semaphore, #tpu.memory_space<semaphore_mem>>
        %dma_start3A = arith.constant 0 : i32
        %dma_start3A_53 = tpu.memref_slice %arg7[%add3A, %dma_start3A] : memref<1280x128xf32, #tpu.memory_space<vmem_shared>> -> memref<8x128xf32, #tpu.memory_space<vmem_shared>>
        %dma_start3A_54 = arith.constant 0 : i32
        %dma_start3A_55 = tpu.memref_slice %arg7[%add3A, %dma_start3A_54] : memref<1280x128xf32, #tpu.memory_space<vmem_shared>> -> memref<8x128xf32, #tpu.memory_space<vmem_shared>>
        tpu.enqueue_dma source(%arg8 : memref<8x128xf32, #tpu.memory_space<vmem>>) target(%dma_start3A_55 : memref<8x128xf32, #tpu.memory_space<vmem_shared>>) target_semaphore(%run_scoped3A : memref<!tpu.dma_semaphore, #tpu.memory_space<semaphore_mem>>)
        %dma_wait3A = arith.constant 0 : i32
        %dma_wait3A_56 = tpu.memref_slice %arg7[%add3A, %dma_wait3A] : memref<1280x128xf32, #tpu.memory_space<vmem_shared>> -> memref<8x128xf32, #tpu.memory_space<vmem_shared>>
        %dma_wait3A_57 = arith.constant 0 : i32
        %dma_wait3A_58 = tpu.memref_slice %arg7[%add3A, %dma_wait3A_57] : memref<1280x128xf32, #tpu.memory_space<vmem_shared>> -> memref<8x128xf32, #tpu.memory_space<vmem_shared>>
        tpu.wait_dma2 semaphore(%run_scoped3A : memref<!tpu.dma_semaphore, #tpu.memory_space<semaphore_mem>>) src(%arg8 : memref<8x128xf32, #tpu.memory_space<vmem>>) dst(%dma_wait3A_58 : memref<8x128xf32, #tpu.memory_space<vmem_shared>>)
        tpu.yield
      }) : () -> ()
      %scan3A_52 = arith.constant 0 : i32
      scf.yield %scan3A_52 : i32
    }
    %scan3A_31 = arith.constant 10 : i32
    %barrier3A_32 = arith.constant 0 : index
    tpu.barrier barrier_id(%barrier3A_32)
    %scan3A_33 = arith.constant 0 : i32
    %scan3A_34 = arith.constant 0 : i32
    %scan3A_35 = arith.constant 157 : i32
    %scan3A_36 = arith.addi %scan3A_34, %scan3A_35 : i32
    %scan3A_37 = arith.constant 1 : i32
    %scan3A_38 = scf.for %scan3A_46 = %scan3A_34 to %scan3A_36 step %scan3A_37 iter_args(%scan3A_47 = %scan3A_33) -> (i32)  : i32 {
      %mul3A_48 = arith.constant 16 : i32
      %mul3A_49 = arith.muli %mul3A_48, %scan3A_46 : i32
      %add3A = arith.addi %arg1, %mul3A_49 : i32
      %lt3A = arith.constant 2500 : i32
      %lt3A_50 = arith.cmpi slt, %add3A, %lt3A : i32
      %convert_element_type3A = arith.extui %lt3A_50 : i1 to i32
      %cond3A = arith.constant 0 : i32
      %cond3A_51 = arith.cmpi ne, %convert_element_type3A, %cond3A : i32
      scf.if %cond3A_51 {
        %mul3A_53 = arith.constant 2500 : i32
        %mul3A_54 = arith.muli %arg0, %mul3A_53 : i32
        %add3A_55 = arith.addi %mul3A_54, %add3A : i32
        %mul3A_56 = arith.constant 32 : i32
        %mul3A_57 = arith.muli %add3A_55, %mul3A_56 : i32
        "tpu.region"() ({
          %run_scoped3A = tpu.sem_alloc : memref<!tpu.dma_semaphore, #tpu.memory_space<semaphore_mem>>
          %dma_start3A = tpu.memref_slice %arg4[%mul3A_57] : memref<160000xi32, #tpu.memory_space<hbm>> -> memref<32xi32, #tpu.memory_space<hbm>>
          %dma_start3A_60 = tpu.memref_slice %arg4[%mul3A_57] : memref<160000xi32, #tpu.memory_space<hbm>> -> memref<32xi32, #tpu.memory_space<hbm>>
          tpu.enqueue_dma source(%dma_start3A_60 : memref<32xi32, #tpu.memory_space<hbm>>) target(%arg10 : memref<32xi32, #tpu.memory_space<vmem>>) target_semaphore(%run_scoped3A : memref<!tpu.dma_semaphore, #tpu.memory_space<semaphore_mem>>)
          %dma_wait3A = tpu.memref_slice %arg4[%mul3A_57] : memref<160000xi32, #tpu.memory_space<hbm>> -> memref<32xi32, #tpu.memory_space<hbm>>
          %dma_wait3A_61 = tpu.memref_slice %arg4[%mul3A_57] : memref<160000xi32, #tpu.memory_space<hbm>> -> memref<32xi32, #tpu.memory_space<hbm>>
          tpu.wait_dma2 semaphore(%run_scoped3A : memref<!tpu.dma_semaphore, #tpu.memory_space<semaphore_mem>>) src(%dma_wait3A_61 : memref<32xi32, #tpu.memory_space<hbm>>) dst(%arg10 : memref<32xi32, #tpu.memory_space<vmem>>)
          tpu.yield
        }) : () -> ()
        %mul3A_58 = arith.constant 32 : i32
        %mul3A_59 = arith.muli %add3A_55, %mul3A_58 : i32
        "tpu.region"() ({
          %run_scoped3A = tpu.sem_alloc : memref<!tpu.dma_semaphore, #tpu.memory_space<semaphore_mem>>
          %dma_start3A = arith.constant 0 : i32
          %dma_start3A_60 = tpu.memref_slice %arg3[%mul3A_59, %dma_start3A] : memref<160000x128xf32, #tpu.memory_space<hbm>> -> memref<32x128xf32, #tpu.memory_space<hbm>>
          %dma_start3A_61 = arith.constant 0 : i32
          %dma_start3A_62 = tpu.memref_slice %arg3[%mul3A_59, %dma_start3A_61] : memref<160000x128xf32, #tpu.memory_space<hbm>> -> memref<32x128xf32, #tpu.memory_space<hbm>>
          tpu.enqueue_dma source(%dma_start3A_62 : memref<32x128xf32, #tpu.memory_space<hbm>>) target(%arg9 : memref<32x128xf32, #tpu.memory_space<vmem>>) target_semaphore(%run_scoped3A : memref<!tpu.dma_semaphore, #tpu.memory_space<semaphore_mem>>)
          %dma_wait3A = arith.constant 0 : i32
          %dma_wait3A_63 = tpu.memref_slice %arg3[%mul3A_59, %dma_wait3A] : memref<160000x128xf32, #tpu.memory_space<hbm>> -> memref<32x128xf32, #tpu.memory_space<hbm>>
          %dma_wait3A_64 = arith.constant 0 : i32
          %dma_wait3A_65 = tpu.memref_slice %arg3[%mul3A_59, %dma_wait3A_64] : memref<160000x128xf32, #tpu.memory_space<hbm>> -> memref<32x128xf32, #tpu.memory_space<hbm>>
          tpu.wait_dma2 semaphore(%run_scoped3A : memref<!tpu.dma_semaphore, #tpu.memory_space<semaphore_mem>>) src(%dma_wait3A_65 : memref<32x128xf32, #tpu.memory_space<hbm>>) dst(%arg9 : memref<32x128xf32, #tpu.memory_space<vmem>>)
          tpu.yield
        }) : () -> ()
        "tpu.region"() ({
          %run_scoped3A = tpu.sem_alloc : memref<!tpu.dma_semaphore, #tpu.memory_space<semaphore_mem>>
          %dma_start3A = arith.constant 0 : i32
          %dma_start3A_60 = arith.constant 0 : i32
          %dma_start3A_61 = tpu.memref_slice %arg7[%dma_start3A, %dma_start3A_60] : memref<1280x128xf32, #tpu.memory_space<vmem_shared>> -> memref<1280x128xf32, #tpu.memory_space<vmem_shared>>
          tpu.enqueue_indirect_dma source(%arg9 : memref<32x128xf32, #tpu.memory_space<vmem>>) target(%dma_start3A_61 : memref<1280x128xf32, #tpu.memory_space<vmem_shared>>) offsets(%arg10 : memref<32xi32, #tpu.memory_space<vmem>>) semaphore(%run_scoped3A : memref<!tpu.dma_semaphore, #tpu.memory_space<semaphore_mem>>) {add = true}
          %dma_wait3A = arith.constant 0 : i32
          %dma_wait3A_62 = arith.constant 0 : i32
          %dma_wait3A_63 = tpu.memref_slice %arg7[%dma_wait3A, %dma_wait3A_62] : memref<1280x128xf32, #tpu.memory_space<vmem_shared>> -> memref<1280x128xf32, #tpu.memory_space<vmem_shared>>
          tpu.wait_indirect_dma semaphore(%run_scoped3A : memref<!tpu.dma_semaphore, #tpu.memory_space<semaphore_mem>>) src(%arg9 : memref<32x128xf32, #tpu.memory_space<vmem>>) dst(%dma_wait3A_63 : memref<1280x128xf32, #tpu.memory_space<vmem_shared>>)
          tpu.yield
        }) : () -> ()
      } else {
      }
      %scan3A_52 = arith.constant 0 : i32
      scf.yield %scan3A_52 : i32
    }
    %scan3A_39 = arith.constant 157 : i32
    %barrier3A_40 = arith.constant 0 : index
    tpu.barrier barrier_id(%barrier3A_40)
    %mul3A_41 = arith.constant 80 : i32
    %mul3A_42 = arith.muli %arg1, %mul3A_41 : i32
    %mul3A_43 = arith.constant 80 : i32
    %mul3A_44 = arith.muli %arg1, %mul3A_43 : i32
    "tpu.region"() ({
      %run_scoped3A = tpu.sem_alloc : memref<!tpu.dma_semaphore, #tpu.memory_space<semaphore_mem>>
      %dma_start3A = arith.constant 0 : i32
      %dma_start3A_46 = tpu.memref_slice %arg6[%arg0, %mul3A_44, %dma_start3A] : memref<2x1280x128xf32, #tpu.memory_space<hbm>> -> memref<1x80x128xf32, #tpu.memory_space<hbm>>
      %dma_start3A_47 = tpu.memref_squeeze %dma_start3A_46 : memref<1x80x128xf32, #tpu.memory_space<hbm>> -> memref<80x128xf32, #tpu.memory_space<hbm>>
      %dma_start3A_48 = arith.constant 0 : i32
      %dma_start3A_49 = tpu.memref_slice %arg7[%mul3A_42, %dma_start3A_48] : memref<1280x128xf32, #tpu.memory_space<vmem_shared>> -> memref<80x128xf32, #tpu.memory_space<vmem_shared>>
      tpu.enqueue_dma source(%dma_start3A_49 : memref<80x128xf32, #tpu.memory_space<vmem_shared>>) target(%dma_start3A_47 : memref<80x128xf32, #tpu.memory_space<hbm>>) target_semaphore(%run_scoped3A : memref<!tpu.dma_semaphore, #tpu.memory_space<semaphore_mem>>)
      %dma_wait3A = arith.constant 0 : i32
      %dma_wait3A_50 = tpu.memref_slice %arg6[%arg0, %mul3A_44, %dma_wait3A] : memref<2x1280x128xf32, #tpu.memory_space<hbm>> -> memref<1x80x128xf32, #tpu.memory_space<hbm>>
      %dma_wait3A_51 = tpu.memref_squeeze %dma_wait3A_50 : memref<1x80x128xf32, #tpu.memory_space<hbm>> -> memref<80x128xf32, #tpu.memory_space<hbm>>
      %dma_wait3A_52 = arith.constant 0 : i32
      %dma_wait3A_53 = tpu.memref_slice %arg7[%mul3A_42, %dma_wait3A_52] : memref<1280x128xf32, #tpu.memory_space<vmem_shared>> -> memref<80x128xf32, #tpu.memory_space<vmem_shared>>
      tpu.wait_dma2 semaphore(%run_scoped3A : memref<!tpu.dma_semaphore, #tpu.memory_space<semaphore_mem>>) src(%dma_wait3A_53 : memref<80x128xf32, #tpu.memory_space<vmem_shared>>) dst(%dma_wait3A_51 : memref<80x128xf32, #tpu.memory_space<hbm>>)
      tpu.yield
    }) : () -> ()
    %barrier3A_45 = arith.constant 0 : index
    tpu.barrier barrier_id(%barrier3A_45)
    return
  }
}

#map = affine_map<(d0, d1) -> (0, 0)>
#map1 = affine_map<(d0, d1) -> (0)>
module attributes {stable_mosaic.version = 14 : i64} {
  func.func @_sc_gather_body(%arg0: i32, %arg1: i32, %arg2: memref<10000x256xf32, #tpu.memory_space<hbm>>, %arg3: memref<10000x256xf32, #tpu.memory_space<hbm>>, %arg4: memref<10000x256xf32, #tpu.memory_space<hbm>>, %arg5: memref<160000xi32, #tpu.memory_space<hbm>>, %arg6: memref<160000xi32, #tpu.memory_space<hbm>>, %arg7: memref<160000x256xf32, #tpu.memory_space<hbm>>, %arg8: memref<160000x256xf32, #tpu.memory_space<hbm>>, %arg9: memref<160000x256xf32, #tpu.memory_space<hbm>>, %arg10: memref<128xi32, #tpu.memory_space<vmem>>, %arg11: memref<128xi32, #tpu.memory_space<vmem>>, %arg12: memref<32x256xf32, #tpu.memory_space<vmem>>, %arg13: memref<!tpu.dma_semaphore, #tpu.memory_space<semaphore_mem>>) attributes {dimension_semantics = [#tpu.dimension_semantics<core_parallel>, #tpu.dimension_semantics<subcore_parallel>], iteration_bounds = array<i64: 2, 16>, scalar_prefetch = 0 : i64, scratch_operands = 4 : i64, tpu.core_type = #tpu.core_type<sc_vector_subcore>, window_params = [{transform_indices = #map}, {transform_indices = #map}, {transform_indices = #map}, {transform_indices = #map1}, {transform_indices = #map1}, {transform_indices = #map}, {transform_indices = #map}, {transform_indices = #map}]} {
    %mul3A = arith.constant 2 : i32
    %mul3A_0 = arith.muli %arg1, %mul3A : i32
    %add3A = arith.addi %mul3A_0, %arg0 : i32
    %scan3A = arith.constant 0 : i32
    %scan3A_1 = arith.constant 0 : i32
    %scan3A_2 = arith.constant 40 : i32
    %scan3A_3 = arith.addi %scan3A_1, %scan3A_2 : i32
    %scan3A_4 = arith.constant 1 : i32
    %scan3A_5 = scf.for %scan3A_7 = %scan3A_1 to %scan3A_3 step %scan3A_4 iter_args(%scan3A_8 = %scan3A) -> (i32)  : i32 {
      %mul3A_9 = arith.constant 32 : i32
      %mul3A_10 = arith.muli %mul3A_9, %scan3A_7 : i32
      %add3A_11 = arith.addi %add3A, %mul3A_10 : i32
      %lt3A = arith.constant 1250 : i32
      %lt3A_12 = arith.cmpi slt, %add3A_11, %lt3A : i32
      %convert_element_type3A = arith.extui %lt3A_12 : i1 to i32
      %cond3A = arith.constant 0 : i32
      %cond3A_13 = arith.cmpi ne, %convert_element_type3A, %cond3A : i32
      scf.if %cond3A_13 {
        %mul3A_15 = arith.constant 128 : i32
        %mul3A_16 = arith.muli %add3A_11, %mul3A_15 : i32
        "tpu.region"() ({
          %run_scoped3A = tpu.sem_alloc : memref<!tpu.dma_semaphore, #tpu.memory_space<semaphore_mem>>
          %dma_start3A_153 = tpu.memref_slice %arg6[%mul3A_16] : memref<160000xi32, #tpu.memory_space<hbm>> -> memref<128xi32, #tpu.memory_space<hbm>>
          %dma_start3A_154 = tpu.memref_slice %arg6[%mul3A_16] : memref<160000xi32, #tpu.memory_space<hbm>> -> memref<128xi32, #tpu.memory_space<hbm>>
          tpu.enqueue_dma source(%dma_start3A_154 : memref<128xi32, #tpu.memory_space<hbm>>) target(%arg11 : memref<128xi32, #tpu.memory_space<vmem>>) target_semaphore(%run_scoped3A : memref<!tpu.dma_semaphore, #tpu.memory_space<semaphore_mem>>)
          %dma_wait3A_155 = tpu.memref_slice %arg6[%mul3A_16] : memref<160000xi32, #tpu.memory_space<hbm>> -> memref<128xi32, #tpu.memory_space<hbm>>
          %dma_wait3A_156 = tpu.memref_slice %arg6[%mul3A_16] : memref<160000xi32, #tpu.memory_space<hbm>> -> memref<128xi32, #tpu.memory_space<hbm>>
          tpu.wait_dma2 semaphore(%run_scoped3A : memref<!tpu.dma_semaphore, #tpu.memory_space<semaphore_mem>>) src(%dma_wait3A_156 : memref<128xi32, #tpu.memory_space<hbm>>) dst(%arg11 : memref<128xi32, #tpu.memory_space<vmem>>)
          tpu.yield
        }) : () -> ()
        %mul3A_17 = arith.constant 128 : i32
        %mul3A_18 = arith.muli %add3A_11, %mul3A_17 : i32
        "tpu.region"() ({
          %run_scoped3A = tpu.sem_alloc : memref<!tpu.dma_semaphore, #tpu.memory_space<semaphore_mem>>
          %dma_start3A_153 = tpu.memref_slice %arg5[%mul3A_18] : memref<160000xi32, #tpu.memory_space<hbm>> -> memref<128xi32, #tpu.memory_space<hbm>>
          %dma_start3A_154 = tpu.memref_slice %arg5[%mul3A_18] : memref<160000xi32, #tpu.memory_space<hbm>> -> memref<128xi32, #tpu.memory_space<hbm>>
          tpu.enqueue_dma source(%dma_start3A_154 : memref<128xi32, #tpu.memory_space<hbm>>) target(%arg10 : memref<128xi32, #tpu.memory_space<vmem>>) target_semaphore(%run_scoped3A : memref<!tpu.dma_semaphore, #tpu.memory_space<semaphore_mem>>)
          %dma_wait3A_155 = tpu.memref_slice %arg5[%mul3A_18] : memref<160000xi32, #tpu.memory_space<hbm>> -> memref<128xi32, #tpu.memory_space<hbm>>
          %dma_wait3A_156 = tpu.memref_slice %arg5[%mul3A_18] : memref<160000xi32, #tpu.memory_space<hbm>> -> memref<128xi32, #tpu.memory_space<hbm>>
          tpu.wait_dma2 semaphore(%run_scoped3A : memref<!tpu.dma_semaphore, #tpu.memory_space<semaphore_mem>>) src(%dma_wait3A_156 : memref<128xi32, #tpu.memory_space<hbm>>) dst(%arg10 : memref<128xi32, #tpu.memory_space<vmem>>)
          tpu.yield
        }) : () -> ()
        %mul3A_19 = arith.constant 128 : i32
        %mul3A_20 = arith.muli %add3A_11, %mul3A_19 : i32
        %add3A_21 = arith.constant 0 : i32
        %add3A_22 = arith.addi %mul3A_20, %add3A_21 : i32
        %dma_start3A = arith.constant 0 : i32
        %dma_start3A_23 = tpu.memref_slice %arg11[%dma_start3A] : memref<128xi32, #tpu.memory_space<vmem>> -> memref<32xi32, #tpu.memory_space<vmem>>
        %dma_start3A_24 = arith.constant 0 : i32
        %dma_start3A_25 = arith.constant 0 : i32
        %dma_start3A_26 = tpu.memref_slice %arg2[%dma_start3A_24, %dma_start3A_25] : memref<10000x256xf32, #tpu.memory_space<hbm>> -> memref<10000x256xf32, #tpu.memory_space<hbm>>
        tpu.enqueue_indirect_dma source(%dma_start3A_26 : memref<10000x256xf32, #tpu.memory_space<hbm>>) target(%arg12 : memref<32x256xf32, #tpu.memory_space<vmem>>) offsets(%dma_start3A_23 : memref<32xi32, #tpu.memory_space<vmem>>) semaphore(%arg13 : memref<!tpu.dma_semaphore, #tpu.memory_space<semaphore_mem>>)
        %dma_wait3A = arith.constant 0 : i32
        %dma_wait3A_27 = tpu.memref_slice %arg11[%dma_wait3A] : memref<128xi32, #tpu.memory_space<vmem>> -> memref<32xi32, #tpu.memory_space<vmem>>
        %dma_wait3A_28 = arith.constant 0 : i32
        %dma_wait3A_29 = arith.constant 0 : i32
        %dma_wait3A_30 = tpu.memref_slice %arg2[%dma_wait3A_28, %dma_wait3A_29] : memref<10000x256xf32, #tpu.memory_space<hbm>> -> memref<10000x256xf32, #tpu.memory_space<hbm>>
        tpu.wait_indirect_dma semaphore(%arg13 : memref<!tpu.dma_semaphore, #tpu.memory_space<semaphore_mem>>) src(%dma_wait3A_30 : memref<10000x256xf32, #tpu.memory_space<hbm>>) dst(%arg12 : memref<32x256xf32, #tpu.memory_space<vmem>>)
        "tpu.region"() ({
          %run_scoped3A = tpu.sem_alloc : memref<!tpu.dma_semaphore, #tpu.memory_space<semaphore_mem>>
          %dma_start3A_153 = arith.constant 0 : i32
          %dma_start3A_154 = tpu.memref_slice %arg7[%add3A_22, %dma_start3A_153] : memref<160000x256xf32, #tpu.memory_space<hbm>> -> memref<32x256xf32, #tpu.memory_space<hbm>>
          %dma_start3A_155 = arith.constant 0 : i32
          %dma_start3A_156 = tpu.memref_slice %arg7[%add3A_22, %dma_start3A_155] : memref<160000x256xf32, #tpu.memory_space<hbm>> -> memref<32x256xf32, #tpu.memory_space<hbm>>
          tpu.enqueue_dma source(%arg12 : memref<32x256xf32, #tpu.memory_space<vmem>>) target(%dma_start3A_156 : memref<32x256xf32, #tpu.memory_space<hbm>>) target_semaphore(%run_scoped3A : memref<!tpu.dma_semaphore, #tpu.memory_space<semaphore_mem>>)
          %dma_wait3A_157 = arith.constant 0 : i32
          %dma_wait3A_158 = tpu.memref_slice %arg7[%add3A_22, %dma_wait3A_157] : memref<160000x256xf32, #tpu.memory_space<hbm>> -> memref<32x256xf32, #tpu.memory_space<hbm>>
          %dma_wait3A_159 = arith.constant 0 : i32
          %dma_wait3A_160 = tpu.memref_slice %arg7[%add3A_22, %dma_wait3A_159] : memref<160000x256xf32, #tpu.memory_space<hbm>> -> memref<32x256xf32, #tpu.memory_space<hbm>>
          tpu.wait_dma2 semaphore(%run_scoped3A : memref<!tpu.dma_semaphore, #tpu.memory_space<semaphore_mem>>) src(%arg12 : memref<32x256xf32, #tpu.memory_space<vmem>>) dst(%dma_wait3A_160 : memref<32x256xf32, #tpu.memory_space<hbm>>)
          tpu.yield
        }) : () -> ()
        %dma_start3A_31 = arith.constant 0 : i32
        %dma_start3A_32 = tpu.memref_slice %arg10[%dma_start3A_31] : memref<128xi32, #tpu.memory_space<vmem>> -> memref<32xi32, #tpu.memory_space<vmem>>
        %dma_start3A_33 = arith.constant 0 : i32
        %dma_start3A_34 = arith.constant 0 : i32
        %dma_start3A_35 = tpu.memref_slice %arg3[%dma_start3A_33, %dma_start3A_34] : memref<10000x256xf32, #tpu.memory_space<hbm>> -> memref<10000x256xf32, #tpu.memory_space<hbm>>
        tpu.enqueue_indirect_dma source(%dma_start3A_35 : memref<10000x256xf32, #tpu.memory_space<hbm>>) target(%arg12 : memref<32x256xf32, #tpu.memory_space<vmem>>) offsets(%dma_start3A_32 : memref<32xi32, #tpu.memory_space<vmem>>) semaphore(%arg13 : memref<!tpu.dma_semaphore, #tpu.memory_space<semaphore_mem>>)
        %dma_wait3A_36 = arith.constant 0 : i32
        %dma_wait3A_37 = tpu.memref_slice %arg10[%dma_wait3A_36] : memref<128xi32, #tpu.memory_space<vmem>> -> memref<32xi32, #tpu.memory_space<vmem>>
        %dma_wait3A_38 = arith.constant 0 : i32
        %dma_wait3A_39 = arith.constant 0 : i32
        %dma_wait3A_40 = tpu.memref_slice %arg3[%dma_wait3A_38, %dma_wait3A_39] : memref<10000x256xf32, #tpu.memory_space<hbm>> -> memref<10000x256xf32, #tpu.memory_space<hbm>>
        tpu.wait_indirect_dma semaphore(%arg13 : memref<!tpu.dma_semaphore, #tpu.memory_space<semaphore_mem>>) src(%dma_wait3A_40 : memref<10000x256xf32, #tpu.memory_space<hbm>>) dst(%arg12 : memref<32x256xf32, #tpu.memory_space<vmem>>)
        "tpu.region"() ({
          %run_scoped3A = tpu.sem_alloc : memref<!tpu.dma_semaphore, #tpu.memory_space<semaphore_mem>>
          %dma_start3A_153 = arith.constant 0 : i32
          %dma_start3A_154 = tpu.memref_slice %arg8[%add3A_22, %dma_start3A_153] : memref<160000x256xf32, #tpu.memory_space<hbm>> -> memref<32x256xf32, #tpu.memory_space<hbm>>
          %dma_start3A_155 = arith.constant 0 : i32
          %dma_start3A_156 = tpu.memref_slice %arg8[%add3A_22, %dma_start3A_155] : memref<160000x256xf32, #tpu.memory_space<hbm>> -> memref<32x256xf32, #tpu.memory_space<hbm>>
          tpu.enqueue_dma source(%arg12 : memref<32x256xf32, #tpu.memory_space<vmem>>) target(%dma_start3A_156 : memref<32x256xf32, #tpu.memory_space<hbm>>) target_semaphore(%run_scoped3A : memref<!tpu.dma_semaphore, #tpu.memory_space<semaphore_mem>>)
          %dma_wait3A_157 = arith.constant 0 : i32
          %dma_wait3A_158 = tpu.memref_slice %arg8[%add3A_22, %dma_wait3A_157] : memref<160000x256xf32, #tpu.memory_space<hbm>> -> memref<32x256xf32, #tpu.memory_space<hbm>>
          %dma_wait3A_159 = arith.constant 0 : i32
          %dma_wait3A_160 = tpu.memref_slice %arg8[%add3A_22, %dma_wait3A_159] : memref<160000x256xf32, #tpu.memory_space<hbm>> -> memref<32x256xf32, #tpu.memory_space<hbm>>
          tpu.wait_dma2 semaphore(%run_scoped3A : memref<!tpu.dma_semaphore, #tpu.memory_space<semaphore_mem>>) src(%arg12 : memref<32x256xf32, #tpu.memory_space<vmem>>) dst(%dma_wait3A_160 : memref<32x256xf32, #tpu.memory_space<hbm>>)
          tpu.yield
        }) : () -> ()
        %dma_start3A_41 = arith.constant 0 : i32
        %dma_start3A_42 = tpu.memref_slice %arg10[%dma_start3A_41] : memref<128xi32, #tpu.memory_space<vmem>> -> memref<32xi32, #tpu.memory_space<vmem>>
        %dma_start3A_43 = arith.constant 0 : i32
        %dma_start3A_44 = arith.constant 0 : i32
        %dma_start3A_45 = tpu.memref_slice %arg4[%dma_start3A_43, %dma_start3A_44] : memref<10000x256xf32, #tpu.memory_space<hbm>> -> memref<10000x256xf32, #tpu.memory_space<hbm>>
        tpu.enqueue_indirect_dma source(%dma_start3A_45 : memref<10000x256xf32, #tpu.memory_space<hbm>>) target(%arg12 : memref<32x256xf32, #tpu.memory_space<vmem>>) offsets(%dma_start3A_42 : memref<32xi32, #tpu.memory_space<vmem>>) semaphore(%arg13 : memref<!tpu.dma_semaphore, #tpu.memory_space<semaphore_mem>>)
        %dma_wait3A_46 = arith.constant 0 : i32
        %dma_wait3A_47 = tpu.memref_slice %arg10[%dma_wait3A_46] : memref<128xi32, #tpu.memory_space<vmem>> -> memref<32xi32, #tpu.memory_space<vmem>>
        %dma_wait3A_48 = arith.constant 0 : i32
        %dma_wait3A_49 = arith.constant 0 : i32
        %dma_wait3A_50 = tpu.memref_slice %arg4[%dma_wait3A_48, %dma_wait3A_49] : memref<10000x256xf32, #tpu.memory_space<hbm>> -> memref<10000x256xf32, #tpu.memory_space<hbm>>
        tpu.wait_indirect_dma semaphore(%arg13 : memref<!tpu.dma_semaphore, #tpu.memory_space<semaphore_mem>>) src(%dma_wait3A_50 : memref<10000x256xf32, #tpu.memory_space<hbm>>) dst(%arg12 : memref<32x256xf32, #tpu.memory_space<vmem>>)
        "tpu.region"() ({
          %run_scoped3A = tpu.sem_alloc : memref<!tpu.dma_semaphore, #tpu.memory_space<semaphore_mem>>
          %dma_start3A_153 = arith.constant 0 : i32
          %dma_start3A_154 = tpu.memref_slice %arg9[%add3A_22, %dma_start3A_153] : memref<160000x256xf32, #tpu.memory_space<hbm>> -> memref<32x256xf32, #tpu.memory_space<hbm>>
          %dma_start3A_155 = arith.constant 0 : i32
          %dma_start3A_156 = tpu.memref_slice %arg9[%add3A_22, %dma_start3A_155] : memref<160000x256xf32, #tpu.memory_space<hbm>> -> memref<32x256xf32, #tpu.memory_space<hbm>>
          tpu.enqueue_dma source(%arg12 : memref<32x256xf32, #tpu.memory_space<vmem>>) target(%dma_start3A_156 : memref<32x256xf32, #tpu.memory_space<hbm>>) target_semaphore(%run_scoped3A : memref<!tpu.dma_semaphore, #tpu.memory_space<semaphore_mem>>)
          %dma_wait3A_157 = arith.constant 0 : i32
          %dma_wait3A_158 = tpu.memref_slice %arg9[%add3A_22, %dma_wait3A_157] : memref<160000x256xf32, #tpu.memory_space<hbm>> -> memref<32x256xf32, #tpu.memory_space<hbm>>
          %dma_wait3A_159 = arith.constant 0 : i32
          %dma_wait3A_160 = tpu.memref_slice %arg9[%add3A_22, %dma_wait3A_159] : memref<160000x256xf32, #tpu.memory_space<hbm>> -> memref<32x256xf32, #tpu.memory_space<hbm>>
          tpu.wait_dma2 semaphore(%run_scoped3A : memref<!tpu.dma_semaphore, #tpu.memory_space<semaphore_mem>>) src(%arg12 : memref<32x256xf32, #tpu.memory_space<vmem>>) dst(%dma_wait3A_160 : memref<32x256xf32, #tpu.memory_space<hbm>>)
          tpu.yield
        }) : () -> ()
        %mul3A_51 = arith.constant 128 : i32
        %mul3A_52 = arith.muli %add3A_11, %mul3A_51 : i32
        %add3A_53 = arith.constant 32 : i32
        %add3A_54 = arith.addi %mul3A_52, %add3A_53 : i32
        %dma_start3A_55 = arith.constant 32 : i32
        %dma_start3A_56 = tpu.memref_slice %arg11[%dma_start3A_55] : memref<128xi32, #tpu.memory_space<vmem>> -> memref<32xi32, #tpu.memory_space<vmem>>
        %dma_start3A_57 = arith.constant 0 : i32
        %dma_start3A_58 = arith.constant 0 : i32
        %dma_start3A_59 = tpu.memref_slice %arg2[%dma_start3A_57, %dma_start3A_58] : memref<10000x256xf32, #tpu.memory_space<hbm>> -> memref<10000x256xf32, #tpu.memory_space<hbm>>
        tpu.enqueue_indirect_dma source(%dma_start3A_59 : memref<10000x256xf32, #tpu.memory_space<hbm>>) target(%arg12 : memref<32x256xf32, #tpu.memory_space<vmem>>) offsets(%dma_start3A_56 : memref<32xi32, #tpu.memory_space<vmem>>) semaphore(%arg13 : memref<!tpu.dma_semaphore, #tpu.memory_space<semaphore_mem>>)
        %dma_wait3A_60 = arith.constant 32 : i32
        %dma_wait3A_61 = tpu.memref_slice %arg11[%dma_wait3A_60] : memref<128xi32, #tpu.memory_space<vmem>> -> memref<32xi32, #tpu.memory_space<vmem>>
        %dma_wait3A_62 = arith.constant 0 : i32
        %dma_wait3A_63 = arith.constant 0 : i32
        %dma_wait3A_64 = tpu.memref_slice %arg2[%dma_wait3A_62, %dma_wait3A_63] : memref<10000x256xf32, #tpu.memory_space<hbm>> -> memref<10000x256xf32, #tpu.memory_space<hbm>>
        tpu.wait_indirect_dma semaphore(%arg13 : memref<!tpu.dma_semaphore, #tpu.memory_space<semaphore_mem>>) src(%dma_wait3A_64 : memref<10000x256xf32, #tpu.memory_space<hbm>>) dst(%arg12 : memref<32x256xf32, #tpu.memory_space<vmem>>)
        "tpu.region"() ({
          %run_scoped3A = tpu.sem_alloc : memref<!tpu.dma_semaphore, #tpu.memory_space<semaphore_mem>>
          %dma_start3A_153 = arith.constant 0 : i32
          %dma_start3A_154 = tpu.memref_slice %arg7[%add3A_54, %dma_start3A_153] : memref<160000x256xf32, #tpu.memory_space<hbm>> -> memref<32x256xf32, #tpu.memory_space<hbm>>
          %dma_start3A_155 = arith.constant 0 : i32
          %dma_start3A_156 = tpu.memref_slice %arg7[%add3A_54, %dma_start3A_155] : memref<160000x256xf32, #tpu.memory_space<hbm>> -> memref<32x256xf32, #tpu.memory_space<hbm>>
          tpu.enqueue_dma source(%arg12 : memref<32x256xf32, #tpu.memory_space<vmem>>) target(%dma_start3A_156 : memref<32x256xf32, #tpu.memory_space<hbm>>) target_semaphore(%run_scoped3A : memref<!tpu.dma_semaphore, #tpu.memory_space<semaphore_mem>>)
          %dma_wait3A_157 = arith.constant 0 : i32
          %dma_wait3A_158 = tpu.memref_slice %arg7[%add3A_54, %dma_wait3A_157] : memref<160000x256xf32, #tpu.memory_space<hbm>> -> memref<32x256xf32, #tpu.memory_space<hbm>>
          %dma_wait3A_159 = arith.constant 0 : i32
          %dma_wait3A_160 = tpu.memref_slice %arg7[%add3A_54, %dma_wait3A_159] : memref<160000x256xf32, #tpu.memory_space<hbm>> -> memref<32x256xf32, #tpu.memory_space<hbm>>
          tpu.wait_dma2 semaphore(%run_scoped3A : memref<!tpu.dma_semaphore, #tpu.memory_space<semaphore_mem>>) src(%arg12 : memref<32x256xf32, #tpu.memory_space<vmem>>) dst(%dma_wait3A_160 : memref<32x256xf32, #tpu.memory_space<hbm>>)
          tpu.yield
        }) : () -> ()
        %dma_start3A_65 = arith.constant 32 : i32
        %dma_start3A_66 = tpu.memref_slice %arg10[%dma_start3A_65] : memref<128xi32, #tpu.memory_space<vmem>> -> memref<32xi32, #tpu.memory_space<vmem>>
        %dma_start3A_67 = arith.constant 0 : i32
        %dma_start3A_68 = arith.constant 0 : i32
        %dma_start3A_69 = tpu.memref_slice %arg3[%dma_start3A_67, %dma_start3A_68] : memref<10000x256xf32, #tpu.memory_space<hbm>> -> memref<10000x256xf32, #tpu.memory_space<hbm>>
        tpu.enqueue_indirect_dma source(%dma_start3A_69 : memref<10000x256xf32, #tpu.memory_space<hbm>>) target(%arg12 : memref<32x256xf32, #tpu.memory_space<vmem>>) offsets(%dma_start3A_66 : memref<32xi32, #tpu.memory_space<vmem>>) semaphore(%arg13 : memref<!tpu.dma_semaphore, #tpu.memory_space<semaphore_mem>>)
        %dma_wait3A_70 = arith.constant 32 : i32
        %dma_wait3A_71 = tpu.memref_slice %arg10[%dma_wait3A_70] : memref<128xi32, #tpu.memory_space<vmem>> -> memref<32xi32, #tpu.memory_space<vmem>>
        %dma_wait3A_72 = arith.constant 0 : i32
        %dma_wait3A_73 = arith.constant 0 : i32
        %dma_wait3A_74 = tpu.memref_slice %arg3[%dma_wait3A_72, %dma_wait3A_73] : memref<10000x256xf32, #tpu.memory_space<hbm>> -> memref<10000x256xf32, #tpu.memory_space<hbm>>
        tpu.wait_indirect_dma semaphore(%arg13 : memref<!tpu.dma_semaphore, #tpu.memory_space<semaphore_mem>>) src(%dma_wait3A_74 : memref<10000x256xf32, #tpu.memory_space<hbm>>) dst(%arg12 : memref<32x256xf32, #tpu.memory_space<vmem>>)
        "tpu.region"() ({
          %run_scoped3A = tpu.sem_alloc : memref<!tpu.dma_semaphore, #tpu.memory_space<semaphore_mem>>
          %dma_start3A_153 = arith.constant 0 : i32
          %dma_start3A_154 = tpu.memref_slice %arg8[%add3A_54, %dma_start3A_153] : memref<160000x256xf32, #tpu.memory_space<hbm>> -> memref<32x256xf32, #tpu.memory_space<hbm>>
          %dma_start3A_155 = arith.constant 0 : i32
          %dma_start3A_156 = tpu.memref_slice %arg8[%add3A_54, %dma_start3A_155] : memref<160000x256xf32, #tpu.memory_space<hbm>> -> memref<32x256xf32, #tpu.memory_space<hbm>>
          tpu.enqueue_dma source(%arg12 : memref<32x256xf32, #tpu.memory_space<vmem>>) target(%dma_start3A_156 : memref<32x256xf32, #tpu.memory_space<hbm>>) target_semaphore(%run_scoped3A : memref<!tpu.dma_semaphore, #tpu.memory_space<semaphore_mem>>)
          %dma_wait3A_157 = arith.constant 0 : i32
          %dma_wait3A_158 = tpu.memref_slice %arg8[%add3A_54, %dma_wait3A_157] : memref<160000x256xf32, #tpu.memory_space<hbm>> -> memref<32x256xf32, #tpu.memory_space<hbm>>
          %dma_wait3A_159 = arith.constant 0 : i32
          %dma_wait3A_160 = tpu.memref_slice %arg8[%add3A_54, %dma_wait3A_159] : memref<160000x256xf32, #tpu.memory_space<hbm>> -> memref<32x256xf32, #tpu.memory_space<hbm>>
          tpu.wait_dma2 semaphore(%run_scoped3A : memref<!tpu.dma_semaphore, #tpu.memory_space<semaphore_mem>>) src(%arg12 : memref<32x256xf32, #tpu.memory_space<vmem>>) dst(%dma_wait3A_160 : memref<32x256xf32, #tpu.memory_space<hbm>>)
          tpu.yield
        }) : () -> ()
        %dma_start3A_75 = arith.constant 32 : i32
        %dma_start3A_76 = tpu.memref_slice %arg10[%dma_start3A_75] : memref<128xi32, #tpu.memory_space<vmem>> -> memref<32xi32, #tpu.memory_space<vmem>>
        %dma_start3A_77 = arith.constant 0 : i32
        %dma_start3A_78 = arith.constant 0 : i32
        %dma_start3A_79 = tpu.memref_slice %arg4[%dma_start3A_77, %dma_start3A_78] : memref<10000x256xf32, #tpu.memory_space<hbm>> -> memref<10000x256xf32, #tpu.memory_space<hbm>>
        tpu.enqueue_indirect_dma source(%dma_start3A_79 : memref<10000x256xf32, #tpu.memory_space<hbm>>) target(%arg12 : memref<32x256xf32, #tpu.memory_space<vmem>>) offsets(%dma_start3A_76 : memref<32xi32, #tpu.memory_space<vmem>>) semaphore(%arg13 : memref<!tpu.dma_semaphore, #tpu.memory_space<semaphore_mem>>)
        %dma_wait3A_80 = arith.constant 32 : i32
        %dma_wait3A_81 = tpu.memref_slice %arg10[%dma_wait3A_80] : memref<128xi32, #tpu.memory_space<vmem>> -> memref<32xi32, #tpu.memory_space<vmem>>
        %dma_wait3A_82 = arith.constant 0 : i32
        %dma_wait3A_83 = arith.constant 0 : i32
        %dma_wait3A_84 = tpu.memref_slice %arg4[%dma_wait3A_82, %dma_wait3A_83] : memref<10000x256xf32, #tpu.memory_space<hbm>> -> memref<10000x256xf32, #tpu.memory_space<hbm>>
        tpu.wait_indirect_dma semaphore(%arg13 : memref<!tpu.dma_semaphore, #tpu.memory_space<semaphore_mem>>) src(%dma_wait3A_84 : memref<10000x256xf32, #tpu.memory_space<hbm>>) dst(%arg12 : memref<32x256xf32, #tpu.memory_space<vmem>>)
        "tpu.region"() ({
          %run_scoped3A = tpu.sem_alloc : memref<!tpu.dma_semaphore, #tpu.memory_space<semaphore_mem>>
          %dma_start3A_153 = arith.constant 0 : i32
          %dma_start3A_154 = tpu.memref_slice %arg9[%add3A_54, %dma_start3A_153] : memref<160000x256xf32, #tpu.memory_space<hbm>> -> memref<32x256xf32, #tpu.memory_space<hbm>>
          %dma_start3A_155 = arith.constant 0 : i32
          %dma_start3A_156 = tpu.memref_slice %arg9[%add3A_54, %dma_start3A_155] : memref<160000x256xf32, #tpu.memory_space<hbm>> -> memref<32x256xf32, #tpu.memory_space<hbm>>
          tpu.enqueue_dma source(%arg12 : memref<32x256xf32, #tpu.memory_space<vmem>>) target(%dma_start3A_156 : memref<32x256xf32, #tpu.memory_space<hbm>>) target_semaphore(%run_scoped3A : memref<!tpu.dma_semaphore, #tpu.memory_space<semaphore_mem>>)
          %dma_wait3A_157 = arith.constant 0 : i32
          %dma_wait3A_158 = tpu.memref_slice %arg9[%add3A_54, %dma_wait3A_157] : memref<160000x256xf32, #tpu.memory_space<hbm>> -> memref<32x256xf32, #tpu.memory_space<hbm>>
          %dma_wait3A_159 = arith.constant 0 : i32
          %dma_wait3A_160 = tpu.memref_slice %arg9[%add3A_54, %dma_wait3A_159] : memref<160000x256xf32, #tpu.memory_space<hbm>> -> memref<32x256xf32, #tpu.memory_space<hbm>>
          tpu.wait_dma2 semaphore(%run_scoped3A : memref<!tpu.dma_semaphore, #tpu.memory_space<semaphore_mem>>) src(%arg12 : memref<32x256xf32, #tpu.memory_space<vmem>>) dst(%dma_wait3A_160 : memref<32x256xf32, #tpu.memory_space<hbm>>)
          tpu.yield
        }) : () -> ()
        %mul3A_85 = arith.constant 128 : i32
        %mul3A_86 = arith.muli %add3A_11, %mul3A_85 : i32
        %add3A_87 = arith.constant 64 : i32
        %add3A_88 = arith.addi %mul3A_86, %add3A_87 : i32
        %dma_start3A_89 = arith.constant 64 : i32
        %dma_start3A_90 = tpu.memref_slice %arg11[%dma_start3A_89] : memref<128xi32, #tpu.memory_space<vmem>> -> memref<32xi32, #tpu.memory_space<vmem>>
        %dma_start3A_91 = arith.constant 0 : i32
        %dma_start3A_92 = arith.constant 0 : i32
        %dma_start3A_93 = tpu.memref_slice %arg2[%dma_start3A_91, %dma_start3A_92] : memref<10000x256xf32, #tpu.memory_space<hbm>> -> memref<10000x256xf32, #tpu.memory_space<hbm>>
        tpu.enqueue_indirect_dma source(%dma_start3A_93 : memref<10000x256xf32, #tpu.memory_space<hbm>>) target(%arg12 : memref<32x256xf32, #tpu.memory_space<vmem>>) offsets(%dma_start3A_90 : memref<32xi32, #tpu.memory_space<vmem>>) semaphore(%arg13 : memref<!tpu.dma_semaphore, #tpu.memory_space<semaphore_mem>>)
        %dma_wait3A_94 = arith.constant 64 : i32
        %dma_wait3A_95 = tpu.memref_slice %arg11[%dma_wait3A_94] : memref<128xi32, #tpu.memory_space<vmem>> -> memref<32xi32, #tpu.memory_space<vmem>>
        %dma_wait3A_96 = arith.constant 0 : i32
        %dma_wait3A_97 = arith.constant 0 : i32
        %dma_wait3A_98 = tpu.memref_slice %arg2[%dma_wait3A_96, %dma_wait3A_97] : memref<10000x256xf32, #tpu.memory_space<hbm>> -> memref<10000x256xf32, #tpu.memory_space<hbm>>
        tpu.wait_indirect_dma semaphore(%arg13 : memref<!tpu.dma_semaphore, #tpu.memory_space<semaphore_mem>>) src(%dma_wait3A_98 : memref<10000x256xf32, #tpu.memory_space<hbm>>) dst(%arg12 : memref<32x256xf32, #tpu.memory_space<vmem>>)
        "tpu.region"() ({
          %run_scoped3A = tpu.sem_alloc : memref<!tpu.dma_semaphore, #tpu.memory_space<semaphore_mem>>
          %dma_start3A_153 = arith.constant 0 : i32
          %dma_start3A_154 = tpu.memref_slice %arg7[%add3A_88, %dma_start3A_153] : memref<160000x256xf32, #tpu.memory_space<hbm>> -> memref<32x256xf32, #tpu.memory_space<hbm>>
          %dma_start3A_155 = arith.constant 0 : i32
          %dma_start3A_156 = tpu.memref_slice %arg7[%add3A_88, %dma_start3A_155] : memref<160000x256xf32, #tpu.memory_space<hbm>> -> memref<32x256xf32, #tpu.memory_space<hbm>>
          tpu.enqueue_dma source(%arg12 : memref<32x256xf32, #tpu.memory_space<vmem>>) target(%dma_start3A_156 : memref<32x256xf32, #tpu.memory_space<hbm>>) target_semaphore(%run_scoped3A : memref<!tpu.dma_semaphore, #tpu.memory_space<semaphore_mem>>)
          %dma_wait3A_157 = arith.constant 0 : i32
          %dma_wait3A_158 = tpu.memref_slice %arg7[%add3A_88, %dma_wait3A_157] : memref<160000x256xf32, #tpu.memory_space<hbm>> -> memref<32x256xf32, #tpu.memory_space<hbm>>
          %dma_wait3A_159 = arith.constant 0 : i32
          %dma_wait3A_160 = tpu.memref_slice %arg7[%add3A_88, %dma_wait3A_159] : memref<160000x256xf32, #tpu.memory_space<hbm>> -> memref<32x256xf32, #tpu.memory_space<hbm>>
          tpu.wait_dma2 semaphore(%run_scoped3A : memref<!tpu.dma_semaphore, #tpu.memory_space<semaphore_mem>>) src(%arg12 : memref<32x256xf32, #tpu.memory_space<vmem>>) dst(%dma_wait3A_160 : memref<32x256xf32, #tpu.memory_space<hbm>>)
          tpu.yield
        }) : () -> ()
        %dma_start3A_99 = arith.constant 64 : i32
        %dma_start3A_100 = tpu.memref_slice %arg10[%dma_start3A_99] : memref<128xi32, #tpu.memory_space<vmem>> -> memref<32xi32, #tpu.memory_space<vmem>>
        %dma_start3A_101 = arith.constant 0 : i32
        %dma_start3A_102 = arith.constant 0 : i32
        %dma_start3A_103 = tpu.memref_slice %arg3[%dma_start3A_101, %dma_start3A_102] : memref<10000x256xf32, #tpu.memory_space<hbm>> -> memref<10000x256xf32, #tpu.memory_space<hbm>>
        tpu.enqueue_indirect_dma source(%dma_start3A_103 : memref<10000x256xf32, #tpu.memory_space<hbm>>) target(%arg12 : memref<32x256xf32, #tpu.memory_space<vmem>>) offsets(%dma_start3A_100 : memref<32xi32, #tpu.memory_space<vmem>>) semaphore(%arg13 : memref<!tpu.dma_semaphore, #tpu.memory_space<semaphore_mem>>)
        %dma_wait3A_104 = arith.constant 64 : i32
        %dma_wait3A_105 = tpu.memref_slice %arg10[%dma_wait3A_104] : memref<128xi32, #tpu.memory_space<vmem>> -> memref<32xi32, #tpu.memory_space<vmem>>
        %dma_wait3A_106 = arith.constant 0 : i32
        %dma_wait3A_107 = arith.constant 0 : i32
        %dma_wait3A_108 = tpu.memref_slice %arg3[%dma_wait3A_106, %dma_wait3A_107] : memref<10000x256xf32, #tpu.memory_space<hbm>> -> memref<10000x256xf32, #tpu.memory_space<hbm>>
        tpu.wait_indirect_dma semaphore(%arg13 : memref<!tpu.dma_semaphore, #tpu.memory_space<semaphore_mem>>) src(%dma_wait3A_108 : memref<10000x256xf32, #tpu.memory_space<hbm>>) dst(%arg12 : memref<32x256xf32, #tpu.memory_space<vmem>>)
        "tpu.region"() ({
          %run_scoped3A = tpu.sem_alloc : memref<!tpu.dma_semaphore, #tpu.memory_space<semaphore_mem>>
          %dma_start3A_153 = arith.constant 0 : i32
          %dma_start3A_154 = tpu.memref_slice %arg8[%add3A_88, %dma_start3A_153] : memref<160000x256xf32, #tpu.memory_space<hbm>> -> memref<32x256xf32, #tpu.memory_space<hbm>>
          %dma_start3A_155 = arith.constant 0 : i32
          %dma_start3A_156 = tpu.memref_slice %arg8[%add3A_88, %dma_start3A_155] : memref<160000x256xf32, #tpu.memory_space<hbm>> -> memref<32x256xf32, #tpu.memory_space<hbm>>
          tpu.enqueue_dma source(%arg12 : memref<32x256xf32, #tpu.memory_space<vmem>>) target(%dma_start3A_156 : memref<32x256xf32, #tpu.memory_space<hbm>>) target_semaphore(%run_scoped3A : memref<!tpu.dma_semaphore, #tpu.memory_space<semaphore_mem>>)
          %dma_wait3A_157 = arith.constant 0 : i32
          %dma_wait3A_158 = tpu.memref_slice %arg8[%add3A_88, %dma_wait3A_157] : memref<160000x256xf32, #tpu.memory_space<hbm>> -> memref<32x256xf32, #tpu.memory_space<hbm>>
          %dma_wait3A_159 = arith.constant 0 : i32
          %dma_wait3A_160 = tpu.memref_slice %arg8[%add3A_88, %dma_wait3A_159] : memref<160000x256xf32, #tpu.memory_space<hbm>> -> memref<32x256xf32, #tpu.memory_space<hbm>>
          tpu.wait_dma2 semaphore(%run_scoped3A : memref<!tpu.dma_semaphore, #tpu.memory_space<semaphore_mem>>) src(%arg12 : memref<32x256xf32, #tpu.memory_space<vmem>>) dst(%dma_wait3A_160 : memref<32x256xf32, #tpu.memory_space<hbm>>)
          tpu.yield
        }) : () -> ()
        %dma_start3A_109 = arith.constant 64 : i32
        %dma_start3A_110 = tpu.memref_slice %arg10[%dma_start3A_109] : memref<128xi32, #tpu.memory_space<vmem>> -> memref<32xi32, #tpu.memory_space<vmem>>
        %dma_start3A_111 = arith.constant 0 : i32
        %dma_start3A_112 = arith.constant 0 : i32
        %dma_start3A_113 = tpu.memref_slice %arg4[%dma_start3A_111, %dma_start3A_112] : memref<10000x256xf32, #tpu.memory_space<hbm>> -> memref<10000x256xf32, #tpu.memory_space<hbm>>
        tpu.enqueue_indirect_dma source(%dma_start3A_113 : memref<10000x256xf32, #tpu.memory_space<hbm>>) target(%arg12 : memref<32x256xf32, #tpu.memory_space<vmem>>) offsets(%dma_start3A_110 : memref<32xi32, #tpu.memory_space<vmem>>) semaphore(%arg13 : memref<!tpu.dma_semaphore, #tpu.memory_space<semaphore_mem>>)
        %dma_wait3A_114 = arith.constant 64 : i32
        %dma_wait3A_115 = tpu.memref_slice %arg10[%dma_wait3A_114] : memref<128xi32, #tpu.memory_space<vmem>> -> memref<32xi32, #tpu.memory_space<vmem>>
        %dma_wait3A_116 = arith.constant 0 : i32
        %dma_wait3A_117 = arith.constant 0 : i32
        %dma_wait3A_118 = tpu.memref_slice %arg4[%dma_wait3A_116, %dma_wait3A_117] : memref<10000x256xf32, #tpu.memory_space<hbm>> -> memref<10000x256xf32, #tpu.memory_space<hbm>>
        tpu.wait_indirect_dma semaphore(%arg13 : memref<!tpu.dma_semaphore, #tpu.memory_space<semaphore_mem>>) src(%dma_wait3A_118 : memref<10000x256xf32, #tpu.memory_space<hbm>>) dst(%arg12 : memref<32x256xf32, #tpu.memory_space<vmem>>)
        "tpu.region"() ({
          %run_scoped3A = tpu.sem_alloc : memref<!tpu.dma_semaphore, #tpu.memory_space<semaphore_mem>>
          %dma_start3A_153 = arith.constant 0 : i32
          %dma_start3A_154 = tpu.memref_slice %arg9[%add3A_88, %dma_start3A_153] : memref<160000x256xf32, #tpu.memory_space<hbm>> -> memref<32x256xf32, #tpu.memory_space<hbm>>
          %dma_start3A_155 = arith.constant 0 : i32
          %dma_start3A_156 = tpu.memref_slice %arg9[%add3A_88, %dma_start3A_155] : memref<160000x256xf32, #tpu.memory_space<hbm>> -> memref<32x256xf32, #tpu.memory_space<hbm>>
          tpu.enqueue_dma source(%arg12 : memref<32x256xf32, #tpu.memory_space<vmem>>) target(%dma_start3A_156 : memref<32x256xf32, #tpu.memory_space<hbm>>) target_semaphore(%run_scoped3A : memref<!tpu.dma_semaphore, #tpu.memory_space<semaphore_mem>>)
          %dma_wait3A_157 = arith.constant 0 : i32
          %dma_wait3A_158 = tpu.memref_slice %arg9[%add3A_88, %dma_wait3A_157] : memref<160000x256xf32, #tpu.memory_space<hbm>> -> memref<32x256xf32, #tpu.memory_space<hbm>>
          %dma_wait3A_159 = arith.constant 0 : i32
          %dma_wait3A_160 = tpu.memref_slice %arg9[%add3A_88, %dma_wait3A_159] : memref<160000x256xf32, #tpu.memory_space<hbm>> -> memref<32x256xf32, #tpu.memory_space<hbm>>
          tpu.wait_dma2 semaphore(%run_scoped3A : memref<!tpu.dma_semaphore, #tpu.memory_space<semaphore_mem>>) src(%arg12 : memref<32x256xf32, #tpu.memory_space<vmem>>) dst(%dma_wait3A_160 : memref<32x256xf32, #tpu.memory_space<hbm>>)
          tpu.yield
        }) : () -> ()
        %mul3A_119 = arith.constant 128 : i32
        %mul3A_120 = arith.muli %add3A_11, %mul3A_119 : i32
        %add3A_121 = arith.constant 96 : i32
        %add3A_122 = arith.addi %mul3A_120, %add3A_121 : i32
        %dma_start3A_123 = arith.constant 96 : i32
        %dma_start3A_124 = tpu.memref_slice %arg11[%dma_start3A_123] : memref<128xi32, #tpu.memory_space<vmem>> -> memref<32xi32, #tpu.memory_space<vmem>>
        %dma_start3A_125 = arith.constant 0 : i32
        %dma_start3A_126 = arith.constant 0 : i32
        %dma_start3A_127 = tpu.memref_slice %arg2[%dma_start3A_125, %dma_start3A_126] : memref<10000x256xf32, #tpu.memory_space<hbm>> -> memref<10000x256xf32, #tpu.memory_space<hbm>>
        tpu.enqueue_indirect_dma source(%dma_start3A_127 : memref<10000x256xf32, #tpu.memory_space<hbm>>) target(%arg12 : memref<32x256xf32, #tpu.memory_space<vmem>>) offsets(%dma_start3A_124 : memref<32xi32, #tpu.memory_space<vmem>>) semaphore(%arg13 : memref<!tpu.dma_semaphore, #tpu.memory_space<semaphore_mem>>)
        %dma_wait3A_128 = arith.constant 96 : i32
        %dma_wait3A_129 = tpu.memref_slice %arg11[%dma_wait3A_128] : memref<128xi32, #tpu.memory_space<vmem>> -> memref<32xi32, #tpu.memory_space<vmem>>
        %dma_wait3A_130 = arith.constant 0 : i32
        %dma_wait3A_131 = arith.constant 0 : i32
        %dma_wait3A_132 = tpu.memref_slice %arg2[%dma_wait3A_130, %dma_wait3A_131] : memref<10000x256xf32, #tpu.memory_space<hbm>> -> memref<10000x256xf32, #tpu.memory_space<hbm>>
        tpu.wait_indirect_dma semaphore(%arg13 : memref<!tpu.dma_semaphore, #tpu.memory_space<semaphore_mem>>) src(%dma_wait3A_132 : memref<10000x256xf32, #tpu.memory_space<hbm>>) dst(%arg12 : memref<32x256xf32, #tpu.memory_space<vmem>>)
        "tpu.region"() ({
          %run_scoped3A = tpu.sem_alloc : memref<!tpu.dma_semaphore, #tpu.memory_space<semaphore_mem>>
          %dma_start3A_153 = arith.constant 0 : i32
          %dma_start3A_154 = tpu.memref_slice %arg7[%add3A_122, %dma_start3A_153] : memref<160000x256xf32, #tpu.memory_space<hbm>> -> memref<32x256xf32, #tpu.memory_space<hbm>>
          %dma_start3A_155 = arith.constant 0 : i32
          %dma_start3A_156 = tpu.memref_slice %arg7[%add3A_122, %dma_start3A_155] : memref<160000x256xf32, #tpu.memory_space<hbm>> -> memref<32x256xf32, #tpu.memory_space<hbm>>
          tpu.enqueue_dma source(%arg12 : memref<32x256xf32, #tpu.memory_space<vmem>>) target(%dma_start3A_156 : memref<32x256xf32, #tpu.memory_space<hbm>>) target_semaphore(%run_scoped3A : memref<!tpu.dma_semaphore, #tpu.memory_space<semaphore_mem>>)
          %dma_wait3A_157 = arith.constant 0 : i32
          %dma_wait3A_158 = tpu.memref_slice %arg7[%add3A_122, %dma_wait3A_157] : memref<160000x256xf32, #tpu.memory_space<hbm>> -> memref<32x256xf32, #tpu.memory_space<hbm>>
          %dma_wait3A_159 = arith.constant 0 : i32
          %dma_wait3A_160 = tpu.memref_slice %arg7[%add3A_122, %dma_wait3A_159] : memref<160000x256xf32, #tpu.memory_space<hbm>> -> memref<32x256xf32, #tpu.memory_space<hbm>>
          tpu.wait_dma2 semaphore(%run_scoped3A : memref<!tpu.dma_semaphore, #tpu.memory_space<semaphore_mem>>) src(%arg12 : memref<32x256xf32, #tpu.memory_space<vmem>>) dst(%dma_wait3A_160 : memref<32x256xf32, #tpu.memory_space<hbm>>)
          tpu.yield
        }) : () -> ()
        %dma_start3A_133 = arith.constant 96 : i32
        %dma_start3A_134 = tpu.memref_slice %arg10[%dma_start3A_133] : memref<128xi32, #tpu.memory_space<vmem>> -> memref<32xi32, #tpu.memory_space<vmem>>
        %dma_start3A_135 = arith.constant 0 : i32
        %dma_start3A_136 = arith.constant 0 : i32
        %dma_start3A_137 = tpu.memref_slice %arg3[%dma_start3A_135, %dma_start3A_136] : memref<10000x256xf32, #tpu.memory_space<hbm>> -> memref<10000x256xf32, #tpu.memory_space<hbm>>
        tpu.enqueue_indirect_dma source(%dma_start3A_137 : memref<10000x256xf32, #tpu.memory_space<hbm>>) target(%arg12 : memref<32x256xf32, #tpu.memory_space<vmem>>) offsets(%dma_start3A_134 : memref<32xi32, #tpu.memory_space<vmem>>) semaphore(%arg13 : memref<!tpu.dma_semaphore, #tpu.memory_space<semaphore_mem>>)
        %dma_wait3A_138 = arith.constant 96 : i32
        %dma_wait3A_139 = tpu.memref_slice %arg10[%dma_wait3A_138] : memref<128xi32, #tpu.memory_space<vmem>> -> memref<32xi32, #tpu.memory_space<vmem>>
        %dma_wait3A_140 = arith.constant 0 : i32
        %dma_wait3A_141 = arith.constant 0 : i32
        %dma_wait3A_142 = tpu.memref_slice %arg3[%dma_wait3A_140, %dma_wait3A_141] : memref<10000x256xf32, #tpu.memory_space<hbm>> -> memref<10000x256xf32, #tpu.memory_space<hbm>>
        tpu.wait_indirect_dma semaphore(%arg13 : memref<!tpu.dma_semaphore, #tpu.memory_space<semaphore_mem>>) src(%dma_wait3A_142 : memref<10000x256xf32, #tpu.memory_space<hbm>>) dst(%arg12 : memref<32x256xf32, #tpu.memory_space<vmem>>)
        "tpu.region"() ({
          %run_scoped3A = tpu.sem_alloc : memref<!tpu.dma_semaphore, #tpu.memory_space<semaphore_mem>>
          %dma_start3A_153 = arith.constant 0 : i32
          %dma_start3A_154 = tpu.memref_slice %arg8[%add3A_122, %dma_start3A_153] : memref<160000x256xf32, #tpu.memory_space<hbm>> -> memref<32x256xf32, #tpu.memory_space<hbm>>
          %dma_start3A_155 = arith.constant 0 : i32
          %dma_start3A_156 = tpu.memref_slice %arg8[%add3A_122, %dma_start3A_155] : memref<160000x256xf32, #tpu.memory_space<hbm>> -> memref<32x256xf32, #tpu.memory_space<hbm>>
          tpu.enqueue_dma source(%arg12 : memref<32x256xf32, #tpu.memory_space<vmem>>) target(%dma_start3A_156 : memref<32x256xf32, #tpu.memory_space<hbm>>) target_semaphore(%run_scoped3A : memref<!tpu.dma_semaphore, #tpu.memory_space<semaphore_mem>>)
          %dma_wait3A_157 = arith.constant 0 : i32
          %dma_wait3A_158 = tpu.memref_slice %arg8[%add3A_122, %dma_wait3A_157] : memref<160000x256xf32, #tpu.memory_space<hbm>> -> memref<32x256xf32, #tpu.memory_space<hbm>>
          %dma_wait3A_159 = arith.constant 0 : i32
          %dma_wait3A_160 = tpu.memref_slice %arg8[%add3A_122, %dma_wait3A_159] : memref<160000x256xf32, #tpu.memory_space<hbm>> -> memref<32x256xf32, #tpu.memory_space<hbm>>
          tpu.wait_dma2 semaphore(%run_scoped3A : memref<!tpu.dma_semaphore, #tpu.memory_space<semaphore_mem>>) src(%arg12 : memref<32x256xf32, #tpu.memory_space<vmem>>) dst(%dma_wait3A_160 : memref<32x256xf32, #tpu.memory_space<hbm>>)
          tpu.yield
        }) : () -> ()
        %dma_start3A_143 = arith.constant 96 : i32
        %dma_start3A_144 = tpu.memref_slice %arg10[%dma_start3A_143] : memref<128xi32, #tpu.memory_space<vmem>> -> memref<32xi32, #tpu.memory_space<vmem>>
        %dma_start3A_145 = arith.constant 0 : i32
        %dma_start3A_146 = arith.constant 0 : i32
        %dma_start3A_147 = tpu.memref_slice %arg4[%dma_start3A_145, %dma_start3A_146] : memref<10000x256xf32, #tpu.memory_space<hbm>> -> memref<10000x256xf32, #tpu.memory_space<hbm>>
        tpu.enqueue_indirect_dma source(%dma_start3A_147 : memref<10000x256xf32, #tpu.memory_space<hbm>>) target(%arg12 : memref<32x256xf32, #tpu.memory_space<vmem>>) offsets(%dma_start3A_144 : memref<32xi32, #tpu.memory_space<vmem>>) semaphore(%arg13 : memref<!tpu.dma_semaphore, #tpu.memory_space<semaphore_mem>>)
        %dma_wait3A_148 = arith.constant 96 : i32
        %dma_wait3A_149 = tpu.memref_slice %arg10[%dma_wait3A_148] : memref<128xi32, #tpu.memory_space<vmem>> -> memref<32xi32, #tpu.memory_space<vmem>>
        %dma_wait3A_150 = arith.constant 0 : i32
        %dma_wait3A_151 = arith.constant 0 : i32
        %dma_wait3A_152 = tpu.memref_slice %arg4[%dma_wait3A_150, %dma_wait3A_151] : memref<10000x256xf32, #tpu.memory_space<hbm>> -> memref<10000x256xf32, #tpu.memory_space<hbm>>
        tpu.wait_indirect_dma semaphore(%arg13 : memref<!tpu.dma_semaphore, #tpu.memory_space<semaphore_mem>>) src(%dma_wait3A_152 : memref<10000x256xf32, #tpu.memory_space<hbm>>) dst(%arg12 : memref<32x256xf32, #tpu.memory_space<vmem>>)
        "tpu.region"() ({
          %run_scoped3A = tpu.sem_alloc : memref<!tpu.dma_semaphore, #tpu.memory_space<semaphore_mem>>
          %dma_start3A_153 = arith.constant 0 : i32
          %dma_start3A_154 = tpu.memref_slice %arg9[%add3A_122, %dma_start3A_153] : memref<160000x256xf32, #tpu.memory_space<hbm>> -> memref<32x256xf32, #tpu.memory_space<hbm>>
          %dma_start3A_155 = arith.constant 0 : i32
          %dma_start3A_156 = tpu.memref_slice %arg9[%add3A_122, %dma_start3A_155] : memref<160000x256xf32, #tpu.memory_space<hbm>> -> memref<32x256xf32, #tpu.memory_space<hbm>>
          tpu.enqueue_dma source(%arg12 : memref<32x256xf32, #tpu.memory_space<vmem>>) target(%dma_start3A_156 : memref<32x256xf32, #tpu.memory_space<hbm>>) target_semaphore(%run_scoped3A : memref<!tpu.dma_semaphore, #tpu.memory_space<semaphore_mem>>)
          %dma_wait3A_157 = arith.constant 0 : i32
          %dma_wait3A_158 = tpu.memref_slice %arg9[%add3A_122, %dma_wait3A_157] : memref<160000x256xf32, #tpu.memory_space<hbm>> -> memref<32x256xf32, #tpu.memory_space<hbm>>
          %dma_wait3A_159 = arith.constant 0 : i32
          %dma_wait3A_160 = tpu.memref_slice %arg9[%add3A_122, %dma_wait3A_159] : memref<160000x256xf32, #tpu.memory_space<hbm>> -> memref<32x256xf32, #tpu.memory_space<hbm>>
          tpu.wait_dma2 semaphore(%run_scoped3A : memref<!tpu.dma_semaphore, #tpu.memory_space<semaphore_mem>>) src(%arg12 : memref<32x256xf32, #tpu.memory_space<vmem>>) dst(%dma_wait3A_160 : memref<32x256xf32, #tpu.memory_space<hbm>>)
          tpu.yield
        }) : () -> ()
      } else {
      }
      %scan3A_14 = arith.constant 0 : i32
      scf.yield %scan3A_14 : i32
    }
    %scan3A_6 = arith.constant 40 : i32
    return
  }
}

#map = affine_map<(d0, d1) -> (0, 0, 0)>
#map1 = affine_map<(d0, d1) -> (0)>
module attributes {stable_mosaic.version = 14 : i64} {
  func.func @_sc_agg_body(%arg0: i32, %arg1: i32, %arg2: memref<4x160000x128xf32, #tpu.memory_space<hbm>>, %arg3: memref<160000xi32, #tpu.memory_space<hbm>>, %arg4: memref<4x5120x128xf32, #tpu.memory_space<hbm>>, %arg5: memref<5120x128xf32, #tpu.memory_space<vmem_shared>>, %arg6: memref<8x128xf32, #tpu.memory_space<vmem>>, %arg7: memref<64x128xf32, #tpu.memory_space<vmem>>, %arg8: memref<64xi32, #tpu.memory_space<vmem>>) attributes {dimension_semantics = [#tpu.dimension_semantics<core_parallel>, #tpu.dimension_semantics<subcore_parallel>], iteration_bounds = array<i64: 2, 16>, scalar_prefetch = 0 : i64, scratch_operands = 4 : i64, tpu.core_type = #tpu.core_type<sc_vector_subcore>, window_params = [{transform_indices = #map}, {transform_indices = #map1}, {transform_indices = #map}]} {
    %scan3A = arith.constant 0 : i32
    %scan3A_0 = arith.constant 0 : i32
    %scan3A_1 = arith.constant 8 : i32
    %scan3A_2 = arith.addi %scan3A_0, %scan3A_1 : i32
    %scan3A_3 = arith.constant 1 : i32
    %scan3A_4 = scf.for %scan3A_49 = %scan3A_0 to %scan3A_2 step %scan3A_3 iter_args(%scan3A_50 = %scan3A) -> (i32)  : i32 {
      %broadcast_in_dim3A = arith.constant 0.000000e+00 : f32
      %broadcast_in_dim3A_51 = vector.broadcast %broadcast_in_dim3A : f32 to vector<16xf32>
      %swap3A = arith.index_cast %scan3A_49 : i32 to index
      %swap3A_52 = arith.constant 0 : index
      %swap3A_53 = tpu.vector_load %arg6[%swap3A, %swap3A_52] {strides = array<i32>} : memref<8x128xf32, #tpu.memory_space<vmem>>, vector<1x16xf32>,
      %swap3A_54 = vector.shape_cast %swap3A_53 : vector<1x16xf32> to vector<16xf32>
      %swap3A_55 = vector.shape_cast %broadcast_in_dim3A_51 : vector<16xf32> to vector<1x16xf32>
      tpu.vector_store %arg6[%swap3A, %swap3A_52], %swap3A_55 {strides = array<i32>} : memref<8x128xf32, #tpu.memory_space<vmem>>, vector<1x16xf32>,
      %broadcast_in_dim3A_56 = arith.constant 0.000000e+00 : f32
      %broadcast_in_dim3A_57 = vector.broadcast %broadcast_in_dim3A_56 : f32 to vector<16xf32>
      %swap3A_58 = arith.index_cast %scan3A_49 : i32 to index
      %swap3A_59 = arith.constant 16 : index
      %swap3A_60 = tpu.vector_load %arg6[%swap3A_58, %swap3A_59] {strides = array<i32>} : memref<8x128xf32, #tpu.memory_space<vmem>>, vector<1x16xf32>,
      %swap3A_61 = vector.shape_cast %swap3A_60 : vector<1x16xf32> to vector<16xf32>
      %swap3A_62 = vector.shape_cast %broadcast_in_dim3A_57 : vector<16xf32> to vector<1x16xf32>
      tpu.vector_store %arg6[%swap3A_58, %swap3A_59], %swap3A_62 {strides = array<i32>} : memref<8x128xf32, #tpu.memory_space<vmem>>, vector<1x16xf32>,
      %broadcast_in_dim3A_63 = arith.constant 0.000000e+00 : f32
      %broadcast_in_dim3A_64 = vector.broadcast %broadcast_in_dim3A_63 : f32 to vector<16xf32>
      %swap3A_65 = arith.index_cast %scan3A_49 : i32 to index
      %swap3A_66 = arith.constant 32 : index
      %swap3A_67 = tpu.vector_load %arg6[%swap3A_65, %swap3A_66] {strides = array<i32>} : memref<8x128xf32, #tpu.memory_space<vmem>>, vector<1x16xf32>,
      %swap3A_68 = vector.shape_cast %swap3A_67 : vector<1x16xf32> to vector<16xf32>
      %swap3A_69 = vector.shape_cast %broadcast_in_dim3A_64 : vector<16xf32> to vector<1x16xf32>
      tpu.vector_store %arg6[%swap3A_65, %swap3A_66], %swap3A_69 {strides = array<i32>} : memref<8x128xf32, #tpu.memory_space<vmem>>, vector<1x16xf32>,
      %broadcast_in_dim3A_70 = arith.constant 0.000000e+00 : f32
      %broadcast_in_dim3A_71 = vector.broadcast %broadcast_in_dim3A_70 : f32 to vector<16xf32>
      %swap3A_72 = arith.index_cast %scan3A_49 : i32 to index
      %swap3A_73 = arith.constant 48 : index
      %swap3A_74 = tpu.vector_load %arg6[%swap3A_72, %swap3A_73] {strides = array<i32>} : memref<8x128xf32, #tpu.memory_space<vmem>>, vector<1x16xf32>,
      %swap3A_75 = vector.shape_cast %swap3A_74 : vector<1x16xf32> to vector<16xf32>
      %swap3A_76 = vector.shape_cast %broadcast_in_dim3A_71 : vector<16xf32> to vector<1x16xf32>
      tpu.vector_store %arg6[%swap3A_72, %swap3A_73], %swap3A_76 {strides = array<i32>} : memref<8x128xf32, #tpu.memory_space<vmem>>, vector<1x16xf32>,
      %broadcast_in_dim3A_77 = arith.constant 0.000000e+00 : f32
      %broadcast_in_dim3A_78 = vector.broadcast %broadcast_in_dim3A_77 : f32 to vector<16xf32>
      %swap3A_79 = arith.index_cast %scan3A_49 : i32 to index
      %swap3A_80 = arith.constant 64 : index
      %swap3A_81 = tpu.vector_load %arg6[%swap3A_79, %swap3A_80] {strides = array<i32>} : memref<8x128xf32, #tpu.memory_space<vmem>>, vector<1x16xf32>,
      %swap3A_82 = vector.shape_cast %swap3A_81 : vector<1x16xf32> to vector<16xf32>
      %swap3A_83 = vector.shape_cast %broadcast_in_dim3A_78 : vector<16xf32> to vector<1x16xf32>
      tpu.vector_store %arg6[%swap3A_79, %swap3A_80], %swap3A_83 {strides = array<i32>} : memref<8x128xf32, #tpu.memory_space<vmem>>, vector<1x16xf32>,
      %broadcast_in_dim3A_84 = arith.constant 0.000000e+00 : f32
      %broadcast_in_dim3A_85 = vector.broadcast %broadcast_in_dim3A_84 : f32 to vector<16xf32>
      %swap3A_86 = arith.index_cast %scan3A_49 : i32 to index
      %swap3A_87 = arith.constant 80 : index
      %swap3A_88 = tpu.vector_load %arg6[%swap3A_86, %swap3A_87] {strides = array<i32>} : memref<8x128xf32, #tpu.memory_space<vmem>>, vector<1x16xf32>,
      %swap3A_89 = vector.shape_cast %swap3A_88 : vector<1x16xf32> to vector<16xf32>
      %swap3A_90 = vector.shape_cast %broadcast_in_dim3A_85 : vector<16xf32> to vector<1x16xf32>
      tpu.vector_store %arg6[%swap3A_86, %swap3A_87], %swap3A_90 {strides = array<i32>} : memref<8x128xf32, #tpu.memory_space<vmem>>, vector<1x16xf32>,
      %broadcast_in_dim3A_91 = arith.constant 0.000000e+00 : f32
      %broadcast_in_dim3A_92 = vector.broadcast %broadcast_in_dim3A_91 : f32 to vector<16xf32>
      %swap3A_93 = arith.index_cast %scan3A_49 : i32 to index
      %swap3A_94 = arith.constant 96 : index
      %swap3A_95 = tpu.vector_load %arg6[%swap3A_93, %swap3A_94] {strides = array<i32>} : memref<8x128xf32, #tpu.memory_space<vmem>>, vector<1x16xf32>,
      %swap3A_96 = vector.shape_cast %swap3A_95 : vector<1x16xf32> to vector<16xf32>
      %swap3A_97 = vector.shape_cast %broadcast_in_dim3A_92 : vector<16xf32> to vector<1x16xf32>
      tpu.vector_store %arg6[%swap3A_93, %swap3A_94], %swap3A_97 {strides = array<i32>} : memref<8x128xf32, #tpu.memory_space<vmem>>, vector<1x16xf32>,
      %broadcast_in_dim3A_98 = arith.constant 0.000000e+00 : f32
      %broadcast_in_dim3A_99 = vector.broadcast %broadcast_in_dim3A_98 : f32 to vector<16xf32>
      %swap3A_100 = arith.index_cast %scan3A_49 : i32 to index
      %swap3A_101 = arith.constant 112 : index
      %swap3A_102 = tpu.vector_load %arg6[%swap3A_100, %swap3A_101] {strides = array<i32>} : memref<8x128xf32, #tpu.memory_space<vmem>>, vector<1x16xf32>,
      %swap3A_103 = vector.shape_cast %swap3A_102 : vector<1x16xf32> to vector<16xf32>
      %swap3A_104 = vector.shape_cast %broadcast_in_dim3A_99 : vector<16xf32> to vector<1x16xf32>
      tpu.vector_store %arg6[%swap3A_100, %swap3A_101], %swap3A_104 {strides = array<i32>} : memref<8x128xf32, #tpu.memory_space<vmem>>, vector<1x16xf32>,
      %scan3A_105 = arith.constant 0 : i32
      scf.yield %scan3A_105 : i32
    }
    %scan3A_5 = arith.constant 8 : i32
    %add3A = arith.constant 0 : i32
    %add3A_6 = arith.addi %arg0, %add3A : i32
    %scan3A_7 = arith.constant 0 : i32
    %scan3A_8 = arith.constant 0 : i32
    %scan3A_9 = arith.constant 40 : i32
    %scan3A_10 = arith.addi %scan3A_8, %scan3A_9 : i32
    %scan3A_11 = arith.constant 1 : i32
    %scan3A_12 = scf.for %scan3A_49 = %scan3A_8 to %scan3A_10 step %scan3A_11 iter_args(%scan3A_50 = %scan3A_7) -> (i32)  : i32 {
      %mul3A_51 = arith.constant 320 : i32
      %mul3A_52 = arith.muli %arg1, %mul3A_51 : i32
      %mul3A_53 = arith.constant 8 : i32
      %mul3A_54 = arith.muli %scan3A_49, %mul3A_53 : i32
      %add3A_55 = arith.addi %mul3A_52, %mul3A_54 : i32
      "tpu.region"() ({
        %run_scoped3A = tpu.sem_alloc : memref<!tpu.dma_semaphore, #tpu.memory_space<semaphore_mem>>
        %dma_start3A = arith.constant 0 : i32
        %dma_start3A_57 = tpu.memref_slice %arg5[%add3A_55, %dma_start3A] : memref<5120x128xf32, #tpu.memory_space<vmem_shared>> -> memref<8x128xf32, #tpu.memory_space<vmem_shared>>
        %dma_start3A_58 = arith.constant 0 : i32
        %dma_start3A_59 = tpu.memref_slice %arg5[%add3A_55, %dma_start3A_58] : memref<5120x128xf32, #tpu.memory_space<vmem_shared>> -> memref<8x128xf32, #tpu.memory_space<vmem_shared>>
        tpu.enqueue_dma source(%arg6 : memref<8x128xf32, #tpu.memory_space<vmem>>) target(%dma_start3A_59 : memref<8x128xf32, #tpu.memory_space<vmem_shared>>) target_semaphore(%run_scoped3A : memref<!tpu.dma_semaphore, #tpu.memory_space<semaphore_mem>>)
        %dma_wait3A = arith.constant 0 : i32
        %dma_wait3A_60 = tpu.memref_slice %arg5[%add3A_55, %dma_wait3A] : memref<5120x128xf32, #tpu.memory_space<vmem_shared>> -> memref<8x128xf32, #tpu.memory_space<vmem_shared>>
        %dma_wait3A_61 = arith.constant 0 : i32
        %dma_wait3A_62 = tpu.memref_slice %arg5[%add3A_55, %dma_wait3A_61] : memref<5120x128xf32, #tpu.memory_space<vmem_shared>> -> memref<8x128xf32, #tpu.memory_space<vmem_shared>>
        tpu.wait_dma2 semaphore(%run_scoped3A : memref<!tpu.dma_semaphore, #tpu.memory_space<semaphore_mem>>) src(%arg6 : memref<8x128xf32, #tpu.memory_space<vmem>>) dst(%dma_wait3A_62 : memref<8x128xf32, #tpu.memory_space<vmem_shared>>)
        tpu.yield
      }) : () -> ()
      %scan3A_56 = arith.constant 0 : i32
      scf.yield %scan3A_56 : i32
    }
    %scan3A_13 = arith.constant 40 : i32
    %barrier3A = arith.constant 0 : index
    tpu.barrier barrier_id(%barrier3A)
    %scan3A_14 = arith.constant 0 : i32
    %scan3A_15 = arith.constant 0 : i32
    %scan3A_16 = arith.constant 157 : i32
    %scan3A_17 = arith.addi %scan3A_15, %scan3A_16 : i32
    %scan3A_18 = arith.constant 1 : i32
    %scan3A_19 = scf.for %scan3A_49 = %scan3A_15 to %scan3A_17 step %scan3A_18 iter_args(%scan3A_50 = %scan3A_14) -> (i32)  : i32 {
      %mul3A_51 = arith.constant 16 : i32
      %mul3A_52 = arith.muli %mul3A_51, %scan3A_49 : i32
      %add3A_53 = arith.addi %arg1, %mul3A_52 : i32
      %lt3A = arith.constant 2500 : i32
      %lt3A_54 = arith.cmpi slt, %add3A_53, %lt3A : i32
      %convert_element_type3A = arith.extui %lt3A_54 : i1 to i32
      %cond3A = arith.constant 0 : i32
      %cond3A_55 = arith.cmpi ne, %convert_element_type3A, %cond3A : i32
      scf.if %cond3A_55 {
        %mul3A_57 = arith.constant 64 : i32
        %mul3A_58 = arith.muli %add3A_53, %mul3A_57 : i32
        "tpu.region"() ({
          %run_scoped3A = tpu.sem_alloc : memref<!tpu.dma_semaphore, #tpu.memory_space<semaphore_mem>>
          %dma_start3A = tpu.memref_slice %arg3[%mul3A_58] : memref<160000xi32, #tpu.memory_space<hbm>> -> memref<64xi32, #tpu.memory_space<hbm>>
          %dma_start3A_61 = tpu.memref_slice %arg3[%mul3A_58] : memref<160000xi32, #tpu.memory_space<hbm>> -> memref<64xi32, #tpu.memory_space<hbm>>
          tpu.enqueue_dma source(%dma_start3A_61 : memref<64xi32, #tpu.memory_space<hbm>>) target(%arg8 : memref<64xi32, #tpu.memory_space<vmem>>) target_semaphore(%run_scoped3A : memref<!tpu.dma_semaphore, #tpu.memory_space<semaphore_mem>>)
          %dma_wait3A = tpu.memref_slice %arg3[%mul3A_58] : memref<160000xi32, #tpu.memory_space<hbm>> -> memref<64xi32, #tpu.memory_space<hbm>>
          %dma_wait3A_62 = tpu.memref_slice %arg3[%mul3A_58] : memref<160000xi32, #tpu.memory_space<hbm>> -> memref<64xi32, #tpu.memory_space<hbm>>
          tpu.wait_dma2 semaphore(%run_scoped3A : memref<!tpu.dma_semaphore, #tpu.memory_space<semaphore_mem>>) src(%dma_wait3A_62 : memref<64xi32, #tpu.memory_space<hbm>>) dst(%arg8 : memref<64xi32, #tpu.memory_space<vmem>>)
          tpu.yield
        }) : () -> ()
        %mul3A_59 = arith.constant 64 : i32
        %mul3A_60 = arith.muli %add3A_53, %mul3A_59 : i32
        "tpu.region"() ({
          %run_scoped3A = tpu.sem_alloc : memref<!tpu.dma_semaphore, #tpu.memory_space<semaphore_mem>>
          %dma_start3A = arith.constant 0 : i32
          %dma_start3A_61 = tpu.memref_slice %arg2[%add3A_6, %mul3A_60, %dma_start3A] : memref<4x160000x128xf32, #tpu.memory_space<hbm>> -> memref<1x64x128xf32, #tpu.memory_space<hbm>>
          %dma_start3A_62 = tpu.memref_squeeze %dma_start3A_61 : memref<1x64x128xf32, #tpu.memory_space<hbm>> -> memref<64x128xf32, #tpu.memory_space<hbm>>
          %dma_start3A_63 = arith.constant 0 : i32
          %dma_start3A_64 = tpu.memref_slice %arg2[%add3A_6, %mul3A_60, %dma_start3A_63] : memref<4x160000x128xf32, #tpu.memory_space<hbm>> -> memref<1x64x128xf32, #tpu.memory_space<hbm>>
          %dma_start3A_65 = tpu.memref_squeeze %dma_start3A_64 : memref<1x64x128xf32, #tpu.memory_space<hbm>> -> memref<64x128xf32, #tpu.memory_space<hbm>>
          tpu.enqueue_dma source(%dma_start3A_65 : memref<64x128xf32, #tpu.memory_space<hbm>>) target(%arg7 : memref<64x128xf32, #tpu.memory_space<vmem>>) target_semaphore(%run_scoped3A : memref<!tpu.dma_semaphore, #tpu.memory_space<semaphore_mem>>)
          %dma_wait3A = arith.constant 0 : i32
          %dma_wait3A_66 = tpu.memref_slice %arg2[%add3A_6, %mul3A_60, %dma_wait3A] : memref<4x160000x128xf32, #tpu.memory_space<hbm>> -> memref<1x64x128xf32, #tpu.memory_space<hbm>>
          %dma_wait3A_67 = tpu.memref_squeeze %dma_wait3A_66 : memref<1x64x128xf32, #tpu.memory_space<hbm>> -> memref<64x128xf32, #tpu.memory_space<hbm>>
          %dma_wait3A_68 = arith.constant 0 : i32
          %dma_wait3A_69 = tpu.memref_slice %arg2[%add3A_6, %mul3A_60, %dma_wait3A_68] : memref<4x160000x128xf32, #tpu.memory_space<hbm>> -> memref<1x64x128xf32, #tpu.memory_space<hbm>>
          %dma_wait3A_70 = tpu.memref_squeeze %dma_wait3A_69 : memref<1x64x128xf32, #tpu.memory_space<hbm>> -> memref<64x128xf32, #tpu.memory_space<hbm>>
          tpu.wait_dma2 semaphore(%run_scoped3A : memref<!tpu.dma_semaphore, #tpu.memory_space<semaphore_mem>>) src(%dma_wait3A_70 : memref<64x128xf32, #tpu.memory_space<hbm>>) dst(%arg7 : memref<64x128xf32, #tpu.memory_space<vmem>>)
          tpu.yield
        }) : () -> ()
        "tpu.region"() ({
          %run_scoped3A = tpu.sem_alloc : memref<!tpu.dma_semaphore, #tpu.memory_space<semaphore_mem>>
          %dma_start3A = arith.constant 0 : i32
          %dma_start3A_61 = arith.constant 0 : i32
          %dma_start3A_62 = tpu.memref_slice %arg5[%dma_start3A, %dma_start3A_61] : memref<5120x128xf32, #tpu.memory_space<vmem_shared>> -> memref<5120x128xf32, #tpu.memory_space<vmem_shared>>
          tpu.enqueue_indirect_dma source(%arg7 : memref<64x128xf32, #tpu.memory_space<vmem>>) target(%dma_start3A_62 : memref<5120x128xf32, #tpu.memory_space<vmem_shared>>) offsets(%arg8 : memref<64xi32, #tpu.memory_space<vmem>>) semaphore(%run_scoped3A : memref<!tpu.dma_semaphore, #tpu.memory_space<semaphore_mem>>) {add = true}
          %dma_wait3A = arith.constant 0 : i32
          %dma_wait3A_63 = arith.constant 0 : i32
          %dma_wait3A_64 = tpu.memref_slice %arg5[%dma_wait3A, %dma_wait3A_63] : memref<5120x128xf32, #tpu.memory_space<vmem_shared>> -> memref<5120x128xf32, #tpu.memory_space<vmem_shared>>
          tpu.wait_indirect_dma semaphore(%run_scoped3A : memref<!tpu.dma_semaphore, #tpu.memory_space<semaphore_mem>>) src(%arg7 : memref<64x128xf32, #tpu.memory_space<vmem>>) dst(%dma_wait3A_64 : memref<5120x128xf32, #tpu.memory_space<vmem_shared>>)
          tpu.yield
        }) : () -> ()
      } else {
      }
      %scan3A_56 = arith.constant 0 : i32
      scf.yield %scan3A_56 : i32
    }
    %scan3A_20 = arith.constant 157 : i32
    %barrier3A_21 = arith.constant 0 : index
    tpu.barrier barrier_id(%barrier3A_21)
    %mul3A = arith.constant 320 : i32
    %mul3A_22 = arith.muli %arg1, %mul3A : i32
    %mul3A_23 = arith.constant 320 : i32
    %mul3A_24 = arith.muli %arg1, %mul3A_23 : i32
    "tpu.region"() ({
      %run_scoped3A = tpu.sem_alloc : memref<!tpu.dma_semaphore, #tpu.memory_space<semaphore_mem>>
      %dma_start3A = arith.constant 0 : i32
      %dma_start3A_49 = tpu.memref_slice %arg4[%add3A_6, %mul3A_24, %dma_start3A] : memref<4x5120x128xf32, #tpu.memory_space<hbm>> -> memref<1x320x128xf32, #tpu.memory_space<hbm>>
      %dma_start3A_50 = tpu.memref_squeeze %dma_start3A_49 : memref<1x320x128xf32, #tpu.memory_space<hbm>> -> memref<320x128xf32, #tpu.memory_space<hbm>>
      %dma_start3A_51 = arith.constant 0 : i32
      %dma_start3A_52 = tpu.memref_slice %arg5[%mul3A_22, %dma_start3A_51] : memref<5120x128xf32, #tpu.memory_space<vmem_shared>> -> memref<320x128xf32, #tpu.memory_space<vmem_shared>>
      tpu.enqueue_dma source(%dma_start3A_52 : memref<320x128xf32, #tpu.memory_space<vmem_shared>>) target(%dma_start3A_50 : memref<320x128xf32, #tpu.memory_space<hbm>>) target_semaphore(%run_scoped3A : memref<!tpu.dma_semaphore, #tpu.memory_space<semaphore_mem>>)
      %dma_wait3A = arith.constant 0 : i32
      %dma_wait3A_53 = tpu.memref_slice %arg4[%add3A_6, %mul3A_24, %dma_wait3A] : memref<4x5120x128xf32, #tpu.memory_space<hbm>> -> memref<1x320x128xf32, #tpu.memory_space<hbm>>
      %dma_wait3A_54 = tpu.memref_squeeze %dma_wait3A_53 : memref<1x320x128xf32, #tpu.memory_space<hbm>> -> memref<320x128xf32, #tpu.memory_space<hbm>>
      %dma_wait3A_55 = arith.constant 0 : i32
      %dma_wait3A_56 = tpu.memref_slice %arg5[%mul3A_22, %dma_wait3A_55] : memref<5120x128xf32, #tpu.memory_space<vmem_shared>> -> memref<320x128xf32, #tpu.memory_space<vmem_shared>>
      tpu.wait_dma2 semaphore(%run_scoped3A : memref<!tpu.dma_semaphore, #tpu.memory_space<semaphore_mem>>) src(%dma_wait3A_56 : memref<320x128xf32, #tpu.memory_space<vmem_shared>>) dst(%dma_wait3A_54 : memref<320x128xf32, #tpu.memory_space<hbm>>)
      tpu.yield
    }) : () -> ()
    %barrier3A_25 = arith.constant 0 : index
    tpu.barrier barrier_id(%barrier3A_25)
    %add3A_26 = arith.constant 2 : i32
    %add3A_27 = arith.addi %arg0, %add3A_26 : i32
    %scan3A_28 = arith.constant 0 : i32
    %scan3A_29 = arith.constant 0 : i32
    %scan3A_30 = arith.constant 40 : i32
    %scan3A_31 = arith.addi %scan3A_29, %scan3A_30 : i32
    %scan3A_32 = arith.constant 1 : i32
    %scan3A_33 = scf.for %scan3A_49 = %scan3A_29 to %scan3A_31 step %scan3A_32 iter_args(%scan3A_50 = %scan3A_28) -> (i32)  : i32 {
      %mul3A_51 = arith.constant 320 : i32
      %mul3A_52 = arith.muli %arg1, %mul3A_51 : i32
      %mul3A_53 = arith.constant 8 : i32
      %mul3A_54 = arith.muli %scan3A_49, %mul3A_53 : i32
      %add3A_55 = arith.addi %mul3A_52, %mul3A_54 : i32
      "tpu.region"() ({
        %run_scoped3A = tpu.sem_alloc : memref<!tpu.dma_semaphore, #tpu.memory_space<semaphore_mem>>
        %dma_start3A = arith.constant 0 : i32
        %dma_start3A_57 = tpu.memref_slice %arg5[%add3A_55, %dma_start3A] : memref<5120x128xf32, #tpu.memory_space<vmem_shared>> -> memref<8x128xf32, #tpu.memory_space<vmem_shared>>
        %dma_start3A_58 = arith.constant 0 : i32
        %dma_start3A_59 = tpu.memref_slice %arg5[%add3A_55, %dma_start3A_58] : memref<5120x128xf32, #tpu.memory_space<vmem_shared>> -> memref<8x128xf32, #tpu.memory_space<vmem_shared>>
        tpu.enqueue_dma source(%arg6 : memref<8x128xf32, #tpu.memory_space<vmem>>) target(%dma_start3A_59 : memref<8x128xf32, #tpu.memory_space<vmem_shared>>) target_semaphore(%run_scoped3A : memref<!tpu.dma_semaphore, #tpu.memory_space<semaphore_mem>>)
        %dma_wait3A = arith.constant 0 : i32
        %dma_wait3A_60 = tpu.memref_slice %arg5[%add3A_55, %dma_wait3A] : memref<5120x128xf32, #tpu.memory_space<vmem_shared>> -> memref<8x128xf32, #tpu.memory_space<vmem_shared>>
        %dma_wait3A_61 = arith.constant 0 : i32
        %dma_wait3A_62 = tpu.memref_slice %arg5[%add3A_55, %dma_wait3A_61] : memref<5120x128xf32, #tpu.memory_space<vmem_shared>> -> memref<8x128xf32, #tpu.memory_space<vmem_shared>>
        tpu.wait_dma2 semaphore(%run_scoped3A : memref<!tpu.dma_semaphore, #tpu.memory_space<semaphore_mem>>) src(%arg6 : memref<8x128xf32, #tpu.memory_space<vmem>>) dst(%dma_wait3A_62 : memref<8x128xf32, #tpu.memory_space<vmem_shared>>)
        tpu.yield
      }) : () -> ()
      %scan3A_56 = arith.constant 0 : i32
      scf.yield %scan3A_56 : i32
    }
    %scan3A_34 = arith.constant 40 : i32
    %barrier3A_35 = arith.constant 0 : index
    tpu.barrier barrier_id(%barrier3A_35)
    %scan3A_36 = arith.constant 0 : i32
    %scan3A_37 = arith.constant 0 : i32
    %scan3A_38 = arith.constant 157 : i32
    %scan3A_39 = arith.addi %scan3A_37, %scan3A_38 : i32
    %scan3A_40 = arith.constant 1 : i32
    %scan3A_41 = scf.for %scan3A_49 = %scan3A_37 to %scan3A_39 step %scan3A_40 iter_args(%scan3A_50 = %scan3A_36) -> (i32)  : i32 {
      %mul3A_51 = arith.constant 16 : i32
      %mul3A_52 = arith.muli %mul3A_51, %scan3A_49 : i32
      %add3A_53 = arith.addi %arg1, %mul3A_52 : i32
      %lt3A = arith.constant 2500 : i32
      %lt3A_54 = arith.cmpi slt, %add3A_53, %lt3A : i32
      %convert_element_type3A = arith.extui %lt3A_54 : i1 to i32
      %cond3A = arith.constant 0 : i32
      %cond3A_55 = arith.cmpi ne, %convert_element_type3A, %cond3A : i32
      scf.if %cond3A_55 {
        %mul3A_57 = arith.constant 64 : i32
        %mul3A_58 = arith.muli %add3A_53, %mul3A_57 : i32
        "tpu.region"() ({
          %run_scoped3A = tpu.sem_alloc : memref<!tpu.dma_semaphore, #tpu.memory_space<semaphore_mem>>
          %dma_start3A = tpu.memref_slice %arg3[%mul3A_58] : memref<160000xi32, #tpu.memory_space<hbm>> -> memref<64xi32, #tpu.memory_space<hbm>>
          %dma_start3A_61 = tpu.memref_slice %arg3[%mul3A_58] : memref<160000xi32, #tpu.memory_space<hbm>> -> memref<64xi32, #tpu.memory_space<hbm>>
          tpu.enqueue_dma source(%dma_start3A_61 : memref<64xi32, #tpu.memory_space<hbm>>) target(%arg8 : memref<64xi32, #tpu.memory_space<vmem>>) target_semaphore(%run_scoped3A : memref<!tpu.dma_semaphore, #tpu.memory_space<semaphore_mem>>)
          %dma_wait3A = tpu.memref_slice %arg3[%mul3A_58] : memref<160000xi32, #tpu.memory_space<hbm>> -> memref<64xi32, #tpu.memory_space<hbm>>
          %dma_wait3A_62 = tpu.memref_slice %arg3[%mul3A_58] : memref<160000xi32, #tpu.memory_space<hbm>> -> memref<64xi32, #tpu.memory_space<hbm>>
          tpu.wait_dma2 semaphore(%run_scoped3A : memref<!tpu.dma_semaphore, #tpu.memory_space<semaphore_mem>>) src(%dma_wait3A_62 : memref<64xi32, #tpu.memory_space<hbm>>) dst(%arg8 : memref<64xi32, #tpu.memory_space<vmem>>)
          tpu.yield
        }) : () -> ()
        %mul3A_59 = arith.constant 64 : i32
        %mul3A_60 = arith.muli %add3A_53, %mul3A_59 : i32
        "tpu.region"() ({
          %run_scoped3A = tpu.sem_alloc : memref<!tpu.dma_semaphore, #tpu.memory_space<semaphore_mem>>
          %dma_start3A = arith.constant 0 : i32
          %dma_start3A_61 = tpu.memref_slice %arg2[%add3A_27, %mul3A_60, %dma_start3A] : memref<4x160000x128xf32, #tpu.memory_space<hbm>> -> memref<1x64x128xf32, #tpu.memory_space<hbm>>
          %dma_start3A_62 = tpu.memref_squeeze %dma_start3A_61 : memref<1x64x128xf32, #tpu.memory_space<hbm>> -> memref<64x128xf32, #tpu.memory_space<hbm>>
          %dma_start3A_63 = arith.constant 0 : i32
          %dma_start3A_64 = tpu.memref_slice %arg2[%add3A_27, %mul3A_60, %dma_start3A_63] : memref<4x160000x128xf32, #tpu.memory_space<hbm>> -> memref<1x64x128xf32, #tpu.memory_space<hbm>>
          %dma_start3A_65 = tpu.memref_squeeze %dma_start3A_64 : memref<1x64x128xf32, #tpu.memory_space<hbm>> -> memref<64x128xf32, #tpu.memory_space<hbm>>
          tpu.enqueue_dma source(%dma_start3A_65 : memref<64x128xf32, #tpu.memory_space<hbm>>) target(%arg7 : memref<64x128xf32, #tpu.memory_space<vmem>>) target_semaphore(%run_scoped3A : memref<!tpu.dma_semaphore, #tpu.memory_space<semaphore_mem>>)
          %dma_wait3A = arith.constant 0 : i32
          %dma_wait3A_66 = tpu.memref_slice %arg2[%add3A_27, %mul3A_60, %dma_wait3A] : memref<4x160000x128xf32, #tpu.memory_space<hbm>> -> memref<1x64x128xf32, #tpu.memory_space<hbm>>
          %dma_wait3A_67 = tpu.memref_squeeze %dma_wait3A_66 : memref<1x64x128xf32, #tpu.memory_space<hbm>> -> memref<64x128xf32, #tpu.memory_space<hbm>>
          %dma_wait3A_68 = arith.constant 0 : i32
          %dma_wait3A_69 = tpu.memref_slice %arg2[%add3A_27, %mul3A_60, %dma_wait3A_68] : memref<4x160000x128xf32, #tpu.memory_space<hbm>> -> memref<1x64x128xf32, #tpu.memory_space<hbm>>
          %dma_wait3A_70 = tpu.memref_squeeze %dma_wait3A_69 : memref<1x64x128xf32, #tpu.memory_space<hbm>> -> memref<64x128xf32, #tpu.memory_space<hbm>>
          tpu.wait_dma2 semaphore(%run_scoped3A : memref<!tpu.dma_semaphore, #tpu.memory_space<semaphore_mem>>) src(%dma_wait3A_70 : memref<64x128xf32, #tpu.memory_space<hbm>>) dst(%arg7 : memref<64x128xf32, #tpu.memory_space<vmem>>)
          tpu.yield
        }) : () -> ()
        "tpu.region"() ({
          %run_scoped3A = tpu.sem_alloc : memref<!tpu.dma_semaphore, #tpu.memory_space<semaphore_mem>>
          %dma_start3A = arith.constant 0 : i32
          %dma_start3A_61 = arith.constant 0 : i32
          %dma_start3A_62 = tpu.memref_slice %arg5[%dma_start3A, %dma_start3A_61] : memref<5120x128xf32, #tpu.memory_space<vmem_shared>> -> memref<5120x128xf32, #tpu.memory_space<vmem_shared>>
          tpu.enqueue_indirect_dma source(%arg7 : memref<64x128xf32, #tpu.memory_space<vmem>>) target(%dma_start3A_62 : memref<5120x128xf32, #tpu.memory_space<vmem_shared>>) offsets(%arg8 : memref<64xi32, #tpu.memory_space<vmem>>) semaphore(%run_scoped3A : memref<!tpu.dma_semaphore, #tpu.memory_space<semaphore_mem>>) {add = true}
          %dma_wait3A = arith.constant 0 : i32
          %dma_wait3A_63 = arith.constant 0 : i32
          %dma_wait3A_64 = tpu.memref_slice %arg5[%dma_wait3A, %dma_wait3A_63] : memref<5120x128xf32, #tpu.memory_space<vmem_shared>> -> memref<5120x128xf32, #tpu.memory_space<vmem_shared>>
          tpu.wait_indirect_dma semaphore(%run_scoped3A : memref<!tpu.dma_semaphore, #tpu.memory_space<semaphore_mem>>) src(%arg7 : memref<64x128xf32, #tpu.memory_space<vmem>>) dst(%dma_wait3A_64 : memref<5120x128xf32, #tpu.memory_space<vmem_shared>>)
          tpu.yield
        }) : () -> ()
      } else {
      }
      %scan3A_56 = arith.constant 0 : i32
      scf.yield %scan3A_56 : i32
    }
    %scan3A_42 = arith.constant 157 : i32
    %barrier3A_43 = arith.constant 0 : index
    tpu.barrier barrier_id(%barrier3A_43)
    %mul3A_44 = arith.constant 320 : i32
    %mul3A_45 = arith.muli %arg1, %mul3A_44 : i32
    %mul3A_46 = arith.constant 320 : i32
    %mul3A_47 = arith.muli %arg1, %mul3A_46 : i32
    "tpu.region"() ({
      %run_scoped3A = tpu.sem_alloc : memref<!tpu.dma_semaphore, #tpu.memory_space<semaphore_mem>>
      %dma_start3A = arith.constant 0 : i32
      %dma_start3A_49 = tpu.memref_slice %arg4[%add3A_27, %mul3A_47, %dma_start3A] : memref<4x5120x128xf32, #tpu.memory_space<hbm>> -> memref<1x320x128xf32, #tpu.memory_space<hbm>>
      %dma_start3A_50 = tpu.memref_squeeze %dma_start3A_49 : memref<1x320x128xf32, #tpu.memory_space<hbm>> -> memref<320x128xf32, #tpu.memory_space<hbm>>
      %dma_start3A_51 = arith.constant 0 : i32
      %dma_start3A_52 = tpu.memref_slice %arg5[%mul3A_45, %dma_start3A_51] : memref<5120x128xf32, #tpu.memory_space<vmem_shared>> -> memref<320x128xf32, #tpu.memory_space<vmem_shared>>
      tpu.enqueue_dma source(%dma_start3A_52 : memref<320x128xf32, #tpu.memory_space<vmem_shared>>) target(%dma_start3A_50 : memref<320x128xf32, #tpu.memory_space<hbm>>) target_semaphore(%run_scoped3A : memref<!tpu.dma_semaphore, #tpu.memory_space<semaphore_mem>>)
      %dma_wait3A = arith.constant 0 : i32
      %dma_wait3A_53 = tpu.memref_slice %arg4[%add3A_27, %mul3A_47, %dma_wait3A] : memref<4x5120x128xf32, #tpu.memory_space<hbm>> -> memref<1x320x128xf32, #tpu.memory_space<hbm>>
      %dma_wait3A_54 = tpu.memref_squeeze %dma_wait3A_53 : memref<1x320x128xf32, #tpu.memory_space<hbm>> -> memref<320x128xf32, #tpu.memory_space<hbm>>
      %dma_wait3A_55 = arith.constant 0 : i32
      %dma_wait3A_56 = tpu.memref_slice %arg5[%mul3A_45, %dma_wait3A_55] : memref<5120x128xf32, #tpu.memory_space<vmem_shared>> -> memref<320x128xf32, #tpu.memory_space<vmem_shared>>
      tpu.wait_dma2 semaphore(%run_scoped3A : memref<!tpu.dma_semaphore, #tpu.memory_space<semaphore_mem>>) src(%dma_wait3A_56 : memref<320x128xf32, #tpu.memory_space<vmem_shared>>) dst(%dma_wait3A_54 : memref<320x128xf32, #tpu.memory_space<hbm>>)
      tpu.yield
    }) : () -> ()
    %barrier3A_48 = arith.constant 0 : index
    tpu.barrier barrier_id(%barrier3A_48)
    return
  }
}

module attributes {stable_mosaic.version = 14 : i64} {
  func.func @_nodeproj_body(%arg0: memref<10000x128xf32, #tpu.memory_space<vmem>>, %arg1: memref<128x256xf32, #tpu.memory_space<vmem>>, %arg2: memref<1x256xf32, #tpu.memory_space<vmem>>, %arg3: memref<128x256xf32, #tpu.memory_space<vmem>>, %arg4: memref<1x256xf32, #tpu.memory_space<vmem>>, %arg5: memref<128x256xf32, #tpu.memory_space<vmem>>, %arg6: memref<1x256xf32, #tpu.memory_space<vmem>>, %arg7: memref<10000x256xf32, #tpu.memory_space<vmem>>, %arg8: memref<10000x256xf32, #tpu.memory_space<vmem>>, %arg9: memref<10000x256xf32, #tpu.memory_space<vmem>>) attributes {dimension_semantics = [], scalar_prefetch = 0 : i64, scratch_operands = 0 : i64, tpu.core_type = #tpu.core_type<tc>} {
    %get3A = arith.constant 0 : index
    %get3A_0 = arith.constant 0 : index
    %get3A_1 = vector.load %arg0[%get3A, %get3A_0] : memref<10000x128xf32, #tpu.memory_space<vmem>>, vector<10000x128xf32>
    %get3A_2 = arith.constant 0 : index
    %get3A_3 = arith.constant 0 : index
    %get3A_4 = vector.load %arg1[%get3A_2, %get3A_3] : memref<128x256xf32, #tpu.memory_space<vmem>>, vector<128x256xf32>
    %dot_general3A = arith.constant dense<0.000000e+00> : vector<10000x256xf32>
    %dot_general3A_5 = tpu.matmul %get3A_1, %get3A_4, %dot_general3A {dimension_numbers = #tpu.dot_dimension_numbers<[1], [0], [0], [1], [0, 0, 1, 1], [], []>, transpose_lhs_hint = false} : vector<10000x128xf32>, vector<128x256xf32>, vector<10000x256xf32> -> vector<10000x256xf32>
    %get3A_6 = arith.constant 0 : index
    %get3A_7 = arith.constant 0 : index
    %get3A_8 = vector.load %arg2[%get3A_6, %get3A_7] : memref<1x256xf32, #tpu.memory_space<vmem>>, vector<1x256xf32>
    %add3A = vector.broadcast %get3A_8 : vector<1x256xf32> to vector<10000x256xf32>
    %add3A_9 = arith.addf %dot_general3A_5, %add3A : vector<10000x256xf32>
    %swap3A = arith.constant 0 : index
    %swap3A_10 = arith.constant 0 : index
    %swap3A_11 = vector.load %arg7[%swap3A, %swap3A_10] : memref<10000x256xf32, #tpu.memory_space<vmem>>, vector<10000x256xf32>
    tpu.vector_store %arg7[%swap3A, %swap3A_10], %add3A_9 {strides = array<i32>} : memref<10000x256xf32, #tpu.memory_space<vmem>>, vector<10000x256xf32>,
    %get3A_12 = arith.constant 0 : index
    %get3A_13 = arith.constant 0 : index
    %get3A_14 = vector.load %arg3[%get3A_12, %get3A_13] : memref<128x256xf32, #tpu.memory_space<vmem>>, vector<128x256xf32>
    %dot_general3A_15 = arith.constant dense<0.000000e+00> : vector<10000x256xf32>
    %dot_general3A_16 = tpu.matmul %get3A_1, %get3A_14, %dot_general3A_15 {dimension_numbers = #tpu.dot_dimension_numbers<[1], [0], [0], [1], [0, 0, 1, 1], [], []>, transpose_lhs_hint = false} : vector<10000x128xf32>, vector<128x256xf32>, vector<10000x256xf32> -> vector<10000x256xf32>
    %get3A_17 = arith.constant 0 : index
    %get3A_18 = arith.constant 0 : index
    %get3A_19 = vector.load %arg4[%get3A_17, %get3A_18] : memref<1x256xf32, #tpu.memory_space<vmem>>, vector<1x256xf32>
    %add3A_20 = vector.broadcast %get3A_19 : vector<1x256xf32> to vector<10000x256xf32>
    %add3A_21 = arith.addf %dot_general3A_16, %add3A_20 : vector<10000x256xf32>
    %swap3A_22 = arith.constant 0 : index
    %swap3A_23 = arith.constant 0 : index
    %swap3A_24 = vector.load %arg8[%swap3A_22, %swap3A_23] : memref<10000x256xf32, #tpu.memory_space<vmem>>, vector<10000x256xf32>
    tpu.vector_store %arg8[%swap3A_22, %swap3A_23], %add3A_21 {strides = array<i32>} : memref<10000x256xf32, #tpu.memory_space<vmem>>, vector<10000x256xf32>,
    %get3A_25 = arith.constant 0 : index
    %get3A_26 = arith.constant 0 : index
    %get3A_27 = vector.load %arg5[%get3A_25, %get3A_26] : memref<128x256xf32, #tpu.memory_space<vmem>>, vector<128x256xf32>
    %dot_general3A_28 = arith.constant dense<0.000000e+00> : vector<10000x256xf32>
    %dot_general3A_29 = tpu.matmul %get3A_1, %get3A_27, %dot_general3A_28 {dimension_numbers = #tpu.dot_dimension_numbers<[1], [0], [0], [1], [0, 0, 1, 1], [], []>, transpose_lhs_hint = false} : vector<10000x128xf32>, vector<128x256xf32>, vector<10000x256xf32> -> vector<10000x256xf32>
    %get3A_30 = arith.constant 0 : index
    %get3A_31 = arith.constant 0 : index
    %get3A_32 = vector.load %arg6[%get3A_30, %get3A_31] : memref<1x256xf32, #tpu.memory_space<vmem>>, vector<1x256xf32>
    %add3A_33 = vector.broadcast %get3A_32 : vector<1x256xf32> to vector<10000x256xf32>
    %add3A_34 = arith.addf %dot_general3A_29, %add3A_33 : vector<10000x256xf32>
    %swap3A_35 = arith.constant 0 : index
    %swap3A_36 = arith.constant 0 : index
    %swap3A_37 = vector.load %arg9[%swap3A_35, %swap3A_36] : memref<10000x256xf32, #tpu.memory_space<vmem>>, vector<10000x256xf32>
    tpu.vector_store %arg9[%swap3A_35, %swap3A_36], %add3A_34 {strides = array<i32>} : memref<10000x256xf32, #tpu.memory_space<vmem>>, vector<10000x256xf32>,
    return
  }
}

module attributes {stable_mosaic.version = 14 : i64} {
  func.func @_edge_body(%arg0: i32, %arg1: memref<640x128xf32, #tpu.memory_space<vmem>>, %arg2: memref<128x256xf32, #tpu.memory_space<vmem>>, %arg3: memref<1x256xf32, #tpu.memory_space<vmem>>, %arg4: memref<128x256xf32, #tpu.memory_space<vmem>>, %arg5: memref<1x256xf32, #tpu.memory_space<vmem>>, %arg6: memref<128x256xf32, #tpu.memory_space<vmem>>, %arg7: memref<1x256xf32, #tpu.memory_space<vmem>>, %arg8: memref<128x512xf32, #tpu.memory_space<vmem>>, %arg9: memref<1x512xf32, #tpu.memory_space<vmem>>, %arg10: memref<256x128xf32, #tpu.memory_space<vmem>>, %arg11: memref<1x128xf32, #tpu.memory_space<vmem>>, %arg12: memref<128x512xf32, #tpu.memory_space<vmem>>, %arg13: memref<1x512xf32, #tpu.memory_space<vmem>>, %arg14: memref<256x128xf32, #tpu.memory_space<vmem>>, %arg15: memref<1x128xf32, #tpu.memory_space<vmem>>, %arg16: memref<1x1xf32, #tpu.memory_space<vmem>>, %arg17: memref<640x256xf32, #tpu.memory_space<vmem>>, %arg18: memref<640x256xf32, #tpu.memory_space<vmem>>, %arg19: memref<640x256xf32, #tpu.memory_space<vmem>>, %arg20: memref<640x128xf32, #tpu.memory_space<vmem>>) attributes {dimension_semantics = [#tpu.dimension_semantics<arbitrary>], iteration_bounds = array<i64: 250>, scalar_prefetch = 0 : i64, scratch_operands = 0 : i64, tpu.core_type = #tpu.core_type<tc>, window_params = [{transform_indices = @transform_0, window_bounds = array<i64: 640, 128>}, {pipeline_mode = #tpu.pipeline_mode<synchronous>, transform_indices = @transform_1, window_bounds = array<i64: 128, 256>}, {pipeline_mode = #tpu.pipeline_mode<synchronous>, transform_indices = @transform_2, window_bounds = array<i64: 1, 256>}, {pipeline_mode = #tpu.pipeline_mode<synchronous>, transform_indices = @transform_3, window_bounds = array<i64: 128, 256>}, {pipeline_mode = #tpu.pipeline_mode<synchronous>, transform_indices = @transform_4, window_bounds = array<i64: 1, 256>}, {pipeline_mode = #tpu.pipeline_mode<synchronous>, transform_indices = @transform_5, window_bounds = array<i64: 128, 256>}, {pipeline_mode = #tpu.pipeline_mode<synchronous>, transform_indices = @transform_6, window_bounds = array<i64: 1, 256>}, {pipeline_mode = #tpu.pipeline_mode<synchronous>, transform_indices = @transform_7, window_bounds = array<i64: 128, 512>}, {pipeline_mode = #tpu.pipeline_mode<synchronous>, transform_indices = @transform_8, window_bounds = array<i64: 1, 512>}, {pipeline_mode = #tpu.pipeline_mode<synchronous>, transform_indices = @transform_9, window_bounds = array<i64: 256, 128>}, {pipeline_mode = #tpu.pipeline_mode<synchronous>, transform_indices = @transform_10, window_bounds = array<i64: 1, 128>}, {pipeline_mode = #tpu.pipeline_mode<synchronous>, transform_indices = @transform_11, window_bounds = array<i64: 128, 512>}, {pipeline_mode = #tpu.pipeline_mode<synchronous>, transform_indices = @transform_12, window_bounds = array<i64: 1, 512>}, {pipeline_mode = #tpu.pipeline_mode<synchronous>, transform_indices = @transform_13, window_bounds = array<i64: 256, 128>}, {pipeline_mode = #tpu.pipeline_mode<synchronous>, transform_indices = @transform_14, window_bounds = array<i64: 1, 128>}, {pipeline_mode = #tpu.pipeline_mode<synchronous>, transform_indices = @transform_15, window_bounds = array<i64: 1, 1>}, {transform_indices = @transform_16, window_bounds = array<i64: 640, 256>}, {transform_indices = @transform_17, window_bounds = array<i64: 640, 256>}, {transform_indices = @transform_18, window_bounds = array<i64: 640, 256>}, {transform_indices = @transform_19, window_bounds = array<i64: 640, 128>}]} {
    %get3A = arith.constant 0 : index
    %get3A_0 = arith.constant 0 : index
    %get3A_1 = vector.load %arg1[%get3A, %get3A_0] : memref<640x128xf32, #tpu.memory_space<vmem>>, vector<640x128xf32>
    %get3A_2 = arith.constant 0 : index
    %get3A_3 = arith.constant 0 : index
    %get3A_4 = vector.load %arg2[%get3A_2, %get3A_3] : memref<128x256xf32, #tpu.memory_space<vmem>>, vector<128x256xf32>
    %dot_general3A = arith.constant dense<0.000000e+00> : vector<640x256xf32>
    %dot_general3A_5 = tpu.matmul %get3A_1, %get3A_4, %dot_general3A {dimension_numbers = #tpu.dot_dimension_numbers<[1], [0], [0], [1], [0, 0, 1, 1], [], []>, transpose_lhs_hint = false} : vector<640x128xf32>, vector<128x256xf32>, vector<640x256xf32> -> vector<640x256xf32>
    %get3A_6 = arith.constant 0 : index
    %get3A_7 = arith.constant 0 : index
    %get3A_8 = vector.load %arg3[%get3A_6, %get3A_7] : memref<1x256xf32, #tpu.memory_space<vmem>>, vector<1x256xf32>
    %add3A = vector.broadcast %get3A_8 : vector<1x256xf32> to vector<640x256xf32>
    %add3A_9 = arith.addf %dot_general3A_5, %add3A : vector<640x256xf32>
    %swap3A = arith.constant 0 : index
    %swap3A_10 = arith.constant 0 : index
    %swap3A_11 = vector.load %arg17[%swap3A, %swap3A_10] : memref<640x256xf32, #tpu.memory_space<vmem>>, vector<640x256xf32>
    tpu.vector_store %arg17[%swap3A, %swap3A_10], %add3A_9 {strides = array<i32>} : memref<640x256xf32, #tpu.memory_space<vmem>>, vector<640x256xf32>,
    %get3A_12 = arith.constant 0 : index
    %get3A_13 = arith.constant 0 : index
    %get3A_14 = vector.load %arg4[%get3A_12, %get3A_13] : memref<128x256xf32, #tpu.memory_space<vmem>>, vector<128x256xf32>
    %dot_general3A_15 = arith.constant dense<0.000000e+00> : vector<640x256xf32>
    %dot_general3A_16 = tpu.matmul %get3A_1, %get3A_14, %dot_general3A_15 {dimension_numbers = #tpu.dot_dimension_numbers<[1], [0], [0], [1], [0, 0, 1, 1], [], []>, transpose_lhs_hint = false} : vector<640x128xf32>, vector<128x256xf32>, vector<640x256xf32> -> vector<640x256xf32>
    %get3A_17 = arith.constant 0 : index
    %get3A_18 = arith.constant 0 : index
    %get3A_19 = vector.load %arg5[%get3A_17, %get3A_18] : memref<1x256xf32, #tpu.memory_space<vmem>>, vector<1x256xf32>
    %add3A_20 = vector.broadcast %get3A_19 : vector<1x256xf32> to vector<640x256xf32>
    %add3A_21 = arith.addf %dot_general3A_16, %add3A_20 : vector<640x256xf32>
    %swap3A_22 = arith.constant 0 : index
    %swap3A_23 = arith.constant 0 : index
    %swap3A_24 = vector.load %arg18[%swap3A_22, %swap3A_23] : memref<640x256xf32, #tpu.memory_space<vmem>>, vector<640x256xf32>
    tpu.vector_store %arg18[%swap3A_22, %swap3A_23], %add3A_21 {strides = array<i32>} : memref<640x256xf32, #tpu.memory_space<vmem>>, vector<640x256xf32>,
    %get3A_25 = arith.constant 0 : index
    %get3A_26 = arith.constant 0 : index
    %get3A_27 = vector.load %arg6[%get3A_25, %get3A_26] : memref<128x256xf32, #tpu.memory_space<vmem>>, vector<128x256xf32>
    %dot_general3A_28 = arith.constant dense<0.000000e+00> : vector<640x256xf32>
    %dot_general3A_29 = tpu.matmul %get3A_1, %get3A_27, %dot_general3A_28 {dimension_numbers = #tpu.dot_dimension_numbers<[1], [0], [0], [1], [0, 0, 1, 1], [], []>, transpose_lhs_hint = false} : vector<640x128xf32>, vector<128x256xf32>, vector<640x256xf32> -> vector<640x256xf32>
    %get3A_30 = arith.constant 0 : index
    %get3A_31 = arith.constant 0 : index
    %get3A_32 = vector.load %arg7[%get3A_30, %get3A_31] : memref<1x256xf32, #tpu.memory_space<vmem>>, vector<1x256xf32>
    %add3A_33 = vector.broadcast %get3A_32 : vector<1x256xf32> to vector<640x256xf32>
    %add3A_34 = arith.addf %dot_general3A_29, %add3A_33 : vector<640x256xf32>
    %swap3A_35 = arith.constant 0 : index
    %swap3A_36 = arith.constant 0 : index
    %swap3A_37 = vector.load %arg19[%swap3A_35, %swap3A_36] : memref<640x256xf32, #tpu.memory_space<vmem>>, vector<640x256xf32>
    tpu.vector_store %arg19[%swap3A_35, %swap3A_36], %add3A_34 {strides = array<i32>} : memref<640x256xf32, #tpu.memory_space<vmem>>, vector<640x256xf32>,
    %get3A_38 = arith.constant 0 : index
    %get3A_39 = arith.constant 0 : index
    %get3A_40 = vector.load %arg16[%get3A_38, %get3A_39] : memref<1x1xf32, #tpu.memory_space<vmem>>, vector<1x1xf32>
    %get3A_41 = vector.extract %get3A_40[0, 0] : f32 from vector<1x1xf32>
    %get3A_42 = arith.constant 0 : index
    %get3A_43 = arith.constant 0 : index
    %get3A_44 = vector.load %arg8[%get3A_42, %get3A_43] : memref<128x512xf32, #tpu.memory_space<vmem>>, vector<128x512xf32>
    %dot_general3A_45 = arith.constant dense<0.000000e+00> : vector<640x512xf32>
    %dot_general3A_46 = tpu.matmul %get3A_1, %get3A_44, %dot_general3A_45 {dimension_numbers = #tpu.dot_dimension_numbers<[1], [0], [0], [1], [0, 0, 1, 1], [], []>, transpose_lhs_hint = false} : vector<640x128xf32>, vector<128x512xf32>, vector<640x512xf32> -> vector<640x512xf32>
    %get3A_47 = arith.constant 0 : index
    %get3A_48 = arith.constant 0 : index
    %get3A_49 = vector.load %arg9[%get3A_47, %get3A_48] : memref<1x512xf32, #tpu.memory_space<vmem>>, vector<1x512xf32>
    %add3A_50 = vector.broadcast %get3A_49 : vector<1x512xf32> to vector<640x512xf32>
    %add3A_51 = arith.addf %dot_general3A_46, %add3A_50 : vector<640x512xf32>
    %slice3A = vector.extract_strided_slice %add3A_51 {offsets = [0, 0], sizes = [640, 256], strides = [1, 1]} : vector<640x512xf32> to vector<640x256xf32>
    %slice3A_52 = vector.extract_strided_slice %add3A_51 {offsets = [0, 256], sizes = [640, 256], strides = [1, 1]} : vector<640x512xf32> to vector<640x256xf32>
    %max3A = arith.constant 0.000000e+00 : f32
    %max3A_53 = vector.broadcast %max3A : f32 to vector<640x256xf32>
    %max3A_54 = arith.maximumf %slice3A_52, %max3A_53 : vector<640x256xf32>
    %mul3A = arith.mulf %slice3A, %max3A_54 : vector<640x256xf32>
    %get3A_55 = arith.constant 0 : index
    %get3A_56 = arith.constant 0 : index
    %get3A_57 = vector.load %arg10[%get3A_55, %get3A_56] : memref<256x128xf32, #tpu.memory_space<vmem>>, vector<256x128xf32>
    %dot_general3A_58 = arith.constant dense<0.000000e+00> : vector<640x128xf32>
    %dot_general3A_59 = tpu.matmul %mul3A, %get3A_57, %dot_general3A_58 {dimension_numbers = #tpu.dot_dimension_numbers<[1], [0], [0], [1], [0, 0, 1, 1], [], []>, transpose_lhs_hint = false} : vector<640x256xf32>, vector<256x128xf32>, vector<640x128xf32> -> vector<640x128xf32>
    %get3A_60 = arith.constant 0 : index
    %get3A_61 = arith.constant 0 : index
    %get3A_62 = vector.load %arg11[%get3A_60, %get3A_61] : memref<1x128xf32, #tpu.memory_space<vmem>>, vector<1x128xf32>
    %add3A_63 = vector.broadcast %get3A_62 : vector<1x128xf32> to vector<640x128xf32>
    %add3A_64 = arith.addf %dot_general3A_59, %add3A_63 : vector<640x128xf32>
    %mul3A_65 = vector.broadcast %get3A_41 : f32 to vector<640x128xf32>
    %mul3A_66 = arith.mulf %mul3A_65, %add3A_64 : vector<640x128xf32>
    %add3A_67 = arith.addf %get3A_1, %mul3A_66 : vector<640x128xf32>
    %get3A_68 = arith.constant 0 : index
    %get3A_69 = arith.constant 0 : index
    %get3A_70 = vector.load %arg12[%get3A_68, %get3A_69] : memref<128x512xf32, #tpu.memory_space<vmem>>, vector<128x512xf32>
    %dot_general3A_71 = arith.constant dense<0.000000e+00> : vector<640x512xf32>
    %dot_general3A_72 = tpu.matmul %add3A_67, %get3A_70, %dot_general3A_71 {dimension_numbers = #tpu.dot_dimension_numbers<[1], [0], [0], [1], [0, 0, 1, 1], [], []>, transpose_lhs_hint = false} : vector<640x128xf32>, vector<128x512xf32>, vector<640x512xf32> -> vector<640x512xf32>
    %get3A_73 = arith.constant 0 : index
    %get3A_74 = arith.constant 0 : index
    %get3A_75 = vector.load %arg13[%get3A_73, %get3A_74] : memref<1x512xf32, #tpu.memory_space<vmem>>, vector<1x512xf32>
    %add3A_76 = vector.broadcast %get3A_75 : vector<1x512xf32> to vector<640x512xf32>
    %add3A_77 = arith.addf %dot_general3A_72, %add3A_76 : vector<640x512xf32>
    %slice3A_78 = vector.extract_strided_slice %add3A_77 {offsets = [0, 0], sizes = [640, 256], strides = [1, 1]} : vector<640x512xf32> to vector<640x256xf32>
    %slice3A_79 = vector.extract_strided_slice %add3A_77 {offsets = [0, 256], sizes = [640, 256], strides = [1, 1]} : vector<640x512xf32> to vector<640x256xf32>
    %max3A_80 = arith.constant 0.000000e+00 : f32
    %max3A_81 = vector.broadcast %max3A_80 : f32 to vector<640x256xf32>
    %max3A_82 = arith.maximumf %slice3A_79, %max3A_81 : vector<640x256xf32>
    %mul3A_83 = arith.mulf %slice3A_78, %max3A_82 : vector<640x256xf32>
    %get3A_84 = arith.constant 0 : index
    %get3A_85 = arith.constant 0 : index
    %get3A_86 = vector.load %arg14[%get3A_84, %get3A_85] : memref<256x128xf32, #tpu.memory_space<vmem>>, vector<256x128xf32>
    %dot_general3A_87 = arith.constant dense<0.000000e+00> : vector<640x128xf32>
    %dot_general3A_88 = tpu.matmul %mul3A_83, %get3A_86, %dot_general3A_87 {dimension_numbers = #tpu.dot_dimension_numbers<[1], [0], [0], [1], [0, 0, 1, 1], [], []>, transpose_lhs_hint = false} : vector<640x256xf32>, vector<256x128xf32>, vector<640x128xf32> -> vector<640x128xf32>
    %get3A_89 = arith.constant 0 : index
    %get3A_90 = arith.constant 0 : index
    %get3A_91 = vector.load %arg15[%get3A_89, %get3A_90] : memref<1x128xf32, #tpu.memory_space<vmem>>, vector<1x128xf32>
    %add3A_92 = vector.broadcast %get3A_91 : vector<1x128xf32> to vector<640x128xf32>
    %add3A_93 = arith.addf %dot_general3A_88, %add3A_92 : vector<640x128xf32>
    %mul3A_94 = vector.broadcast %get3A_41 : f32 to vector<640x128xf32>
    %mul3A_95 = arith.mulf %mul3A_94, %add3A_93 : vector<640x128xf32>
    %add3A_96 = arith.addf %add3A_67, %mul3A_95 : vector<640x128xf32>
    %swap3A_97 = arith.constant 0 : index
    %swap3A_98 = arith.constant 0 : index
    %swap3A_99 = vector.load %arg20[%swap3A_97, %swap3A_98] : memref<640x128xf32, #tpu.memory_space<vmem>>, vector<640x128xf32>
    tpu.vector_store %arg20[%swap3A_97, %swap3A_98], %add3A_96 {strides = array<i32>} : memref<640x128xf32, #tpu.memory_space<vmem>>, vector<640x128xf32>,
    return
  }
  func.func @transform_0(%arg0: i32) -> (i32, i32) {
    %c0_i32 = arith.constant 0 : i32
    %c0_i32_0 = arith.constant 0 : i32
    return %arg0, %c0_i32 : i32, i32
  }
  func.func @transform_1(%arg0: i32) -> (i32, i32) {
    %c0_i32 = arith.constant 0 : i32
    %c0_i32_0 = arith.constant 0 : i32
    %c0_i32_1 = arith.constant 0 : i32
    return %c0_i32, %c0_i32_0 : i32, i32
  }
  func.func @transform_2(%arg0: i32) -> (i32, i32) {
    %c0_i32 = arith.constant 0 : i32
    %c0_i32_0 = arith.constant 0 : i32
    %c0_i32_1 = arith.constant 0 : i32
    return %c0_i32, %c0_i32_0 : i32, i32
  }
  func.func @transform_3(%arg0: i32) -> (i32, i32) {
    %c0_i32 = arith.constant 0 : i32
    %c0_i32_0 = arith.constant 0 : i32
    %c0_i32_1 = arith.constant 0 : i32
    return %c0_i32, %c0_i32_0 : i32, i32
  }
  func.func @transform_4(%arg0: i32) -> (i32, i32) {
    %c0_i32 = arith.constant 0 : i32
    %c0_i32_0 = arith.constant 0 : i32
    %c0_i32_1 = arith.constant 0 : i32
    return %c0_i32, %c0_i32_0 : i32, i32
  }
  func.func @transform_5(%arg0: i32) -> (i32, i32) {
    %c0_i32 = arith.constant 0 : i32
    %c0_i32_0 = arith.constant 0 : i32
    %c0_i32_1 = arith.constant 0 : i32
    return %c0_i32, %c0_i32_0 : i32, i32
  }
  func.func @transform_6(%arg0: i32) -> (i32, i32) {
    %c0_i32 = arith.constant 0 : i32
    %c0_i32_0 = arith.constant 0 : i32
    %c0_i32_1 = arith.constant 0 : i32
    return %c0_i32, %c0_i32_0 : i32, i32
  }
  func.func @transform_7(%arg0: i32) -> (i32, i32) {
    %c0_i32 = arith.constant 0 : i32
    %c0_i32_0 = arith.constant 0 : i32
    %c0_i32_1 = arith.constant 0 : i32
    return %c0_i32, %c0_i32_0 : i32, i32
  }
  func.func @transform_8(%arg0: i32) -> (i32, i32) {
    %c0_i32 = arith.constant 0 : i32
    %c0_i32_0 = arith.constant 0 : i32
    %c0_i32_1 = arith.constant 0 : i32
    return %c0_i32, %c0_i32_0 : i32, i32
  }
  func.func @transform_9(%arg0: i32) -> (i32, i32) {
    %c0_i32 = arith.constant 0 : i32
    %c0_i32_0 = arith.constant 0 : i32
    %c0_i32_1 = arith.constant 0 : i32
    return %c0_i32, %c0_i32_0 : i32, i32
  }
  func.func @transform_10(%arg0: i32) -> (i32, i32) {
    %c0_i32 = arith.constant 0 : i32
    %c0_i32_0 = arith.constant 0 : i32
    %c0_i32_1 = arith.constant 0 : i32
    return %c0_i32, %c0_i32_0 : i32, i32
  }
  func.func @transform_11(%arg0: i32) -> (i32, i32) {
    %c0_i32 = arith.constant 0 : i32
    %c0_i32_0 = arith.constant 0 : i32
    %c0_i32_1 = arith.constant 0 : i32
    return %c0_i32, %c0_i32_0 : i32, i32
  }
  func.func @transform_12(%arg0: i32) -> (i32, i32) {
    %c0_i32 = arith.constant 0 : i32
    %c0_i32_0 = arith.constant 0 : i32
    %c0_i32_1 = arith.constant 0 : i32
    return %c0_i32, %c0_i32_0 : i32, i32
  }
  func.func @transform_13(%arg0: i32) -> (i32, i32) {
    %c0_i32 = arith.constant 0 : i32
    %c0_i32_0 = arith.constant 0 : i32
    %c0_i32_1 = arith.constant 0 : i32
    return %c0_i32, %c0_i32_0 : i32, i32
  }
  func.func @transform_14(%arg0: i32) -> (i32, i32) {
    %c0_i32 = arith.constant 0 : i32
    %c0_i32_0 = arith.constant 0 : i32
    %c0_i32_1 = arith.constant 0 : i32
    return %c0_i32, %c0_i32_0 : i32, i32
  }
  func.func @transform_15(%arg0: i32) -> (i32, i32) {
    %c0_i32 = arith.constant 0 : i32
    %c0_i32_0 = arith.constant 0 : i32
    %c0_i32_1 = arith.constant 0 : i32
    return %c0_i32, %c0_i32_0 : i32, i32
  }
  func.func @transform_16(%arg0: i32) -> (i32, i32) {
    %c0_i32 = arith.constant 0 : i32
    %c0_i32_0 = arith.constant 0 : i32
    return %arg0, %c0_i32 : i32, i32
  }
  func.func @transform_17(%arg0: i32) -> (i32, i32) {
    %c0_i32 = arith.constant 0 : i32
    %c0_i32_0 = arith.constant 0 : i32
    return %arg0, %c0_i32 : i32, i32
  }
  func.func @transform_18(%arg0: i32) -> (i32, i32) {
    %c0_i32 = arith.constant 0 : i32
    %c0_i32_0 = arith.constant 0 : i32
    return %arg0, %c0_i32 : i32, i32
  }
  func.func @transform_19(%arg0: i32) -> (i32, i32) {
    %c0_i32 = arith.constant 0 : i32
    %c0_i32_0 = arith.constant 0 : i32
    return %arg0, %c0_i32 : i32, i32
  }
}

module attributes {stable_mosaic.version = 14 : i64} {
  func.func @_score_body(%arg0: i32, %arg1: memref<640x256xf32, #tpu.memory_space<vmem>>, %arg2: memref<640x256xf32, #tpu.memory_space<vmem>>, %arg3: memref<640x256xf32, #tpu.memory_space<vmem>>, %arg4: memref<640x256xf32, #tpu.memory_space<vmem>>, %arg5: memref<640x1xi32, #tpu.memory_space<vmem>>, %arg6: memref<640x128xf32, #tpu.memory_space<vmem>>, %arg7: memref<640x128xf32, #tpu.memory_space<vmem>>, %arg8: memref<640x8xf32, #tpu.memory_space<vmem>>) attributes {dimension_semantics = [#tpu.dimension_semantics<arbitrary>], iteration_bounds = array<i64: 250>, scalar_prefetch = 0 : i64, scratch_operands = 0 : i64, tpu.core_type = #tpu.core_type<tc>, window_params = [{transform_indices = @transform_0, window_bounds = array<i64: 640, 256>}, {transform_indices = @transform_1, window_bounds = array<i64: 640, 256>}, {transform_indices = @transform_2, window_bounds = array<i64: 640, 256>}, {transform_indices = @transform_3, window_bounds = array<i64: 640, 256>}, {transform_indices = @transform_4, window_bounds = array<i64: 640, 1>}, {transform_indices = @transform_5, window_bounds = array<i64: 640, 128>}, {transform_indices = @transform_6, window_bounds = array<i64: 640, 128>}, {transform_indices = @transform_7, window_bounds = array<i64: 640, 8>}]} {
    %get3A = arith.constant 0 : index
    %get3A_0 = arith.constant 0 : index
    %get3A_1 = vector.load %arg1[%get3A, %get3A_0] : memref<640x256xf32, #tpu.memory_space<vmem>>, vector<640x256xf32>
    %get3A_2 = arith.constant 0 : index
    %get3A_3 = arith.constant 0 : index
    %get3A_4 = vector.load %arg2[%get3A_2, %get3A_3] : memref<640x256xf32, #tpu.memory_space<vmem>>, vector<640x256xf32>
    %add3A = arith.addf %get3A_1, %get3A_4 : vector<640x256xf32>
    %get3A_5 = arith.constant 0 : index
    %get3A_6 = arith.constant 0 : index
    %get3A_7 = vector.load %arg3[%get3A_5, %get3A_6] : memref<640x256xf32, #tpu.memory_space<vmem>>, vector<640x256xf32>
    %get3A_8 = arith.constant 0 : index
    %get3A_9 = arith.constant 0 : index
    %get3A_10 = vector.load %arg4[%get3A_8, %get3A_9] : memref<640x256xf32, #tpu.memory_space<vmem>>, vector<640x256xf32>
    %add3A_11 = arith.addf %get3A_7, %get3A_10 : vector<640x256xf32>
    %mul3A = arith.mulf %add3A, %add3A_11 : vector<640x256xf32>
    %iota3A = tpu.iota {dimensions = array<i32: 0>} : vector<256x8xi32>
    %jit3A = arith.constant 32 : i32
    %div3A = vector.broadcast %jit3A : i32 to vector<256x8xi32>
    %div3A_12 = arith.divsi %iota3A, %div3A : vector<256x8xi32>
    %sign3A = arith.constant 0 : i32
    %sign3A_13 = vector.broadcast %sign3A : i32 to vector<256x8xi32>
    %sign3A_14 = arith.cmpi sgt, %iota3A, %sign3A_13 : vector<256x8xi32>
    %sign3A_15 = arith.extui %sign3A_14 : vector<256x8xi1> to vector<256x8xi32>
    %sign3A_16 = arith.constant 0 : i32
    %sign3A_17 = vector.broadcast %sign3A_16 : i32 to vector<256x8xi32>
    %sign3A_18 = arith.cmpi slt, %iota3A, %sign3A_17 : vector<256x8xi32>
    %sign3A_19 = arith.extui %sign3A_18 : vector<256x8xi1> to vector<256x8xi32>
    %sign3A_20 = arith.subi %sign3A_15, %sign3A_19 : vector<256x8xi32>
    %sign3A_21 = arith.constant 0 : i32
    %sign3A_22 = arith.cmpi sgt, %jit3A, %sign3A_21 : i32
    %sign3A_23 = arith.extui %sign3A_22 : i1 to i32
    %sign3A_24 = arith.constant 0 : i32
    %sign3A_25 = arith.cmpi slt, %jit3A, %sign3A_24 : i32
    %sign3A_26 = arith.extui %sign3A_25 : i1 to i32
    %sign3A_27 = arith.subi %sign3A_23, %sign3A_26 : i32
    %ne3A = vector.broadcast %sign3A_27 : i32 to vector<256x8xi32>
    %ne3A_28 = arith.cmpi ne, %sign3A_20, %ne3A : vector<256x8xi32>
    %rem3A = vector.broadcast %jit3A : i32 to vector<256x8xi32>
    %rem3A_29 = arith.remsi %iota3A, %rem3A : vector<256x8xi32>
    %ne3A_30 = arith.constant 0 : i32
    %ne3A_31 = vector.broadcast %ne3A_30 : i32 to vector<256x8xi32>
    %ne3A_32 = arith.cmpi ne, %rem3A_29, %ne3A_31 : vector<256x8xi32>
    %and3A = arith.andi %ne3A_28, %ne3A_32 : vector<256x8xi1>
    %sub3A = arith.constant 1 : i32
    %sub3A_33 = vector.broadcast %sub3A : i32 to vector<256x8xi32>
    %sub3A_34 = arith.subi %div3A_12, %sub3A_33 : vector<256x8xi32>
    %select_n3A = arith.select %and3A, %sub3A_34, %div3A_12 : vector<256x8xi1>, vector<256x8xi32>
    %iota3A_35 = tpu.iota {dimensions = array<i32: 1>} : vector<256x8xi32>
    %eq3A = arith.cmpi eq, %select_n3A, %iota3A_35 : vector<256x8xi32>
    %convert_element_type3A = arith.extui %eq3A : vector<256x8xi1> to vector<256x8xi32>
    %convert_element_type3A_36 = arith.sitofp %convert_element_type3A : vector<256x8xi32> to vector<256x8xf32>
    %dot_general3A = arith.constant dense<0.000000e+00> : vector<640x8xf32>
    %dot_general3A_37 = tpu.matmul %mul3A, %convert_element_type3A_36, %dot_general3A {dimension_numbers = #tpu.dot_dimension_numbers<[1], [0], [0], [1], [0, 0, 1, 1], [], []>, transpose_lhs_hint = false} : vector<640x256xf32>, vector<256x8xf32>, vector<640x8xf32> -> vector<640x8xf32>
    %mul3A_38 = arith.constant 0.176776692 : f32
    %mul3A_39 = vector.broadcast %mul3A_38 : f32 to vector<640x8xf32>
    %mul3A_40 = arith.mulf %dot_general3A_37, %mul3A_39 : vector<640x8xf32>
    %swap3A = arith.constant 0 : index
    %swap3A_41 = arith.constant 0 : index
    %swap3A_42 = vector.load %arg8[%swap3A, %swap3A_41] : memref<640x8xf32, #tpu.memory_space<vmem>>, vector<640x8xf32>
    tpu.vector_store %arg8[%swap3A, %swap3A_41], %mul3A_40 {strides = array<i32>} : memref<640x8xf32, #tpu.memory_space<vmem>>, vector<640x8xf32>,
    %broadcast_in_dim3A = arith.constant 0.000000e+00 : f32
    %broadcast_in_dim3A_43 = vector.broadcast %broadcast_in_dim3A : f32 to vector<640x7xf32>
    %broadcast_in_dim3A_44 = arith.constant 0.000000e+00 : f32
    %broadcast_in_dim3A_45 = vector.broadcast %broadcast_in_dim3A_44 : f32 to vector<640x8xf32>
    %broadcast_in_dim3A_46 = arith.constant 1.000000e+00 : f32
    %broadcast_in_dim3A_47 = vector.broadcast %broadcast_in_dim3A_46 : f32 to vector<640x1xf32>
    %concatenate3A = tpu.concatenate %mul3A_40, %broadcast_in_dim3A_47, %broadcast_in_dim3A_43 in 1 : vector<640x8xf32>, vector<640x1xf32>, vector<640x7xf32> -> vector<640x16xf32>
    %mul3A_48 = arith.mulf %mul3A_40, %mul3A_40 : vector<640x8xf32>
    %concatenate3A_49 = tpu.concatenate %mul3A_48, %broadcast_in_dim3A_45 in 1 : vector<640x8xf32>, vector<640x8xf32> -> vector<640x16xf32>
    %iota3A_50 = tpu.iota {dimensions = array<i32: 1>} : vector<640x128xi32>
    %jit3A_51 = arith.constant 16 : i32
    %div3A_52 = vector.broadcast %jit3A_51 : i32 to vector<640x128xi32>
    %div3A_53 = arith.divsi %iota3A_50, %div3A_52 : vector<640x128xi32>
    %sign3A_54 = arith.constant 0 : i32
    %sign3A_55 = vector.broadcast %sign3A_54 : i32 to vector<640x128xi32>
    %sign3A_56 = arith.cmpi sgt, %iota3A_50, %sign3A_55 : vector<640x128xi32>
    %sign3A_57 = arith.extui %sign3A_56 : vector<640x128xi1> to vector<640x128xi32>
    %sign3A_58 = arith.constant 0 : i32
    %sign3A_59 = vector.broadcast %sign3A_58 : i32 to vector<640x128xi32>
    %sign3A_60 = arith.cmpi slt, %iota3A_50, %sign3A_59 : vector<640x128xi32>
    %sign3A_61 = arith.extui %sign3A_60 : vector<640x128xi1> to vector<640x128xi32>
    %sign3A_62 = arith.subi %sign3A_57, %sign3A_61 : vector<640x128xi32>
    %sign3A_63 = arith.constant 0 : i32
    %sign3A_64 = arith.cmpi sgt, %jit3A_51, %sign3A_63 : i32
    %sign3A_65 = arith.extui %sign3A_64 : i1 to i32
    %sign3A_66 = arith.constant 0 : i32
    %sign3A_67 = arith.cmpi slt, %jit3A_51, %sign3A_66 : i32
    %sign3A_68 = arith.extui %sign3A_67 : i1 to i32
    %sign3A_69 = arith.subi %sign3A_65, %sign3A_68 : i32
    %ne3A_70 = vector.broadcast %sign3A_69 : i32 to vector<640x128xi32>
    %ne3A_71 = arith.cmpi ne, %sign3A_62, %ne3A_70 : vector<640x128xi32>
    %rem3A_72 = vector.broadcast %jit3A_51 : i32 to vector<640x128xi32>
    %rem3A_73 = arith.remsi %iota3A_50, %rem3A_72 : vector<640x128xi32>
    %ne3A_74 = arith.constant 0 : i32
    %ne3A_75 = vector.broadcast %ne3A_74 : i32 to vector<640x128xi32>
    %ne3A_76 = arith.cmpi ne, %rem3A_73, %ne3A_75 : vector<640x128xi32>
    %and3A_77 = arith.andi %ne3A_71, %ne3A_76 : vector<640x128xi1>
    %sub3A_78 = arith.constant 1 : i32
    %sub3A_79 = vector.broadcast %sub3A_78 : i32 to vector<640x128xi32>
    %sub3A_80 = arith.subi %div3A_53, %sub3A_79 : vector<640x128xi32>
    %select_n3A_81 = arith.select %and3A_77, %sub3A_80, %div3A_53 : vector<640x128xi1>, vector<640x128xi32>
    %get3A_82 = arith.constant 0 : index
    %get3A_83 = arith.constant 0 : index
    %get3A_84 = vector.load %arg5[%get3A_82, %get3A_83] : memref<640x1xi32, #tpu.memory_space<vmem>>, vector<640x1xi32>
    %eq3A_85 = vector.broadcast %get3A_84 : vector<640x1xi32> to vector<640x128xi32>
    %eq3A_86 = arith.cmpi eq, %select_n3A_81, %eq3A_85 : vector<640x128xi32>
    %concatenate3A_87 = tpu.concatenate %concatenate3A, %concatenate3A, %concatenate3A, %concatenate3A, %concatenate3A, %concatenate3A, %concatenate3A, %concatenate3A in 1 : vector<640x16xf32>, vector<640x16xf32>, vector<640x16xf32>, vector<640x16xf32>, vector<640x16xf32>, vector<640x16xf32>, vector<640x16xf32>, vector<640x16xf32> -> vector<640x128xf32>
    %concatenate3A_88 = tpu.concatenate %concatenate3A_49, %concatenate3A_49, %concatenate3A_49, %concatenate3A_49, %concatenate3A_49, %concatenate3A_49, %concatenate3A_49, %concatenate3A_49 in 1 : vector<640x16xf32>, vector<640x16xf32>, vector<640x16xf32>, vector<640x16xf32>, vector<640x16xf32>, vector<640x16xf32>, vector<640x16xf32>, vector<640x16xf32> -> vector<640x128xf32>
    %jit3A_89 = arith.constant 0.000000e+00 : f32
    %broadcast_in_dim3A_90 = vector.broadcast %jit3A_89 : f32 to vector<640x128xf32>
    %select_n3A_91 = arith.select %eq3A_86, %concatenate3A_87, %broadcast_in_dim3A_90 : vector<640x128xi1>, vector<640x128xf32>
    %swap3A_92 = arith.constant 0 : index
    %swap3A_93 = arith.constant 0 : index
    %swap3A_94 = vector.load %arg6[%swap3A_92, %swap3A_93] : memref<640x128xf32, #tpu.memory_space<vmem>>, vector<640x128xf32>
    tpu.vector_store %arg6[%swap3A_92, %swap3A_93], %select_n3A_91 {strides = array<i32>} : memref<640x128xf32, #tpu.memory_space<vmem>>, vector<640x128xf32>,
    %jit3A_95 = arith.constant 0.000000e+00 : f32
    %broadcast_in_dim3A_96 = vector.broadcast %jit3A_95 : f32 to vector<640x128xf32>
    %select_n3A_97 = arith.select %eq3A_86, %concatenate3A_88, %broadcast_in_dim3A_96 : vector<640x128xi1>, vector<640x128xf32>
    %swap3A_98 = arith.constant 0 : index
    %swap3A_99 = arith.constant 0 : index
    %swap3A_100 = vector.load %arg7[%swap3A_98, %swap3A_99] : memref<640x128xf32, #tpu.memory_space<vmem>>, vector<640x128xf32>
    tpu.vector_store %arg7[%swap3A_98, %swap3A_99], %select_n3A_97 {strides = array<i32>} : memref<640x128xf32, #tpu.memory_space<vmem>>, vector<640x128xf32>,
    return
  }
  func.func @transform_0(%arg0: i32) -> (i32, i32) {
    %c0_i32 = arith.constant 0 : i32
    %c0_i32_0 = arith.constant 0 : i32
    return %arg0, %c0_i32 : i32, i32
  }
  func.func @transform_1(%arg0: i32) -> (i32, i32) {
    %c0_i32 = arith.constant 0 : i32
    %c0_i32_0 = arith.constant 0 : i32
    return %arg0, %c0_i32 : i32, i32
  }
  func.func @transform_2(%arg0: i32) -> (i32, i32) {
    %c0_i32 = arith.constant 0 : i32
    %c0_i32_0 = arith.constant 0 : i32
    return %arg0, %c0_i32 : i32, i32
  }
  func.func @transform_3(%arg0: i32) -> (i32, i32) {
    %c0_i32 = arith.constant 0 : i32
    %c0_i32_0 = arith.constant 0 : i32
    return %arg0, %c0_i32 : i32, i32
  }
  func.func @transform_4(%arg0: i32) -> (i32, i32) {
    %c0_i32 = arith.constant 0 : i32
    %c0_i32_0 = arith.constant 0 : i32
    return %arg0, %c0_i32 : i32, i32
  }
  func.func @transform_5(%arg0: i32) -> (i32, i32) {
    %c0_i32 = arith.constant 0 : i32
    %c0_i32_0 = arith.constant 0 : i32
    return %arg0, %c0_i32 : i32, i32
  }
  func.func @transform_6(%arg0: i32) -> (i32, i32) {
    %c0_i32 = arith.constant 0 : i32
    %c0_i32_0 = arith.constant 0 : i32
    return %arg0, %c0_i32 : i32, i32
  }
  func.func @transform_7(%arg0: i32) -> (i32, i32) {
    %c0_i32 = arith.constant 0 : i32
    %c0_i32_0 = arith.constant 0 : i32
    return %arg0, %c0_i32 : i32, i32
  }
}

module attributes {stable_mosaic.version = 14 : i64} {
  func.func @_statsn_body(%arg0: i32, %arg1: memref<2x2048x16xf32, #tpu.memory_space<vmem>>, %arg2: memref<2x2048x16xf32, #tpu.memory_space<vmem>>, %arg3: memref<2048x128xf32, #tpu.memory_space<vmem>>) attributes {dimension_semantics = [#tpu.dimension_semantics<arbitrary>], iteration_bounds = array<i64: 5>, scalar_prefetch = 0 : i64, scratch_operands = 0 : i64, tpu.core_type = #tpu.core_type<tc>, window_params = [{transform_indices = @transform_0, window_bounds = array<i64: 2, 2048, 16>}, {transform_indices = @transform_1, window_bounds = array<i64: 2, 2048, 16>}, {transform_indices = @transform_2, window_bounds = array<i64: 2048, 128>}]} {
    %get3A = arith.constant 0 : index
    %get3A_0 = arith.constant 0 : index
    %get3A_1 = arith.constant 0 : index
    %get3A_2 = vector.load %arg1[%get3A, %get3A_0, %get3A_1] : memref<2x2048x16xf32, #tpu.memory_space<vmem>>, vector<1x2048x16xf32>
    %get3A_3 = vector.shape_cast %get3A_2 : vector<1x2048x16xf32> to vector<2048x16xf32>
    %get3A_4 = arith.constant 1 : index
    %get3A_5 = arith.constant 0 : index
    %get3A_6 = arith.constant 0 : index
    %get3A_7 = vector.load %arg1[%get3A_4, %get3A_5, %get3A_6] : memref<2x2048x16xf32, #tpu.memory_space<vmem>>, vector<1x2048x16xf32>
    %get3A_8 = vector.shape_cast %get3A_7 : vector<1x2048x16xf32> to vector<2048x16xf32>
    %add3A = arith.addf %get3A_3, %get3A_8 : vector<2048x16xf32>
    %get3A_9 = arith.constant 0 : index
    %get3A_10 = arith.constant 0 : index
    %get3A_11 = arith.constant 0 : index
    %get3A_12 = vector.load %arg2[%get3A_9, %get3A_10, %get3A_11] : memref<2x2048x16xf32, #tpu.memory_space<vmem>>, vector<1x2048x16xf32>
    %get3A_13 = vector.shape_cast %get3A_12 : vector<1x2048x16xf32> to vector<2048x16xf32>
    %get3A_14 = arith.constant 1 : index
    %get3A_15 = arith.constant 0 : index
    %get3A_16 = arith.constant 0 : index
    %get3A_17 = vector.load %arg2[%get3A_14, %get3A_15, %get3A_16] : memref<2x2048x16xf32, #tpu.memory_space<vmem>>, vector<1x2048x16xf32>
    %get3A_18 = vector.shape_cast %get3A_17 : vector<1x2048x16xf32> to vector<2048x16xf32>
    %add3A_19 = arith.addf %get3A_13, %get3A_18 : vector<2048x16xf32>
    %slice3A = vector.extract_strided_slice %add3A {offsets = [0, 8], sizes = [2048, 1], strides = [1, 1]} : vector<2048x16xf32> to vector<2048x1xf32>
    %jit3A = arith.constant 1.000000e+00 : f32
    %max3A = vector.broadcast %jit3A : f32 to vector<2048x1xf32>
    %max3A_20 = arith.maximumf %max3A, %slice3A : vector<2048x1xf32>
    %slice3A_21 = vector.extract_strided_slice %add3A {offsets = [0, 0], sizes = [2048, 8], strides = [1, 1]} : vector<2048x16xf32> to vector<2048x8xf32>
    %div3A = vector.broadcast %max3A_20 : vector<2048x1xf32> to vector<2048x8xf32>
    %div3A_22 = arith.divf %slice3A_21, %div3A : vector<2048x8xf32>
    %slice3A_23 = vector.extract_strided_slice %add3A_19 {offsets = [0, 0], sizes = [2048, 8], strides = [1, 1]} : vector<2048x16xf32> to vector<2048x8xf32>
    %div3A_24 = vector.broadcast %max3A_20 : vector<2048x1xf32> to vector<2048x8xf32>
    %div3A_25 = arith.divf %slice3A_23, %div3A_24 : vector<2048x8xf32>
    %mul3A = arith.mulf %div3A_22, %div3A_22 : vector<2048x8xf32>
    %sub3A = arith.subf %div3A_25, %mul3A : vector<2048x8xf32>
    %jit3A_26 = arith.constant 0.000000e+00 : f32
    %max3A_27 = vector.broadcast %jit3A_26 : f32 to vector<2048x8xf32>
    %max3A_28 = arith.maximumf %max3A_27, %sub3A : vector<2048x8xf32>
    %sqrt3A = math.sqrt %max3A_28 : vector<2048x8xf32>
    %jit3A_29 = arith.constant 9.99999974E-6 : f32
    %max3A_30 = vector.broadcast %jit3A_29 : f32 to vector<2048x8xf32>
    %max3A_31 = arith.maximumf %max3A_30, %sqrt3A : vector<2048x8xf32>
    %div3A_32 = arith.constant 1.000000e+00 : f32
    %div3A_33 = vector.broadcast %div3A_32 : f32 to vector<2048x8xf32>
    %div3A_34 = arith.divf %div3A_33, %max3A_31 : vector<2048x8xf32>
    %concatenate3A = tpu.concatenate %div3A_22, %div3A_34 in 1 : vector<2048x8xf32>, vector<2048x8xf32> -> vector<2048x16xf32>
    %iota3A = tpu.iota {dimensions = array<i32: 1>} : vector<16x128xi32>
    %iota3A_35 = tpu.iota {dimensions = array<i32: 0>} : vector<16x128xi32>
    %eq3A = arith.cmpi eq, %iota3A, %iota3A_35 : vector<16x128xi32>
    %convert_element_type3A = arith.extui %eq3A : vector<16x128xi1> to vector<16x128xi32>
    %convert_element_type3A_36 = arith.sitofp %convert_element_type3A : vector<16x128xi32> to vector<16x128xf32>
    %dot_general3A = arith.constant dense<0.000000e+00> : vector<2048x128xf32>
    %dot_general3A_37 = tpu.matmul %concatenate3A, %convert_element_type3A_36, %dot_general3A {dimension_numbers = #tpu.dot_dimension_numbers<[1], [0], [0], [1], [0, 0, 1, 1], [], []>, transpose_lhs_hint = false} : vector<2048x16xf32>, vector<16x128xf32>, vector<2048x128xf32> -> vector<2048x128xf32>
    %swap3A = arith.constant 0 : index
    %swap3A_38 = arith.constant 0 : index
    %swap3A_39 = vector.load %arg3[%swap3A, %swap3A_38] : memref<2048x128xf32, #tpu.memory_space<vmem>>, vector<2048x128xf32>
    tpu.vector_store %arg3[%swap3A, %swap3A_38], %dot_general3A_37 {strides = array<i32>} : memref<2048x128xf32, #tpu.memory_space<vmem>>, vector<2048x128xf32>,
    return
  }
  func.func @transform_0(%arg0: i32) -> (i32, i32, i32) {
    %c0_i32 = arith.constant 0 : i32
    %c0_i32_0 = arith.constant 0 : i32
    %c0_i32_1 = arith.constant 0 : i32
    return %c0_i32, %arg0, %c0_i32_0 : i32, i32, i32
  }
  func.func @transform_1(%arg0: i32) -> (i32, i32, i32) {
    %c0_i32 = arith.constant 0 : i32
    %c0_i32_0 = arith.constant 0 : i32
    %c0_i32_1 = arith.constant 0 : i32
    return %c0_i32, %arg0, %c0_i32_0 : i32, i32, i32
  }
  func.func @transform_2(%arg0: i32) -> (i32, i32) {
    %c0_i32 = arith.constant 0 : i32
    %c0_i32_0 = arith.constant 0 : i32
    return %arg0, %c0_i32 : i32, i32
  }
}

module attributes {stable_mosaic.version = 14 : i64} {
  func.func @_attnw_body(%arg0: i32, %arg1: memref<640x8xf32, #tpu.memory_space<vmem>>, %arg2: memref<640x128xf32, #tpu.memory_space<vmem>>, %arg3: memref<640x256xf32, #tpu.memory_space<vmem>>, %arg4: memref<640x256xf32, #tpu.memory_space<vmem>>, %arg5: memref<1x8xf32, #tpu.memory_space<vmem>>, %arg6: memref<1x8xf32, #tpu.memory_space<vmem>>, %arg7: memref<640x1xi32, #tpu.memory_space<vmem>>, %arg8: memref<4x640x128xf32, #tpu.memory_space<vmem>>) attributes {dimension_semantics = [#tpu.dimension_semantics<arbitrary>], iteration_bounds = array<i64: 250>, scalar_prefetch = 0 : i64, scratch_operands = 0 : i64, tpu.core_type = #tpu.core_type<tc>, window_params = [{transform_indices = @transform_0, window_bounds = array<i64: 640, 8>}, {transform_indices = @transform_1, window_bounds = array<i64: 640, 128>}, {transform_indices = @transform_2, window_bounds = array<i64: 640, 256>}, {transform_indices = @transform_3, window_bounds = array<i64: 640, 256>}, {pipeline_mode = #tpu.pipeline_mode<synchronous>, transform_indices = @transform_4, window_bounds = array<i64: 1, 8>}, {pipeline_mode = #tpu.pipeline_mode<synchronous>, transform_indices = @transform_5, window_bounds = array<i64: 1, 8>}, {transform_indices = @transform_6, window_bounds = array<i64: 640, 1>}, {transform_indices = @transform_7, window_bounds = array<i64: 4, 640, 128>}]} {
    %get3A = arith.constant 0 : index
    %get3A_0 = arith.constant 0 : index
    %get3A_1 = vector.load %arg1[%get3A, %get3A_0] : memref<640x8xf32, #tpu.memory_space<vmem>>, vector<640x8xf32>
    %get3A_2 = arith.constant 0 : index
    %get3A_3 = arith.constant 0 : index
    %get3A_4 = vector.load %arg2[%get3A_2, %get3A_3] : memref<640x128xf32, #tpu.memory_space<vmem>>, vector<640x8xf32>
    %get3A_5 = arith.constant 0 : index
    %get3A_6 = arith.constant 8 : index
    %get3A_7 = vector.load %arg2[%get3A_5, %get3A_6] : memref<640x128xf32, #tpu.memory_space<vmem>>, vector<640x8xf32>
    %get3A_8 = arith.constant 0 : index
    %get3A_9 = arith.constant 0 : index
    %get3A_10 = vector.load %arg5[%get3A_8, %get3A_9] : memref<1x8xf32, #tpu.memory_space<vmem>>, vector<1x8xf32>
    %sub3A = arith.subf %get3A_1, %get3A_4 : vector<640x8xf32>
    %mul3A = vector.broadcast %get3A_10 : vector<1x8xf32> to vector<640x8xf32>
    %mul3A_11 = arith.mulf %mul3A, %sub3A : vector<640x8xf32>
    %mul3A_12 = arith.mulf %mul3A_11, %get3A_7 : vector<640x8xf32>
    %get3A_13 = arith.constant 0 : index
    %get3A_14 = arith.constant 0 : index
    %get3A_15 = vector.load %arg6[%get3A_13, %get3A_14] : memref<1x8xf32, #tpu.memory_space<vmem>>, vector<1x8xf32>
    %add3A = vector.broadcast %get3A_15 : vector<1x8xf32> to vector<640x8xf32>
    %add3A_16 = arith.addf %mul3A_12, %add3A : vector<640x8xf32>
    %iota3A = tpu.iota {dimensions = array<i32: 1>} : vector<8x256xi32>
    %jit3A = arith.constant 32 : i32
    %div3A = vector.broadcast %jit3A : i32 to vector<8x256xi32>
    %div3A_17 = arith.divsi %iota3A, %div3A : vector<8x256xi32>
    %sign3A = arith.constant 0 : i32
    %sign3A_18 = vector.broadcast %sign3A : i32 to vector<8x256xi32>
    %sign3A_19 = arith.cmpi sgt, %iota3A, %sign3A_18 : vector<8x256xi32>
    %sign3A_20 = arith.extui %sign3A_19 : vector<8x256xi1> to vector<8x256xi32>
    %sign3A_21 = arith.constant 0 : i32
    %sign3A_22 = vector.broadcast %sign3A_21 : i32 to vector<8x256xi32>
    %sign3A_23 = arith.cmpi slt, %iota3A, %sign3A_22 : vector<8x256xi32>
    %sign3A_24 = arith.extui %sign3A_23 : vector<8x256xi1> to vector<8x256xi32>
    %sign3A_25 = arith.subi %sign3A_20, %sign3A_24 : vector<8x256xi32>
    %sign3A_26 = arith.constant 0 : i32
    %sign3A_27 = arith.cmpi sgt, %jit3A, %sign3A_26 : i32
    %sign3A_28 = arith.extui %sign3A_27 : i1 to i32
    %sign3A_29 = arith.constant 0 : i32
    %sign3A_30 = arith.cmpi slt, %jit3A, %sign3A_29 : i32
    %sign3A_31 = arith.extui %sign3A_30 : i1 to i32
    %sign3A_32 = arith.subi %sign3A_28, %sign3A_31 : i32
    %ne3A = vector.broadcast %sign3A_32 : i32 to vector<8x256xi32>
    %ne3A_33 = arith.cmpi ne, %sign3A_25, %ne3A : vector<8x256xi32>
    %rem3A = vector.broadcast %jit3A : i32 to vector<8x256xi32>
    %rem3A_34 = arith.remsi %iota3A, %rem3A : vector<8x256xi32>
    %ne3A_35 = arith.constant 0 : i32
    %ne3A_36 = vector.broadcast %ne3A_35 : i32 to vector<8x256xi32>
    %ne3A_37 = arith.cmpi ne, %rem3A_34, %ne3A_36 : vector<8x256xi32>
    %and3A = arith.andi %ne3A_33, %ne3A_37 : vector<8x256xi1>
    %sub3A_38 = arith.constant 1 : i32
    %sub3A_39 = vector.broadcast %sub3A_38 : i32 to vector<8x256xi32>
    %sub3A_40 = arith.subi %div3A_17, %sub3A_39 : vector<8x256xi32>
    %select_n3A = arith.select %and3A, %sub3A_40, %div3A_17 : vector<8x256xi1>, vector<8x256xi32>
    %iota3A_41 = tpu.iota {dimensions = array<i32: 0>} : vector<8x256xi32>
    %eq3A = arith.cmpi eq, %select_n3A, %iota3A_41 : vector<8x256xi32>
    %convert_element_type3A = arith.extui %eq3A : vector<8x256xi1> to vector<8x256xi32>
    %convert_element_type3A_42 = arith.sitofp %convert_element_type3A : vector<8x256xi32> to vector<8x256xf32>
    %dot_general3A = arith.constant dense<0.000000e+00> : vector<640x256xf32>
    %dot_general3A_43 = tpu.matmul %add3A_16, %convert_element_type3A_42, %dot_general3A {dimension_numbers = #tpu.dot_dimension_numbers<[1], [0], [0], [1], [0, 0, 1, 1], [], []>, transpose_lhs_hint = false} : vector<640x8xf32>, vector<8x256xf32>, vector<640x256xf32> -> vector<640x256xf32>
    %get3A_44 = arith.constant 0 : index
    %get3A_45 = arith.constant 0 : index
    %get3A_46 = vector.load %arg3[%get3A_44, %get3A_45] : memref<640x256xf32, #tpu.memory_space<vmem>>, vector<640x256xf32>
    %get3A_47 = arith.constant 0 : index
    %get3A_48 = arith.constant 0 : index
    %get3A_49 = vector.load %arg4[%get3A_47, %get3A_48] : memref<640x256xf32, #tpu.memory_space<vmem>>, vector<640x256xf32>
    %add3A_50 = arith.addf %get3A_46, %get3A_49 : vector<640x256xf32>
    %mul3A_51 = arith.mulf %dot_general3A_43, %add3A_50 : vector<640x256xf32>
    %iota3A_52 = tpu.iota {dimensions = array<i32: 1>} : vector<640x128xi32>
    %jit3A_53 = arith.constant 64 : i32
    %div3A_54 = vector.broadcast %jit3A_53 : i32 to vector<640x128xi32>
    %div3A_55 = arith.divsi %iota3A_52, %div3A_54 : vector<640x128xi32>
    %sign3A_56 = arith.constant 0 : i32
    %sign3A_57 = vector.broadcast %sign3A_56 : i32 to vector<640x128xi32>
    %sign3A_58 = arith.cmpi sgt, %iota3A_52, %sign3A_57 : vector<640x128xi32>
    %sign3A_59 = arith.extui %sign3A_58 : vector<640x128xi1> to vector<640x128xi32>
    %sign3A_60 = arith.constant 0 : i32
    %sign3A_61 = vector.broadcast %sign3A_60 : i32 to vector<640x128xi32>
    %sign3A_62 = arith.cmpi slt, %iota3A_52, %sign3A_61 : vector<640x128xi32>
    %sign3A_63 = arith.extui %sign3A_62 : vector<640x128xi1> to vector<640x128xi32>
    %sign3A_64 = arith.subi %sign3A_59, %sign3A_63 : vector<640x128xi32>
    %sign3A_65 = arith.constant 0 : i32
    %sign3A_66 = arith.cmpi sgt, %jit3A_53, %sign3A_65 : i32
    %sign3A_67 = arith.extui %sign3A_66 : i1 to i32
    %sign3A_68 = arith.constant 0 : i32
    %sign3A_69 = arith.cmpi slt, %jit3A_53, %sign3A_68 : i32
    %sign3A_70 = arith.extui %sign3A_69 : i1 to i32
    %sign3A_71 = arith.subi %sign3A_67, %sign3A_70 : i32
    %ne3A_72 = vector.broadcast %sign3A_71 : i32 to vector<640x128xi32>
    %ne3A_73 = arith.cmpi ne, %sign3A_64, %ne3A_72 : vector<640x128xi32>
    %rem3A_74 = vector.broadcast %jit3A_53 : i32 to vector<640x128xi32>
    %rem3A_75 = arith.remsi %iota3A_52, %rem3A_74 : vector<640x128xi32>
    %ne3A_76 = arith.constant 0 : i32
    %ne3A_77 = vector.broadcast %ne3A_76 : i32 to vector<640x128xi32>
    %ne3A_78 = arith.cmpi ne, %rem3A_75, %ne3A_77 : vector<640x128xi32>
    %and3A_79 = arith.andi %ne3A_73, %ne3A_78 : vector<640x128xi1>
    %sub3A_80 = arith.constant 1 : i32
    %sub3A_81 = vector.broadcast %sub3A_80 : i32 to vector<640x128xi32>
    %sub3A_82 = arith.subi %div3A_55, %sub3A_81 : vector<640x128xi32>
    %select_n3A_83 = arith.select %and3A_79, %sub3A_82, %div3A_55 : vector<640x128xi1>, vector<640x128xi32>
    %get3A_84 = arith.constant 0 : index
    %get3A_85 = arith.constant 0 : index
    %get3A_86 = vector.load %arg7[%get3A_84, %get3A_85] : memref<640x1xi32, #tpu.memory_space<vmem>>, vector<640x1xi32>
    %eq3A_87 = vector.broadcast %get3A_86 : vector<640x1xi32> to vector<640x128xi32>
    %eq3A_88 = arith.cmpi eq, %select_n3A_83, %eq3A_87 : vector<640x128xi32>
    %slice3A = vector.extract_strided_slice %mul3A_51 {offsets = [0, 0], sizes = [640, 64], strides = [1, 1]} : vector<640x256xf32> to vector<640x64xf32>
    %concatenate3A = tpu.concatenate %slice3A, %slice3A in 1 : vector<640x64xf32>, vector<640x64xf32> -> vector<640x128xf32>
    %jit3A_89 = arith.constant 0.000000e+00 : f32
    %broadcast_in_dim3A = vector.broadcast %jit3A_89 : f32 to vector<640x128xf32>
    %select_n3A_90 = arith.select %eq3A_88, %concatenate3A, %broadcast_in_dim3A : vector<640x128xi1>, vector<640x128xf32>
    %swap3A = arith.constant 0 : index
    %swap3A_91 = arith.constant 0 : index
    %swap3A_92 = arith.constant 0 : index
    %swap3A_93 = vector.load %arg8[%swap3A, %swap3A_91, %swap3A_92] : memref<4x640x128xf32, #tpu.memory_space<vmem>>, vector<1x640x128xf32>
    %swap3A_94 = vector.shape_cast %swap3A_93 : vector<1x640x128xf32> to vector<640x128xf32>
    %swap3A_95 = vector.shape_cast %select_n3A_90 : vector<640x128xf32> to vector<1x640x128xf32>
    tpu.vector_store %arg8[%swap3A, %swap3A_91, %swap3A_92], %swap3A_95 {strides = array<i32>} : memref<4x640x128xf32, #tpu.memory_space<vmem>>, vector<1x640x128xf32>,
    %slice3A_96 = vector.extract_strided_slice %mul3A_51 {offsets = [0, 64], sizes = [640, 64], strides = [1, 1]} : vector<640x256xf32> to vector<640x64xf32>
    %concatenate3A_97 = tpu.concatenate %slice3A_96, %slice3A_96 in 1 : vector<640x64xf32>, vector<640x64xf32> -> vector<640x128xf32>
    %jit3A_98 = arith.constant 0.000000e+00 : f32
    %broadcast_in_dim3A_99 = vector.broadcast %jit3A_98 : f32 to vector<640x128xf32>
    %select_n3A_100 = arith.select %eq3A_88, %concatenate3A_97, %broadcast_in_dim3A_99 : vector<640x128xi1>, vector<640x128xf32>
    %swap3A_101 = arith.constant 1 : index
    %swap3A_102 = arith.constant 0 : index
    %swap3A_103 = arith.constant 0 : index
    %swap3A_104 = vector.load %arg8[%swap3A_101, %swap3A_102, %swap3A_103] : memref<4x640x128xf32, #tpu.memory_space<vmem>>, vector<1x640x128xf32>
    %swap3A_105 = vector.shape_cast %swap3A_104 : vector<1x640x128xf32> to vector<640x128xf32>
    %swap3A_106 = vector.shape_cast %select_n3A_100 : vector<640x128xf32> to vector<1x640x128xf32>
    tpu.vector_store %arg8[%swap3A_101, %swap3A_102, %swap3A_103], %swap3A_106 {strides = array<i32>} : memref<4x640x128xf32, #tpu.memory_space<vmem>>, vector<1x640x128xf32>,
    %slice3A_107 = vector.extract_strided_slice %mul3A_51 {offsets = [0, 128], sizes = [640, 64], strides = [1, 1]} : vector<640x256xf32> to vector<640x64xf32>
    %concatenate3A_108 = tpu.concatenate %slice3A_107, %slice3A_107 in 1 : vector<640x64xf32>, vector<640x64xf32> -> vector<640x128xf32>
    %jit3A_109 = arith.constant 0.000000e+00 : f32
    %broadcast_in_dim3A_110 = vector.broadcast %jit3A_109 : f32 to vector<640x128xf32>
    %select_n3A_111 = arith.select %eq3A_88, %concatenate3A_108, %broadcast_in_dim3A_110 : vector<640x128xi1>, vector<640x128xf32>
    %swap3A_112 = arith.constant 2 : index
    %swap3A_113 = arith.constant 0 : index
    %swap3A_114 = arith.constant 0 : index
    %swap3A_115 = vector.load %arg8[%swap3A_112, %swap3A_113, %swap3A_114] : memref<4x640x128xf32, #tpu.memory_space<vmem>>, vector<1x640x128xf32>
    %swap3A_116 = vector.shape_cast %swap3A_115 : vector<1x640x128xf32> to vector<640x128xf32>
    %swap3A_117 = vector.shape_cast %select_n3A_111 : vector<640x128xf32> to vector<1x640x128xf32>
    tpu.vector_store %arg8[%swap3A_112, %swap3A_113, %swap3A_114], %swap3A_117 {strides = array<i32>} : memref<4x640x128xf32, #tpu.memory_space<vmem>>, vector<1x640x128xf32>,
    %slice3A_118 = vector.extract_strided_slice %mul3A_51 {offsets = [0, 192], sizes = [640, 64], strides = [1, 1]} : vector<640x256xf32> to vector<640x64xf32>
    %concatenate3A_119 = tpu.concatenate %slice3A_118, %slice3A_118 in 1 : vector<640x64xf32>, vector<640x64xf32> -> vector<640x128xf32>
    %jit3A_120 = arith.constant 0.000000e+00 : f32
    %broadcast_in_dim3A_121 = vector.broadcast %jit3A_120 : f32 to vector<640x128xf32>
    %select_n3A_122 = arith.select %eq3A_88, %concatenate3A_119, %broadcast_in_dim3A_121 : vector<640x128xi1>, vector<640x128xf32>
    %swap3A_123 = arith.constant 3 : index
    %swap3A_124 = arith.constant 0 : index
    %swap3A_125 = arith.constant 0 : index
    %swap3A_126 = vector.load %arg8[%swap3A_123, %swap3A_124, %swap3A_125] : memref<4x640x128xf32, #tpu.memory_space<vmem>>, vector<1x640x128xf32>
    %swap3A_127 = vector.shape_cast %swap3A_126 : vector<1x640x128xf32> to vector<640x128xf32>
    %swap3A_128 = vector.shape_cast %select_n3A_122 : vector<640x128xf32> to vector<1x640x128xf32>
    tpu.vector_store %arg8[%swap3A_123, %swap3A_124, %swap3A_125], %swap3A_128 {strides = array<i32>} : memref<4x640x128xf32, #tpu.memory_space<vmem>>, vector<1x640x128xf32>,
    return
  }
  func.func @transform_0(%arg0: i32) -> (i32, i32) {
    %c0_i32 = arith.constant 0 : i32
    %c0_i32_0 = arith.constant 0 : i32
    return %arg0, %c0_i32 : i32, i32
  }
  func.func @transform_1(%arg0: i32) -> (i32, i32) {
    %c0_i32 = arith.constant 0 : i32
    %c0_i32_0 = arith.constant 0 : i32
    return %arg0, %c0_i32 : i32, i32
  }
  func.func @transform_2(%arg0: i32) -> (i32, i32) {
    %c0_i32 = arith.constant 0 : i32
    %c0_i32_0 = arith.constant 0 : i32
    return %arg0, %c0_i32 : i32, i32
  }
  func.func @transform_3(%arg0: i32) -> (i32, i32) {
    %c0_i32 = arith.constant 0 : i32
    %c0_i32_0 = arith.constant 0 : i32
    return %arg0, %c0_i32 : i32, i32
  }
  func.func @transform_4(%arg0: i32) -> (i32, i32) {
    %c0_i32 = arith.constant 0 : i32
    %c0_i32_0 = arith.constant 0 : i32
    %c0_i32_1 = arith.constant 0 : i32
    return %c0_i32, %c0_i32_0 : i32, i32
  }
  func.func @transform_5(%arg0: i32) -> (i32, i32) {
    %c0_i32 = arith.constant 0 : i32
    %c0_i32_0 = arith.constant 0 : i32
    %c0_i32_1 = arith.constant 0 : i32
    return %c0_i32, %c0_i32_0 : i32, i32
  }
  func.func @transform_6(%arg0: i32) -> (i32, i32) {
    %c0_i32 = arith.constant 0 : i32
    %c0_i32_0 = arith.constant 0 : i32
    return %arg0, %c0_i32 : i32, i32
  }
  func.func @transform_7(%arg0: i32) -> (i32, i32, i32) {
    %c0_i32 = arith.constant 0 : i32
    %c0_i32_0 = arith.constant 0 : i32
    %c0_i32_1 = arith.constant 0 : i32
    return %c0_i32, %arg0, %c0_i32_0 : i32, i32, i32
  }
}

module attributes {stable_mosaic.version = 14 : i64} {
  func.func @_aggstat_body(%arg0: i32, %arg1: memref<1000x256xf32, #tpu.memory_space<vmem>>, %arg2: memref<2x256xf32, #tpu.memory_space<vmem>>) attributes {dimension_semantics = [#tpu.dimension_semantics<arbitrary>], iteration_bounds = array<i64: 10>, scalar_prefetch = 0 : i64, scratch_operands = 0 : i64, tpu.core_type = #tpu.core_type<tc>, window_params = [{transform_indices = @transform_0, window_bounds = array<i64: 1000, 256>}, {pipeline_mode = #tpu.pipeline_mode<synchronous>, transform_indices = @transform_1, window_bounds = array<i64: 2, 256>}]} {
    %get3A = arith.constant 0 : index
    %get3A_0 = arith.constant 0 : index
    %get3A_1 = vector.load %arg1[%get3A, %get3A_0] : memref<1000x256xf32, #tpu.memory_space<vmem>>, vector<1000x256xf32>
    %reduce_sum3A = arith.constant dense<0.000000e+00> : vector<256xf32>
    %reduce_sum3A_2 = vector.multi_reduction <add>, %get3A_1, %reduce_sum3A [0] : vector<1000x256xf32> to vector<256xf32>
    %broadcast_in_dim3A = vector.shape_cast %reduce_sum3A_2 : vector<256xf32> to vector<1x256xf32>
    %mul3A = arith.mulf %get3A_1, %get3A_1 : vector<1000x256xf32>
    %reduce_sum3A_3 = arith.constant dense<0.000000e+00> : vector<256xf32>
    %reduce_sum3A_4 = vector.multi_reduction <add>, %mul3A, %reduce_sum3A_3 [0] : vector<1000x256xf32> to vector<256xf32>
    %broadcast_in_dim3A_5 = vector.shape_cast %reduce_sum3A_4 : vector<256xf32> to vector<1x256xf32>
    %concatenate3A = tpu.concatenate %broadcast_in_dim3A, %broadcast_in_dim3A_5 in 0 : vector<1x256xf32>, vector<1x256xf32> -> vector<2x256xf32>
    %eq3A = arith.constant 0 : i32
    %eq3A_6 = arith.cmpi eq, %arg0, %eq3A : i32
    %convert_element_type3A = arith.extui %eq3A_6 : i1 to i32
    %cond3A = arith.constant 0 : i32
    %cond3A_7 = arith.cmpi ne, %convert_element_type3A, %cond3A : i32
    scf.if %cond3A_7 {
      %broadcast_in_dim3A_13 = arith.constant 0.000000e+00 : f32
      %broadcast_in_dim3A_14 = vector.broadcast %broadcast_in_dim3A_13 : f32 to vector<2x256xf32>
      %swap3A_15 = arith.constant 0 : index
      %swap3A_16 = arith.constant 0 : index
      %swap3A_17 = vector.load %arg2[%swap3A_15, %swap3A_16] : memref<2x256xf32, #tpu.memory_space<vmem>>, vector<2x256xf32>
      tpu.vector_store %arg2[%swap3A_15, %swap3A_16], %broadcast_in_dim3A_14 {strides = array<i32>} : memref<2x256xf32, #tpu.memory_space<vmem>>, vector<2x256xf32>,
    } else {
    }
    %get3A_8 = arith.constant 0 : index
    %get3A_9 = arith.constant 0 : index
    %get3A_10 = vector.load %arg2[%get3A_8, %get3A_9] : memref<2x256xf32, #tpu.memory_space<vmem>>, vector<2x256xf32>
    %add3A = arith.addf %get3A_10, %concatenate3A : vector<2x256xf32>
    %swap3A = arith.constant 0 : index
    %swap3A_11 = arith.constant 0 : index
    %swap3A_12 = vector.load %arg2[%swap3A, %swap3A_11] : memref<2x256xf32, #tpu.memory_space<vmem>>, vector<2x256xf32>
    tpu.vector_store %arg2[%swap3A, %swap3A_11], %add3A {strides = array<i32>} : memref<2x256xf32, #tpu.memory_space<vmem>>, vector<2x256xf32>,
    return
  }
  func.func @transform_0(%arg0: i32) -> (i32, i32) {
    %c0_i32 = arith.constant 0 : i32
    %c0_i32_0 = arith.constant 0 : i32
    return %arg0, %c0_i32 : i32, i32
  }
  func.func @transform_1(%arg0: i32) -> (i32, i32) {
    %c0_i32 = arith.constant 0 : i32
    %c0_i32_0 = arith.constant 0 : i32
    %c0_i32_1 = arith.constant 0 : i32
    return %c0_i32, %c0_i32_0 : i32, i32
  }
}

module attributes {stable_mosaic.version = 14 : i64} {
  func.func @_node_body(%arg0: i32, %arg1: memref<1000x128xf32, #tpu.memory_space<vmem>>, %arg2: memref<1000x256xf32, #tpu.memory_space<vmem>>, %arg3: memref<2x256xf32, #tpu.memory_space<vmem>>, %arg4: memref<1x256xf32, #tpu.memory_space<vmem>>, %arg5: memref<1x256xf32, #tpu.memory_space<vmem>>, %arg6: memref<256x128xf32, #tpu.memory_space<vmem>>, %arg7: memref<1x128xf32, #tpu.memory_space<vmem>>, %arg8: memref<128x512xf32, #tpu.memory_space<vmem>>, %arg9: memref<1x512xf32, #tpu.memory_space<vmem>>, %arg10: memref<256x128xf32, #tpu.memory_space<vmem>>, %arg11: memref<1x128xf32, #tpu.memory_space<vmem>>, %arg12: memref<128x512xf32, #tpu.memory_space<vmem>>, %arg13: memref<1x512xf32, #tpu.memory_space<vmem>>, %arg14: memref<256x128xf32, #tpu.memory_space<vmem>>, %arg15: memref<1x128xf32, #tpu.memory_space<vmem>>, %arg16: memref<1x1xf32, #tpu.memory_space<vmem>>, %arg17: memref<1000x128xf32, #tpu.memory_space<vmem>>) attributes {dimension_semantics = [#tpu.dimension_semantics<arbitrary>], iteration_bounds = array<i64: 10>, scalar_prefetch = 0 : i64, scratch_operands = 0 : i64, tpu.core_type = #tpu.core_type<tc>, window_params = [{transform_indices = @transform_0, window_bounds = array<i64: 1000, 128>}, {transform_indices = @transform_1, window_bounds = array<i64: 1000, 256>}, {pipeline_mode = #tpu.pipeline_mode<synchronous>, transform_indices = @transform_2, window_bounds = array<i64: 2, 256>}, {pipeline_mode = #tpu.pipeline_mode<synchronous>, transform_indices = @transform_3, window_bounds = array<i64: 1, 256>}, {pipeline_mode = #tpu.pipeline_mode<synchronous>, transform_indices = @transform_4, window_bounds = array<i64: 1, 256>}, {pipeline_mode = #tpu.pipeline_mode<synchronous>, transform_indices = @transform_5, window_bounds = array<i64: 256, 128>}, {pipeline_mode = #tpu.pipeline_mode<synchronous>, transform_indices = @transform_6, window_bounds = array<i64: 1, 128>}, {pipeline_mode = #tpu.pipeline_mode<synchronous>, transform_indices = @transform_7, window_bounds = array<i64: 128, 512>}, {pipeline_mode = #tpu.pipeline_mode<synchronous>, transform_indices = @transform_8, window_bounds = array<i64: 1, 512>}, {pipeline_mode = #tpu.pipeline_mode<synchronous>, transform_indices = @transform_9, window_bounds = array<i64: 256, 128>}, {pipeline_mode = #tpu.pipeline_mode<synchronous>, transform_indices = @transform_10, window_bounds = array<i64: 1, 128>}, {pipeline_mode = #tpu.pipeline_mode<synchronous>, transform_indices = @transform_11, window_bounds = array<i64: 128, 512>}, {pipeline_mode = #tpu.pipeline_mode<synchronous>, transform_indices = @transform_12, window_bounds = array<i64: 1, 512>}, {pipeline_mode = #tpu.pipeline_mode<synchronous>, transform_indices = @transform_13, window_bounds = array<i64: 256, 128>}, {pipeline_mode = #tpu.pipeline_mode<synchronous>, transform_indices = @transform_14, window_bounds = array<i64: 1, 128>}, {pipeline_mode = #tpu.pipeline_mode<synchronous>, transform_indices = @transform_15, window_bounds = array<i64: 1, 1>}, {transform_indices = @transform_16, window_bounds = array<i64: 1000, 128>}]} {
    %get3A = arith.constant 0 : index
    %get3A_0 = arith.constant 0 : index
    %get3A_1 = vector.load %arg2[%get3A, %get3A_0] : memref<1000x256xf32, #tpu.memory_space<vmem>>, vector<1000x256xf32>
    %get3A_2 = arith.constant 0 : index
    %get3A_3 = arith.constant 0 : index
    %get3A_4 = vector.load %arg3[%get3A_2, %get3A_3] : memref<2x256xf32, #tpu.memory_space<vmem>>, vector<1x256xf32>
    %mul3A = arith.constant 9.99999974E-5 : f32
    %mul3A_5 = vector.broadcast %mul3A : f32 to vector<1x256xf32>
    %mul3A_6 = arith.mulf %get3A_4, %mul3A_5 : vector<1x256xf32>
    %get3A_7 = arith.constant 1 : index
    %get3A_8 = arith.constant 0 : index
    %get3A_9 = vector.load %arg3[%get3A_7, %get3A_8] : memref<2x256xf32, #tpu.memory_space<vmem>>, vector<1x256xf32>
    %mul3A_10 = arith.constant 9.99999974E-5 : f32
    %mul3A_11 = vector.broadcast %mul3A_10 : f32 to vector<1x256xf32>
    %mul3A_12 = arith.mulf %get3A_9, %mul3A_11 : vector<1x256xf32>
    %mul3A_13 = arith.mulf %mul3A_6, %mul3A_6 : vector<1x256xf32>
    %sub3A = arith.subf %mul3A_12, %mul3A_13 : vector<1x256xf32>
    %jit3A = arith.constant 0.000000e+00 : f32
    %max3A = vector.broadcast %jit3A : f32 to vector<1x256xf32>
    %max3A_14 = arith.maximumf %max3A, %sub3A : vector<1x256xf32>
    %add3A = arith.constant 9.99999997E-7 : f32
    %add3A_15 = vector.broadcast %add3A : f32 to vector<1x256xf32>
    %add3A_16 = arith.addf %max3A_14, %add3A_15 : vector<1x256xf32>
    %sqrt3A = math.sqrt %add3A_16 : vector<1x256xf32>
    %get3A_17 = arith.constant 0 : index
    %get3A_18 = arith.constant 0 : index
    %get3A_19 = vector.load %arg4[%get3A_17, %get3A_18] : memref<1x256xf32, #tpu.memory_space<vmem>>, vector<1x256xf32>
    %sub3A_20 = vector.broadcast %mul3A_6 : vector<1x256xf32> to vector<1000x256xf32>
    %sub3A_21 = arith.subf %get3A_1, %sub3A_20 : vector<1000x256xf32>
    %mul3A_22 = vector.broadcast %get3A_19 : vector<1x256xf32> to vector<1000x256xf32>
    %mul3A_23 = arith.mulf %mul3A_22, %sub3A_21 : vector<1000x256xf32>
    %div3A = vector.broadcast %sqrt3A : vector<1x256xf32> to vector<1000x256xf32>
    %div3A_24 = arith.divf %mul3A_23, %div3A : vector<1000x256xf32>
    %get3A_25 = arith.constant 0 : index
    %get3A_26 = arith.constant 0 : index
    %get3A_27 = vector.load %arg5[%get3A_25, %get3A_26] : memref<1x256xf32, #tpu.memory_space<vmem>>, vector<1x256xf32>
    %add3A_28 = vector.broadcast %get3A_27 : vector<1x256xf32> to vector<1000x256xf32>
    %add3A_29 = arith.addf %div3A_24, %add3A_28 : vector<1000x256xf32>
    %max3A_30 = arith.constant 0.000000e+00 : f32
    %max3A_31 = vector.broadcast %max3A_30 : f32 to vector<1000x256xf32>
    %max3A_32 = arith.maximumf %add3A_29, %max3A_31 : vector<1000x256xf32>
    %get3A_33 = arith.constant 0 : index
    %get3A_34 = arith.constant 0 : index
    %get3A_35 = vector.load %arg6[%get3A_33, %get3A_34] : memref<256x128xf32, #tpu.memory_space<vmem>>, vector<256x128xf32>
    %dot_general3A = arith.constant dense<0.000000e+00> : vector<1000x128xf32>
    %dot_general3A_36 = tpu.matmul %max3A_32, %get3A_35, %dot_general3A {dimension_numbers = #tpu.dot_dimension_numbers<[1], [0], [0], [1], [0, 0, 1, 1], [], []>, transpose_lhs_hint = false} : vector<1000x256xf32>, vector<256x128xf32>, vector<1000x128xf32> -> vector<1000x128xf32>
    %get3A_37 = arith.constant 0 : index
    %get3A_38 = arith.constant 0 : index
    %get3A_39 = vector.load %arg7[%get3A_37, %get3A_38] : memref<1x128xf32, #tpu.memory_space<vmem>>, vector<1x128xf32>
    %add3A_40 = vector.broadcast %get3A_39 : vector<1x128xf32> to vector<1000x128xf32>
    %add3A_41 = arith.addf %dot_general3A_36, %add3A_40 : vector<1000x128xf32>
    %get3A_42 = arith.constant 0 : index
    %get3A_43 = arith.constant 0 : index
    %get3A_44 = vector.load %arg16[%get3A_42, %get3A_43] : memref<1x1xf32, #tpu.memory_space<vmem>>, vector<1x1xf32>
    %get3A_45 = vector.extract %get3A_44[0, 0] : f32 from vector<1x1xf32>
    %get3A_46 = arith.constant 0 : index
    %get3A_47 = arith.constant 0 : index
    %get3A_48 = vector.load %arg1[%get3A_46, %get3A_47] : memref<1000x128xf32, #tpu.memory_space<vmem>>, vector<1000x128xf32>
    %mul3A_49 = vector.broadcast %get3A_45 : f32 to vector<1000x128xf32>
    %mul3A_50 = arith.mulf %mul3A_49, %add3A_41 : vector<1000x128xf32>
    %add3A_51 = arith.addf %get3A_48, %mul3A_50 : vector<1000x128xf32>
    %get3A_52 = arith.constant 0 : index
    %get3A_53 = arith.constant 0 : index
    %get3A_54 = vector.load %arg8[%get3A_52, %get3A_53] : memref<128x512xf32, #tpu.memory_space<vmem>>, vector<128x512xf32>
    %dot_general3A_55 = arith.constant dense<0.000000e+00> : vector<1000x512xf32>
    %dot_general3A_56 = tpu.matmul %add3A_51, %get3A_54, %dot_general3A_55 {dimension_numbers = #tpu.dot_dimension_numbers<[1], [0], [0], [1], [0, 0, 1, 1], [], []>, transpose_lhs_hint = false} : vector<1000x128xf32>, vector<128x512xf32>, vector<1000x512xf32> -> vector<1000x512xf32>
    %get3A_57 = arith.constant 0 : index
    %get3A_58 = arith.constant 0 : index
    %get3A_59 = vector.load %arg9[%get3A_57, %get3A_58] : memref<1x512xf32, #tpu.memory_space<vmem>>, vector<1x512xf32>
    %add3A_60 = vector.broadcast %get3A_59 : vector<1x512xf32> to vector<1000x512xf32>
    %add3A_61 = arith.addf %dot_general3A_56, %add3A_60 : vector<1000x512xf32>
    %slice3A = vector.extract_strided_slice %add3A_61 {offsets = [0, 0], sizes = [1000, 256], strides = [1, 1]} : vector<1000x512xf32> to vector<1000x256xf32>
    %slice3A_62 = vector.extract_strided_slice %add3A_61 {offsets = [0, 256], sizes = [1000, 256], strides = [1, 1]} : vector<1000x512xf32> to vector<1000x256xf32>
    %max3A_63 = arith.constant 0.000000e+00 : f32
    %max3A_64 = vector.broadcast %max3A_63 : f32 to vector<1000x256xf32>
    %max3A_65 = arith.maximumf %slice3A_62, %max3A_64 : vector<1000x256xf32>
    %mul3A_66 = arith.mulf %slice3A, %max3A_65 : vector<1000x256xf32>
    %get3A_67 = arith.constant 0 : index
    %get3A_68 = arith.constant 0 : index
    %get3A_69 = vector.load %arg10[%get3A_67, %get3A_68] : memref<256x128xf32, #tpu.memory_space<vmem>>, vector<256x128xf32>
    %dot_general3A_70 = arith.constant dense<0.000000e+00> : vector<1000x128xf32>
    %dot_general3A_71 = tpu.matmul %mul3A_66, %get3A_69, %dot_general3A_70 {dimension_numbers = #tpu.dot_dimension_numbers<[1], [0], [0], [1], [0, 0, 1, 1], [], []>, transpose_lhs_hint = false} : vector<1000x256xf32>, vector<256x128xf32>, vector<1000x128xf32> -> vector<1000x128xf32>
    %get3A_72 = arith.constant 0 : index
    %get3A_73 = arith.constant 0 : index
    %get3A_74 = vector.load %arg11[%get3A_72, %get3A_73] : memref<1x128xf32, #tpu.memory_space<vmem>>, vector<1x128xf32>
    %add3A_75 = vector.broadcast %get3A_74 : vector<1x128xf32> to vector<1000x128xf32>
    %add3A_76 = arith.addf %dot_general3A_71, %add3A_75 : vector<1000x128xf32>
    %mul3A_77 = vector.broadcast %get3A_45 : f32 to vector<1000x128xf32>
    %mul3A_78 = arith.mulf %mul3A_77, %add3A_76 : vector<1000x128xf32>
    %add3A_79 = arith.addf %add3A_51, %mul3A_78 : vector<1000x128xf32>
    %get3A_80 = arith.constant 0 : index
    %get3A_81 = arith.constant 0 : index
    %get3A_82 = vector.load %arg12[%get3A_80, %get3A_81] : memref<128x512xf32, #tpu.memory_space<vmem>>, vector<128x512xf32>
    %dot_general3A_83 = arith.constant dense<0.000000e+00> : vector<1000x512xf32>
    %dot_general3A_84 = tpu.matmul %add3A_79, %get3A_82, %dot_general3A_83 {dimension_numbers = #tpu.dot_dimension_numbers<[1], [0], [0], [1], [0, 0, 1, 1], [], []>, transpose_lhs_hint = false} : vector<1000x128xf32>, vector<128x512xf32>, vector<1000x512xf32> -> vector<1000x512xf32>
    %get3A_85 = arith.constant 0 : index
    %get3A_86 = arith.constant 0 : index
    %get3A_87 = vector.load %arg13[%get3A_85, %get3A_86] : memref<1x512xf32, #tpu.memory_space<vmem>>, vector<1x512xf32>
    %add3A_88 = vector.broadcast %get3A_87 : vector<1x512xf32> to vector<1000x512xf32>
    %add3A_89 = arith.addf %dot_general3A_84, %add3A_88 : vector<1000x512xf32>
    %slice3A_90 = vector.extract_strided_slice %add3A_89 {offsets = [0, 0], sizes = [1000, 256], strides = [1, 1]} : vector<1000x512xf32> to vector<1000x256xf32>
    %slice3A_91 = vector.extract_strided_slice %add3A_89 {offsets = [0, 256], sizes = [1000, 256], strides = [1, 1]} : vector<1000x512xf32> to vector<1000x256xf32>
    %max3A_92 = arith.constant 0.000000e+00 : f32
    %max3A_93 = vector.broadcast %max3A_92 : f32 to vector<1000x256xf32>
    %max3A_94 = arith.maximumf %slice3A_91, %max3A_93 : vector<1000x256xf32>
    %mul3A_95 = arith.mulf %slice3A_90, %max3A_94 : vector<1000x256xf32>
    %get3A_96 = arith.constant 0 : index
    %get3A_97 = arith.constant 0 : index
    %get3A_98 = vector.load %arg14[%get3A_96, %get3A_97] : memref<256x128xf32, #tpu.memory_space<vmem>>, vector<256x128xf32>
    %dot_general3A_99 = arith.constant dense<0.000000e+00> : vector<1000x128xf32>
    %dot_general3A_100 = tpu.matmul %mul3A_95, %get3A_98, %dot_general3A_99 {dimension_numbers = #tpu.dot_dimension_numbers<[1], [0], [0], [1], [0, 0, 1, 1], [], []>, transpose_lhs_hint = false} : vector<1000x256xf32>, vector<256x128xf32>, vector<1000x128xf32> -> vector<1000x128xf32>
    %get3A_101 = arith.constant 0 : index
    %get3A_102 = arith.constant 0 : index
    %get3A_103 = vector.load %arg15[%get3A_101, %get3A_102] : memref<1x128xf32, #tpu.memory_space<vmem>>, vector<1x128xf32>
    %add3A_104 = vector.broadcast %get3A_103 : vector<1x128xf32> to vector<1000x128xf32>
    %add3A_105 = arith.addf %dot_general3A_100, %add3A_104 : vector<1000x128xf32>
    %mul3A_106 = vector.broadcast %get3A_45 : f32 to vector<1000x128xf32>
    %mul3A_107 = arith.mulf %mul3A_106, %add3A_105 : vector<1000x128xf32>
    %add3A_108 = arith.addf %add3A_79, %mul3A_107 : vector<1000x128xf32>
    %swap3A = arith.constant 0 : index
    %swap3A_109 = arith.constant 0 : index
    %swap3A_110 = vector.load %arg17[%swap3A, %swap3A_109] : memref<1000x128xf32, #tpu.memory_space<vmem>>, vector<1000x128xf32>
    tpu.vector_store %arg17[%swap3A, %swap3A_109], %add3A_108 {strides = array<i32>} : memref<1000x128xf32, #tpu.memory_space<vmem>>, vector<1000x128xf32>,
    return
  }
  func.func @transform_0(%arg0: i32) -> (i32, i32) {
    %c0_i32 = arith.constant 0 : i32
    %c0_i32_0 = arith.constant 0 : i32
    return %arg0, %c0_i32 : i32, i32
  }
  func.func @transform_1(%arg0: i32) -> (i32, i32) {
    %c0_i32 = arith.constant 0 : i32
    %c0_i32_0 = arith.constant 0 : i32
    return %arg0, %c0_i32 : i32, i32
  }
  func.func @transform_2(%arg0: i32) -> (i32, i32) {
    %c0_i32 = arith.constant 0 : i32
    %c0_i32_0 = arith.constant 0 : i32
    %c0_i32_1 = arith.constant 0 : i32
    return %c0_i32, %c0_i32_0 : i32, i32
  }
  func.func @transform_3(%arg0: i32) -> (i32, i32) {
    %c0_i32 = arith.constant 0 : i32
    %c0_i32_0 = arith.constant 0 : i32
    %c0_i32_1 = arith.constant 0 : i32
    return %c0_i32, %c0_i32_0 : i32, i32
  }
  func.func @transform_4(%arg0: i32) -> (i32, i32) {
    %c0_i32 = arith.constant 0 : i32
    %c0_i32_0 = arith.constant 0 : i32
    %c0_i32_1 = arith.constant 0 : i32
    return %c0_i32, %c0_i32_0 : i32, i32
  }
  func.func @transform_5(%arg0: i32) -> (i32, i32) {
    %c0_i32 = arith.constant 0 : i32
    %c0_i32_0 = arith.constant 0 : i32
    %c0_i32_1 = arith.constant 0 : i32
    return %c0_i32, %c0_i32_0 : i32, i32
  }
  func.func @transform_6(%arg0: i32) -> (i32, i32) {
    %c0_i32 = arith.constant 0 : i32
    %c0_i32_0 = arith.constant 0 : i32
    %c0_i32_1 = arith.constant 0 : i32
    return %c0_i32, %c0_i32_0 : i32, i32
  }
  func.func @transform_7(%arg0: i32) -> (i32, i32) {
    %c0_i32 = arith.constant 0 : i32
    %c0_i32_0 = arith.constant 0 : i32
    %c0_i32_1 = arith.constant 0 : i32
    return %c0_i32, %c0_i32_0 : i32, i32
  }
  func.func @transform_8(%arg0: i32) -> (i32, i32) {
    %c0_i32 = arith.constant 0 : i32
    %c0_i32_0 = arith.constant 0 : i32
    %c0_i32_1 = arith.constant 0 : i32
    return %c0_i32, %c0_i32_0 : i32, i32
  }
  func.func @transform_9(%arg0: i32) -> (i32, i32) {
    %c0_i32 = arith.constant 0 : i32
    %c0_i32_0 = arith.constant 0 : i32
    %c0_i32_1 = arith.constant 0 : i32
    return %c0_i32, %c0_i32_0 : i32, i32
  }
  func.func @transform_10(%arg0: i32) -> (i32, i32) {
    %c0_i32 = arith.constant 0 : i32
    %c0_i32_0 = arith.constant 0 : i32
    %c0_i32_1 = arith.constant 0 : i32
    return %c0_i32, %c0_i32_0 : i32, i32
  }
  func.func @transform_11(%arg0: i32) -> (i32, i32) {
    %c0_i32 = arith.constant 0 : i32
    %c0_i32_0 = arith.constant 0 : i32
    %c0_i32_1 = arith.constant 0 : i32
    return %c0_i32, %c0_i32_0 : i32, i32
  }
  func.func @transform_12(%arg0: i32) -> (i32, i32) {
    %c0_i32 = arith.constant 0 : i32
    %c0_i32_0 = arith.constant 0 : i32
    %c0_i32_1 = arith.constant 0 : i32
    return %c0_i32, %c0_i32_0 : i32, i32
  }
  func.func @transform_13(%arg0: i32) -> (i32, i32) {
    %c0_i32 = arith.constant 0 : i32
    %c0_i32_0 = arith.constant 0 : i32
    %c0_i32_1 = arith.constant 0 : i32
    return %c0_i32, %c0_i32_0 : i32, i32
  }
  func.func @transform_14(%arg0: i32) -> (i32, i32) {
    %c0_i32 = arith.constant 0 : i32
    %c0_i32_0 = arith.constant 0 : i32
    %c0_i32_1 = arith.constant 0 : i32
    return %c0_i32, %c0_i32_0 : i32, i32
  }
  func.func @transform_15(%arg0: i32) -> (i32, i32) {
    %c0_i32 = arith.constant 0 : i32
    %c0_i32_0 = arith.constant 0 : i32
    %c0_i32_1 = arith.constant 0 : i32
    return %c0_i32, %c0_i32_0 : i32, i32
  }
  func.func @transform_16(%arg0: i32) -> (i32, i32) {
    %c0_i32 = arith.constant 0 : i32
    %c0_i32_0 = arith.constant 0 : i32
    return %arg0, %c0_i32 : i32, i32
  }
}

</mosaic_0001>

<sc_bundles>
// kernel: kernel.13.cloned.1.call-start
scs
__scs_entry_jumppad:
0x0: {  	(pc) =	sbr.rel $0x88, $3  }
0x1: {  	(tag) =	ssettag $0x0;
	lr =	simm.s32 $0x1  }
0x2: {  	[smem:$0x3F7A] =	sst lr;
	_ =	strace $0xD0000000  }
0x3: {  	_ = 	snop  }
0x4: {  	_ = 	snop  }
0x5: {  	_ = 	snop  }
0x6: {  	_ = 	snop  }
0x7: {  	_ = 	snop  }
__scs_overlays_trampoline_lowered:
0x8: {  	[smem:$0x3F89] =	sst s0  }
0x9: {  	[smem:$0x3F8A] =	sst s1  }
0xa: {  	[smem:$0x3F8B] =	sst s2  }
0xb: {  	[smem:$0x3F8C] =	sst s3  }
0xc: {  	[smem:$0x3F8D] =	sst s4  }
0xd: {  	[smem:$0x3F8E] =	sst s5  }
0xe: {  	[smem:$0x3F8F] =	sst s6  }
0xf: {  	[smem:$0x3F90] =	sst s7  }
0x10: {  	[smem:$0x3F91] =	sst s8  }
0x11: {  	[smem:$0x3F92] =	sst s9;
	s0 =	simm.s32 @!p0 $0x0  }
0x12: {  	s1 =	sld [smem:$0x3F78];
	s0 =	simm.s32 @p0 $0x1  }
0x13: {  	[smem:$0x3F93] =	sst s0;
	s0 =	simm.s32 @!p1 $0x0  }
0x14: {  	s2 =	sld [smem:$0x3F77];
	s0 =	simm.s32 @p1 $0x1  }
0x15: {  	[smem:$0x3F94] =	sst s0;
	s0 =	simm.s32 @!p2 $0x0  }
0x16: {  	s3 =	sld [smem:$0x3FDB];
	s0 =	simm.s32 @p2 $0x1  }
0x17: {  	s4 =	simm.s32 $0x1BF5;
	[smem:$0x3F96] =	sst s0  }
0x18: {  	s0 =	sld [smem:$0x3F79];
	_ =	swait.ge [sflag:s4], $0x0  }
0x19: {  	s7 =	sld [smem:$0x3F7A]  }
0x1a: {  	s8 =	sadd.s32 $0xFFFFE003, lr  }
0x1b: {  	s9 =	sadd.s32 $0xFFFFFEF7, lr;
	s5 =	simm.s32 $0xFFFFFFFF;
	p2 =	slt.u32 s8, $0xFFFFF086  }
0x1c: {  	p1 =	slt.u32 s9, $0xF7A;
	s5 =	simm.s32 @!p2 $0x0  }
0x1d: {  	s5 =	simm.s32 @p1 $0x1;
	p0 =	seq.s32 s7, s2  }
0x1e: {  	s7 =	smul.u32 @!p0 $0xF7A, s2;
	p2 =	seq.s32 @!p0 s5, $0x0  }
0x1f: {  	s9 =	smul.u32 $0xF7A, s1;
	s8 =	simm.s32 @!p0 $0x1BF5;
	p2 =	por !p2, p0  }
0x20: {  	[sflag:s8] =	ssyncset.s32 @!p0 $0xFFFFF086;
	s6 =	sadd.s32 @!p0 s3, s7;
	s7 =	simm.s32 @!p0 $0x108  }
0x21: {  	s3 =	sadd.s32 s3, s9;
	s6 =	sadd.s32 @!p0 $0x88, s6;
	s7 =	simm.s32 @p2 $0x1082  }
0x22: {  	[simem:s7], [sflag:s8] =	dma.local @!p0 [hbm:s6], $0xF7A  }
0x23: {  	s9 =	sor.u32 $0xD0000000, s2;
	s6 =	simm.s32 $0x108;
	_ =	swait.ge @!p0 [sflag:s8], $0x0  }
0x24: {  	s3 =	sadd.s32 $0x88, s3;
	s6 =	simm.s32 @!p1 $0x1082;
	[sflag:s4] =	ssyncset.s32 $0xFFFFF086  }
0x25: {  	[simem:s6], [sflag:s4] =	dma.local [hbm:s3], $0xF7A  }
0x26: {  	[smem:$0x3F7A] =	sst s1;
	(tag) =	ssettag s2;
	_ =	strace s9  }
0x27: {  	s1 =	sld [smem:$0x3F8A]  }
0x28: {  	s2 =	sld [smem:$0x3F8B]  }
0x29: {  	s4 =	sld [smem:$0x3F8D]  }
0x2a: {  	p0 =	seq.s32 s5, $0x0;
	s5 =	sld [smem:$0x3F8E]  }
0x2b: {  	s6 =	sld [smem:$0x3F8F]  }
0x2c: {  	s7 =	sld [smem:$0x3F90]  }
0x2d: {  	s3 =	simm.s32 $0x108;
	s8 =	sld [smem:$0x3F91]  }
0x2e: {  	s3 =	simm.s32 @!p0 $0x1082;
	s9 =	sld [smem:$0x3F92]  }
0x2f: {  	lr =	sadd.s32 s0, s3;
	s0 =	sld [smem:$0x3F89]  }
0x30: {  	s3 =	sld [smem:$0x3F8C]  }
0x31: {  	[smem:$0x3F95] =	sst s10  }
0x32: {  	s10 =	sld [smem:$0x3F93];
	_ =	sdelay $0x3  }
0x33: {  	p0 =	seq.s32 s10, $0x1;
	s10 =	sld [smem:$0x3F95];
	_ =	sdelay $0x3  }
0x34: {  	[smem:$0x3F95] =	sst s10  }
0x35: {  	s10 =	sld [smem:$0x3F94];
	_ =	sdelay $0x3  }
0x36: {  	p1 =	seq.s32 s10, $0x1;
	s10 =	sld [smem:$0x3F95];
	_ =	sdelay $0x3  }
0x37: {  	[smem:$0x3F95] =	sst s10  }
0x38: {  	s10 =	sld [smem:$0x3F96]  }
0x39: {  	_ = 	snop;
	(pc) =	sbr.ind lr, $3  }
0x3a: {  	_ = 	snop  }
0x3b: {  	_ = 	snop  }
0x3c: {  	p2 =	seq.s32 s10, $0x1;
	s10 =	sld [smem:$0x3F95]  }
0x3d: {  	_ =	shalt  }
0x3e: {  	_ =	shalt  }
0x3f: {  	_ =	shalt  }
0x40: {  	_ =	shalt  }
0x41: {  	_ =	shalt  }
0x42: {  	_ =	shalt  }
0x43: {  	_ =	shalt  }
0x44: {  	_ =	shalt  }
0x45: {  	_ =	shalt  }
0x46: {  	_ =	shalt  }
0x47: {  	_ =	shalt  }
0x48: {  	_ =	shalt  }
0x49: {  	_ =	shalt  }
0x4a: {  	_ =	shalt  }
0x4b: {  	_ =	shalt  }
0x4c: {  	_ =	shalt  }
0x4d: {  	_ =	shalt  }
0x4e: {  	_ =	shalt  }
0x4f: {  	_ =	shalt  }
0x50: {  	_ =	shalt  }
0x51: {  	_ =	shalt  }
0x52: {  	_ =	shalt  }
0x53: {  	_ =	shalt  }
0x54: {  	_ =	shalt  }
0x55: {  	_ =	shalt  }
0x56: {  	_ =	shalt  }
0x57: {  	_ =	shalt  }
0x58: {  	_ =	shalt  }
0x59: {  	_ =	shalt  }
0x5a: {  	_ =	shalt  }
0x5b: {  	_ =	shalt  }
0x5c: {  	_ =	shalt  }
0x5d: {  	_ =	shalt  }
0x5e: {  	_ =	shalt  }
0x5f: {  	_ =	shalt  }
0x60: {  	_ =	shalt  }
0x61: {  	_ =	shalt  }
0x62: {  	_ =	shalt  }
0x63: {  	_ =	shalt  }
0x64: {  	_ =	shalt  }
0x65: {  	_ =	shalt  }
0x66: {  	_ =	shalt  }
0x67: {  	_ =	shalt  }
0x68: {  	_ =	shalt  }
0x69: {  	_ =	shalt  }
0x6a: {  	_ =	shalt  }
0x6b: {  	_ =	shalt  }
0x6c: {  	_ =	shalt  }
0x6d: {  	_ =	shalt  }
0x6e: {  	_ =	shalt  }
0x6f: {  	_ =	shalt  }
0x70: {  	_ =	shalt  }
0x71: {  	_ =	shalt  }
0x72: {  	_ =	shalt  }
0x73: {  	_ =	shalt  }
0x74: {  	_ =	shalt  }
0x75: {  	_ =	shalt  }
0x76: {  	_ =	shalt  }
0x77: {  	_ =	shalt  }
0x78: {  	_ =	shalt  }
0x79: {  	_ =	shalt  }
0x7a: {  	_ =	shalt  }
0x7b: {  	_ =	shalt  }
0x7c: {  	_ =	shalt  }
0x7d: {  	_ =	shalt  }
0x7e: {  	_ =	shalt  }
0x7f: {  	_ =	shalt  }
0x80: {  	_ =	shalt  }
0x81: {  	_ =	shalt  }
0x82: {  	_ =	shalt  }
0x83: {  	_ =	shalt  }
0x84: {  	_ =	shalt  }
0x85: {  	_ =	shalt  }
0x86: {  	_ =	shalt  }
0x87: {  	_ =	shalt  }
.Lfunc_end0:
.L_simem_size_0:
called_computation_lowered:
.L_overlay_start_0:
0x88: {  	s2 =	sld [smem:$0x3FD9]  }
0x89: {  	s3 =	sld [smem:$0x3FFE];
	_ =	sdelay $0x1  }
0x8a: {  	s1 =	srdreg.scid  }
0x8b: {  	s0 =	sand.u32 $0x1, s1  }
0x8c: {  	s14 =	sshll.u32 s0, $0xA;
	s2 =	sadd.s32 s3, s2  }
0x8d: {  	s2 =	sadd.s32 s2, s14  }
0x8e: {  	[smem:$0x3FA1] =	sst s2  }
0x8f: {  	_ = 	snop  }
0x90: {  	s2 =	sld [smem:$0x3FD0];
	_ =	sdelay $0x2  }
0x91: {  	s15 =	simm.s32 $0xA;
	s4 =	simm.s32 $0x10  }
0x92: {  	[smem:s4], [sflag:s15] =	dma.local [hbm:s2], $0x1  }
0x93: {  	_ =	swait.eq [sflag:s15], $0x1  }
0x94: {  	[sflag:s15] =	ssyncset.done $0x0  }
0x95: {  	[sflag:s15] =	ssyncadd.s32 $0xFFFFFFFF  }
0x96: {  	s16 =	sld [smem:$0x10];
	(tm) =	ssettm $0x1  }
0x97: {  	s17 =	sld [smem:$0x3FFB];
	_ =	sdelay $0x3  }
0x98: {  	_ =	strace s17  }
0x99: {  	s3 =	sld [smem:$0x3FFC];
	_ =	sdelay $0x3  }
0x9a: {  	_ =	strace s3  }
0x9b: {  	s3 =	sld [smem:$0x3FFD];
	_ =	sdelay $0x3  }
0x9c: {  	_ =	strace s3  }
0x9d: {  	_ =	strace $0x8FFFFFFF  }
0x9e: {  	s18 =	sld [smem:$0x3FDB];
	_ =	sdelay $0x1  }
0x9f: {  	s19 =	simm.s32 $_scs_section_size  }
0xa0: {  	s5 =	simm.s32 $_size__tile_overlayer_lowered;
	s6 =	simm.s32 $_tile_overlayer_lowered  }
0xa1: {  	s22 =	simm.s32 $0x1BFF;
	s21 =	sshll.u32 s6, $0x1;
	s3 =	sadd.s32 s19, s18  }
0xa2: {  	s7 =	simm.s32 $0x0;
	s20 =	sshll.u32 s5, $0x1;
	s5 =	sadd.s32 s21, s3  }
0xa3: {  	[timem:s7], [sflag:s22] =	dma.local [hbm:s5], s20  }
0xa4: {  	_ =	swait.ge [sflag:s22], s20  }
0xa5: {  	s4 =	ssub.s32 $0x0, s20;
	[sflag:s22] =	ssyncset.done $0x0  }
0xa6: {  	[sflag:s22] =	ssyncadd.s32 s4;
	_ =	sdelay $0x1  }
0xa7: {  	s23 =	simm.s32 $0x1B8B  }
0xa8: {  	_ =	swait.ge [sflag:s23], $0x1  }
0xa9: {  	[sflag:s23] =	ssyncset.done $0x0  }
0xaa: {  	s25 =	simm.s32 $0x1B8E;
	s24 =	sld [smem:$0x3FFE];
	[sflag:s23] =	ssyncadd.s32 $0xFFFFFFFF  }
0xab: {  	s26 =	simm.s32 $execute0_lowered;
	[smem:$0x3FD2] =	sst s25  }
0xac: {  	s5 =	sshll.u32 s26, $0x1;
	_ =	strace $0x80000046;
	[dreg:$0x1] =	wrdreg $0xFFFFFFFF  }
0xad: {  	s28 =	simm.s32 $_size_execute0_lowered;
	s3 =	sadd.s32 s3, s5;
	[dreg:$0x0] =	wrdreg $0x0  }
0xae: {  	s5 =	sshll.u32 s28, $0x1;
	[dreg:$0x2] =	wrdreg s3  }
0xaf: {  	[dreg:$0x3] =	wrdreg s5  }
0xb0: {  	[dreg:$0x4] =	wrdreg $0xC0  }
0xb1: {  	_ =	task [dreg:s7], $0x5FFFF  }
0xb2: {  	[dreg:$0x1] =	wrdreg $0xFFFFFFFF  }
0xb3: {  	[dreg:$0x0] =	wrdreg $0x60  }
0xb4: {  	[dreg:$0x2] =	wrdreg s24  }
0xb5: {  	[dreg:$0x3] =	wrdreg s16  }
0xb6: {  	[dreg:$0x4] =	wrdreg $0x9  }
0xb7: {  	_ =	task.clear_ibuf [dreg:s7], $0x5FFFF;
	_ =	strace $0x90000046  }
0xb8: {  	s29 =	simm.s32 $0x9;
	_ =	strace $0x80000048  }
0xb9: {  	_ =	swait.ge [sflag:s29], $0x1  }
0xba: {  	[sflag:s29] =	ssyncadd.s32 $0xFFFFFFFF  }
0xbb: {  	_ =	strace $0x90000048  }
0xbc: {  	_ =	sfence  }
0xbd: {  	s30 =	sld [smem:$0x0];
	_ =	sdelay $0x2  }
0xbe: {  	s31 =	sshll.u32 s1, $0xD;
	s1 =	sshrl.u32 s1, $0x2  }
0xbf: {  	s3 =	sand.u32 $0x4000, s31;
	s1 =	sadd.s32 s1, s30  }
0xc0: {  	s0 =	sor.u32 s3, s0;
	s1 =	sshll.u32 s1, $0x11  }
0xc1: {  	s0 =	sor.u32 s1, s0  }
0xc2: {  	s0 =	sadd.s32 $0x8F2B, s0  }
0xc3: {  	[sflag:s0] =	ssyncadd.remote.s32 $0x1  }
0xc4: {  	_ =	sfence.sel $0xFFFF  }
0xc5: {  	[dreg:$0x0] =	wrdreg $0xFFFFFFFF;
	(pc) =	sbr.abs _section_cstart, $3  }
0xc6: {  	[dreg:$0x1] =	wrdreg $0xFFFFFFFF  }
0xc7: {  	_ =	task.clear_ibuf [dreg:s7], $0x2FFFF;
	_ =	strace $0x9FFFFFFF  }
0xc8: {  	(tm) =	ssettm $0x7FFFFFFF  }
0xc9: {  	_ =	shalt  }
tec
execute0_lowered:
.L_overlay_start_1:
0x0: {  	(tag) =	ssettag $0x1  }
0x1: {  	s6 =	rddreg [dreg:$0x0]  }
0x2: {  	s8 =	rddreg [dreg:$0x1]  }
0x3: {  	s0 =	rddreg [dreg:$0x2];
	s1 =	simm.s32 $0x0;
	s2 =	srdreg.scid  }
0x4: {  	s15 =	simm.s32 $0x100;
	s16 =	simm.s32 $0x900;
	s17 =	simm.s32 $0x1100  }
0x5: {  	s18 =	simm.s32 $0x1900;
	s19 =	simm.s32 $0x1;
	s20 =	simm.s32 $0x2  }
0x6: {  	s21 =	simm.s32 $0x0;
	[smem:$0x7FF] =	sst s1;
	s3 =	sadd.s32 $0xA7C00, s6  }
0x7: {  	s4 =	sadd.s32 $0xB800, s6;
	s7 =	sand.u32 $0x1, s2;
	s5 =	sadd.s32 $0x59A00, s6  }
0x8: {  	s2 =	stileid.u32;
	_ =	strace $0x80000047;
	s9 =	ssub.s32 $0x2, s7  }
0x9: {  	s10 =	sshll.u32 s2, $0x5;
	s11 =	sshll.u32 s2, $0xD;
	s29 =	sshll.u32 s7, $0x4  }
0xa: {  	s14 =	sshll.u32 s7, $0xC;
	s12 =	sshrl.u32 s9, $0x1;
	s13 =	sadd.s32 s10, s6  }
.Ltmp0:
0xb: {  	s11 =	sadd.s32 s11, s6;
	s6 =	sshll.u32 s2, $0x1;
	(pc) =	sbr.rel .LBB2_1-.Ltmp0, $4  }
0xc: {  	s10 =	sadd.s32 s10, s8;
	s9 =	ssub.s32 s9, s12;
	s30 =	sadd.s32 s29, s13  }
0xd: {  	v2 =	vlaneseq.u32;
	s31 =	sadd.s32 s14, s11;
	s10 =	sadd.s32 s29, s10;
	s13 =	simm.s32 $0x80  }
0xe: {  	vm0 =	vmmov $0xffff;
	v1 =	vshrl.u32 v2, $0x3;
	s7 =	smax.u32 s9, $0x1;
	s8 =	sadd.s32 $0x6800, s30;
	s9 =	sadd.s32 $0xF5E00, s31  }
0xf: {  	v0 =	vand.u32 $0x7, v2;
	v2 =	vor.u32 $0x8, v2;
	v1 =	vmul.u32 $0x8, v1;
	s14 =	simm.s32 $0x3;
	s11 =	sadd.s32 $0x5D7E00, s31;
	s12 =	sadd.s32 $0xAB9E00, s31  }
.LBB2_5:
0x10: {  	s21 =	sadd.s32 $0x1, s21  }
0x11: {  	p0 =	sne.s32 s21, s7  }
.Ltmp1:
0x12: {  	_ = 	snop;
	(pc) =	sbr.rel @!p0 .LBB2_6-.Ltmp1, $1  }
0x13: {  	_ =	sdelay $0x3  }
.LBB2_1:
.Ltmp2:
0x14: {  	(pc) =	sbr.rel .LBB2_2-.Ltmp2, $3  }
0x15: {  	_ =	sdelay $0x1  }
0x16: {  	s22 =	smov.u32 s6  }
0x17: {  	s23 =	smov.u32 s8;
	s24 =	smov.u32 s10;
	s25 =	simm.s32 $0x0  }
.LBB2_4:
0x18: {  	s25 =	sadd.s32 $0x20000, s25  }
0x19: {  	p0 =	sne.s32 s25, $0x500000  }
.Ltmp3:
0x1a: {  	_ = 	snop;
	(pc) =	sbr.rel @!p0 .LBB2_5-.Ltmp3, $2  }
0x1b: {  	_ =	sdelay $0x2  }
0x1c: {  	s24 =	sadd.s32 $0x200, s24;
	s23 =	sadd.s32 $0x200, s23;
	s22 =	sadd.s32 $0x20, s22  }
.LBB2_2:
0x1d: {  	p0 =	sgt.u32 s22, $0x4E1  }
.Ltmp4:
0x1e: {  	_ = 	snop;
	(pc) =	sbr.rel @p0 .LBB2_4-.Ltmp4, $1  }
0x1f: {  	_ =	sdelay $0x3  }
0x20: {  	[tilespmem:s13], [sflag:$0x3] =	stream.linear.gather [hbm4b:s23+s1], $0x80, $0x38;
	[tilespmem:$0x2100] =	vst v63  }
0x21: {  	_ =	swait.ge [sflag:s14], $0x80  }
0x22: {  	[sflag:s14] =	ssyncset.done $0x0  }
0x23: {  	[sflag:s14] =	ssyncadd.s32 $0xFFFFFF80  }
0x24: {  	[tilespmem:s1], [sflag:$0x3] =	stream.linear.gather [hbm4b:s24+s1], $0x80, $0x38;
	[tilespmem:$0x2100] =	vst v63  }
0x25: {  	_ =	swait.ge [sflag:s14], $0x80  }
0x26: {  	[sflag:s14] =	ssyncset.done $0x0  }
0x27: {  	[sflag:s14] =	ssyncadd.s32 $0xFFFFFF80  }
0x28: {  	v3 =	vld [tilespmem:$0x80];
	_ =	sdelay $0x4  }
0x29: {  	v4 =	vshll.u32 v3, $0x1  }
0x2a: {  	v3 =	vand.u32 $0x7, v3;
	v4 =	vand.u32 $0xFFFFFFF0, v4  }
0x2b: {  	v3 =	vor.u32 v3, v4  }
0x2c: {  	v4 =	vperm.xlane v3, v0;
	_ =	sdelay $0x1  }
0x2d: {  	v3 =	vperm.xlane v3, v2;
	v4 =	vadd.s32 v1, v4;
	_ =	sdelay $0x1  }
0x2e: {  	v3 =	vadd.s32 v1, v3;
	_ =	sdelay $0x2  }
0x2f: {  	[tilespmem:s15], [sflag:$0x1] =	stream.indirect_vreg.gather [hbm4b:s3+s1], $0x80, v4, vm0, $0xb8;
	[tilespmem:$0x2100] =	vst v63  }
0x30: {  	_ = 	snop  }
0x31: {  	[tilespmem:s16], [sflag:$0x1] =	stream.indirect_vreg.gather [hbm4b:s3+s1], $0x80, v3, vm0, $0xb8;
	[tilespmem:$0x2100] =	vst v63  }
0x32: {  	v3 =	vld [tilespmem:$0x90];
	_ =	sdelay $0x4  }
0x33: {  	v41 =	vshll.u32 v3, $0x1  }
0x34: {  	v3 =	vand.u32 $0x7, v3;
	v4 =	vand.u32 $0xFFFFFFF0, v41  }
0x35: {  	v3 =	vor.u32 v3, v4  }
0x36: {  	v4 =	vperm.xlane v3, v0;
	_ =	sdelay $0x1  }
0x37: {  	v3 =	vperm.xlane v3, v2;
	v4 =	vadd.s32 v1, v4;
	_ =	sdelay $0x1  }
0x38: {  	v3 =	vadd.s32 v1, v3;
	_ =	sdelay $0x2  }
0x39: {  	[tilespmem:s17], [sflag:$0x1] =	stream.indirect_vreg.gather [hbm4b:s3+s1], $0x80, v4, vm0, $0xb8;
	[tilespmem:$0x2100] =	vst v63  }
0x3a: {  	_ = 	snop  }
0x3b: {  	[tilespmem:s18], [sflag:$0x1] =	stream.indirect_vreg.gather [hbm4b:s3+s1], $0x80, v3, vm0, $0xb8;
	[tilespmem:$0x2100] =	vst v63  }
0x3c: {  	_ =	swait.ge [sflag:s19], $0x2000  }
0x3d: {  	[sflag:s19] =	ssyncset.done $0x0  }
0x3e: {  	s26 =	sadd.s32 s25, s9;
	[sflag:s19] =	ssyncadd.s32 $0xFFFFE000  }
0x3f: {  	[hbm4b:s26+s1] =	stream.linear.scatter [tilespmem:s15], [sflag:$0x3], $0x2000, $0x38;
	[tilespmem:$0x2100] =	vst v63  }
0x40: {  	_ =	swait.ge [sflag:s14], $0x2000  }
0x41: {  	[sflag:s14] =	ssyncset.done $0x0  }
0x42: {  	[sflag:s14] =	ssyncadd.s32 $0xFFFFE000  }
0x43: {  	v3 =	vld [tilespmem:$0x0];
	_ =	sdelay $0x4  }
0x44: {  	v42 =	vshll.u32 v3, $0x1  }
0x45: {  	v3 =	vand.u32 $0x7, v3;
	v4 =	vand.u32 $0xFFFFFFF0, v42  }
0x46: {  	v3 =	vor.u32 v3, v4  }
0x47: {  	v4 =	vperm.xlane v3, v0;
	_ =	sdelay $0x1  }
0x48: {  	v3 =	vperm.xlane v3, v2;
	v4 =	vadd.s32 v1, v4;
	_ =	sdelay $0x1  }
0x49: {  	v3 =	vadd.s32 v1, v3;
	_ =	sdelay $0x2  }
0x4a: {  	[tilespmem:s15], [sflag:$0x1] =	stream.indirect_vreg.gather [hbm4b:s4+s1], $0x80, v4, vm0, $0xb8;
	[tilespmem:$0x2100] =	vst v63  }
0x4b: {  	_ = 	snop  }
0x4c: {  	[tilespmem:s16], [sflag:$0x1] =	stream.indirect_vreg.gather [hbm4b:s4+s1], $0x80, v3, vm0, $0xb8;
	[tilespmem:$0x2100] =	vst v63  }
0x4d: {  	v3 =	vld [tilespmem:$0x10];
	_ =	sdelay $0x4  }
0x4e: {  	v43 =	vshll.u32 v3, $0x1  }
0x4f: {  	v3 =	vand.u32 $0x7, v3;
	v4 =	vand.u32 $0xFFFFFFF0, v43  }
0x50: {  	v3 =	vor.u32 v3, v4  }
0x51: {  	v4 =	vperm.xlane v3, v0;
	_ =	sdelay $0x1  }
0x52: {  	v3 =	vperm.xlane v3, v2;
	v4 =	vadd.s32 v1, v4;
	_ =	sdelay $0x1  }
0x53: {  	v3 =	vadd.s32 v1, v3;
	_ =	sdelay $0x2  }
0x54: {  	[tilespmem:s17], [sflag:$0x1] =	stream.indirect_vreg.gather [hbm4b:s4+s1], $0x80, v4, vm0, $0xb8;
	[tilespmem:$0x2100] =	vst v63  }
0x55: {  	_ = 	snop  }
0x56: {  	[tilespmem:s18], [sflag:$0x1] =	stream.indirect_vreg.gather [hbm4b:s4+s1], $0x80, v3, vm0, $0xb8;
	[tilespmem:$0x2100] =	vst v63  }
0x57: {  	_ =	swait.ge [sflag:s19], $0x2000  }
0x58: {  	[sflag:s19] =	ssyncset.done $0x0  }
0x59: {  	s28 =	sadd.s32 s25, s11;
	[sflag:s19] =	ssyncadd.s32 $0xFFFFE000  }
0x5a: {  	[hbm4b:s28+s1] =	stream.linear.scatter [tilespmem:s15], [sflag:$0x3], $0x2000, $0x38;
	[tilespmem:$0x2100] =	vst v63  }
0x5b: {  	_ =	swait.ge [sflag:s14], $0x2000  }
0x5c: {  	[sflag:s14] =	ssyncset.done $0x0  }
0x5d: {  	[sflag:s14] =	ssyncadd.s32 $0xFFFFE000  }
0x5e: {  	v3 =	vld [tilespmem:$0x0];
	_ =	sdelay $0x4  }
0x5f: {  	v44 =	vshll.u32 v3, $0x1  }
0x60: {  	v3 =	vand.u32 $0x7, v3;
	v4 =	vand.u32 $0xFFFFFFF0, v44  }
0x61: {  	v3 =	vor.u32 v3, v4  }
0x62: {  	v4 =	vperm.xlane v3, v0;
	_ =	sdelay $0x1  }
0x63: {  	v3 =	vperm.xlane v3, v2;
	v4 =	vadd.s32 v1, v4;
	_ =	sdelay $0x1  }
0x64: {  	v3 =	vadd.s32 v1, v3;
	_ =	sdelay $0x2  }
0x65: {  	[tilespmem:s15], [sflag:$0x1] =	stream.indirect_vreg.gather [hbm4b:s5+s1], $0x80, v4, vm0, $0xb8;
	[tilespmem:$0x2100] =	vst v63  }
0x66: {  	_ = 	snop  }
0x67: {  	[tilespmem:s16], [sflag:$0x1] =	stream.indirect_vreg.gather [hbm4b:s5+s1], $0x80, v3, vm0, $0xb8;
	[tilespmem:$0x2100] =	vst v63  }
0x68: {  	v3 =	vld [tilespmem:$0x10];
	_ =	sdelay $0x4  }
0x69: {  	v45 =	vshll.u32 v3, $0x1  }
0x6a: {  	v3 =	vand.u32 $0x7, v3;
	v4 =	vand.u32 $0xFFFFFFF0, v45  }
0x6b: {  	v3 =	vor.u32 v3, v4  }
0x6c: {  	v4 =	vperm.xlane v3, v0;
	_ =	sdelay $0x1  }
0x6d: {  	v3 =	vperm.xlane v3, v2;
	v4 =	vadd.s32 v1, v4;
	_ =	sdelay $0x1  }
0x6e: {  	v3 =	vadd.s32 v1, v3;
	_ =	sdelay $0x2  }
0x6f: {  	[tilespmem:s17], [sflag:$0x1] =	stream.indirect_vreg.gather [hbm4b:s5+s1], $0x80, v4, vm0, $0xb8;
	[tilespmem:$0x2100] =	vst v63  }
0x70: {  	_ = 	snop  }
0x71: {  	[tilespmem:s18], [sflag:$0x1] =	stream.indirect_vreg.gather [hbm4b:s5+s1], $0x80, v3, vm0, $0xb8;
	[tilespmem:$0x2100] =	vst v63  }
0x72: {  	_ =	swait.ge [sflag:s19], $0x2000  }
0x73: {  	[sflag:s19] =	ssyncset.done $0x0  }
0x74: {  	s29 =	sadd.s32 s25, s12;
	[sflag:s19] =	ssyncadd.s32 $0xFFFFE000  }
0x75: {  	[hbm4b:s29+s1] =	stream.linear.scatter [tilespmem:s15], [sflag:$0x3], $0x2000, $0x38;
	[tilespmem:$0x2100] =	vst v63  }
0x76: {  	_ =	swait.ge [sflag:s14], $0x2000  }
0x77: {  	[sflag:s14] =	ssyncset.done $0x0  }
0x78: {  	[sflag:s14] =	ssyncadd.s32 $0xFFFFE000  }
0x79: {  	v3 =	vld [tilespmem:$0xA0];
	_ =	sdelay $0x4  }
0x7a: {  	v46 =	vshll.u32 v3, $0x1  }
0x7b: {  	v3 =	vand.u32 $0x7, v3;
	v4 =	vand.u32 $0xFFFFFFF0, v46  }
0x7c: {  	v3 =	vor.u32 v3, v4  }
0x7d: {  	v4 =	vperm.xlane v3, v0;
	_ =	sdelay $0x1  }
0x7e: {  	v3 =	vperm.xlane v3, v2;
	v4 =	vadd.s32 v1, v4;
	_ =	sdelay $0x1  }
0x7f: {  	v3 =	vadd.s32 v1, v3;
	_ =	sdelay $0x2  }
0x80: {  	[tilespmem:s15], [sflag:$0x1] =	stream.indirect_vreg.gather [hbm4b:s3+s1], $0x80, v4, vm0, $0xb8;
	[tilespmem:$0x2100] =	vst v63  }
0x81: {  	_ = 	snop  }
0x82: {  	[tilespmem:s16], [sflag:$0x1] =	stream.indirect_vreg.gather [hbm4b:s3+s1], $0x80, v3, vm0, $0xb8;
	[tilespmem:$0x2100] =	vst v63  }
0x83: {  	v3 =	vld [tilespmem:$0xB0];
	_ =	sdelay $0x4  }
0x84: {  	v47 =	vshll.u32 v3, $0x1  }
0x85: {  	v3 =	vand.u32 $0x7, v3;
	v4 =	vand.u32 $0xFFFFFFF0, v47  }
0x86: {  	v3 =	vor.u32 v3, v4  }
0x87: {  	v4 =	vperm.xlane v3, v0;
	_ =	sdelay $0x1  }
0x88: {  	v3 =	vperm.xlane v3, v2;
	v4 =	vadd.s32 v1, v4;
	_ =	sdelay $0x1  }
0x89: {  	v3 =	vadd.s32 v1, v3;
	_ =	sdelay $0x2  }
0x8a: {  	[tilespmem:s17], [sflag:$0x1] =	stream.indirect_vreg.gather [hbm4b:s3+s1], $0x80, v4, vm0, $0xb8;
	[tilespmem:$0x2100] =	vst v63  }
0x8b: {  	_ = 	snop  }
0x8c: {  	[tilespmem:s18], [sflag:$0x1] =	stream.indirect_vreg.gather [hbm4b:s3+s1], $0x80, v3, vm0, $0xb8;
	[tilespmem:$0x2100] =	vst v63  }
0x8d: {  	_ =	swait.ge [sflag:s19], $0x2000  }
0x8e: {  	[sflag:s19] =	ssyncset.done $0x0  }
0x8f: {  	s30 =	sadd.s32 $0x400, s26;
	[sflag:s19] =	ssyncadd.s32 $0xFFFFE000  }
0x90: {  	[hbm4b:s30+s1] =	stream.linear.scatter [tilespmem:s15], [sflag:$0x3], $0x2000, $0x38;
	[tilespmem:$0x2100] =	vst v63  }
0x91: {  	_ =	swait.ge [sflag:s14], $0x2000  }
0x92: {  	[sflag:s14] =	ssyncset.done $0x0  }
0x93: {  	[sflag:s14] =	ssyncadd.s32 $0xFFFFE000  }
0x94: {  	v3 =	vld [tilespmem:$0x20];
	_ =	sdelay $0x4  }
0x95: {  	v48 =	vshll.u32 v3, $0x1  }
0x96: {  	v3 =	vand.u32 $0x7, v3;
	v4 =	vand.u32 $0xFFFFFFF0, v48  }
0x97: {  	v3 =	vor.u32 v3, v4  }
0x98: {  	v4 =	vperm.xlane v3, v0;
	_ =	sdelay $0x1  }
0x99: {  	v3 =	vperm.xlane v3, v2;
	v4 =	vadd.s32 v1, v4;
	_ =	sdelay $0x1  }
0x9a: {  	v3 =	vadd.s32 v1, v3;
	_ =	sdelay $0x2  }
0x9b: {  	[tilespmem:s15], [sflag:$0x1] =	stream.indirect_vreg.gather [hbm4b:s4+s1], $0x80, v4, vm0, $0xb8;
	[tilespmem:$0x2100] =	vst v63  }
0x9c: {  	_ = 	snop  }
0x9d: {  	[tilespmem:s16], [sflag:$0x1] =	stream.indirect_vreg.gather [hbm4b:s4+s1], $0x80, v3, vm0, $0xb8;
	[tilespmem:$0x2100] =	vst v63  }
0x9e: {  	v3 =	vld [tilespmem:$0x30];
	_ =	sdelay $0x4  }
0x9f: {  	v49 =	vshll.u32 v3, $0x1  }
0xa0: {  	v3 =	vand.u32 $0x7, v3;
	v4 =	vand.u32 $0xFFFFFFF0, v49  }
0xa1: {  	v3 =	vor.u32 v3, v4  }
0xa2: {  	v4 =	vperm.xlane v3, v0;
	_ =	sdelay $0x1  }
0xa3: {  	v3 =	vperm.xlane v3, v2;
	v4 =	vadd.s32 v1, v4;
	_ =	sdelay $0x1  }
0xa4: {  	v3 =	vadd.s32 v1, v3;
	_ =	sdelay $0x2  }
0xa5: {  	[tilespmem:s17], [sflag:$0x1] =	stream.indirect_vreg.gather [hbm4b:s4+s1], $0x80, v4, vm0, $0xb8;
	[tilespmem:$0x2100] =	vst v63  }
0xa6: {  	_ = 	snop  }
0xa7: {  	[tilespmem:s18], [sflag:$0x1] =	stream.indirect_vreg.gather [hbm4b:s4+s1], $0x80, v3, vm0, $0xb8;
	[tilespmem:$0x2100] =	vst v63  }
0xa8: {  	_ =	swait.ge [sflag:s19], $0x2000  }
0xa9: {  	[sflag:s19] =	ssyncset.done $0x0  }
0xaa: {  	s31 =	sadd.s32 $0x400, s28;
	[sflag:s19] =	ssyncadd.s32 $0xFFFFE000  }
0xab: {  	[hbm4b:s31+s1] =	stream.linear.scatter [tilespmem:s15], [sflag:$0x3], $0x2000, $0x38;
	[tilespmem:$0x2100] =	vst v63  }
0xac: {  	_ =	swait.ge [sflag:s14], $0x2000  }
0xad: {  	[sflag:s14] =	ssyncset.done $0x0  }
0xae: {  	[sflag:s14] =	ssyncadd.s32 $0xFFFFE000  }
0xaf: {  	v3 =	vld [tilespmem:$0x20];
	_ =	sdelay $0x4  }
0xb0: {  	v50 =	vshll.u32 v3, $0x1  }
0xb1: {  	v3 =	vand.u32 $0x7, v3;
	v4 =	vand.u32 $0xFFFFFFF0, v50  }
0xb2: {  	v3 =	vor.u32 v3, v4  }
0xb3: {  	v4 =	vperm.xlane v3, v0;
	_ =	sdelay $0x1  }
0xb4: {  	v3 =	vperm.xlane v3, v2;
	v4 =	vadd.s32 v1, v4;
	_ =	sdelay $0x1  }
0xb5: {  	v3 =	vadd.s32 v1, v3;
	_ =	sdelay $0x2  }
0xb6: {  	[tilespmem:s15], [sflag:$0x1] =	stream.indirect_vreg.gather [hbm4b:s5+s1], $0x80, v4, vm0, $0xb8;
	[tilespmem:$0x2100] =	vst v63  }
0xb7: {  	_ = 	snop  }
0xb8: {  	[tilespmem:s16], [sflag:$0x1] =	stream.indirect_vreg.gather [hbm4b:s5+s1], $0x80, v3, vm0, $0xb8;
	[tilespmem:$0x2100] =	vst v63  }
0xb9: {  	v3 =	vld [tilespmem:$0x30];
	_ =	sdelay $0x4  }
0xba: {  	v51 =	vshll.u32 v3, $0x1  }
0xbb: {  	v3 =	vand.u32 $0x7, v3;
	v4 =	vand.u32 $0xFFFFFFF0, v51  }
0xbc: {  	v3 =	vor.u32 v3, v4  }
0xbd: {  	v4 =	vperm.xlane v3, v0;
	_ =	sdelay $0x1  }
0xbe: {  	v3 =	vperm.xlane v3, v2;
	v4 =	vadd.s32 v1, v4;
	_ =	sdelay $0x1  }
0xbf: {  	v3 =	vadd.s32 v1, v3;
	_ =	sdelay $0x2  }
0xc0: {  	[tilespmem:s17], [sflag:$0x1] =	stream.indirect_vreg.gather [hbm4b:s5+s1], $0x80, v4, vm0, $0xb8;
	[tilespmem:$0x2100] =	vst v63  }
0xc1: {  	_ = 	snop  }
0xc2: {  	[tilespmem:s18], [sflag:$0x1] =	stream.indirect_vreg.gather [hbm4b:s5+s1], $0x80, v3, vm0, $0xb8;
	[tilespmem:$0x2100] =	vst v63  }
0xc3: {  	_ =	swait.ge [sflag:s19], $0x2000  }
0xc4: {  	[sflag:s19] =	ssyncset.done $0x0  }
0xc5: {  	s31 =	sadd.s32 $0x400, s29;
	[sflag:s19] =	ssyncadd.s32 $0xFFFFE000  }
0xc6: {  	[hbm4b:s31+s1] =	stream.linear.scatter [tilespmem:s15], [sflag:$0x3], $0x2000, $0x38;
	[tilespmem:$0x2100] =	vst v63  }
0xc7: {  	_ =	swait.ge [sflag:s14], $0x2000  }
0xc8: {  	[sflag:s14] =	ssyncset.done $0x0  }
0xc9: {  	[sflag:s14] =	ssyncadd.s32 $0xFFFFE000  }
0xca: {  	v3 =	vld [tilespmem:$0xC0];
	_ =	sdelay $0x4  }
0xcb: {  	v52 =	vshll.u32 v3, $0x1  }
0xcc: {  	v3 =	vand.u32 $0x7, v3;
	v4 =	vand.u32 $0xFFFFFFF0, v52  }
0xcd: {  	v3 =	vor.u32 v3, v4  }
0xce: {  	v4 =	vperm.xlane v3, v0;
	_ =	sdelay $0x1  }
0xcf: {  	v3 =	vperm.xlane v3, v2;
	v4 =	vadd.s32 v1, v4;
	_ =	sdelay $0x1  }
0xd0: {  	v3 =	vadd.s32 v1, v3;
	_ =	sdelay $0x2  }
0xd1: {  	[tilespmem:s15], [sflag:$0x1] =	stream.indirect_vreg.gather [hbm4b:s3+s1], $0x80, v4, vm0, $0xb8;
	[tilespmem:$0x2100] =	vst v63  }
0xd2: {  	_ = 	snop  }
0xd3: {  	[tilespmem:s16], [sflag:$0x1] =	stream.indirect_vreg.gather [hbm4b:s3+s1], $0x80, v3, vm0, $0xb8;
	[tilespmem:$0x2100] =	vst v63  }
0xd4: {  	v3 =	vld [tilespmem:$0xD0];
	_ =	sdelay $0x4  }
0xd5: {  	v53 =	vshll.u32 v3, $0x1  }
0xd6: {  	v3 =	vand.u32 $0x7, v3;
	v4 =	vand.u32 $0xFFFFFFF0, v53  }
0xd7: {  	v3 =	vor.u32 v3, v4  }
0xd8: {  	v4 =	vperm.xlane v3, v0;
	_ =	sdelay $0x1  }
0xd9: {  	v3 =	vperm.xlane v3, v2;
	v4 =	vadd.s32 v1, v4;
	_ =	sdelay $0x1  }
0xda: {  	v3 =	vadd.s32 v1, v3;
	_ =	sdelay $0x2  }
0xdb: {  	[tilespmem:s17], [sflag:$0x1] =	stream.indirect_vreg.gather [hbm4b:s3+s1], $0x80, v4, vm0, $0xb8;
	[tilespmem:$0x2100] =	vst v63  }
0xdc: {  	_ = 	snop  }
0xdd: {  	[tilespmem:s18], [sflag:$0x1] =	stream.indirect_vreg.gather [hbm4b:s3+s1], $0x80, v3, vm0, $0xb8;
	[tilespmem:$0x2100] =	vst v63  }
0xde: {  	_ =	swait.ge [sflag:s19], $0x2000  }
0xdf: {  	[sflag:s19] =	ssyncset.done $0x0  }
0xe0: {  	s31 =	sadd.s32 $0x800, s26;
	[sflag:s19] =	ssyncadd.s32 $0xFFFFE000  }
0xe1: {  	[hbm4b:s31+s1] =	stream.linear.scatter [tilespmem:s15], [sflag:$0x3], $0x2000, $0x38;
	[tilespmem:$0x2100] =	vst v63  }
0xe2: {  	_ =	swait.ge [sflag:s14], $0x2000  }
0xe3: {  	[sflag:s14] =	ssyncset.done $0x0  }
0xe4: {  	[sflag:s14] =	ssyncadd.s32 $0xFFFFE000  }
0xe5: {  	v3 =	vld [tilespmem:$0x40];
	_ =	sdelay $0x4  }
0xe6: {  	v54 =	vshll.u32 v3, $0x1  }
0xe7: {  	v3 =	vand.u32 $0x7, v3;
	v4 =	vand.u32 $0xFFFFFFF0, v54  }
0xe8: {  	v3 =	vor.u32 v3, v4  }
0xe9: {  	v4 =	vperm.xlane v3, v0;
	_ =	sdelay $0x1  }
0xea: {  	v3 =	vperm.xlane v3, v2;
	v4 =	vadd.s32 v1, v4;
	_ =	sdelay $0x1  }
0xeb: {  	v3 =	vadd.s32 v1, v3;
	_ =	sdelay $0x2  }
0xec: {  	[tilespmem:s15], [sflag:$0x1] =	stream.indirect_vreg.gather [hbm4b:s4+s1], $0x80, v4, vm0, $0xb8;
	[tilespmem:$0x2100] =	vst v63  }
0xed: {  	_ = 	snop  }
0xee: {  	[tilespmem:s16], [sflag:$0x1] =	stream.indirect_vreg.gather [hbm4b:s4+s1], $0x80, v3, vm0, $0xb8;
	[tilespmem:$0x2100] =	vst v63  }
0xef: {  	v3 =	vld [tilespmem:$0x50];
	_ =	sdelay $0x4  }
0xf0: {  	v55 =	vshll.u32 v3, $0x1  }
0xf1: {  	v3 =	vand.u32 $0x7, v3;
	v4 =	vand.u32 $0xFFFFFFF0, v55  }
0xf2: {  	v3 =	vor.u32 v3, v4  }
0xf3: {  	v4 =	vperm.xlane v3, v0;
	_ =	sdelay $0x1  }
0xf4: {  	v3 =	vperm.xlane v3, v2;
	v4 =	vadd.s32 v1, v4;
	_ =	sdelay $0x1  }
0xf5: {  	v3 =	vadd.s32 v1, v3;
	_ =	sdelay $0x2  }
0xf6: {  	[tilespmem:s17], [sflag:$0x1] =	stream.indirect_vreg.gather [hbm4b:s4+s1], $0x80, v4, vm0, $0xb8;
	[tilespmem:$0x2100] =	vst v63  }
0xf7: {  	_ = 	snop  }
0xf8: {  	[tilespmem:s18], [sflag:$0x1] =	stream.indirect_vreg.gather [hbm4b:s4+s1], $0x80, v3, vm0, $0xb8;
	[tilespmem:$0x2100] =	vst v63  }
0xf9: {  	_ =	swait.ge [sflag:s19], $0x2000  }
0xfa: {  	[sflag:s19] =	ssyncset.done $0x0  }
0xfb: {  	s31 =	sadd.s32 $0x800, s28;
	[sflag:s19] =	ssyncadd.s32 $0xFFFFE000  }
0xfc: {  	[hbm4b:s31+s1] =	stream.linear.scatter [tilespmem:s15], [sflag:$0x3], $0x2000, $0x38;
	[tilespmem:$0x2100] =	vst v63  }
0xfd: {  	_ =	swait.ge [sflag:s14], $0x2000  }
0xfe: {  	[sflag:s14] =	ssyncset.done $0x0  }
0xff: {  	[sflag:s14] =	ssyncadd.s32 $0xFFFFE000  }
0x100: {  	v3 =	vld [tilespmem:$0x40];
	_ =	sdelay $0x4  }
0x101: {  	v56 =	vshll.u32 v3, $0x1  }
0x102: {  	v3 =	vand.u32 $0x7, v3;
	v4 =	vand.u32 $0xFFFFFFF0, v56  }
0x103: {  	v3 =	vor.u32 v3, v4  }
0x104: {  	v4 =	vperm.xlane v3, v0;
	_ =	sdelay $0x1  }
0x105: {  	v3 =	vperm.xlane v3, v2;
	v4 =	vadd.s32 v1, v4;
	_ =	sdelay $0x1  }
0x106: {  	v3 =	vadd.s32 v1, v3;
	_ =	sdelay $0x2  }
0x107: {  	[tilespmem:s15], [sflag:$0x1] =	stream.indirect_vreg.gather [hbm4b:s5+s1], $0x80, v4, vm0, $0xb8;
	[tilespmem:$0x2100] =	vst v63  }
0x108: {  	_ = 	snop  }
0x109: {  	[tilespmem:s16], [sflag:$0x1] =	stream.indirect_vreg.gather [hbm4b:s5+s1], $0x80, v3, vm0, $0xb8;
	[tilespmem:$0x2100] =	vst v63  }
0x10a: {  	v3 =	vld [tilespmem:$0x50];
	_ =	sdelay $0x4  }
0x10b: {  	v57 =	vshll.u32 v3, $0x1  }
0x10c: {  	v3 =	vand.u32 $0x7, v3;
	v4 =	vand.u32 $0xFFFFFFF0, v57  }
0x10d: {  	v3 =	vor.u32 v3, v4  }
0x10e: {  	v4 =	vperm.xlane v3, v0;
	_ =	sdelay $0x1  }
0x10f: {  	v3 =	vperm.xlane v3, v2;
	v4 =	vadd.s32 v1, v4;
	_ =	sdelay $0x1  }
0x110: {  	v3 =	vadd.s32 v1, v3;
	_ =	sdelay $0x2  }
0x111: {  	[tilespmem:s17], [sflag:$0x1] =	stream.indirect_vreg.gather [hbm4b:s5+s1], $0x80, v4, vm0, $0xb8;
	[tilespmem:$0x2100] =	vst v63  }
0x112: {  	_ = 	snop  }
0x113: {  	[tilespmem:s18], [sflag:$0x1] =	stream.indirect_vreg.gather [hbm4b:s5+s1], $0x80, v3, vm0, $0xb8;
	[tilespmem:$0x2100] =	vst v63  }
0x114: {  	_ =	swait.ge [sflag:s19], $0x2000  }
0x115: {  	[sflag:s19] =	ssyncset.done $0x0  }
0x116: {  	s31 =	sadd.s32 $0x800, s29;
	[sflag:s19] =	ssyncadd.s32 $0xFFFFE000  }
0x117: {  	[hbm4b:s31+s1] =	stream.linear.scatter [tilespmem:s15], [sflag:$0x3], $0x2000, $0x38;
	[tilespmem:$0x2100] =	vst v63  }
0x118: {  	_ =	swait.ge [sflag:s14], $0x2000  }
0x119: {  	[sflag:s14] =	ssyncset.done $0x0  }
0x11a: {  	[sflag:s14] =	ssyncadd.s32 $0xFFFFE000  }
0x11b: {  	v3 =	vld [tilespmem:$0xE0];
	_ =	sdelay $0x4  }
0x11c: {  	v58 =	vshll.u32 v3, $0x1  }
0x11d: {  	v3 =	vand.u32 $0x7, v3;
	v4 =	vand.u32 $0xFFFFFFF0, v58  }
0x11e: {  	v3 =	vor.u32 v3, v4  }
0x11f: {  	v4 =	vperm.xlane v3, v0;
	_ =	sdelay $0x1  }
0x120: {  	v3 =	vperm.xlane v3, v2;
	v4 =	vadd.s32 v1, v4;
	_ =	sdelay $0x1  }
0x121: {  	v3 =	vadd.s32 v1, v3;
	_ =	sdelay $0x2  }
0x122: {  	[tilespmem:s15], [sflag:$0x1] =	stream.indirect_vreg.gather [hbm4b:s3+s1], $0x80, v4, vm0, $0xb8;
	[tilespmem:$0x2100] =	vst v63  }
0x123: {  	_ = 	snop  }
0x124: {  	[tilespmem:s16], [sflag:$0x1] =	stream.indirect_vreg.gather [hbm4b:s3+s1], $0x80, v3, vm0, $0xb8;
	[tilespmem:$0x2100] =	vst v63  }
0x125: {  	v3 =	vld [tilespmem:$0xF0];
	_ =	sdelay $0x4  }
0x126: {  	v59 =	vshll.u32 v3, $0x1  }
0x127: {  	v3 =	vand.u32 $0x7, v3;
	v4 =	vand.u32 $0xFFFFFFF0, v59  }
0x128: {  	v3 =	vor.u32 v3, v4  }
0x129: {  	v4 =	vperm.xlane v3, v0;
	_ =	sdelay $0x1  }
0x12a: {  	v3 =	vperm.xlane v3, v2;
	v4 =	vadd.s32 v1, v4;
	_ =	sdelay $0x1  }
0x12b: {  	v3 =	vadd.s32 v1, v3;
	_ =	sdelay $0x2  }
0x12c: {  	[tilespmem:s17], [sflag:$0x1] =	stream.indirect_vreg.gather [hbm4b:s3+s1], $0x80, v4, vm0, $0xb8;
	[tilespmem:$0x2100] =	vst v63  }
0x12d: {  	_ = 	snop  }
0x12e: {  	[tilespmem:s18], [sflag:$0x1] =	stream.indirect_vreg.gather [hbm4b:s3+s1], $0x80, v3, vm0, $0xb8;
	[tilespmem:$0x2100] =	vst v63  }
0x12f: {  	_ =	swait.ge [sflag:s19], $0x2000  }
0x130: {  	[sflag:s19] =	ssyncset.done $0x0  }
0x131: {  	s26 =	sadd.s32 $0xC00, s26;
	[sflag:s19] =	ssyncadd.s32 $0xFFFFE000  }
0x132: {  	[hbm4b:s26+s1] =	stream.linear.scatter [tilespmem:s15], [sflag:$0x3], $0x2000, $0x38;
	[tilespmem:$0x2100] =	vst v63  }
0x133: {  	_ =	swait.ge [sflag:s14], $0x2000  }
0x134: {  	[sflag:s14] =	ssyncset.done $0x0  }
0x135: {  	[sflag:s14] =	ssyncadd.s32 $0xFFFFE000  }
0x136: {  	v3 =	vld [tilespmem:$0x60];
	_ =	sdelay $0x4  }
0x137: {  	v60 =	vshll.u32 v3, $0x1  }
0x138: {  	v3 =	vand.u32 $0x7, v3;
	v4 =	vand.u32 $0xFFFFFFF0, v60  }
0x139: {  	v3 =	vor.u32 v3, v4  }
0x13a: {  	v4 =	vperm.xlane v3, v0;
	_ =	sdelay $0x1  }
0x13b: {  	v3 =	vperm.xlane v3, v2;
	v4 =	vadd.s32 v1, v4;
	_ =	sdelay $0x1  }
0x13c: {  	v3 =	vadd.s32 v1, v3;
	_ =	sdelay $0x2  }
0x13d: {  	[tilespmem:s15], [sflag:$0x1] =	stream.indirect_vreg.gather [hbm4b:s4+s1], $0x80, v4, vm0, $0xb8;
	[tilespmem:$0x2100] =	vst v63  }
0x13e: {  	_ = 	snop  }
0x13f: {  	[tilespmem:s16], [sflag:$0x1] =	stream.indirect_vreg.gather [hbm4b:s4+s1], $0x80, v3, vm0, $0xb8;
	[tilespmem:$0x2100] =	vst v63  }
0x140: {  	v3 =	vld [tilespmem:$0x70];
	_ =	sdelay $0x4  }
0x141: {  	v61 =	vshll.u32 v3, $0x1  }
0x142: {  	v3 =	vand.u32 $0x7, v3;
	v4 =	vand.u32 $0xFFFFFFF0, v61  }
0x143: {  	v3 =	vor.u32 v3, v4  }
0x144: {  	v4 =	vperm.xlane v3, v0;
	_ =	sdelay $0x1  }
0x145: {  	v3 =	vperm.xlane v3, v2;
	v4 =	vadd.s32 v1, v4;
	_ =	sdelay $0x1  }
0x146: {  	v3 =	vadd.s32 v1, v3;
	_ =	sdelay $0x2  }
0x147: {  	[tilespmem:s17], [sflag:$0x1] =	stream.indirect_vreg.gather [hbm4b:s4+s1], $0x80, v4, vm0, $0xb8;
	[tilespmem:$0x2100] =	vst v63  }
0x148: {  	_ = 	snop  }
0x149: {  	[tilespmem:s18], [sflag:$0x1] =	stream.indirect_vreg.gather [hbm4b:s4+s1], $0x80, v3, vm0, $0xb8;
	[tilespmem:$0x2100] =	vst v63  }
0x14a: {  	_ =	swait.ge [sflag:s19], $0x2000  }
0x14b: {  	[sflag:s19] =	ssyncset.done $0x0  }
0x14c: {  	s30 =	sadd.s32 $0xC00, s28;
	[sflag:s19] =	ssyncadd.s32 $0xFFFFE000  }
0x14d: {  	[hbm4b:s30+s1] =	stream.linear.scatter [tilespmem:s15], [sflag:$0x3], $0x2000, $0x38;
	[tilespmem:$0x2100] =	vst v63  }
0x14e: {  	_ =	swait.ge [sflag:s14], $0x2000  }
0x14f: {  	[sflag:s14] =	ssyncset.done $0x0  }
0x150: {  	[sflag:s14] =	ssyncadd.s32 $0xFFFFE000  }
0x151: {  	v3 =	vld [tilespmem:$0x60];
	_ =	sdelay $0x4  }
0x152: {  	v62 =	vshll.u32 v3, $0x1  }
0x153: {  	v3 =	vand.u32 $0x7, v3;
	v4 =	vand.u32 $0xFFFFFFF0, v62  }
0x154: {  	v3 =	vor.u32 v3, v4  }
0x155: {  	v4 =	vperm.xlane v3, v0;
	_ =	sdelay $0x1  }
0x156: {  	v3 =	vperm.xlane v3, v2;
	v4 =	vadd.s32 v1, v4;
	_ =	sdelay $0x1  }
0x157: {  	v3 =	vadd.s32 v1, v3;
	_ =	sdelay $0x2  }
0x158: {  	[tilespmem:s15], [sflag:$0x1] =	stream.indirect_vreg.gather [hbm4b:s5+s1], $0x80, v4, vm0, $0xb8;
	[tilespmem:$0x2100] =	vst v63  }
0x159: {  	_ = 	snop  }
0x15a: {  	[tilespmem:s16], [sflag:$0x1] =	stream.indirect_vreg.gather [hbm4b:s5+s1], $0x80, v3, vm0, $0xb8;
	[tilespmem:$0x2100] =	vst v63  }
0x15b: {  	v3 =	vld [tilespmem:$0x70];
	_ =	sdelay $0x4  }
0x15c: {  	v63 =	vshll.u32 v3, $0x1  }
0x15d: {  	v3 =	vand.u32 $0x7, v3;
	v4 =	vand.u32 $0xFFFFFFF0, v63  }
0x15e: {  	v3 =	vor.u32 v3, v4  }
0x15f: {  	v4 =	vperm.xlane v3, v0;
	_ =	sdelay $0x1  }
0x160: {  	v3 =	vperm.xlane v3, v2;
	v4 =	vadd.s32 v1, v4;
	_ =	sdelay $0x1  }
0x161: {  	v3 =	vadd.s32 v1, v3;
	_ =	sdelay $0x2  }
0x162: {  	[tilespmem:s17], [sflag:$0x1] =	stream.indirect_vreg.gather [hbm4b:s5+s1], $0x80, v4, vm0, $0xb8;
	[tilespmem:$0x2100] =	vst v63  }
0x163: {  	_ = 	snop  }
0x164: {  	[tilespmem:s18], [sflag:$0x1] =	stream.indirect_vreg.gather [hbm4b:s5+s1], $0x80, v3, vm0, $0xb8;
	[tilespmem:$0x2100] =	vst v63  }
0x165: {  	_ =	swait.ge [sflag:s19], $0x2000  }
0x166: {  	[sflag:s19] =	ssyncset.done $0x0  }
.Ltmp5:
0x167: {  	s31 =	sadd.s32 $0xC00, s29;
	[sflag:s19] =	ssyncadd.s32 $0xFFFFE000;
	(pc) =	sbr.rel .LBB2_4-.Ltmp5, $4  }
0x168: {  	[hbm4b:s31+s1] =	stream.linear.scatter [tilespmem:s15], [sflag:$0x2], $0x2000, $0x38;
	[tilespmem:$0x2100] =	vst v63  }
0x169: {  	_ =	swait.ge [sflag:s20], $0x2000  }
0x16a: {  	[sflag:s20] =	ssyncset.done $0x0  }
0x16b: {  	[sflag:s20] =	ssyncadd.s32 $0xFFFFE000  }
.LBB2_6:
0x16c: {  	_ =	sfence.sel $0x180000  }
0x16d: {  	[bflag:$0x0] =	sbarrier.arrive $0xFFFF  }
0x16e: {  	p0 =	sne.s32 s2, $0x0;
	_ =	strace $0x90000047  }
0x16f: {  	s0 =	sadd.s32 @!p0 $0x100000, s0;
	[bflag:$0x2] =	sbarrier.arrive $0xFFFF  }
0x170: {  	[sflag:s0] =	ssyncadd.tile.s32 @!p0 $0x1;
	_ =	shalt  }
.Lfunc_end2:
_tile_overlayer_lowered:
.L_overlay_start_2:
0x171: {  	(tag) =	ssettag $0x2  }
0x172: {  	s0 =	rddreg [dreg:$0x0];
	s2 =	stileid.u32  }
0x173: {  	s1 =	rddreg [dreg:$0x1];
	p0 =	sne.s32 s2, $0x0  }
0x174: {  	s3 =	rddreg [dreg:$0x2];
	[bflag:$0x3] =	sbarrier.arrive $0xFFFF;
	s2 =	simm.s32 @!p0 $0x1C02  }
0x175: {  	[timem:s3], [sflag:s2] =	dma.local @!p0 [hbm:s0], s1  }
0x176: {  	s0 =	simm.s32 @!p0 $0x2  }
0x177: {  	_ =	swait.ge @!p0 [sflag:s0], s1  }
0x178: {  	s1 =	ssub.s32 @!p0 $0x0, s1;
	[sflag:s0] =	ssyncset.done @!p0 $0x0  }
0x179: {  	[sflag:s0] =	ssyncadd.s32 @!p0 s1  }
0x17a: {  	[bflag:$0x3] =	sbarrier.arrive $0xFFFF  }
0x17b: {  	_ =	shalt  }

// kernel: kernel.16.cloned.1.call-start
scs
__scs_entry_jumppad:
0x0: {  	(pc) =	sbr.rel $0x88, $3  }
0x1: {  	(tag) =	ssettag $0x0;
	lr =	simm.s32 $0x1  }
0x2: {  	[smem:$0x3F7A] =	sst lr;
	_ =	strace $0xD0000000  }
0x3: {  	_ = 	snop  }
0x4: {  	_ = 	snop  }
0x5: {  	_ = 	snop  }
0x6: {  	_ = 	snop  }
0x7: {  	_ = 	snop  }
__scs_overlays_trampoline_lowered:
0x8: {  	[smem:$0x3F89] =	sst s0  }
0x9: {  	[smem:$0x3F8A] =	sst s1  }
0xa: {  	[smem:$0x3F8B] =	sst s2  }
0xb: {  	[smem:$0x3F8C] =	sst s3  }
0xc: {  	[smem:$0x3F8D] =	sst s4  }
0xd: {  	[smem:$0x3F8E] =	sst s5  }
0xe: {  	[smem:$0x3F8F] =	sst s6  }
0xf: {  	[smem:$0x3F90] =	sst s7  }
0x10: {  	[smem:$0x3F91] =	sst s8  }
0x11: {  	[smem:$0x3F92] =	sst s9;
	s0 =	simm.s32 @!p0 $0x0  }
0x12: {  	s1 =	sld [smem:$0x3F78];
	s0 =	simm.s32 @p0 $0x1  }
0x13: {  	[smem:$0x3F93] =	sst s0;
	s0 =	simm.s32 @!p1 $0x0  }
0x14: {  	s2 =	sld [smem:$0x3F77];
	s0 =	simm.s32 @p1 $0x1  }
0x15: {  	[smem:$0x3F94] =	sst s0;
	s0 =	simm.s32 @!p2 $0x0  }
0x16: {  	s3 =	sld [smem:$0x3FDB];
	s0 =	simm.s32 @p2 $0x1  }
0x17: {  	s4 =	simm.s32 $0x1BF5;
	[smem:$0x3F96] =	sst s0  }
0x18: {  	s0 =	sld [smem:$0x3F79];
	_ =	swait.ge [sflag:s4], $0x0  }
0x19: {  	s7 =	sld [smem:$0x3F7A]  }
0x1a: {  	s8 =	sadd.s32 $0xFFFFE003, lr  }
0x1b: {  	s9 =	sadd.s32 $0xFFFFFEF7, lr;
	s5 =	simm.s32 $0xFFFFFFFF;
	p2 =	slt.u32 s8, $0xFFFFF086  }
0x1c: {  	p1 =	slt.u32 s9, $0xF7A;
	s5 =	simm.s32 @!p2 $0x0  }
0x1d: {  	s5 =	simm.s32 @p1 $0x1;
	p0 =	seq.s32 s7, s2  }
0x1e: {  	s7 =	smul.u32 @!p0 $0xF7A, s2;
	p2 =	seq.s32 @!p0 s5, $0x0  }
0x1f: {  	s9 =	smul.u32 $0xF7A, s1;
	s8 =	simm.s32 @!p0 $0x1BF5;
	p2 =	por !p2, p0  }
0x20: {  	[sflag:s8] =	ssyncset.s32 @!p0 $0xFFFFF086;
	s6 =	sadd.s32 @!p0 s3, s7;
	s7 =	simm.s32 @!p0 $0x108  }
0x21: {  	s3 =	sadd.s32 s3, s9;
	s6 =	sadd.s32 @!p0 $0x88, s6;
	s7 =	simm.s32 @p2 $0x1082  }
0x22: {  	[simem:s7], [sflag:s8] =	dma.local @!p0 [hbm:s6], $0xF7A  }
0x23: {  	s9 =	sor.u32 $0xD0000000, s2;
	s6 =	simm.s32 $0x108;
	_ =	swait.ge @!p0 [sflag:s8], $0x0  }
0x24: {  	s3 =	sadd.s32 $0x88, s3;
	s6 =	simm.s32 @!p1 $0x1082;
	[sflag:s4] =	ssyncset.s32 $0xFFFFF086  }
0x25: {  	[simem:s6], [sflag:s4] =	dma.local [hbm:s3], $0xF7A  }
0x26: {  	[smem:$0x3F7A] =	sst s1;
	(tag) =	ssettag s2;
	_ =	strace s9  }
0x27: {  	s1 =	sld [smem:$0x3F8A]  }
0x28: {  	s2 =	sld [smem:$0x3F8B]  }
0x29: {  	s4 =	sld [smem:$0x3F8D]  }
0x2a: {  	p0 =	seq.s32 s5, $0x0;
	s5 =	sld [smem:$0x3F8E]  }
0x2b: {  	s6 =	sld [smem:$0x3F8F]  }
0x2c: {  	s7 =	sld [smem:$0x3F90]  }
0x2d: {  	s3 =	simm.s32 $0x108;
	s8 =	sld [smem:$0x3F91]  }
0x2e: {  	s3 =	simm.s32 @!p0 $0x1082;
	s9 =	sld [smem:$0x3F92]  }
0x2f: {  	lr =	sadd.s32 s0, s3;
	s0 =	sld [smem:$0x3F89]  }
0x30: {  	s3 =	sld [smem:$0x3F8C]  }
0x31: {  	[smem:$0x3F95] =	sst s10  }
0x32: {  	s10 =	sld [smem:$0x3F93];
	_ =	sdelay $0x3  }
0x33: {  	p0 =	seq.s32 s10, $0x1;
	s10 =	sld [smem:$0x3F95];
	_ =	sdelay $0x3  }
0x34: {  	[smem:$0x3F95] =	sst s10  }
0x35: {  	s10 =	sld [smem:$0x3F94];
	_ =	sdelay $0x3  }
0x36: {  	p1 =	seq.s32 s10, $0x1;
	s10 =	sld [smem:$0x3F95];
	_ =	sdelay $0x3  }
0x37: {  	[smem:$0x3F95] =	sst s10  }
0x38: {  	s10 =	sld [smem:$0x3F96]  }
0x39: {  	_ = 	snop;
	(pc) =	sbr.ind lr, $3  }
0x3a: {  	_ = 	snop  }
0x3b: {  	_ = 	snop  }
0x3c: {  	p2 =	seq.s32 s10, $0x1;
	s10 =	sld [smem:$0x3F95]  }
0x3d: {  	_ =	shalt  }
0x3e: {  	_ =	shalt  }
0x3f: {  	_ =	shalt  }
0x40: {  	_ =	shalt  }
0x41: {  	_ =	shalt  }
0x42: {  	_ =	shalt  }
0x43: {  	_ =	shalt  }
0x44: {  	_ =	shalt  }
0x45: {  	_ =	shalt  }
0x46: {  	_ =	shalt  }
0x47: {  	_ =	shalt  }
0x48: {  	_ =	shalt  }
0x49: {  	_ =	shalt  }
0x4a: {  	_ =	shalt  }
0x4b: {  	_ =	shalt  }
0x4c: {  	_ =	shalt  }
0x4d: {  	_ =	shalt  }
0x4e: {  	_ =	shalt  }
0x4f: {  	_ =	shalt  }
0x50: {  	_ =	shalt  }
0x51: {  	_ =	shalt  }
0x52: {  	_ =	shalt  }
0x53: {  	_ =	shalt  }
0x54: {  	_ =	shalt  }
0x55: {  	_ =	shalt  }
0x56: {  	_ =	shalt  }
0x57: {  	_ =	shalt  }
0x58: {  	_ =	shalt  }
0x59: {  	_ =	shalt  }
0x5a: {  	_ =	shalt  }
0x5b: {  	_ =	shalt  }
0x5c: {  	_ =	shalt  }
0x5d: {  	_ =	shalt  }
0x5e: {  	_ =	shalt  }
0x5f: {  	_ =	shalt  }
0x60: {  	_ =	shalt  }
0x61: {  	_ =	shalt  }
0x62: {  	_ =	shalt  }
0x63: {  	_ =	shalt  }
0x64: {  	_ =	shalt  }
0x65: {  	_ =	shalt  }
0x66: {  	_ =	shalt  }
0x67: {  	_ =	shalt  }
0x68: {  	_ =	shalt  }
0x69: {  	_ =	shalt  }
0x6a: {  	_ =	shalt  }
0x6b: {  	_ =	shalt  }
0x6c: {  	_ =	shalt  }
0x6d: {  	_ =	shalt  }
0x6e: {  	_ =	shalt  }
0x6f: {  	_ =	shalt  }
0x70: {  	_ =	shalt  }
0x71: {  	_ =	shalt  }
0x72: {  	_ =	shalt  }
0x73: {  	_ =	shalt  }
0x74: {  	_ =	shalt  }
0x75: {  	_ =	shalt  }
0x76: {  	_ =	shalt  }
0x77: {  	_ =	shalt  }
0x78: {  	_ =	shalt  }
0x79: {  	_ =	shalt  }
0x7a: {  	_ =	shalt  }
0x7b: {  	_ =	shalt  }
0x7c: {  	_ =	shalt  }
0x7d: {  	_ =	shalt  }
0x7e: {  	_ =	shalt  }
0x7f: {  	_ =	shalt  }
0x80: {  	_ =	shalt  }
0x81: {  	_ =	shalt  }
0x82: {  	_ =	shalt  }
0x83: {  	_ =	shalt  }
0x84: {  	_ =	shalt  }
0x85: {  	_ =	shalt  }
0x86: {  	_ =	shalt  }
0x87: {  	_ =	shalt  }
.Lfunc_end0:
.L_simem_size_0:
called_computation.1_lowered:
.L_overlay_start_0:
0x88: {  	s2 =	sld [smem:$0x3FD9]  }
0x89: {  	s3 =	sld [smem:$0x3FFE];
	_ =	sdelay $0x1  }
0x8a: {  	s1 =	srdreg.scid  }
0x8b: {  	s0 =	sand.u32 $0x1, s1  }
0x8c: {  	s14 =	sshll.u32 s0, $0xA;
	s2 =	sadd.s32 s3, s2  }
0x8d: {  	s2 =	sadd.s32 s2, s14  }
0x8e: {  	[smem:$0x3FA1] =	sst s2  }
0x8f: {  	_ = 	snop  }
0x90: {  	s2 =	sld [smem:$0x3FD0];
	_ =	sdelay $0x2  }
0x91: {  	s15 =	simm.s32 $0xA;
	s4 =	simm.s32 $0x10  }
0x92: {  	[smem:s4], [sflag:s15] =	dma.local [hbm:s2], $0x1  }
0x93: {  	_ =	swait.eq [sflag:s15], $0x1  }
0x94: {  	[sflag:s15] =	ssyncset.done $0x0  }
0x95: {  	[sflag:s15] =	ssyncadd.s32 $0xFFFFFFFF  }
0x96: {  	s16 =	sld [smem:$0x10];
	(tm) =	ssettm $0x1  }
0x97: {  	s17 =	sld [smem:$0x3FFB];
	_ =	sdelay $0x3  }
0x98: {  	_ =	strace s17  }
0x99: {  	s3 =	sld [smem:$0x3FFC];
	_ =	sdelay $0x3  }
0x9a: {  	_ =	strace s3  }
0x9b: {  	s3 =	sld [smem:$0x3FFD];
	_ =	sdelay $0x3  }
0x9c: {  	_ =	strace s3  }
0x9d: {  	_ =	strace $0x8FFFFFFF  }
0x9e: {  	s18 =	sld [smem:$0x3FDB];
	_ =	sdelay $0x1  }
0x9f: {  	s19 =	simm.s32 $_scs_section_size  }
0xa0: {  	s5 =	simm.s32 $_size__tile_overlayer_lowered;
	s6 =	simm.s32 $_tile_overlayer_lowered  }
0xa1: {  	s22 =	simm.s32 $0x1BFF;
	s21 =	sshll.u32 s6, $0x1;
	s3 =	sadd.s32 s19, s18  }
0xa2: {  	s7 =	simm.s32 $0x0;
	s20 =	sshll.u32 s5, $0x1;
	s5 =	sadd.s32 s21, s3  }
0xa3: {  	[timem:s7], [sflag:s22] =	dma.local [hbm:s5], s20  }
0xa4: {  	_ =	swait.ge [sflag:s22], s20  }
0xa5: {  	s4 =	ssub.s32 $0x0, s20;
	[sflag:s22] =	ssyncset.done $0x0  }
0xa6: {  	[sflag:s22] =	ssyncadd.s32 s4;
	_ =	sdelay $0x1  }
0xa7: {  	s23 =	simm.s32 $0x1B8B  }
0xa8: {  	_ =	swait.ge [sflag:s23], $0x1  }
0xa9: {  	[sflag:s23] =	ssyncset.done $0x0  }
0xaa: {  	s25 =	simm.s32 $0x1B8E;
	s24 =	sld [smem:$0x3FFE];
	[sflag:s23] =	ssyncadd.s32 $0xFFFFFFFF  }
0xab: {  	s26 =	simm.s32 $execute0_lowered;
	[smem:$0x3FD2] =	sst s25  }
0xac: {  	s5 =	sshll.u32 s26, $0x1;
	_ =	strace $0x80000049;
	[dreg:$0x1] =	wrdreg $0xFFFFFFFF  }
0xad: {  	s28 =	simm.s32 $_size_execute0_lowered;
	s3 =	sadd.s32 s3, s5;
	[dreg:$0x0] =	wrdreg $0x0  }
0xae: {  	s5 =	sshll.u32 s28, $0x1;
	[dreg:$0x2] =	wrdreg s3  }
0xaf: {  	[dreg:$0x3] =	wrdreg s5  }
0xb0: {  	[dreg:$0x4] =	wrdreg $0xC0  }
0xb1: {  	_ =	task [dreg:s7], $0x5FFFF  }
0xb2: {  	[dreg:$0x1] =	wrdreg $0xFFFFFFFF  }
0xb3: {  	[dreg:$0x0] =	wrdreg $0x60  }
0xb4: {  	[dreg:$0x2] =	wrdreg s24  }
0xb5: {  	[dreg:$0x3] =	wrdreg s16  }
0xb6: {  	[dreg:$0x4] =	wrdreg $0x0  }
0xb7: {  	[dreg:$0x5] =	wrdreg $0x9  }
0xb8: {  	_ =	task.clear_ibuf [dreg:s7], $0x6FFFF;
	_ =	strace $0x90000049  }
0xb9: {  	s29 =	simm.s32 $0x9;
	_ =	strace $0x8000004B  }
0xba: {  	_ =	swait.ge [sflag:s29], $0x1  }
0xbb: {  	[sflag:s29] =	ssyncadd.s32 $0xFFFFFFFF  }
0xbc: {  	_ =	strace $0x9000004B  }
0xbd: {  	_ =	sfence  }
0xbe: {  	s30 =	sld [smem:$0x0];
	_ =	sdelay $0x2  }
0xbf: {  	s31 =	sshll.u32 s1, $0xD;
	s1 =	sshrl.u32 s1, $0x2  }
0xc0: {  	s3 =	sand.u32 $0x4000, s31;
	s1 =	sadd.s32 s1, s30  }
0xc1: {  	s0 =	sor.u32 s3, s0;
	s1 =	sshll.u32 s1, $0x11  }
0xc2: {  	s0 =	sor.u32 s1, s0  }
0xc3: {  	s0 =	sadd.s32 $0x8F2B, s0  }
0xc4: {  	[sflag:s0] =	ssyncadd.remote.s32 $0x1  }
0xc5: {  	_ =	sfence.sel $0xFFFF  }
0xc6: {  	[dreg:$0x0] =	wrdreg $0xFFFFFFFF;
	(pc) =	sbr.abs _section_cstart, $3  }
0xc7: {  	[dreg:$0x1] =	wrdreg $0xFFFFFFFF  }
0xc8: {  	_ =	task.clear_ibuf [dreg:s7], $0x2FFFF;
	_ =	strace $0x9FFFFFFF  }
0xc9: {  	(tm) =	ssettm $0x7FFFFFFF  }
tec
execute0_lowered:
.L_overlay_start_1:
0x0: {  	(tag) =	ssettag $0x1  }
0x1: {  	s4 =	rddreg [dreg:$0x0];
	s2 =	stileid.u32  }
0x2: {  	s0 =	srdreg.scid;
	s10 =	smul.u32 $0x2800, s2  }
0x3: {  	s5 =	rddreg [dreg:$0x1];
	s6 =	sand.u32 $0x1, s0;
	s25 =	smul.u32 $0xA000, s2  }
0x4: {  	s1 =	rddreg [dreg:$0x2];
	s3 =	simm.s32 $0x0;
	s7 =	smul.u32 $0x138800, s6  }
0x5: {  	s21 =	simm.s32 $0x1;
	[smem:$0x7FF] =	sst s3;
	s8 =	smul.u32 $0x2710, s6  }
0x6: {  	s18 =	sshll.u32 s2, $0x9;
	s9 =	smul.u32 $0x28000, s6;
	s6 =	ssub.s32 $0x2, s6  }
0x7: {  	s19 =	sshll.u32 s2, $0x2;
	_ =	strace $0x8000004A;
	s28 =	sshrl.u32 s6, $0x1  }
0x8: {  	s16 =	sadd.s32 s7, s4;
	s17 =	sadd.s32 s8, s4;
	s26 =	sadd.s32 s10, s9  }
0x9: {  	s7 =	sshrl.u32 s25, $0x2;
	s9 =	ssub.s32 s6, s28;
	s8 =	sshrl.u32 s26, $0x3  }
0xa: {  	s20 =	sadd.s32 s18, s16;
	s31 =	sadd.s32 s19, s17;
	s29 =	sadd.s32 s8, s4  }
0xb: {  	s4 =	sadd.s32 s7, s1;
	s30 =	sadd.s32 s5, s8;
	s7 =	smax.u32 s9, $0x1  }
0xc: {  	s17 =	sadd.s32 $0x232E000, s20;
	s18 =	sadd.s32 $0x20B3000, s31;
	s19 =	sadd.s32 $0x259F000, s20  }
0xd: {  	s20 =	simm.s32 $0x2800;
	[dreg:$0x4] =	wrdreg s30;
	s6 =	sadd.s32 $0xB800, s29  }
0xe: {  	s8 =	sadd.s32 $0x400, s4;
	s9 =	sadd.s32 $0x800, s4;
	s10 =	sadd.s32 $0xC00, s4  }
0xf: {  	s11 =	sadd.s32 $0x1000, s4;
	s12 =	sadd.s32 $0x1400, s4;
	s13 =	sadd.s32 $0x1800, s4  }
0x10: {  	v0 =	vimm.f32 $0.0e+00;
	s14 =	sadd.s32 $0x1C00, s4;
	s15 =	sadd.s32 $0x2000, s4;
	s16 =	sadd.s32 $0x2400, s4  }
.LBB2_1:
0x11: {  	[tilespmem:$0x2800] =	vst v0  }
0x12: {  	[tilespmem:$0x2810] =	vst v0  }
0x13: {  	[tilespmem:$0x2820] =	vst v0  }
0x14: {  	[tilespmem:$0x2830] =	vst v0  }
0x15: {  	[tilespmem:$0x2840] =	vst v0  }
0x16: {  	[tilespmem:$0x2850] =	vst v0  }
0x17: {  	[tilespmem:$0x2860] =	vst v0  }
0x18: {  	[tilespmem:$0x2870] =	vst v0  }
0x19: {  	[tilespmem:$0x2880] =	vst v0  }
0x1a: {  	[tilespmem:$0x2890] =	vst v0  }
0x1b: {  	[tilespmem:$0x28A0] =	vst v0  }
0x1c: {  	[tilespmem:$0x28B0] =	vst v0  }
0x1d: {  	[tilespmem:$0x28C0] =	vst v0  }
0x1e: {  	[tilespmem:$0x28D0] =	vst v0  }
0x1f: {  	[tilespmem:$0x28E0] =	vst v0  }
0x20: {  	[tilespmem:$0x28F0] =	vst v0  }
0x21: {  	[tilespmem:$0x2900] =	vst v0  }
0x22: {  	[tilespmem:$0x2910] =	vst v0  }
0x23: {  	[tilespmem:$0x2920] =	vst v0  }
0x24: {  	[tilespmem:$0x2930] =	vst v0  }
0x25: {  	[tilespmem:$0x2940] =	vst v0  }
0x26: {  	[tilespmem:$0x2950] =	vst v0  }
0x27: {  	[tilespmem:$0x2960] =	vst v0  }
0x28: {  	[tilespmem:$0x2970] =	vst v0  }
0x29: {  	[tilespmem:$0x2980] =	vst v0  }
0x2a: {  	[tilespmem:$0x2990] =	vst v0  }
0x2b: {  	[tilespmem:$0x29A0] =	vst v0  }
0x2c: {  	[tilespmem:$0x29B0] =	vst v0  }
0x2d: {  	[tilespmem:$0x29C0] =	vst v0  }
0x2e: {  	[tilespmem:$0x29D0] =	vst v0  }
0x2f: {  	[tilespmem:$0x29E0] =	vst v0  }
0x30: {  	[tilespmem:$0x29F0] =	vst v0  }
0x31: {  	[tilespmem:$0x2A00] =	vst v0  }
0x32: {  	[tilespmem:$0x2A10] =	vst v0  }
0x33: {  	[tilespmem:$0x2A20] =	vst v0  }
0x34: {  	[tilespmem:$0x2A30] =	vst v0  }
0x35: {  	[tilespmem:$0x2A40] =	vst v0  }
0x36: {  	[tilespmem:$0x2A50] =	vst v0  }
0x37: {  	[tilespmem:$0x2A60] =	vst v0  }
0x38: {  	[tilespmem:$0x2A70] =	vst v0  }
0x39: {  	[tilespmem:$0x2A80] =	vst v0  }
0x3a: {  	[tilespmem:$0x2A90] =	vst v0  }
0x3b: {  	[tilespmem:$0x2AA0] =	vst v0  }
0x3c: {  	[tilespmem:$0x2AB0] =	vst v0  }
0x3d: {  	[tilespmem:$0x2AC0] =	vst v0  }
0x3e: {  	[tilespmem:$0x2AD0] =	vst v0  }
0x3f: {  	[tilespmem:$0x2AE0] =	vst v0  }
0x40: {  	[tilespmem:$0x2AF0] =	vst v0  }
0x41: {  	[tilespmem:$0x2B00] =	vst v0  }
0x42: {  	[tilespmem:$0x2B10] =	vst v0  }
0x43: {  	[tilespmem:$0x2B20] =	vst v0  }
0x44: {  	[tilespmem:$0x2B30] =	vst v0  }
0x45: {  	[tilespmem:$0x2B40] =	vst v0  }
0x46: {  	[tilespmem:$0x2B50] =	vst v0  }
0x47: {  	[tilespmem:$0x2B60] =	vst v0  }
0x48: {  	[tilespmem:$0x2B70] =	vst v0  }
0x49: {  	[tilespmem:$0x2B80] =	vst v0  }
0x4a: {  	[tilespmem:$0x2B90] =	vst v0  }
0x4b: {  	[tilespmem:$0x2BA0] =	vst v0  }
0x4c: {  	[tilespmem:$0x2BB0] =	vst v0  }
0x4d: {  	[tilespmem:$0x2BC0] =	vst v0  }
0x4e: {  	[tilespmem:$0x2BD0] =	vst v0  }
0x4f: {  	[tilespmem:$0x2BE0] =	vst v0  }
0x50: {  	[tilespmem:$0x2BF0] =	vst v0  }
0x51: {  	[spmem:s4] =	stream.linear.scatter [tilespmem:s20], [sflag:$0x1], $0x400, $0x38;
	[tilespmem:$0x3C80] =	vst v63  }
0x52: {  	_ =	swait.ge [sflag:s21], $0x400  }
0x53: {  	[sflag:s21] =	ssyncset.done $0x0  }
0x54: {  	[sflag:s21] =	ssyncadd.s32 $0xFFFFFC00  }
0x55: {  	[spmem:s8] =	stream.linear.scatter [tilespmem:s20], [sflag:$0x1], $0x400, $0x38;
	[tilespmem:$0x3C80] =	vst v63  }
0x56: {  	_ =	swait.ge [sflag:s21], $0x400  }
0x57: {  	[sflag:s21] =	ssyncset.done $0x0  }
0x58: {  	[sflag:s21] =	ssyncadd.s32 $0xFFFFFC00  }
0x59: {  	[spmem:s9] =	stream.linear.scatter [tilespmem:s20], [sflag:$0x1], $0x400, $0x38;
	[tilespmem:$0x3C80] =	vst v63  }
0x5a: {  	_ =	swait.ge [sflag:s21], $0x400  }
0x5b: {  	[sflag:s21] =	ssyncset.done $0x0  }
0x5c: {  	[sflag:s21] =	ssyncadd.s32 $0xFFFFFC00  }
0x5d: {  	[spmem:s10] =	stream.linear.scatter [tilespmem:s20], [sflag:$0x1], $0x400, $0x38;
	[tilespmem:$0x3C80] =	vst v63  }
0x5e: {  	_ =	swait.ge [sflag:s21], $0x400  }
0x5f: {  	[sflag:s21] =	ssyncset.done $0x0  }
0x60: {  	[sflag:s21] =	ssyncadd.s32 $0xFFFFFC00  }
0x61: {  	[spmem:s11] =	stream.linear.scatter [tilespmem:s20], [sflag:$0x1], $0x400, $0x38;
	[tilespmem:$0x3C80] =	vst v63  }
0x62: {  	_ =	swait.ge [sflag:s21], $0x400  }
0x63: {  	[sflag:s21] =	ssyncset.done $0x0  }
0x64: {  	[sflag:s21] =	ssyncadd.s32 $0xFFFFFC00  }
0x65: {  	[spmem:s12] =	stream.linear.scatter [tilespmem:s20], [sflag:$0x1], $0x400, $0x38;
	[tilespmem:$0x3C80] =	vst v63  }
0x66: {  	_ =	swait.ge [sflag:s21], $0x400  }
0x67: {  	[sflag:s21] =	ssyncset.done $0x0  }
0x68: {  	[sflag:s21] =	ssyncadd.s32 $0xFFFFFC00  }
0x69: {  	[spmem:s13] =	stream.linear.scatter [tilespmem:s20], [sflag:$0x1], $0x400, $0x38;
	[tilespmem:$0x3C80] =	vst v63  }
0x6a: {  	_ =	swait.ge [sflag:s21], $0x400  }
0x6b: {  	[sflag:s21] =	ssyncset.done $0x0  }
0x6c: {  	[sflag:s21] =	ssyncadd.s32 $0xFFFFFC00  }
0x6d: {  	[spmem:s14] =	stream.linear.scatter [tilespmem:s20], [sflag:$0x1], $0x400, $0x38;
	[tilespmem:$0x3C80] =	vst v63  }
0x6e: {  	_ =	swait.ge [sflag:s21], $0x400  }
0x6f: {  	[sflag:s21] =	ssyncset.done $0x0  }
0x70: {  	[sflag:s21] =	ssyncadd.s32 $0xFFFFFC00  }
0x71: {  	[spmem:s15] =	stream.linear.scatter [tilespmem:s20], [sflag:$0x1], $0x400, $0x38;
	[tilespmem:$0x3C80] =	vst v63  }
0x72: {  	_ =	swait.ge [sflag:s21], $0x400  }
0x73: {  	[sflag:s21] =	ssyncset.done $0x0  }
0x74: {  	[sflag:s21] =	ssyncadd.s32 $0xFFFFFC00  }
0x75: {  	[spmem:s16] =	stream.linear.scatter [tilespmem:s20], [sflag:$0x1], $0x400, $0x38;
	[tilespmem:$0x3C80] =	vst v63  }
0x76: {  	s22 =	sadd.s32 $0x0, s2;
	_ =	swait.ge [sflag:s21], $0x400  }
0x77: {  	p0 =	sgt.u32 s22, $0x9C3;
	[sflag:s21] =	ssyncset.done $0x0  }
0x78: {  	s22 =	simm.s32 @!p0 $0x0;
	[sflag:s21] =	ssyncadd.s32 $0xFFFFFC00  }
0x79: {  	s23 =	simm.s32 @!p0 $0x3C00;
	s25 =	simm.s32 @!p0 $0x2;
	[bflag:$0x0] =	sbarrier.arrive $0xFFFF  }
0x7a: {  	[tilespmem:s23], [sflag:$0x2] =	stream.linear.gather @!p0 [hbm4b:s18+s22], $0x20, $0x38;
	[tilespmem:$0x3C80] =	vst v63  }
0x7b: {  	_ =	swait.ge @!p0 [sflag:s25], $0x20;
	p0 =	por p0, p0  }
0x7c: {  	[sflag:s25] =	ssyncset.done @!p0 $0x0  }
0x7d: {  	s26 =	simm.s32 @!p0 $0x2C00;
	[sflag:s25] =	ssyncadd.s32 @!p0 $0xFFFFFFE0  }
0x7e: {  	[tilespmem:s26], [sflag:$0x2] =	stream.linear.gather @!p0 [hbm4b:s17+s22], $0x1000, $0x38;
	[tilespmem:$0x3C80] =	vst v63  }
0x7f: {  	s31 =	sadd.s32 $0x10, s2;
	_ =	swait.ge @!p0 [sflag:s25], $0x1000  }
0x80: {  	s24 =	simm.s32 $0x20;
	p1 =	sgt.u32 s31, $0x9C3;
	[sflag:s25] =	ssyncset.done @!p0 $0x0  }
0x81: {  	s22 =	simm.s32 @!p0 $0x20;
	[sflag:s25] =	ssyncadd.s32 @!p0 $0xFFFFF000;
	s25 =	simm.s32 @!p0 $0x1  }
0x82: {  	[spmem:s1] =	stream.indirect.scatter.add.f32 @!p0 [tilespmem:s26], [sflag:$0x1], $0x80, s23, s22, $0xb8;
	[tilespmem:$0x3C80] =	vst v63  }
0x83: {  	s23 =	sadd.s32 $0x40, s18;
	s22 =	sadd.s32 $0x2000, s17;
	_ =	swait.ge @!p0 [sflag:s25], $0x1000  }
.LBB2_2:
0x84: {  	s26 =	simm.s32 @!p1 $0x0  }
0x85: {  	s28 =	simm.s32 @!p1 $0x3C00;
	[sflag:s25] =	ssyncset.done @!p0 $0x0;
	s29 =	smov.u32 s24  }
0x86: {  	s24 =	sadd.s32 $0x10, s24;
	s30 =	simm.s32 @!p1 $0x2;
	[sflag:s25] =	ssyncadd.s32 @!p0 $0xFFFFF000  }
0x87: {  	[tilespmem:s28], [sflag:$0x2] =	stream.linear.gather @!p1 [hbm4b:s23+s26], $0x20, $0x38;
	[tilespmem:$0x3C80] =	vst v63  }
0x88: {  	p2 =	sne.s32 s24, $0x9D0;
	p0 =	por p1, p1;
	_ =	swait.ge @!p1 [sflag:s30], $0x20  }
0x89: {  	[sflag:s30] =	ssyncset.done @!p0 $0x0  }
0x8a: {  	s31 =	simm.s32 @!p0 $0x2C00;
	[sflag:s30] =	ssyncadd.s32 @!p0 $0xFFFFFFE0  }
0x8b: {  	[tilespmem:s31], [sflag:$0x2] =	stream.linear.gather @!p0 [hbm4b:s22+s26], $0x1000, $0x38;
	[tilespmem:$0x3C80] =	vst v63  }
.Ltmp0:
0x8c: {  	_ =	swait.ge @!p0 [sflag:s30], $0x1000;
	(pc) =	sbr.rel @p2 .LBB2_2-.Ltmp0, $4  }
0x8d: {  	s25 =	simm.s32 @!p0 $0x1;
	s23 =	sadd.s32 $0x40, s23;
	[sflag:s30] =	ssyncset.done @!p0 $0x0  }
0x8e: {  	s26 =	sadd.s32 s29, s2;
	s29 =	simm.s32 @!p0 $0x20;
	[sflag:s30] =	ssyncadd.s32 @!p0 $0xFFFFF000  }
0x8f: {  	[spmem:s1] =	stream.indirect.scatter.add.f32 @!p0 [tilespmem:s31], [sflag:$0x1], $0x80, s28, s29, $0xb8;
	[tilespmem:$0x3C80] =	vst v63  }
0x90: {  	s22 =	sadd.s32 $0x2000, s22;
	p1 =	sgt.u32 s26, $0x9C3;
	_ =	swait.ge @!p0 [sflag:s25], $0x1000  }
0x91: {  	s24 =	simm.s32 @!p1 $0x0;
	[sflag:s25] =	ssyncset.done @!p0 $0x0  }
0x92: {  	s26 =	simm.s32 @!p1 $0x3C00;
	s28 =	simm.s32 @!p1 $0x2;
	[sflag:s25] =	ssyncadd.s32 @!p0 $0xFFFFF000  }
0x93: {  	[tilespmem:s26], [sflag:$0x2] =	stream.linear.gather @!p1 [hbm4b:s23+s24], $0x20, $0x38;
	[tilespmem:$0x3C80] =	vst v63  }
0x94: {  	p0 =	por p1, p1;
	_ =	swait.ge @!p1 [sflag:s28], $0x20  }
0x95: {  	[sflag:s28] =	ssyncset.done @!p0 $0x0  }
0x96: {  	s23 =	simm.s32 @!p0 $0x2C00;
	[sflag:s28] =	ssyncadd.s32 @!p0 $0xFFFFFFE0  }
0x97: {  	[tilespmem:s23], [sflag:$0x2] =	stream.linear.gather @!p0 [hbm4b:s22+s24], $0x1000, $0x38;
	[tilespmem:$0x3C80] =	vst v63  }
0x98: {  	_ =	swait.ge @!p0 [sflag:s28], $0x1000  }
0x99: {  	[sflag:s28] =	ssyncset.done @!p0 $0x0  }
0x9a: {  	s22 =	simm.s32 @!p0 $0x1;
	s24 =	simm.s32 @!p0 $0x20;
	[sflag:s28] =	ssyncadd.s32 @!p0 $0xFFFFF000  }
0x9b: {  	[spmem:s1] =	stream.indirect.scatter.add.f32 @!p0 [tilespmem:s23], [sflag:$0x1], $0x80, s26, s24, $0xb8;
	[tilespmem:$0x3C80] =	vst v63  }
0x9c: {  	_ =	swait.ge @!p0 [sflag:s22], $0x1000  }
0x9d: {  	[sflag:s22] =	ssyncset.done @!p0 $0x0  }
0x9e: {  	[sflag:s22] =	ssyncadd.s32 @!p0 $0xFFFFF000  }
0x9f: {  	s29 =	sshll.u32 s2, $0x6;
	[bflag:$0x0] =	sbarrier.arrive $0xFFFF  }
0xa0: {  	s23 =	sshrl.u32 s4, $0x3;
	s22 =	sor.u32 $0x1C01, s29;
	s0 =	rddreg [dreg:$0x4]  }
0xa1: {  	[hbm:s0], [sflag:s22] =	dma.local [spmem:s23], $0x500  }
0xa2: {  	_ =	swait.ge [sflag:s21], $0x500  }
0xa3: {  	[sflag:s21] =	ssyncset.done $0x0  }
0xa4: {  	[sflag:s21] =	ssyncadd.s32 $0xFFFFFB00  }
0xa5: {  	[bflag:$0x0] =	sbarrier.arrive $0xFFFF  }
0xa6: {  	[spmem:s4] =	stream.linear.scatter [tilespmem:s20], [sflag:$0x1], $0x400, $0x38;
	[tilespmem:$0x3C80] =	vst v63  }
0xa7: {  	_ =	swait.ge [sflag:s21], $0x400  }
0xa8: {  	[sflag:s21] =	ssyncset.done $0x0  }
0xa9: {  	[sflag:s21] =	ssyncadd.s32 $0xFFFFFC00  }
0xaa: {  	[spmem:s8] =	stream.linear.scatter [tilespmem:s20], [sflag:$0x1], $0x400, $0x38;
	[tilespmem:$0x3C80] =	vst v63  }
0xab: {  	_ =	swait.ge [sflag:s21], $0x400  }
0xac: {  	[sflag:s21] =	ssyncset.done $0x0  }
0xad: {  	[sflag:s21] =	ssyncadd.s32 $0xFFFFFC00  }
0xae: {  	[spmem:s9] =	stream.linear.scatter [tilespmem:s20], [sflag:$0x1], $0x400, $0x38;
	[tilespmem:$0x3C80] =	vst v63  }
0xaf: {  	_ =	swait.ge [sflag:s21], $0x400  }
0xb0: {  	[sflag:s21] =	ssyncset.done $0x0  }
0xb1: {  	[sflag:s21] =	ssyncadd.s32 $0xFFFFFC00  }
0xb2: {  	[spmem:s10] =	stream.linear.scatter [tilespmem:s20], [sflag:$0x1], $0x400, $0x38;
	[tilespmem:$0x3C80] =	vst v63  }
0xb3: {  	_ =	swait.ge [sflag:s21], $0x400  }
0xb4: {  	[sflag:s21] =	ssyncset.done $0x0  }
0xb5: {  	[sflag:s21] =	ssyncadd.s32 $0xFFFFFC00  }
0xb6: {  	[spmem:s11] =	stream.linear.scatter [tilespmem:s20], [sflag:$0x1], $0x400, $0x38;
	[tilespmem:$0x3C80] =	vst v63  }
0xb7: {  	_ =	swait.ge [sflag:s21], $0x400  }
0xb8: {  	[sflag:s21] =	ssyncset.done $0x0  }
0xb9: {  	[sflag:s21] =	ssyncadd.s32 $0xFFFFFC00  }
0xba: {  	[spmem:s12] =	stream.linear.scatter [tilespmem:s20], [sflag:$0x1], $0x400, $0x38;
	[tilespmem:$0x3C80] =	vst v63  }
0xbb: {  	_ =	swait.ge [sflag:s21], $0x400  }
0xbc: {  	[sflag:s21] =	ssyncset.done $0x0  }
0xbd: {  	[sflag:s21] =	ssyncadd.s32 $0xFFFFFC00  }
0xbe: {  	[spmem:s13] =	stream.linear.scatter [tilespmem:s20], [sflag:$0x1], $0x400, $0x38;
	[tilespmem:$0x3C80] =	vst v63  }
0xbf: {  	_ =	swait.ge [sflag:s21], $0x400  }
0xc0: {  	[sflag:s21] =	ssyncset.done $0x0  }
0xc1: {  	[sflag:s21] =	ssyncadd.s32 $0xFFFFFC00  }
0xc2: {  	[spmem:s14] =	stream.linear.scatter [tilespmem:s20], [sflag:$0x1], $0x400, $0x38;
	[tilespmem:$0x3C80] =	vst v63  }
0xc3: {  	_ =	swait.ge [sflag:s21], $0x400  }
0xc4: {  	[sflag:s21] =	ssyncset.done $0x0  }
0xc5: {  	[sflag:s21] =	ssyncadd.s32 $0xFFFFFC00  }
0xc6: {  	[spmem:s15] =	stream.linear.scatter [tilespmem:s20], [sflag:$0x1], $0x400, $0x38;
	[tilespmem:$0x3C80] =	vst v63  }
0xc7: {  	_ =	swait.ge [sflag:s21], $0x400  }
0xc8: {  	[sflag:s21] =	ssyncset.done $0x0  }
0xc9: {  	[sflag:s21] =	ssyncadd.s32 $0xFFFFFC00  }
0xca: {  	[spmem:s16] =	stream.linear.scatter [tilespmem:s20], [sflag:$0x1], $0x400, $0x38;
	[tilespmem:$0x3C80] =	vst v63  }
0xcb: {  	s30 =	sadd.s32 $0x0, s2;
	_ =	swait.ge [sflag:s21], $0x400  }
0xcc: {  	p0 =	sgt.u32 s30, $0x9C3;
	[sflag:s21] =	ssyncset.done $0x0  }
0xcd: {  	s24 =	simm.s32 @!p0 $0x0;
	[sflag:s21] =	ssyncadd.s32 $0xFFFFFC00  }
0xce: {  	s25 =	simm.s32 @!p0 $0x3C00;
	s28 =	simm.s32 @!p0 $0x2;
	[bflag:$0x0] =	sbarrier.arrive $0xFFFF  }
0xcf: {  	[tilespmem:s25], [sflag:$0x2] =	stream.linear.gather @!p0 [hbm4b:s18+s24], $0x20, $0x38;
	[tilespmem:$0x3C80] =	vst v63  }
0xd0: {  	_ =	swait.ge @!p0 [sflag:s28], $0x20;
	p0 =	por p0, p0  }
0xd1: {  	[sflag:s28] =	ssyncset.done @!p0 $0x0  }
0xd2: {  	s29 =	simm.s32 @!p0 $0x2C00;
	[sflag:s28] =	ssyncadd.s32 @!p0 $0xFFFFFFE0  }
0xd3: {  	[tilespmem:s29], [sflag:$0x2] =	stream.linear.gather @!p0 [hbm4b:s19+s24], $0x1000, $0x38;
	[tilespmem:$0x3C80] =	vst v63  }
0xd4: {  	s31 =	sadd.s32 $0x10, s2;
	_ =	swait.ge @!p0 [sflag:s28], $0x1000  }
0xd5: {  	p1 =	sgt.u32 s31, $0x9C3;
	s26 =	simm.s32 $0x20;
	[sflag:s28] =	ssyncset.done @!p0 $0x0  }
0xd6: {  	s24 =	simm.s32 @!p0 $0x20;
	[sflag:s28] =	ssyncadd.s32 @!p0 $0xFFFFF000;
	s28 =	simm.s32 @!p0 $0x1  }
0xd7: {  	[spmem:s1] =	stream.indirect.scatter.add.f32 @!p0 [tilespmem:s29], [sflag:$0x1], $0x80, s25, s24, $0xb8;
	[tilespmem:$0x3C80] =	vst v63  }
0xd8: {  	s25 =	sadd.s32 $0x40, s18;
	s24 =	sadd.s32 $0x2000, s19;
	_ =	swait.ge @!p0 [sflag:s28], $0x1000  }
.LBB2_4:
0xd9: {  	s29 =	simm.s32 @!p1 $0x0  }
0xda: {  	s30 =	simm.s32 @!p1 $0x3C00;
	[sflag:s28] =	ssyncset.done @!p0 $0x0;
	s31 =	smov.u32 s26  }
0xdb: {  	s26 =	sadd.s32 $0x10, s26;
	s0 =	simm.s32 @!p1 $0x2;
	[sflag:s28] =	ssyncadd.s32 @!p0 $0xFFFFF000  }
0xdc: {  	[tilespmem:s30], [sflag:$0x2] =	stream.linear.gather @!p1 [hbm4b:s25+s29], $0x20, $0x38;
	[tilespmem:$0x3C80] =	vst v63  }
0xdd: {  	p2 =	sne.s32 s26, $0x9D0;
	p0 =	por p1, p1;
	_ =	swait.ge @!p1 [sflag:s0], $0x20  }
0xde: {  	[sflag:s0] =	ssyncset.done @!p0 $0x0  }
0xdf: {  	s5 =	simm.s32 @!p0 $0x2C00;
	[sflag:s0] =	ssyncadd.s32 @!p0 $0xFFFFFFE0  }
0xe0: {  	[tilespmem:s5], [sflag:$0x2] =	stream.linear.gather @!p0 [hbm4b:s24+s29], $0x1000, $0x38;
	[tilespmem:$0x3C80] =	vst v63  }
.Ltmp1:
0xe1: {  	_ =	swait.ge @!p0 [sflag:s0], $0x1000;
	(pc) =	sbr.rel @p2 .LBB2_4-.Ltmp1, $4  }
0xe2: {  	s28 =	simm.s32 @!p0 $0x1;
	s25 =	sadd.s32 $0x40, s25;
	[sflag:s0] =	ssyncset.done @!p0 $0x0  }
0xe3: {  	s29 =	sadd.s32 s31, s2;
	[sflag:s0] =	ssyncadd.s32 @!p0 $0xFFFFF000;
	s0 =	simm.s32 @!p0 $0x20  }
0xe4: {  	[spmem:s1] =	stream.indirect.scatter.add.f32 @!p0 [tilespmem:s5], [sflag:$0x1], $0x80, s30, s0, $0xb8;
	[tilespmem:$0x3C80] =	vst v63  }
0xe5: {  	s24 =	sadd.s32 $0x2000, s24;
	p1 =	sgt.u32 s29, $0x9C3;
	_ =	swait.ge @!p0 [sflag:s28], $0x1000  }
0xe6: {  	s0 =	simm.s32 @!p1 $0x0;
	[sflag:s28] =	ssyncset.done @!p0 $0x0  }
0xe7: {  	s5 =	simm.s32 @!p1 $0x3C00;
	s26 =	simm.s32 @!p1 $0x2;
	[sflag:s28] =	ssyncadd.s32 @!p0 $0xFFFFF000  }
0xe8: {  	[tilespmem:s5], [sflag:$0x2] =	stream.linear.gather @!p1 [hbm4b:s25+s0], $0x20, $0x38;
	[tilespmem:$0x3C80] =	vst v63  }
0xe9: {  	p0 =	por p1, p1;
	_ =	swait.ge @!p1 [sflag:s26], $0x20  }
0xea: {  	[sflag:s26] =	ssyncset.done @!p0 $0x0  }
0xeb: {  	s25 =	simm.s32 @!p0 $0x2C00;
	[sflag:s26] =	ssyncadd.s32 @!p0 $0xFFFFFFE0  }
0xec: {  	[tilespmem:s25], [sflag:$0x2] =	stream.linear.gather @!p0 [hbm4b:s24+s0], $0x1000, $0x38;
	[tilespmem:$0x3C80] =	vst v63  }
0xed: {  	_ =	swait.ge @!p0 [sflag:s26], $0x1000  }
0xee: {  	[sflag:s26] =	ssyncset.done @!p0 $0x0  }
0xef: {  	s0 =	simm.s32 @!p0 $0x1;
	s24 =	simm.s32 @!p0 $0x20;
	[sflag:s26] =	ssyncadd.s32 @!p0 $0xFFFFF000  }
0xf0: {  	[spmem:s1] =	stream.indirect.scatter.add.f32 @!p0 [tilespmem:s25], [sflag:$0x1], $0x80, s5, s24, $0xb8;
	[tilespmem:$0x3C80] =	vst v63  }
0xf1: {  	_ =	swait.ge @!p0 [sflag:s0], $0x1000  }
0xf2: {  	[sflag:s0] =	ssyncset.done @!p0 $0x0  }
0xf3: {  	s3 =	sadd.s32 $0x1, s3;
	[sflag:s0] =	ssyncadd.s32 @!p0 $0xFFFFF000  }
0xf4: {  	p0 =	sne.s32 s3, s7;
	[bflag:$0x0] =	sbarrier.arrive $0xFFFF  }
0xf5: {  	[hbm:s6], [sflag:s22] =	dma.local [spmem:s23], $0x500  }
.Ltmp2:
0xf6: {  	_ =	swait.ge [sflag:s21], $0x500;
	(pc) =	sbr.rel @p0 .LBB2_1-.Ltmp2, $3  }
0xf7: {  	[sflag:s21] =	ssyncset.done $0x0  }
0xf8: {  	[sflag:s21] =	ssyncadd.s32 $0xFFFFFB00  }
0xf9: {  	[bflag:$0x0] =	sbarrier.arrive $0xFFFF;
	_ =	sdelay $0x1  }
0xfa: {  	_ =	sfence.sel $0x180000  }
0xfb: {  	[bflag:$0x0] =	sbarrier.arrive $0xFFFF  }
0xfc: {  	_ =	strace $0x9000004A  }
0xfd: {  	[bflag:$0x2] =	sbarrier.arrive $0xFFFF  }
0xfe: {  	p0 =	sne.s32 s2, $0x0;
	s0 =	rddreg [dreg:$0x3]  }
0xff: {  	s0 =	sadd.s32 @!p0 $0x100000, s0  }
0x100: {  	[sflag:s0] =	ssyncadd.tile.s32 @!p0 $0x1;
	_ =	shalt  }
.Lfunc_end2:
_tile_overlayer_lowered:
.L_overlay_start_2:
0x101: {  	(tag) =	ssettag $0x2  }
0x102: {  	s0 =	rddreg [dreg:$0x0];
	s2 =	stileid.u32  }
0x103: {  	s1 =	rddreg [dreg:$0x1];
	p0 =	sne.s32 s2, $0x0  }
0x104: {  	s3 =	rddreg [dreg:$0x2];
	[bflag:$0x3] =	sbarrier.arrive $0xFFFF;
	s2 =	simm.s32 @!p0 $0x1C01  }
0x105: {  	[timem:s3], [sflag:s2] =	dma.local @!p0 [hbm:s0], s1  }
0x106: {  	s0 =	simm.s32 @!p0 $0x1  }
0x107: {  	_ =	swait.ge @!p0 [sflag:s0], s1  }
0x108: {  	s1 =	ssub.s32 @!p0 $0x0, s1;
	[sflag:s0] =	ssyncset.done @!p0 $0x0  }
0x109: {  	[sflag:s0] =	ssyncadd.s32 @!p0 s1  }
0x10a: {  	[bflag:$0x3] =	sbarrier.arrive $0xFFFF  }
0x10b: {  	_ =	shalt  }

// kernel: kernel.19.cloned.1.call-start
scs
__scs_entry_jumppad:
0x0: {  	(pc) =	sbr.rel $0x88, $3  }
0x1: {  	(tag) =	ssettag $0x0;
	lr =	simm.s32 $0x1  }
0x2: {  	[smem:$0x3F7A] =	sst lr;
	_ =	strace $0xD0000000  }
0x3: {  	_ = 	snop  }
0x4: {  	_ = 	snop  }
0x5: {  	_ = 	snop  }
0x6: {  	_ = 	snop  }
0x7: {  	_ = 	snop  }
__scs_overlays_trampoline_lowered:
0x8: {  	[smem:$0x3F89] =	sst s0  }
0x9: {  	[smem:$0x3F8A] =	sst s1  }
0xa: {  	[smem:$0x3F8B] =	sst s2  }
0xb: {  	[smem:$0x3F8C] =	sst s3  }
0xc: {  	[smem:$0x3F8D] =	sst s4  }
0xd: {  	[smem:$0x3F8E] =	sst s5  }
0xe: {  	[smem:$0x3F8F] =	sst s6  }
0xf: {  	[smem:$0x3F90] =	sst s7  }
0x10: {  	[smem:$0x3F91] =	sst s8  }
0x11: {  	[smem:$0x3F92] =	sst s9;
	s0 =	simm.s32 @!p0 $0x0  }
0x12: {  	s1 =	sld [smem:$0x3F78];
	s0 =	simm.s32 @p0 $0x1  }
0x13: {  	[smem:$0x3F93] =	sst s0;
	s0 =	simm.s32 @!p1 $0x0  }
0x14: {  	s2 =	sld [smem:$0x3F77];
	s0 =	simm.s32 @p1 $0x1  }
0x15: {  	[smem:$0x3F94] =	sst s0;
	s0 =	simm.s32 @!p2 $0x0  }
0x16: {  	s3 =	sld [smem:$0x3FDB];
	s0 =	simm.s32 @p2 $0x1  }
0x17: {  	s4 =	simm.s32 $0x1BF5;
	[smem:$0x3F96] =	sst s0  }
0x18: {  	s0 =	sld [smem:$0x3F79];
	_ =	swait.ge [sflag:s4], $0x0  }
0x19: {  	s7 =	sld [smem:$0x3F7A]  }
0x1a: {  	s8 =	sadd.s32 $0xFFFFE003, lr  }
0x1b: {  	s9 =	sadd.s32 $0xFFFFFEF7, lr;
	s5 =	simm.s32 $0xFFFFFFFF;
	p2 =	slt.u32 s8, $0xFFFFF086  }
0x1c: {  	p1 =	slt.u32 s9, $0xF7A;
	s5 =	simm.s32 @!p2 $0x0  }
0x1d: {  	s5 =	simm.s32 @p1 $0x1;
	p0 =	seq.s32 s7, s2  }
0x1e: {  	s7 =	smul.u32 @!p0 $0xF7A, s2;
	p2 =	seq.s32 @!p0 s5, $0x0  }
0x1f: {  	s9 =	smul.u32 $0xF7A, s1;
	s8 =	simm.s32 @!p0 $0x1BF5;
	p2 =	por !p2, p0  }
0x20: {  	[sflag:s8] =	ssyncset.s32 @!p0 $0xFFFFF086;
	s6 =	sadd.s32 @!p0 s3, s7;
	s7 =	simm.s32 @!p0 $0x108  }
0x21: {  	s3 =	sadd.s32 s3, s9;
	s6 =	sadd.s32 @!p0 $0x88, s6;
	s7 =	simm.s32 @p2 $0x1082  }
0x22: {  	[simem:s7], [sflag:s8] =	dma.local @!p0 [hbm:s6], $0xF7A  }
0x23: {  	s9 =	sor.u32 $0xD0000000, s2;
	s6 =	simm.s32 $0x108;
	_ =	swait.ge @!p0 [sflag:s8], $0x0  }
0x24: {  	s3 =	sadd.s32 $0x88, s3;
	s6 =	simm.s32 @!p1 $0x1082;
	[sflag:s4] =	ssyncset.s32 $0xFFFFF086  }
0x25: {  	[simem:s6], [sflag:s4] =	dma.local [hbm:s3], $0xF7A  }
0x26: {  	[smem:$0x3F7A] =	sst s1;
	(tag) =	ssettag s2;
	_ =	strace s9  }
0x27: {  	s1 =	sld [smem:$0x3F8A]  }
0x28: {  	s2 =	sld [smem:$0x3F8B]  }
0x29: {  	s4 =	sld [smem:$0x3F8D]  }
0x2a: {  	p0 =	seq.s32 s5, $0x0;
	s5 =	sld [smem:$0x3F8E]  }
0x2b: {  	s6 =	sld [smem:$0x3F8F]  }
0x2c: {  	s7 =	sld [smem:$0x3F90]  }
0x2d: {  	s3 =	simm.s32 $0x108;
	s8 =	sld [smem:$0x3F91]  }
0x2e: {  	s3 =	simm.s32 @!p0 $0x1082;
	s9 =	sld [smem:$0x3F92]  }
0x2f: {  	lr =	sadd.s32 s0, s3;
	s0 =	sld [smem:$0x3F89]  }
0x30: {  	s3 =	sld [smem:$0x3F8C]  }
0x31: {  	[smem:$0x3F95] =	sst s10  }
0x32: {  	s10 =	sld [smem:$0x3F93];
	_ =	sdelay $0x3  }
0x33: {  	p0 =	seq.s32 s10, $0x1;
	s10 =	sld [smem:$0x3F95];
	_ =	sdelay $0x3  }
0x34: {  	[smem:$0x3F95] =	sst s10  }
0x35: {  	s10 =	sld [smem:$0x3F94];
	_ =	sdelay $0x3  }
0x36: {  	p1 =	seq.s32 s10, $0x1;
	s10 =	sld [smem:$0x3F95];
	_ =	sdelay $0x3  }
0x37: {  	[smem:$0x3F95] =	sst s10  }
0x38: {  	s10 =	sld [smem:$0x3F96]  }
0x39: {  	_ = 	snop;
	(pc) =	sbr.ind lr, $3  }
0x3a: {  	_ = 	snop  }
0x3b: {  	_ = 	snop  }
0x3c: {  	p2 =	seq.s32 s10, $0x1;
	s10 =	sld [smem:$0x3F95]  }
0x3d: {  	_ =	shalt  }
0x3e: {  	_ =	shalt  }
0x3f: {  	_ =	shalt  }
0x40: {  	_ =	shalt  }
0x41: {  	_ =	shalt  }
0x42: {  	_ =	shalt  }
0x43: {  	_ =	shalt  }
0x44: {  	_ =	shalt  }
0x45: {  	_ =	shalt  }
0x46: {  	_ =	shalt  }
0x47: {  	_ =	shalt  }
0x48: {  	_ =	shalt  }
0x49: {  	_ =	shalt  }
0x4a: {  	_ =	shalt  }
0x4b: {  	_ =	shalt  }
0x4c: {  	_ =	shalt  }
0x4d: {  	_ =	shalt  }
0x4e: {  	_ =	shalt  }
0x4f: {  	_ =	shalt  }
0x50: {  	_ =	shalt  }
0x51: {  	_ =	shalt  }
0x52: {  	_ =	shalt  }
0x53: {  	_ =	shalt  }
0x54: {  	_ =	shalt  }
0x55: {  	_ =	shalt  }
0x56: {  	_ =	shalt  }
0x57: {  	_ =	shalt  }
0x58: {  	_ =	shalt  }
0x59: {  	_ =	shalt  }
0x5a: {  	_ =	shalt  }
0x5b: {  	_ =	shalt  }
0x5c: {  	_ =	shalt  }
0x5d: {  	_ =	shalt  }
0x5e: {  	_ =	shalt  }
0x5f: {  	_ =	shalt  }
0x60: {  	_ =	shalt  }
0x61: {  	_ =	shalt  }
0x62: {  	_ =	shalt  }
0x63: {  	_ =	shalt  }
0x64: {  	_ =	shalt  }
0x65: {  	_ =	shalt  }
0x66: {  	_ =	shalt  }
0x67: {  	_ =	shalt  }
0x68: {  	_ =	shalt  }
0x69: {  	_ =	shalt  }
0x6a: {  	_ =	shalt  }
0x6b: {  	_ =	shalt  }
0x6c: {  	_ =	shalt  }
0x6d: {  	_ =	shalt  }
0x6e: {  	_ =	shalt  }
0x6f: {  	_ =	shalt  }
0x70: {  	_ =	shalt  }
0x71: {  	_ =	shalt  }
0x72: {  	_ =	shalt  }
0x73: {  	_ =	shalt  }
0x74: {  	_ =	shalt  }
0x75: {  	_ =	shalt  }
0x76: {  	_ =	shalt  }
0x77: {  	_ =	shalt  }
0x78: {  	_ =	shalt  }
0x79: {  	_ =	shalt  }
0x7a: {  	_ =	shalt  }
0x7b: {  	_ =	shalt  }
0x7c: {  	_ =	shalt  }
0x7d: {  	_ =	shalt  }
0x7e: {  	_ =	shalt  }
0x7f: {  	_ =	shalt  }
0x80: {  	_ =	shalt  }
0x81: {  	_ =	shalt  }
0x82: {  	_ =	shalt  }
0x83: {  	_ =	shalt  }
0x84: {  	_ =	shalt  }
0x85: {  	_ =	shalt  }
0x86: {  	_ =	shalt  }
0x87: {  	_ =	shalt  }
.Lfunc_end0:
.L_simem_size_0:
called_computation.2_lowered:
.L_overlay_start_0:
0x88: {  	s2 =	sld [smem:$0x3FD9]  }
0x89: {  	s3 =	sld [smem:$0x3FFE];
	_ =	sdelay $0x1  }
0x8a: {  	s1 =	srdreg.scid  }
0x8b: {  	s0 =	sand.u32 $0x1, s1  }
0x8c: {  	s16 =	sshll.u32 s0, $0xA;
	s2 =	sadd.s32 s3, s2  }
0x8d: {  	s2 =	sadd.s32 s2, s16  }
0x8e: {  	[smem:$0x3FA1] =	sst s2  }
0x8f: {  	_ = 	snop  }
0x90: {  	(tm) =	ssettm $0x1  }
0x91: {  	s17 =	sld [smem:$0x3FFB];
	_ =	sdelay $0x3  }
0x92: {  	_ =	strace s17  }
0x93: {  	s2 =	sld [smem:$0x3FFC];
	_ =	sdelay $0x3  }
0x94: {  	_ =	strace s2  }
0x95: {  	s2 =	sld [smem:$0x3FFD];
	_ =	sdelay $0x3  }
0x96: {  	_ =	strace s2  }
0x97: {  	_ =	strace $0x8FFFFFFF  }
0x98: {  	s18 =	sld [smem:$0x3FDB];
	_ =	sdelay $0x1  }
0x99: {  	s19 =	simm.s32 $_scs_section_size  }
0x9a: {  	s4 =	simm.s32 $_size__tile_overlayer_lowered;
	s5 =	simm.s32 $_tile_overlayer_lowered  }
0x9b: {  	s22 =	simm.s32 $0x1BFF;
	s21 =	sshll.u32 s5, $0x1;
	s2 =	sadd.s32 s19, s18  }
0x9c: {  	s6 =	simm.s32 $0x0;
	s20 =	sshll.u32 s4, $0x1;
	s4 =	sadd.s32 s21, s2  }
0x9d: {  	[timem:s6], [sflag:s22] =	dma.local [hbm:s4], s20  }
0x9e: {  	_ =	swait.ge [sflag:s22], s20  }
0x9f: {  	s3 =	ssub.s32 $0x0, s20;
	[sflag:s22] =	ssyncset.done $0x0  }
0xa0: {  	[sflag:s22] =	ssyncadd.s32 s3;
	_ =	sdelay $0x1  }
0xa1: {  	s23 =	simm.s32 $0x1B8B  }
0xa2: {  	_ =	swait.ge [sflag:s23], $0x1  }
0xa3: {  	[sflag:s23] =	ssyncset.done $0x0  }
0xa4: {  	s25 =	simm.s32 $0x1B8E;
	s24 =	sld [smem:$0x3FFE];
	[sflag:s23] =	ssyncadd.s32 $0xFFFFFFFF  }
0xa5: {  	s26 =	simm.s32 $execute0_lowered;
	[smem:$0x3FD2] =	sst s25  }
0xa6: {  	s4 =	sshll.u32 s26, $0x1;
	_ =	strace $0x8000004C;
	[dreg:$0x1] =	wrdreg $0xFFFFFFFF  }
0xa7: {  	s28 =	simm.s32 $_size_execute0_lowered;
	s2 =	sadd.s32 s2, s4;
	[dreg:$0x0] =	wrdreg $0x0  }
0xa8: {  	s4 =	sshll.u32 s28, $0x1;
	[dreg:$0x2] =	wrdreg s2  }
0xa9: {  	[dreg:$0x3] =	wrdreg s4  }
0xaa: {  	[dreg:$0x4] =	wrdreg $0xC0  }
0xab: {  	_ =	task [dreg:s6], $0x5FFFF  }
0xac: {  	[dreg:$0x1] =	wrdreg $0xFFFFFFFF  }
0xad: {  	[dreg:$0x0] =	wrdreg $0x60  }
0xae: {  	[dreg:$0x2] =	wrdreg s24  }
0xaf: {  	[dreg:$0x3] =	wrdreg $0x9  }
0xb0: {  	_ =	task.clear_ibuf [dreg:s6], $0x4FFFF;
	_ =	strace $0x9000004C  }
0xb1: {  	s29 =	simm.s32 $0x9;
	_ =	strace $0x8000004E  }
0xb2: {  	_ =	swait.ge [sflag:s29], $0x1  }
0xb3: {  	[sflag:s29] =	ssyncadd.s32 $0xFFFFFFFF  }
0xb4: {  	_ =	strace $0x9000004E  }
0xb5: {  	_ =	sfence  }
0xb6: {  	s30 =	sld [smem:$0x0];
	_ =	sdelay $0x2  }
0xb7: {  	s31 =	sshll.u32 s1, $0xD;
	s1 =	sshrl.u32 s1, $0x2  }
0xb8: {  	s3 =	sand.u32 $0x4000, s31;
	s1 =	sadd.s32 s1, s30  }
0xb9: {  	s0 =	sor.u32 s3, s0;
	s1 =	sshll.u32 s1, $0x11  }
0xba: {  	s0 =	sor.u32 s1, s0  }
0xbb: {  	s0 =	sadd.s32 $0x8F2B, s0  }
0xbc: {  	[sflag:s0] =	ssyncadd.remote.s32 $0x1  }
0xbd: {  	_ =	sfence.sel $0xFFFF  }
0xbe: {  	[dreg:$0x0] =	wrdreg $0xFFFFFFFF;
	(pc) =	sbr.abs _section_cstart, $3  }
0xbf: {  	[dreg:$0x1] =	wrdreg $0xFFFFFFFF  }
0xc0: {  	_ =	task.clear_ibuf [dreg:s6], $0x2FFFF;
	_ =	strace $0x9FFFFFFF  }
0xc1: {  	(tm) =	ssettm $0x7FFFFFFF  }
tec
execute0_lowered:
.L_overlay_start_1:
0x0: {  	(tag) =	ssettag $0x1  }
0x1: {  	s4 =	rddreg [dreg:$0x0]  }
0x2: {  	s0 =	rddreg [dreg:$0x1];
	s1 =	simm.s32 $0x0;
	s5 =	srdreg.scid  }
0x3: {  	s2 =	stileid.u32;
	[smem:$0x7FF] =	sst s1  }
0x4: {  	s3 =	sadd.s32 $0x232E000, s4;
	s5 =	sand.u32 $0x1, s5;
	s6 =	sshll.u32 s2, $0x5  }
0x5: {  	s7 =	sshll.u32 s2, $0xC;
	_ =	strace $0x8000004D;
	s8 =	ssub.s32 $0x2, s5  }
0x6: {  	s6 =	sadd.s32 s6, s4;
	s7 =	sadd.s32 s7, s4;
	s9 =	sshll.u32 s5, $0x4  }
0x7: {  	s5 =	sshll.u32 s5, $0xB;
	s4 =	sshll.u32 s2, $0x1;
	s31 =	sshrl.u32 s8, $0x1  }
0x8: {  	s6 =	sadd.s32 s9, s6;
	s7 =	sadd.s32 s5, s7;
	s8 =	ssub.s32 s8, s31  }
0x9: {  	s6 =	sadd.s32 $0x6800, s6;
	s7 =	sadd.s32 $0x2356000, s7;
	s5 =	smax.u32 s8, $0x1  }
.LBB2_1:
0xa: {  	p0 =	sgt.u32 s4, $0x4E1  }
0xb: {  	s9 =	simm.s32 @!p0 $0x0;
	s8 =	simm.s32 @!p0 $0x3  }
0xc: {  	[tilespmem:s9], [sflag:$0x3] =	stream.linear.gather @!p0 [hbm4b:s6+s9], $0x80, $0x38;
	[tilespmem:$0x1080] =	vst v63  }
0xd: {  	_ =	swait.ge @!p0 [sflag:s8], $0x80  }
0xe: {  	s10 =	simm.s32 @!p0 $0x1;
	[sflag:s8] =	ssyncset.done @!p0 $0x0  }
0xf: {  	s11 =	simm.s32 @!p0 $0x20;
	s12 =	simm.s32 @!p0 $0x80;
	[sflag:s8] =	ssyncadd.s32 @!p0 $0xFFFFFF80  }
0x10: {  	[tilespmem:s12], [sflag:$0x1] =	stream.indirect.gather @!p0 [hbm4b:s3+s11], $0x80, s9, s11, $0xb8;
	[tilespmem:$0x1080] =	vst v63  }
0x11: {  	_ =	swait.ge @!p0 [sflag:s10], $0x1000;
	p0 =	por p0, p0  }
0x12: {  	[sflag:s10] =	ssyncset.done @!p0 $0x0  }
0x13: {  	s13 =	sadd.s32 @!p0 $0x0, s7;
	[sflag:s10] =	ssyncadd.s32 @!p0 $0xFFFFF000  }
0x14: {  	[hbm4b:s13+s9] =	stream.linear.scatter @!p0 [tilespmem:s12], [sflag:$0x3], $0x1000, $0x38;
	[tilespmem:$0x1080] =	vst v63  }
0x15: {  	_ =	swait.ge @!p0 [sflag:s8], $0x1000  }
0x16: {  	[sflag:s8] =	ssyncset.done @!p0 $0x0  }
0x17: {  	[sflag:s8] =	ssyncadd.s32 @!p0 $0xFFFFF000  }
0x18: {  	[tilespmem:s12], [sflag:$0x1] =	stream.indirect.gather @!p0 [hbm4b:s3+s11], $0x80, s11, s11, $0xb8;
	[tilespmem:$0x1080] =	vst v63  }
0x19: {  	_ =	swait.ge @!p0 [sflag:s10], $0x1000  }
0x1a: {  	[sflag:s10] =	ssyncset.done @!p0 $0x0  }
0x1b: {  	s14 =	sadd.s32 @!p0 $0x200, s13;
	[sflag:s10] =	ssyncadd.s32 @!p0 $0xFFFFF000  }
0x1c: {  	[hbm4b:s14+s9] =	stream.linear.scatter @!p0 [tilespmem:s12], [sflag:$0x3], $0x1000, $0x38;
	[tilespmem:$0x1080] =	vst v63  }
0x1d: {  	_ =	swait.ge @!p0 [sflag:s8], $0x1000  }
0x1e: {  	[sflag:s8] =	ssyncset.done @!p0 $0x0  }
0x1f: {  	s14 =	simm.s32 @!p0 $0x40;
	[sflag:s8] =	ssyncadd.s32 @!p0 $0xFFFFF000  }
0x20: {  	[tilespmem:s12], [sflag:$0x1] =	stream.indirect.gather @!p0 [hbm4b:s3+s11], $0x80, s14, s11, $0xb8;
	[tilespmem:$0x1080] =	vst v63  }
0x21: {  	_ =	swait.ge @!p0 [sflag:s10], $0x1000  }
0x22: {  	[sflag:s10] =	ssyncset.done @!p0 $0x0  }
0x23: {  	s14 =	sadd.s32 @!p0 $0x400, s13;
	[sflag:s10] =	ssyncadd.s32 @!p0 $0xFFFFF000  }
0x24: {  	[hbm4b:s14+s9] =	stream.linear.scatter @!p0 [tilespmem:s12], [sflag:$0x3], $0x1000, $0x38;
	[tilespmem:$0x1080] =	vst v63  }
0x25: {  	_ =	swait.ge @!p0 [sflag:s8], $0x1000  }
0x26: {  	[sflag:s8] =	ssyncset.done @!p0 $0x0  }
0x27: {  	[sflag:s8] =	ssyncadd.s32 @!p0 $0xFFFFF000;
	s8 =	simm.s32 @!p0 $0x60  }
0x28: {  	[tilespmem:s12], [sflag:$0x1] =	stream.indirect.gather @!p0 [hbm4b:s3+s11], $0x80, s8, s11, $0xb8;
	[tilespmem:$0x1080] =	vst v63  }
0x29: {  	_ =	swait.ge @!p0 [sflag:s10], $0x1000  }
0x2a: {  	s14 =	simm.s32 @!p0 $0x2;
	[sflag:s10] =	ssyncset.done @!p0 $0x0  }
0x2b: {  	s8 =	simm.s32 $0x10000;
	s11 =	sadd.s32 @!p0 $0x600, s13;
	[sflag:s10] =	ssyncadd.s32 @!p0 $0xFFFFF000  }
0x2c: {  	[hbm4b:s11+s9] =	stream.linear.scatter @!p0 [tilespmem:s12], [sflag:$0x2], $0x1000, $0x38;
	[tilespmem:$0x1080] =	vst v63  }
0x2d: {  	s10 =	sadd.s32 $0x200, s6;
	s11 =	sadd.s32 $0x20, s4;
	_ =	swait.ge @!p0 [sflag:s14], $0x1000  }
0x2e: {  	s9 =	simm.s32 $0x20000;
	p2 =	sgt.u32 s11, $0x4E1;
	[sflag:s14] =	ssyncset.done @!p0 $0x0  }
.LBB2_2:
0x2f: {  	s12 =	simm.s32 @!p2 $0x0;
	s13 =	simm.s32 @!p2 $0x3;
	[sflag:s14] =	ssyncadd.s32 @!p0 $0xFFFFF000  }
0x30: {  	[tilespmem:s12], [sflag:$0x3] =	stream.linear.gather @!p2 [hbm4b:s10+s12], $0x80, $0x38;
	[tilespmem:$0x1080] =	vst v63  }
0x31: {  	s16 =	smov.u32 s9;
	s9 =	sadd.s32 $0x10000, s9;
	_ =	swait.ge @!p2 [sflag:s13], $0x80  }
0x32: {  	s14 =	simm.s32 @!p2 $0x1;
	p1 =	sne.s32 s9, $0x280000;
	[sflag:s13] =	ssyncset.done @!p2 $0x0  }
0x33: {  	s17 =	simm.s32 @!p2 $0x20;
	s15 =	simm.s32 @!p2 $0x80;
	[sflag:s13] =	ssyncadd.s32 @!p2 $0xFFFFFF80  }
0x34: {  	[tilespmem:s15], [sflag:$0x1] =	stream.indirect.gather @!p2 [hbm4b:s3+s17], $0x80, s12, s17, $0xb8;
	[tilespmem:$0x1080] =	vst v63  }
0x35: {  	p0 =	por p2, p2;
	_ =	swait.ge @!p2 [sflag:s14], $0x1000  }
0x36: {  	[sflag:s14] =	ssyncset.done @!p0 $0x0  }
0x37: {  	s18 =	sadd.s32 @!p0 s8, s7;
	s8 =	smov.u32 s16;
	[sflag:s14] =	ssyncadd.s32 @!p0 $0xFFFFF000  }
0x38: {  	[hbm4b:s18+s12] =	stream.linear.scatter @!p0 [tilespmem:s15], [sflag:$0x3], $0x1000, $0x38;
	[tilespmem:$0x1080] =	vst v63  }
0x39: {  	s16 =	sadd.s32 @!p0 $0x200, s18;
	s19 =	sadd.s32 @!p0 $0x400, s18;
	_ =	swait.ge @!p0 [sflag:s13], $0x1000  }
0x3a: {  	s18 =	sadd.s32 @!p0 $0x600, s18;
	[sflag:s13] =	ssyncset.done @!p0 $0x0  }
0x3b: {  	[sflag:s13] =	ssyncadd.s32 @!p0 $0xFFFFF000  }
0x3c: {  	[tilespmem:s15], [sflag:$0x1] =	stream.indirect.gather @!p0 [hbm4b:s3+s17], $0x80, s17, s17, $0xb8;
	[tilespmem:$0x1080] =	vst v63  }
0x3d: {  	_ =	swait.ge @!p0 [sflag:s14], $0x1000  }
0x3e: {  	[sflag:s14] =	ssyncset.done @!p0 $0x0  }
0x3f: {  	[sflag:s14] =	ssyncadd.s32 @!p0 $0xFFFFF000  }
0x40: {  	[hbm4b:s16+s12] =	stream.linear.scatter @!p0 [tilespmem:s15], [sflag:$0x3], $0x1000, $0x38;
	[tilespmem:$0x1080] =	vst v63  }
0x41: {  	_ =	swait.ge @!p0 [sflag:s13], $0x1000  }
0x42: {  	[sflag:s13] =	ssyncset.done @!p0 $0x0  }
0x43: {  	s16 =	simm.s32 @!p0 $0x40;
	[sflag:s13] =	ssyncadd.s32 @!p0 $0xFFFFF000  }
0x44: {  	[tilespmem:s15], [sflag:$0x1] =	stream.indirect.gather @!p0 [hbm4b:s3+s17], $0x80, s16, s17, $0xb8;
	[tilespmem:$0x1080] =	vst v63  }
0x45: {  	_ =	swait.ge @!p0 [sflag:s14], $0x1000  }
0x46: {  	[sflag:s14] =	ssyncset.done @!p0 $0x0  }
0x47: {  	[sflag:s14] =	ssyncadd.s32 @!p0 $0xFFFFF000  }
0x48: {  	[hbm4b:s19+s12] =	stream.linear.scatter @!p0 [tilespmem:s15], [sflag:$0x3], $0x1000, $0x38;
	[tilespmem:$0x1080] =	vst v63  }
0x49: {  	_ =	swait.ge @!p0 [sflag:s13], $0x1000  }
0x4a: {  	[sflag:s13] =	ssyncset.done @!p0 $0x0  }
0x4b: {  	[sflag:s13] =	ssyncadd.s32 @!p0 $0xFFFFF000;
	s13 =	simm.s32 @!p0 $0x60  }
0x4c: {  	[tilespmem:s15], [sflag:$0x1] =	stream.indirect.gather @!p0 [hbm4b:s3+s17], $0x80, s13, s17, $0xb8;
	[tilespmem:$0x1080] =	vst v63  }
0x4d: {  	_ =	swait.ge @!p0 [sflag:s14], $0x1000  }
.Ltmp0:
0x4e: {  	[sflag:s14] =	ssyncset.done @!p0 $0x0;
	(pc) =	sbr.rel @p1 .LBB2_2-.Ltmp0, $4  }
0x4f: {  	[sflag:s14] =	ssyncadd.s32 @!p0 $0xFFFFF000;
	s14 =	simm.s32 @!p0 $0x2  }
0x50: {  	[hbm4b:s18+s12] =	stream.linear.scatter @!p0 [tilespmem:s15], [sflag:$0x2], $0x1000, $0x38;
	[tilespmem:$0x1080] =	vst v63  }
0x51: {  	s11 =	sadd.s32 $0x20, s11;
	_ =	swait.ge @!p0 [sflag:s14], $0x1000  }
0x52: {  	s10 =	sadd.s32 $0x200, s10;
	p2 =	sgt.u32 s11, $0x4E1;
	[sflag:s14] =	ssyncset.done @!p0 $0x0  }
0x53: {  	s9 =	simm.s32 @!p2 $0x0;
	s11 =	simm.s32 @!p2 $0x3;
	[sflag:s14] =	ssyncadd.s32 @!p0 $0xFFFFF000  }
0x54: {  	[tilespmem:s9], [sflag:$0x3] =	stream.linear.gather @!p2 [hbm4b:s10+s9], $0x80, $0x38;
	[tilespmem:$0x1080] =	vst v63  }
0x55: {  	_ =	swait.ge @!p2 [sflag:s11], $0x80  }
0x56: {  	s12 =	simm.s32 @!p2 $0x20;
	[sflag:s11] =	ssyncset.done @!p2 $0x0  }
0x57: {  	s13 =	simm.s32 @!p2 $0x80;
	s10 =	simm.s32 @!p2 $0x1;
	[sflag:s11] =	ssyncadd.s32 @!p2 $0xFFFFFF80  }
0x58: {  	[tilespmem:s13], [sflag:$0x1] =	stream.indirect.gather @!p2 [hbm4b:s3+s12], $0x80, s9, s12, $0xb8;
	[tilespmem:$0x1080] =	vst v63  }
0x59: {  	p0 =	por p2, p2;
	_ =	swait.ge @!p2 [sflag:s10], $0x1000  }
0x5a: {  	[sflag:s10] =	ssyncset.done @!p0 $0x0  }
0x5b: {  	s8 =	sadd.s32 @!p0 s8, s7;
	[sflag:s10] =	ssyncadd.s32 @!p0 $0xFFFFF000  }
0x5c: {  	[hbm4b:s8+s9] =	stream.linear.scatter @!p0 [tilespmem:s13], [sflag:$0x3], $0x1000, $0x38;
	[tilespmem:$0x1080] =	vst v63  }
0x5d: {  	_ =	swait.ge @!p0 [sflag:s11], $0x1000  }
0x5e: {  	[sflag:s11] =	ssyncset.done @!p0 $0x0  }
0x5f: {  	[sflag:s11] =	ssyncadd.s32 @!p0 $0xFFFFF000  }
0x60: {  	[tilespmem:s13], [sflag:$0x1] =	stream.indirect.gather @!p0 [hbm4b:s3+s12], $0x80, s12, s12, $0xb8;
	[tilespmem:$0x1080] =	vst v63  }
0x61: {  	_ =	swait.ge @!p0 [sflag:s10], $0x1000  }
0x62: {  	[sflag:s10] =	ssyncset.done @!p0 $0x0  }
0x63: {  	s14 =	sadd.s32 @!p0 $0x200, s8;
	[sflag:s10] =	ssyncadd.s32 @!p0 $0xFFFFF000  }
0x64: {  	[hbm4b:s14+s9] =	stream.linear.scatter @!p0 [tilespmem:s13], [sflag:$0x3], $0x1000, $0x38;
	[tilespmem:$0x1080] =	vst v63  }
0x65: {  	_ =	swait.ge @!p0 [sflag:s11], $0x1000  }
0x66: {  	[sflag:s11] =	ssyncset.done @!p0 $0x0  }
0x67: {  	s14 =	simm.s32 @!p0 $0x40;
	[sflag:s11] =	ssyncadd.s32 @!p0 $0xFFFFF000  }
0x68: {  	[tilespmem:s13], [sflag:$0x1] =	stream.indirect.gather @!p0 [hbm4b:s3+s12], $0x80, s14, s12, $0xb8;
	[tilespmem:$0x1080] =	vst v63  }
0x69: {  	_ =	swait.ge @!p0 [sflag:s10], $0x1000  }
0x6a: {  	[sflag:s10] =	ssyncset.done @!p0 $0x0  }
0x6b: {  	s14 =	sadd.s32 @!p0 $0x400, s8;
	[sflag:s10] =	ssyncadd.s32 @!p0 $0xFFFFF000  }
0x6c: {  	[hbm4b:s14+s9] =	stream.linear.scatter @!p0 [tilespmem:s13], [sflag:$0x3], $0x1000, $0x38;
	[tilespmem:$0x1080] =	vst v63  }
0x6d: {  	_ =	swait.ge @!p0 [sflag:s11], $0x1000  }
0x6e: {  	[sflag:s11] =	ssyncset.done @!p0 $0x0  }
0x6f: {  	[sflag:s11] =	ssyncadd.s32 @!p0 $0xFFFFF000;
	s11 =	simm.s32 @!p0 $0x60  }
0x70: {  	[tilespmem:s13], [sflag:$0x1] =	stream.indirect.gather @!p0 [hbm4b:s3+s12], $0x80, s11, s12, $0xb8;
	[tilespmem:$0x1080] =	vst v63  }
0x71: {  	s1 =	sadd.s32 $0x1, s1;
	_ =	swait.ge @!p0 [sflag:s10], $0x1000  }
0x72: {  	p1 =	sne.s32 s1, s5;
	s8 =	sadd.s32 @!p0 $0x600, s8;
	[sflag:s10] =	ssyncset.done @!p0 $0x0  }
.Ltmp1:
0x73: {  	[sflag:s10] =	ssyncadd.s32 @!p0 $0xFFFFF000;
	s10 =	simm.s32 @!p0 $0x2;
	(pc) =	sbr.rel @p1 .LBB2_1-.Ltmp1, $4  }
0x74: {  	[hbm4b:s8+s9] =	stream.linear.scatter @!p0 [tilespmem:s13], [sflag:$0x2], $0x1000, $0x38;
	[tilespmem:$0x1080] =	vst v63  }
0x75: {  	_ =	swait.ge @!p0 [sflag:s10], $0x1000  }
0x76: {  	[sflag:s10] =	ssyncset.done @!p0 $0x0  }
0x77: {  	[sflag:s10] =	ssyncadd.s32 @!p0 $0xFFFFF000  }
0x78: {  	_ =	sfence.sel $0x180000  }
0x79: {  	[bflag:$0x0] =	sbarrier.arrive $0xFFFF  }
0x7a: {  	p0 =	sne.s32 s2, $0x0;
	_ =	strace $0x9000004D  }
0x7b: {  	s0 =	sadd.s32 @!p0 $0x100000, s0;
	[bflag:$0x2] =	sbarrier.arrive $0xFFFF  }
0x7c: {  	[sflag:s0] =	ssyncadd.tile.s32 @!p0 $0x1;
	_ =	shalt  }
.Lfunc_end2:
_tile_overlayer_lowered:
.L_overlay_start_2:
0x7d: {  	(tag) =	ssettag $0x2  }
0x7e: {  	s0 =	rddreg [dreg:$0x0];
	s2 =	stileid.u32  }
0x7f: {  	s1 =	rddreg [dreg:$0x1];
	p0 =	sne.s32 s2, $0x0  }
0x80: {  	s3 =	rddreg [dreg:$0x2];
	[bflag:$0x3] =	sbarrier.arrive $0xFFFF;
	s2 =	simm.s32 @!p0 $0x1C02  }
0x81: {  	[timem:s3], [sflag:s2] =	dma.local @!p0 [hbm:s0], s1  }
0x82: {  	s0 =	simm.s32 @!p0 $0x2  }
0x83: {  	_ =	swait.ge @!p0 [sflag:s0], s1  }
0x84: {  	s1 =	ssub.s32 @!p0 $0x0, s1;
	[sflag:s0] =	ssyncset.done @!p0 $0x0  }
0x85: {  	[sflag:s0] =	ssyncadd.s32 @!p0 s1  }
0x86: {  	[bflag:$0x3] =	sbarrier.arrive $0xFFFF  }
0x87: {  	_ =	shalt  }

// kernel: kernel.22.cloned.1.call-start
scs
__scs_entry_jumppad:
0x0: {  	(pc) =	sbr.rel $0x88, $3  }
0x1: {  	(tag) =	ssettag $0x0;
	lr =	simm.s32 $0x1  }
0x2: {  	[smem:$0x3F7A] =	sst lr;
	_ =	strace $0xD0000000  }
0x3: {  	_ = 	snop  }
0x4: {  	_ = 	snop  }
0x5: {  	_ = 	snop  }
0x6: {  	_ = 	snop  }
0x7: {  	_ = 	snop  }
__scs_overlays_trampoline_lowered:
0x8: {  	[smem:$0x3F89] =	sst s0  }
0x9: {  	[smem:$0x3F8A] =	sst s1  }
0xa: {  	[smem:$0x3F8B] =	sst s2  }
0xb: {  	[smem:$0x3F8C] =	sst s3  }
0xc: {  	[smem:$0x3F8D] =	sst s4  }
0xd: {  	[smem:$0x3F8E] =	sst s5  }
0xe: {  	[smem:$0x3F8F] =	sst s6  }
0xf: {  	[smem:$0x3F90] =	sst s7  }
0x10: {  	[smem:$0x3F91] =	sst s8  }
0x11: {  	[smem:$0x3F92] =	sst s9;
	s0 =	simm.s32 @!p0 $0x0  }
0x12: {  	s1 =	sld [smem:$0x3F78];
	s0 =	simm.s32 @p0 $0x1  }
0x13: {  	[smem:$0x3F93] =	sst s0;
	s0 =	simm.s32 @!p1 $0x0  }
0x14: {  	s2 =	sld [smem:$0x3F77];
	s0 =	simm.s32 @p1 $0x1  }
0x15: {  	[smem:$0x3F94] =	sst s0;
	s0 =	simm.s32 @!p2 $0x0  }
0x16: {  	s3 =	sld [smem:$0x3FDB];
	s0 =	simm.s32 @p2 $0x1  }
0x17: {  	s4 =	simm.s32 $0x1BF5;
	[smem:$0x3F96] =	sst s0  }
0x18: {  	s0 =	sld [smem:$0x3F79];
	_ =	swait.ge [sflag:s4], $0x0  }
0x19: {  	s7 =	sld [smem:$0x3F7A]  }
0x1a: {  	s8 =	sadd.s32 $0xFFFFE003, lr  }
0x1b: {  	s9 =	sadd.s32 $0xFFFFFEF7, lr;
	s5 =	simm.s32 $0xFFFFFFFF;
	p2 =	slt.u32 s8, $0xFFFFF086  }
0x1c: {  	p1 =	slt.u32 s9, $0xF7A;
	s5 =	simm.s32 @!p2 $0x0  }
0x1d: {  	s5 =	simm.s32 @p1 $0x1;
	p0 =	seq.s32 s7, s2  }
0x1e: {  	s7 =	smul.u32 @!p0 $0xF7A, s2;
	p2 =	seq.s32 @!p0 s5, $0x0  }
0x1f: {  	s9 =	smul.u32 $0xF7A, s1;
	s8 =	simm.s32 @!p0 $0x1BF5;
	p2 =	por !p2, p0  }
0x20: {  	[sflag:s8] =	ssyncset.s32 @!p0 $0xFFFFF086;
	s6 =	sadd.s32 @!p0 s3, s7;
	s7 =	simm.s32 @!p0 $0x108  }
0x21: {  	s3 =	sadd.s32 s3, s9;
	s6 =	sadd.s32 @!p0 $0x88, s6;
	s7 =	simm.s32 @p2 $0x1082  }
0x22: {  	[simem:s7], [sflag:s8] =	dma.local @!p0 [hbm:s6], $0xF7A  }
0x23: {  	s9 =	sor.u32 $0xD0000000, s2;
	s6 =	simm.s32 $0x108;
	_ =	swait.ge @!p0 [sflag:s8], $0x0  }
0x24: {  	s3 =	sadd.s32 $0x88, s3;
	s6 =	simm.s32 @!p1 $0x1082;
	[sflag:s4] =	ssyncset.s32 $0xFFFFF086  }
0x25: {  	[simem:s6], [sflag:s4] =	dma.local [hbm:s3], $0xF7A  }
0x26: {  	[smem:$0x3F7A] =	sst s1;
	(tag) =	ssettag s2;
	_ =	strace s9  }
0x27: {  	s1 =	sld [smem:$0x3F8A]  }
0x28: {  	s2 =	sld [smem:$0x3F8B]  }
0x29: {  	s4 =	sld [smem:$0x3F8D]  }
0x2a: {  	p0 =	seq.s32 s5, $0x0;
	s5 =	sld [smem:$0x3F8E]  }
0x2b: {  	s6 =	sld [smem:$0x3F8F]  }
0x2c: {  	s7 =	sld [smem:$0x3F90]  }
0x2d: {  	s3 =	simm.s32 $0x108;
	s8 =	sld [smem:$0x3F91]  }
0x2e: {  	s3 =	simm.s32 @!p0 $0x1082;
	s9 =	sld [smem:$0x3F92]  }
0x2f: {  	lr =	sadd.s32 s0, s3;
	s0 =	sld [smem:$0x3F89]  }
0x30: {  	s3 =	sld [smem:$0x3F8C]  }
0x31: {  	[smem:$0x3F95] =	sst s10  }
0x32: {  	s10 =	sld [smem:$0x3F93];
	_ =	sdelay $0x3  }
0x33: {  	p0 =	seq.s32 s10, $0x1;
	s10 =	sld [smem:$0x3F95];
	_ =	sdelay $0x3  }
0x34: {  	[smem:$0x3F95] =	sst s10  }
0x35: {  	s10 =	sld [smem:$0x3F94];
	_ =	sdelay $0x3  }
0x36: {  	p1 =	seq.s32 s10, $0x1;
	s10 =	sld [smem:$0x3F95];
	_ =	sdelay $0x3  }
0x37: {  	[smem:$0x3F95] =	sst s10  }
0x38: {  	s10 =	sld [smem:$0x3F96]  }
0x39: {  	_ = 	snop;
	(pc) =	sbr.ind lr, $3  }
0x3a: {  	_ = 	snop  }
0x3b: {  	_ = 	snop  }
0x3c: {  	p2 =	seq.s32 s10, $0x1;
	s10 =	sld [smem:$0x3F95]  }
0x3d: {  	_ =	shalt  }
0x3e: {  	_ =	shalt  }
0x3f: {  	_ =	shalt  }
0x40: {  	_ =	shalt  }
0x41: {  	_ =	shalt  }
0x42: {  	_ =	shalt  }
0x43: {  	_ =	shalt  }
0x44: {  	_ =	shalt  }
0x45: {  	_ =	shalt  }
0x46: {  	_ =	shalt  }
0x47: {  	_ =	shalt  }
0x48: {  	_ =	shalt  }
0x49: {  	_ =	shalt  }
0x4a: {  	_ =	shalt  }
0x4b: {  	_ =	shalt  }
0x4c: {  	_ =	shalt  }
0x4d: {  	_ =	shalt  }
0x4e: {  	_ =	shalt  }
0x4f: {  	_ =	shalt  }
0x50: {  	_ =	shalt  }
0x51: {  	_ =	shalt  }
0x52: {  	_ =	shalt  }
0x53: {  	_ =	shalt  }
0x54: {  	_ =	shalt  }
0x55: {  	_ =	shalt  }
0x56: {  	_ =	shalt  }
0x57: {  	_ =	shalt  }
0x58: {  	_ =	shalt  }
0x59: {  	_ =	shalt  }
0x5a: {  	_ =	shalt  }
0x5b: {  	_ =	shalt  }
0x5c: {  	_ =	shalt  }
0x5d: {  	_ =	shalt  }
0x5e: {  	_ =	shalt  }
0x5f: {  	_ =	shalt  }
0x60: {  	_ =	shalt  }
0x61: {  	_ =	shalt  }
0x62: {  	_ =	shalt  }
0x63: {  	_ =	shalt  }
0x64: {  	_ =	shalt  }
0x65: {  	_ =	shalt  }
0x66: {  	_ =	shalt  }
0x67: {  	_ =	shalt  }
0x68: {  	_ =	shalt  }
0x69: {  	_ =	shalt  }
0x6a: {  	_ =	shalt  }
0x6b: {  	_ =	shalt  }
0x6c: {  	_ =	shalt  }
0x6d: {  	_ =	shalt  }
0x6e: {  	_ =	shalt  }
0x6f: {  	_ =	shalt  }
0x70: {  	_ =	shalt  }
0x71: {  	_ =	shalt  }
0x72: {  	_ =	shalt  }
0x73: {  	_ =	shalt  }
0x74: {  	_ =	shalt  }
0x75: {  	_ =	shalt  }
0x76: {  	_ =	shalt  }
0x77: {  	_ =	shalt  }
0x78: {  	_ =	shalt  }
0x79: {  	_ =	shalt  }
0x7a: {  	_ =	shalt  }
0x7b: {  	_ =	shalt  }
0x7c: {  	_ =	shalt  }
0x7d: {  	_ =	shalt  }
0x7e: {  	_ =	shalt  }
0x7f: {  	_ =	shalt  }
0x80: {  	_ =	shalt  }
0x81: {  	_ =	shalt  }
0x82: {  	_ =	shalt  }
0x83: {  	_ =	shalt  }
0x84: {  	_ =	shalt  }
0x85: {  	_ =	shalt  }
0x86: {  	_ =	shalt  }
0x87: {  	_ =	shalt  }
.Lfunc_end0:
.L_simem_size_0:
called_computation.3_lowered:
.L_overlay_start_0:
0x88: {  	s2 =	sld [smem:$0x3FD9]  }
0x89: {  	s3 =	sld [smem:$0x3FFE];
	_ =	sdelay $0x1  }
0x8a: {  	s1 =	srdreg.scid  }
0x8b: {  	s0 =	sand.u32 $0x1, s1  }
0x8c: {  	s16 =	sshll.u32 s0, $0xA;
	s2 =	sadd.s32 s3, s2  }
0x8d: {  	s2 =	sadd.s32 s2, s16  }
0x8e: {  	[smem:$0x3FA1] =	sst s2  }
0x8f: {  	_ = 	snop  }
0x90: {  	(tm) =	ssettm $0x1  }
0x91: {  	s17 =	sld [smem:$0x3FFB];
	_ =	sdelay $0x3  }
0x92: {  	_ =	strace s17  }
0x93: {  	s2 =	sld [smem:$0x3FFC];
	_ =	sdelay $0x3  }
0x94: {  	_ =	strace s2  }
0x95: {  	s2 =	sld [smem:$0x3FFD];
	_ =	sdelay $0x3  }
0x96: {  	_ =	strace s2  }
0x97: {  	_ =	strace $0x8FFFFFFF  }
0x98: {  	s18 =	sld [smem:$0x3FDB];
	_ =	sdelay $0x1  }
0x99: {  	s19 =	simm.s32 $_scs_section_size  }
0x9a: {  	s4 =	simm.s32 $_size__tile_overlayer_lowered;
	s5 =	simm.s32 $_tile_overlayer_lowered  }
0x9b: {  	s22 =	simm.s32 $0x1BFF;
	s21 =	sshll.u32 s5, $0x1;
	s2 =	sadd.s32 s19, s18  }
0x9c: {  	s6 =	simm.s32 $0x0;
	s20 =	sshll.u32 s4, $0x1;
	s4 =	sadd.s32 s21, s2  }
0x9d: {  	[timem:s6], [sflag:s22] =	dma.local [hbm:s4], s20  }
0x9e: {  	_ =	swait.ge [sflag:s22], s20  }
0x9f: {  	s3 =	ssub.s32 $0x0, s20;
	[sflag:s22] =	ssyncset.done $0x0  }
0xa0: {  	[sflag:s22] =	ssyncadd.s32 s3;
	_ =	sdelay $0x1  }
0xa1: {  	s23 =	simm.s32 $0x1B8B  }
0xa2: {  	_ =	swait.ge [sflag:s23], $0x1  }
0xa3: {  	[sflag:s23] =	ssyncset.done $0x0  }
0xa4: {  	s25 =	simm.s32 $0x1B8E;
	s24 =	sld [smem:$0x3FFE];
	[sflag:s23] =	ssyncadd.s32 $0xFFFFFFFF  }
0xa5: {  	s26 =	simm.s32 $execute0_lowered;
	[smem:$0x3FD2] =	sst s25  }
0xa6: {  	s4 =	sshll.u32 s26, $0x1;
	_ =	strace $0x8000004F;
	[dreg:$0x1] =	wrdreg $0xFFFFFFFF  }
0xa7: {  	s28 =	simm.s32 $_size_execute0_lowered;
	s2 =	sadd.s32 s2, s4;
	[dreg:$0x0] =	wrdreg $0x0  }
0xa8: {  	s4 =	sshll.u32 s28, $0x1;
	[dreg:$0x2] =	wrdreg s2  }
0xa9: {  	[dreg:$0x3] =	wrdreg s4  }
0xaa: {  	[dreg:$0x4] =	wrdreg $0xC0  }
0xab: {  	_ =	task [dreg:s6], $0x5FFFF  }
0xac: {  	[dreg:$0x1] =	wrdreg $0xFFFFFFFF  }
0xad: {  	[dreg:$0x0] =	wrdreg $0x60  }
0xae: {  	[dreg:$0x2] =	wrdreg s24  }
0xaf: {  	[dreg:$0x3] =	wrdreg $0x0  }
0xb0: {  	[dreg:$0x4] =	wrdreg $0x9  }
0xb1: {  	_ =	task.clear_ibuf [dreg:s6], $0x5FFFF;
	_ =	strace $0x9000004F  }
0xb2: {  	s29 =	simm.s32 $0x9;
	_ =	strace $0x80000051  }
0xb3: {  	_ =	swait.ge [sflag:s29], $0x1  }
0xb4: {  	[sflag:s29] =	ssyncadd.s32 $0xFFFFFFFF  }
0xb5: {  	_ =	strace $0x90000051  }
0xb6: {  	_ =	sfence  }
0xb7: {  	s30 =	sld [smem:$0x0];
	_ =	sdelay $0x2  }
0xb8: {  	s31 =	sshll.u32 s1, $0xD;
	s1 =	sshrl.u32 s1, $0x2  }
0xb9: {  	s3 =	sand.u32 $0x4000, s31;
	s1 =	sadd.s32 s1, s30  }
0xba: {  	s0 =	sor.u32 s3, s0;
	s1 =	sshll.u32 s1, $0x11  }
0xbb: {  	s0 =	sor.u32 s1, s0  }
0xbc: {  	s0 =	sadd.s32 $0x8F2B, s0  }
0xbd: {  	[sflag:s0] =	ssyncadd.remote.s32 $0x1  }
0xbe: {  	_ =	sfence.sel $0xFFFF  }
0xbf: {  	[dreg:$0x0] =	wrdreg $0xFFFFFFFF;
	(pc) =	sbr.abs _section_cstart, $3  }
0xc0: {  	[dreg:$0x1] =	wrdreg $0xFFFFFFFF  }
0xc1: {  	_ =	task.clear_ibuf [dreg:s6], $0x2FFFF;
	_ =	strace $0x9FFFFFFF  }
0xc2: {  	(tm) =	ssettm $0x7FFFFFFF  }
0xc3: {  	_ =	shalt  }
tec
execute0_lowered:
.L_overlay_start_1:
0x0: {  	(tag) =	ssettag $0x1  }
0x1: {  	s4 =	rddreg [dreg:$0x0]  }
0x2: {  	s1 =	rddreg [dreg:$0x1]  }
0x3: {  	s0 =	rddreg [dreg:$0x2]  }
0x4: {  	s3 =	simm.s32 $0x0;
	s5 =	srdreg.scid;
	s2 =	stileid.u32  }
0x5: {  	[smem:$0x7FF] =	sst s3;
	s7 =	smul.u32 $0x28000, s2  }
0x6: {  	s5 =	sand.u32 $0x1, s5;
	s10 =	sadd.s32 $0x6800, s4;
	s9 =	smul.u32 $0xA000, s2  }
0x7: {  	s12 =	sshll.u32 s2, $0x3;
	s13 =	sadd.s32 $0x9CA800, s4;
	s28 =	sshll.u32 s2, $0xD  }
0x8: {  	_ =	strace $0x80000050;
	s6 =	ssub.s32 $0x2, s5;
	s23 =	smul.u32 $0xA0000, s5  }
0x9: {  	s11 =	sor.u32 $0x2, s5;
	s12 =	sadd.s32 s12, s4;
	s24 =	smul.u32 $0x1388000, s5  }
0xa: {  	s8 =	sshrl.u32 s6, $0x1;
	s7 =	sshrl.u32 s7, $0x2;
	s11 =	smul.u32 $0xA0000, s11  }
0xb: {  	s8 =	ssub.s32 s6, s8;
	s4 =	sadd.s32 s7, s1;
	s25 =	sadd.s32 s9, s23  }
0xc: {  	s26 =	sadd.s32 s9, s11;
	s5 =	sshrl.u32 s25, $0x3;
	s9 =	sadd.s32 s28, s24  }
0xd: {  	s7 =	smax.u32 s8, $0x1;
	s8 =	sadd.s32 $0x20B8000, s12;
	s11 =	simm.s32 $0xA000  }
0xe: {  	s12 =	simm.s32 $0x1;
	s6 =	sshrl.u32 s26, $0x3;
	s30 =	sadd.s32 $0x2710000, s9  }
0xf: {  	s5 =	sadd.s32 s13, s5;
	s29 =	sshrl.u32 s9, $0x3;
	s31 =	sshrl.u32 s30, $0x3  }
0x10: {  	v0 =	vimm.f32 $0.0e+00;
	s6 =	sadd.s32 s13, s6;
	s9 =	sadd.s32 s29, s10;
	s10 =	sadd.s32 s31, s10  }
.LBB2_1:
0x11: {  	[tilespmem:$0xA000] =	vst v0  }
0x12: {  	[tilespmem:$0xA010] =	vst v0  }
0x13: {  	[tilespmem:$0xA020] =	vst v0  }
0x14: {  	[tilespmem:$0xA030] =	vst v0  }
0x15: {  	[tilespmem:$0xA040] =	vst v0  }
0x16: {  	[tilespmem:$0xA050] =	vst v0  }
0x17: {  	[tilespmem:$0xA060] =	vst v0  }
0x18: {  	[tilespmem:$0xA070] =	vst v0  }
0x19: {  	[tilespmem:$0xA080] =	vst v0  }
0x1a: {  	[tilespmem:$0xA090] =	vst v0  }
0x1b: {  	[tilespmem:$0xA0A0] =	vst v0  }
0x1c: {  	[tilespmem:$0xA0B0] =	vst v0  }
0x1d: {  	[tilespmem:$0xA0C0] =	vst v0  }
0x1e: {  	[tilespmem:$0xA0D0] =	vst v0  }
0x1f: {  	[tilespmem:$0xA0E0] =	vst v0  }
0x20: {  	[tilespmem:$0xA0F0] =	vst v0  }
0x21: {  	[tilespmem:$0xA100] =	vst v0  }
0x22: {  	[tilespmem:$0xA110] =	vst v0  }
0x23: {  	[tilespmem:$0xA120] =	vst v0  }
0x24: {  	[tilespmem:$0xA130] =	vst v0  }
0x25: {  	[tilespmem:$0xA140] =	vst v0  }
0x26: {  	[tilespmem:$0xA150] =	vst v0  }
0x27: {  	[tilespmem:$0xA160] =	vst v0  }
0x28: {  	[tilespmem:$0xA170] =	vst v0  }
0x29: {  	[tilespmem:$0xA180] =	vst v0  }
0x2a: {  	[tilespmem:$0xA190] =	vst v0  }
0x2b: {  	[tilespmem:$0xA1A0] =	vst v0  }
0x2c: {  	[tilespmem:$0xA1B0] =	vst v0  }
0x2d: {  	[tilespmem:$0xA1C0] =	vst v0  }
0x2e: {  	[tilespmem:$0xA1D0] =	vst v0  }
0x2f: {  	[tilespmem:$0xA1E0] =	vst v0  }
0x30: {  	[tilespmem:$0xA1F0] =	vst v0  }
0x31: {  	[tilespmem:$0xA200] =	vst v0  }
0x32: {  	[tilespmem:$0xA210] =	vst v0  }
0x33: {  	[tilespmem:$0xA220] =	vst v0  }
0x34: {  	[tilespmem:$0xA230] =	vst v0  }
0x35: {  	[tilespmem:$0xA240] =	vst v0  }
0x36: {  	[tilespmem:$0xA250] =	vst v0  }
0x37: {  	[tilespmem:$0xA260] =	vst v0  }
0x38: {  	[tilespmem:$0xA270] =	vst v0  }
0x39: {  	[tilespmem:$0xA280] =	vst v0  }
0x3a: {  	[tilespmem:$0xA290] =	vst v0  }
0x3b: {  	[tilespmem:$0xA2A0] =	vst v0  }
0x3c: {  	[tilespmem:$0xA2B0] =	vst v0  }
0x3d: {  	[tilespmem:$0xA2C0] =	vst v0  }
0x3e: {  	[tilespmem:$0xA2D0] =	vst v0  }
0x3f: {  	[tilespmem:$0xA2E0] =	vst v0  }
0x40: {  	[tilespmem:$0xA2F0] =	vst v0  }
0x41: {  	[tilespmem:$0xA300] =	vst v0  }
0x42: {  	[tilespmem:$0xA310] =	vst v0  }
0x43: {  	[tilespmem:$0xA320] =	vst v0  }
0x44: {  	[tilespmem:$0xA330] =	vst v0  }
0x45: {  	[tilespmem:$0xA340] =	vst v0  }
0x46: {  	[tilespmem:$0xA350] =	vst v0  }
0x47: {  	[tilespmem:$0xA360] =	vst v0  }
0x48: {  	[tilespmem:$0xA370] =	vst v0  }
0x49: {  	[tilespmem:$0xA380] =	vst v0  }
0x4a: {  	[tilespmem:$0xA390] =	vst v0  }
0x4b: {  	[tilespmem:$0xA3A0] =	vst v0  }
0x4c: {  	[tilespmem:$0xA3B0] =	vst v0  }
0x4d: {  	[tilespmem:$0xA3C0] =	vst v0  }
0x4e: {  	[tilespmem:$0xA3D0] =	vst v0  }
0x4f: {  	[tilespmem:$0xA3E0] =	vst v0  }
0x50: {  	[tilespmem:$0xA3F0] =	vst v0;
	s13 =	sadd.s32 $0x0, s4  }
0x51: {  	[spmem:s13] =	stream.linear.scatter [tilespmem:s11], [sflag:$0x1], $0x400, $0x38;
	[tilespmem:$0xC480] =	vst v63  }
0x52: {  	s13 =	simm.s32 $0x1000;
	_ =	swait.ge [sflag:s12], $0x400  }
.LBB2_2:
0x53: {  	s14 =	sshra.s32 s13, $0x2;
	[sflag:s12] =	ssyncset.done $0x0;
	p0 =	sne.s32 s13, $0x27000  }
.Ltmp0:
0x54: {  	s14 =	sadd.s32 s14, s4;
	[sflag:s12] =	ssyncadd.s32 $0xFFFFFC00;
	(pc) =	sbr.rel @p0 .LBB2_2-.Ltmp0, $3  }
0x55: {  	[spmem:s14] =	stream.linear.scatter [tilespmem:s11], [sflag:$0x1], $0x400, $0x38;
	[tilespmem:$0xC480] =	vst v63  }
0x56: {  	s13 =	sadd.s32 $0x1000, s13;
	_ =	sdelay $0x1  }
0x57: {  	_ =	swait.ge [sflag:s12], $0x400  }
0x58: {  	[sflag:s12] =	ssyncset.done $0x0  }
0x59: {  	s13 =	sadd.s32 $0x0, s2;
	[sflag:s12] =	ssyncadd.s32 $0xFFFFFC00  }
0x5a: {  	p0 =	sgt.u32 s13, $0x9C3;
	[bflag:$0x0] =	sbarrier.arrive $0xFFFF  }
0x5b: {  	s13 =	simm.s32 @!p0 $0x0;
	s15 =	simm.s32 @!p0 $0xC400;
	s16 =	simm.s32 @!p0 $0x2  }
0x5c: {  	[tilespmem:s15], [sflag:$0x2] =	stream.linear.gather @!p0 [hbm4b:s8+s13], $0x40, $0x38;
	[tilespmem:$0xC480] =	vst v63  }
0x5d: {  	_ =	swait.ge @!p0 [sflag:s16], $0x40;
	p0 =	por p0, p0  }
0x5e: {  	[sflag:s16] =	ssyncset.done @!p0 $0x0  }
0x5f: {  	s17 =	simm.s32 @!p0 $0xA400;
	[sflag:s16] =	ssyncadd.s32 @!p0 $0xFFFFFFC0  }
0x60: {  	[tilespmem:s17], [sflag:$0x2] =	stream.linear.gather @!p0 [hbm4b:s9+s13], $0x2000, $0x38;
	[tilespmem:$0xC480] =	vst v63  }
0x61: {  	s31 =	sadd.s32 $0x10, s2;
	_ =	swait.ge @!p0 [sflag:s16], $0x2000  }
0x62: {  	s14 =	simm.s32 $0x20;
	p1 =	sgt.u32 s31, $0x9C3;
	[sflag:s16] =	ssyncset.done @!p0 $0x0  }
0x63: {  	s13 =	simm.s32 @!p0 $0x40;
	[sflag:s16] =	ssyncadd.s32 @!p0 $0xFFFFE000;
	s16 =	simm.s32 @!p0 $0x1  }
0x64: {  	[spmem:s1] =	stream.indirect.scatter.add.f32 @!p0 [tilespmem:s17], [sflag:$0x1], $0x80, s15, s13, $0xb8;
	[tilespmem:$0xC480] =	vst v63  }
0x65: {  	s13 =	sadd.s32 $0x4000, s9;
	s15 =	sadd.s32 $0x80, s8;
	_ =	swait.ge @!p0 [sflag:s16], $0x2000  }
.LBB2_4:
0x66: {  	s17 =	simm.s32 @!p1 $0x0  }
0x67: {  	s18 =	simm.s32 @!p1 $0xC400;
	[sflag:s16] =	ssyncset.done @!p0 $0x0;
	s19 =	smov.u32 s14  }
0x68: {  	s14 =	sadd.s32 $0x10, s14;
	s20 =	simm.s32 @!p1 $0x2;
	[sflag:s16] =	ssyncadd.s32 @!p0 $0xFFFFE000  }
0x69: {  	[tilespmem:s18], [sflag:$0x2] =	stream.linear.gather @!p1 [hbm4b:s15+s17], $0x40, $0x38;
	[tilespmem:$0xC480] =	vst v63  }
0x6a: {  	p2 =	sne.s32 s14, $0x9D0;
	p0 =	por p1, p1;
	_ =	swait.ge @!p1 [sflag:s20], $0x40  }
0x6b: {  	[sflag:s20] =	ssyncset.done @!p0 $0x0  }
0x6c: {  	s21 =	simm.s32 @!p0 $0xA400;
	[sflag:s20] =	ssyncadd.s32 @!p0 $0xFFFFFFC0  }
0x6d: {  	[tilespmem:s21], [sflag:$0x2] =	stream.linear.gather @!p0 [hbm4b:s13+s17], $0x2000, $0x38;
	[tilespmem:$0xC480] =	vst v63  }
.Ltmp1:
0x6e: {  	_ =	swait.ge @!p0 [sflag:s20], $0x2000;
	(pc) =	sbr.rel @p2 .LBB2_4-.Ltmp1, $4  }
0x6f: {  	s16 =	simm.s32 @!p0 $0x1;
	s13 =	sadd.s32 $0x4000, s13;
	[sflag:s20] =	ssyncset.done @!p0 $0x0  }
0x70: {  	s17 =	sadd.s32 s19, s2;
	s19 =	simm.s32 @!p0 $0x40;
	[sflag:s20] =	ssyncadd.s32 @!p0 $0xFFFFE000  }
0x71: {  	[spmem:s1] =	stream.indirect.scatter.add.f32 @!p0 [tilespmem:s21], [sflag:$0x1], $0x80, s18, s19, $0xb8;
	[tilespmem:$0xC480] =	vst v63  }
0x72: {  	s15 =	sadd.s32 $0x80, s15;
	p1 =	sgt.u32 s17, $0x9C3;
	_ =	swait.ge @!p0 [sflag:s16], $0x2000  }
0x73: {  	s14 =	simm.s32 @!p1 $0x0;
	[sflag:s16] =	ssyncset.done @!p0 $0x0  }
0x74: {  	s17 =	simm.s32 @!p1 $0xC400;
	s18 =	simm.s32 @!p1 $0x2;
	[sflag:s16] =	ssyncadd.s32 @!p0 $0xFFFFE000  }
0x75: {  	[tilespmem:s17], [sflag:$0x2] =	stream.linear.gather @!p1 [hbm4b:s15+s14], $0x40, $0x38;
	[tilespmem:$0xC480] =	vst v63  }
0x76: {  	p0 =	por p1, p1;
	_ =	swait.ge @!p1 [sflag:s18], $0x40  }
0x77: {  	[sflag:s18] =	ssyncset.done @!p0 $0x0  }
0x78: {  	s15 =	simm.s32 @!p0 $0xA400;
	[sflag:s18] =	ssyncadd.s32 @!p0 $0xFFFFFFC0  }
0x79: {  	[tilespmem:s15], [sflag:$0x2] =	stream.linear.gather @!p0 [hbm4b:s13+s14], $0x2000, $0x38;
	[tilespmem:$0xC480] =	vst v63  }
0x7a: {  	_ =	swait.ge @!p0 [sflag:s18], $0x2000  }
0x7b: {  	[sflag:s18] =	ssyncset.done @!p0 $0x0  }
0x7c: {  	s13 =	simm.s32 @!p0 $0x1;
	s14 =	simm.s32 @!p0 $0x40;
	[sflag:s18] =	ssyncadd.s32 @!p0 $0xFFFFE000  }
0x7d: {  	[spmem:s1] =	stream.indirect.scatter.add.f32 @!p0 [tilespmem:s15], [sflag:$0x1], $0x80, s17, s14, $0xb8;
	[tilespmem:$0xC480] =	vst v63  }
0x7e: {  	_ =	swait.ge @!p0 [sflag:s13], $0x2000  }
0x7f: {  	[sflag:s13] =	ssyncset.done @!p0 $0x0  }
0x80: {  	s30 =	sshll.u32 s2, $0x6;
	[sflag:s13] =	ssyncadd.s32 @!p0 $0xFFFFE000  }
0x81: {  	s14 =	sshrl.u32 s4, $0x3;
	s13 =	sor.u32 $0x1C01, s30;
	[bflag:$0x0] =	sbarrier.arrive $0xFFFF  }
0x82: {  	[hbm:s5], [sflag:s13] =	dma.local [spmem:s14], $0x1400  }
0x83: {  	_ =	swait.ge [sflag:s12], $0x1400  }
0x84: {  	[sflag:s12] =	ssyncset.done $0x0  }
0x85: {  	[sflag:s12] =	ssyncadd.s32 $0xFFFFEC00  }
0x86: {  	s31 =	sadd.s32 $0x0, s4;
	[bflag:$0x0] =	sbarrier.arrive $0xFFFF  }
0x87: {  	[spmem:s31] =	stream.linear.scatter [tilespmem:s11], [sflag:$0x1], $0x400, $0x38;
	[tilespmem:$0xC480] =	vst v63  }
0x88: {  	s15 =	simm.s32 $0x1000;
	_ =	swait.ge [sflag:s12], $0x400  }
.LBB2_6:
0x89: {  	s16 =	sshra.s32 s15, $0x2;
	[sflag:s12] =	ssyncset.done $0x0;
	p0 =	sne.s32 s15, $0x27000  }
.Ltmp2:
0x8a: {  	s16 =	sadd.s32 s16, s4;
	[sflag:s12] =	ssyncadd.s32 $0xFFFFFC00;
	(pc) =	sbr.rel @p0 .LBB2_6-.Ltmp2, $3  }
0x8b: {  	[spmem:s16] =	stream.linear.scatter [tilespmem:s11], [sflag:$0x1], $0x400, $0x38;
	[tilespmem:$0xC480] =	vst v63  }
0x8c: {  	s15 =	sadd.s32 $0x1000, s15;
	_ =	sdelay $0x1  }
0x8d: {  	_ =	swait.ge [sflag:s12], $0x400  }
0x8e: {  	[sflag:s12] =	ssyncset.done $0x0  }
0x8f: {  	s15 =	sadd.s32 $0x0, s2;
	[sflag:s12] =	ssyncadd.s32 $0xFFFFFC00  }
0x90: {  	p0 =	sgt.u32 s15, $0x9C3;
	[bflag:$0x0] =	sbarrier.arrive $0xFFFF  }
0x91: {  	s15 =	simm.s32 @!p0 $0x0;
	s17 =	simm.s32 @!p0 $0xC400;
	s18 =	simm.s32 @!p0 $0x2  }
0x92: {  	[tilespmem:s17], [sflag:$0x2] =	stream.linear.gather @!p0 [hbm4b:s8+s15], $0x40, $0x38;
	[tilespmem:$0xC480] =	vst v63  }
0x93: {  	_ =	swait.ge @!p0 [sflag:s18], $0x40;
	p0 =	por p0, p0  }
0x94: {  	[sflag:s18] =	ssyncset.done @!p0 $0x0  }
0x95: {  	s19 =	simm.s32 @!p0 $0xA400;
	[sflag:s18] =	ssyncadd.s32 @!p0 $0xFFFFFFC0  }
0x96: {  	[tilespmem:s19], [sflag:$0x2] =	stream.linear.gather @!p0 [hbm4b:s10+s15], $0x2000, $0x38;
	[tilespmem:$0xC480] =	vst v63  }
0x97: {  	s31 =	sadd.s32 $0x10, s2;
	_ =	swait.ge @!p0 [sflag:s18], $0x2000  }
0x98: {  	s16 =	simm.s32 $0x20;
	p1 =	sgt.u32 s31, $0x9C3;
	[sflag:s18] =	ssyncset.done @!p0 $0x0  }
0x99: {  	s15 =	simm.s32 @!p0 $0x40;
	[sflag:s18] =	ssyncadd.s32 @!p0 $0xFFFFE000;
	s18 =	simm.s32 @!p0 $0x1  }
0x9a: {  	[spmem:s1] =	stream.indirect.scatter.add.f32 @!p0 [tilespmem:s19], [sflag:$0x1], $0x80, s17, s15, $0xb8;
	[tilespmem:$0xC480] =	vst v63  }
0x9b: {  	s15 =	sadd.s32 $0x4000, s10;
	s17 =	sadd.s32 $0x80, s8;
	_ =	swait.ge @!p0 [sflag:s18], $0x2000  }
.LBB2_8:
0x9c: {  	s19 =	simm.s32 @!p1 $0x0  }
0x9d: {  	s20 =	simm.s32 @!p1 $0xC400;
	[sflag:s18] =	ssyncset.done @!p0 $0x0;
	s21 =	smov.u32 s16  }
0x9e: {  	s16 =	sadd.s32 $0x10, s16;
	s22 =	simm.s32 @!p1 $0x2;
	[sflag:s18] =	ssyncadd.s32 @!p0 $0xFFFFE000  }
0x9f: {  	[tilespmem:s20], [sflag:$0x2] =	stream.linear.gather @!p1 [hbm4b:s17+s19], $0x40, $0x38;
	[tilespmem:$0xC480] =	vst v63  }
0xa0: {  	p2 =	sne.s32 s16, $0x9D0;
	p0 =	por p1, p1;
	_ =	swait.ge @!p1 [sflag:s22], $0x40  }
0xa1: {  	[sflag:s22] =	ssyncset.done @!p0 $0x0  }
0xa2: {  	s23 =	simm.s32 @!p0 $0xA400;
	[sflag:s22] =	ssyncadd.s32 @!p0 $0xFFFFFFC0  }
0xa3: {  	[tilespmem:s23], [sflag:$0x2] =	stream.linear.gather @!p0 [hbm4b:s15+s19], $0x2000, $0x38;
	[tilespmem:$0xC480] =	vst v63  }
.Ltmp3:
0xa4: {  	_ =	swait.ge @!p0 [sflag:s22], $0x2000;
	(pc) =	sbr.rel @p2 .LBB2_8-.Ltmp3, $4  }
0xa5: {  	s18 =	simm.s32 @!p0 $0x1;
	s15 =	sadd.s32 $0x4000, s15;
	[sflag:s22] =	ssyncset.done @!p0 $0x0  }
0xa6: {  	s19 =	sadd.s32 s21, s2;
	s21 =	simm.s32 @!p0 $0x40;
	[sflag:s22] =	ssyncadd.s32 @!p0 $0xFFFFE000  }
0xa7: {  	[spmem:s1] =	stream.indirect.scatter.add.f32 @!p0 [tilespmem:s23], [sflag:$0x1], $0x80, s20, s21, $0xb8;
	[tilespmem:$0xC480] =	vst v63  }
0xa8: {  	s17 =	sadd.s32 $0x80, s17;
	p1 =	sgt.u32 s19, $0x9C3;
	_ =	swait.ge @!p0 [sflag:s18], $0x2000  }
0xa9: {  	s16 =	simm.s32 @!p1 $0x0;
	[sflag:s18] =	ssyncset.done @!p0 $0x0  }
0xaa: {  	s19 =	simm.s32 @!p1 $0xC400;
	s20 =	simm.s32 @!p1 $0x2;
	[sflag:s18] =	ssyncadd.s32 @!p0 $0xFFFFE000  }
0xab: {  	[tilespmem:s19], [sflag:$0x2] =	stream.linear.gather @!p1 [hbm4b:s17+s16], $0x40, $0x38;
	[tilespmem:$0xC480] =	vst v63  }
0xac: {  	p0 =	por p1, p1;
	_ =	swait.ge @!p1 [sflag:s20], $0x40  }
0xad: {  	[sflag:s20] =	ssyncset.done @!p0 $0x0  }
0xae: {  	s17 =	simm.s32 @!p0 $0xA400;
	[sflag:s20] =	ssyncadd.s32 @!p0 $0xFFFFFFC0  }
0xaf: {  	[tilespmem:s17], [sflag:$0x2] =	stream.linear.gather @!p0 [hbm4b:s15+s16], $0x2000, $0x38;
	[tilespmem:$0xC480] =	vst v63  }
0xb0: {  	_ =	swait.ge @!p0 [sflag:s20], $0x2000  }
0xb1: {  	[sflag:s20] =	ssyncset.done @!p0 $0x0  }
0xb2: {  	s15 =	simm.s32 @!p0 $0x1;
	s16 =	simm.s32 @!p0 $0x40;
	[sflag:s20] =	ssyncadd.s32 @!p0 $0xFFFFE000  }
0xb3: {  	[spmem:s1] =	stream.indirect.scatter.add.f32 @!p0 [tilespmem:s17], [sflag:$0x1], $0x80, s19, s16, $0xb8;
	[tilespmem:$0xC480] =	vst v63  }
0xb4: {  	_ =	swait.ge @!p0 [sflag:s15], $0x2000  }
0xb5: {  	[sflag:s15] =	ssyncset.done @!p0 $0x0  }
0xb6: {  	s3 =	sadd.s32 $0x1, s3;
	[sflag:s15] =	ssyncadd.s32 @!p0 $0xFFFFE000  }
0xb7: {  	p0 =	sne.s32 s3, s7;
	[bflag:$0x0] =	sbarrier.arrive $0xFFFF  }
0xb8: {  	[hbm:s6], [sflag:s13] =	dma.local [spmem:s14], $0x1400  }
.Ltmp4:
0xb9: {  	_ =	swait.ge [sflag:s12], $0x1400;
	(pc) =	sbr.rel @p0 .LBB2_1-.Ltmp4, $3  }
0xba: {  	[sflag:s12] =	ssyncset.done $0x0  }
0xbb: {  	[sflag:s12] =	ssyncadd.s32 $0xFFFFEC00  }
0xbc: {  	[bflag:$0x0] =	sbarrier.arrive $0xFFFF;
	_ =	sdelay $0x1  }
0xbd: {  	_ =	sfence.sel $0x180000  }
0xbe: {  	[bflag:$0x0] =	sbarrier.arrive $0xFFFF  }
0xbf: {  	p0 =	sne.s32 s2, $0x0;
	_ =	strace $0x90000050  }
0xc0: {  	s0 =	sadd.s32 @!p0 $0x100000, s0;
	[bflag:$0x2] =	sbarrier.arrive $0xFFFF  }
0xc1: {  	[sflag:s0] =	ssyncadd.tile.s32 @!p0 $0x1;
	_ =	shalt  }
.Lfunc_end2:
_tile_overlayer_lowered:
.L_overlay_start_2:
0xc2: {  	(tag) =	ssettag $0x2  }
0xc3: {  	s0 =	rddreg [dreg:$0x0];
	s2 =	stileid.u32  }
0xc4: {  	s1 =	rddreg [dreg:$0x1];
	p0 =	sne.s32 s2, $0x0  }
0xc5: {  	s3 =	rddreg [dreg:$0x2];
	[bflag:$0x3] =	sbarrier.arrive $0xFFFF;
	s2 =	simm.s32 @!p0 $0x1C01  }
0xc6: {  	[timem:s3], [sflag:s2] =	dma.local @!p0 [hbm:s0], s1  }
0xc7: {  	s0 =	simm.s32 @!p0 $0x1  }
0xc8: {  	_ =	swait.ge @!p0 [sflag:s0], s1  }
0xc9: {  	s1 =	ssub.s32 @!p0 $0x0, s1;
	[sflag:s0] =	ssyncset.done @!p0 $0x0  }
0xca: {  	[sflag:s0] =	ssyncadd.s32 @!p0 s1  }
0xcb: {  	[bflag:$0x3] =	sbarrier.arrive $0xFFFF  }
0xcc: {  	_ =	shalt  }

</sc_bundles>
